<compile_context>
chip_gen: v7x
topology: tpu7x:2x2x1
jax: 0.10.2.dev20260603
libtpu: 0.0.44.dev20260713+nightly
codegen_flags: <defaults>
</compile_context>

<pallas_src>
import functools

import jax
import jax.numpy as jnp
from jax import lax
from jax.experimental import pallas as pl
from jax.experimental.pallas import tpu as pltpu
from jax.experimental.pallas import tpu_sc as plsc

_B = 4096
_V = 100001
_EMB = 64
_N_GROUP = 19
_N_GRAPH = 30
_N_COLOUR = 20
_D_OUT = _EMB + _N_GROUP + _N_GRAPH + _N_COLOUR
_D_OH = _D_OUT - _EMB
_BN_EPS = 1e-3

_NC = 2
_NS = 16
_L = 16
_NW = _NC * _NS
_DPW = _EMB // _NW
_APW = _B // _NW
_UNROLL = 8

_OFF_GROUP = _EMB
_OFF_GRAPH = _EMB + _N_GROUP
_OFF_COLOUR = _OFF_GRAPH + _N_GRAPH


@functools.partial(
    pl.kernel,
    mesh=plsc.VectorSubcoreMesh(core_axis_name="c", subcore_axis_name="s"),
    compiler_params=pltpu.CompilerParams(
        needs_layout_passes=False, use_tc_tiling_on_sc=True),
    out_type=jax.ShapeDtypeStruct((_D_OUT, _B), jnp.float32),
    scratch_types=[
        pltpu.VMEM((_B,), jnp.int32),
        pltpu.VMEM((_APW,), jnp.int32),
        pltpu.VMEM((_APW,), jnp.int32),
        pltpu.VMEM((_APW,), jnp.int32),
        pltpu.VMEM((144,), jnp.float32),
        pltpu.VMEM((144,), jnp.float32),
        pltpu.VMEM((_V,), jnp.float32),
        pltpu.VMEM((_B,), jnp.float32),
        pltpu.VMEM((_D_OH, _APW), jnp.float32),
        pltpu.SemaphoreType.DMA,
        pltpu.SemaphoreType.DMA,
    ],
)
def _article_sc(table_hbm, aid_hbm, grp_hbm, gph_hbm, col_hbm, scale_hbm,
                shift_hbm, out_hbm, aid_v, grp_v, gph_v, colr_v,
                scale_v, shift_v, row_v, col_v, oh_v, sema, osem):
    wid = lax.axis_index("s") * _NC + lax.axis_index("c")
    abase = wid * _APW
    d0 = wid * _DPW

    rowcp = pltpu.async_copy(table_hbm.at[d0], row_v, sema)

    pltpu.sync_copy(aid_hbm, aid_v)
    pltpu.sync_copy(grp_hbm.at[pl.ds(abase, _APW)], grp_v)
    pltpu.sync_copy(gph_hbm.at[pl.ds(abase, _APW)], gph_v)
    pltpu.sync_copy(col_hbm.at[pl.ds(abase, _APW)], colr_v)
    pltpu.sync_copy(scale_hbm, scale_v.at[pl.ds(0, _D_OUT)])
    pltpu.sync_copy(shift_hbm, shift_v.at[pl.ds(0, _D_OUT)])

    for r in range(_D_OH):
        sh_r = plsc.load_gather(shift_v, [jnp.full((_L,), _EMB + r,
                                                   jnp.int32)])
        for c in range(_APW // _L):
            oh_v[r, pl.ds(c * _L, _L)] = sh_r
    lane = lax.iota(jnp.int32, _L)
    for blk in range(_APW // _L):
        cols = lane + blk * _L
        for idx_ref, off in ((grp_v, _OFF_GROUP), (gph_v, _OFF_GRAPH),
                             (colr_v, _OFF_COLOUR)):
            ids = idx_ref[pl.ds(blk * _L, _L)] + (off - _EMB)
            vals = plsc.load_gather(scale_v, [ids + _EMB])
            plsc.addupdate_scatter(oh_v, [ids, cols], vals)
    ohcp = pltpu.async_copy(
        oh_v, out_hbm.at[pl.ds(_EMB, _D_OH), pl.ds(abase, _APW)], osem)

    for k in range(_DPW):
        d = d0 + k
        dsplat = jnp.full((_L,), d, jnp.int32)
        sc_d = plsc.load_gather(scale_v, [dsplat])
        sh_d = plsc.load_gather(shift_v, [dsplat])

        rowcp.wait()

        def gath(j, carry):
            for u in range(_UNROLL):
                o = (j * _UNROLL + u) * _L
                ids = aid_v[pl.ds(o, _L)]
                col_v[pl.ds(o, _L)] = (
                    plsc.load_gather(row_v, [ids]) * sc_d + sh_d)
            return carry

        lax.fori_loop(0, _B // _L // _UNROLL, gath, 0)
        if k + 1 < _DPW:
            rowcp = pltpu.async_copy(table_hbm.at[d + 1], row_v, sema)

        pltpu.sync_copy(col_v, out_hbm.at[d])

    ohcp.wait()


def kernel(article_id, product_group_name, graphical_appearance_name,
           perceived_colour_master_name, emb_table, gamma, beta,
           moving_mean, moving_var):
    scale = gamma * lax.rsqrt(moving_var + _BN_EPS)
    shift = beta - moving_mean * scale
    table_t = emb_table.T
    out_t = _article_sc(
        table_t,
        article_id.astype(jnp.int32),
        product_group_name.astype(jnp.int32),
        graphical_appearance_name.astype(jnp.int32),
        perceived_colour_master_name.astype(jnp.int32),
        scale,
        shift,
    )
    return out_t.T

# --- scband reference (transcript-rebuilt; emitter-appended) ---
"""Pipeline reference for scband-article-model-88751204205197 (READ-ONLY COPY).

The authoritative reference and input builder live on the scoring server;
editing this copy changes nothing except your own understanding.
"""

import jax, jax.numpy as jnp
import numpy as np

VOCAB = 100000          # article_id vocabulary size
TABLE_ROWS = VOCAB + 1  # StringLookup adds 1 OOV index -> Embedding(len(vocab)+1, dim)
EMB = 64
N_GROUP = 19
N_GRAPH = 30
N_COLOUR = 20
B = 4096
D_OUT = EMB + N_GROUP + N_GRAPH + N_COLOUR  # 133
BN_EPS = 1e-3  # keras BatchNormalization default epsilon


def setup_inputs(seed: int = 0) -> dict:
    key = jax.random.key(seed)
    k1, k2, k3, k4, k5 = jax.random.split(key, 5)
    article_id = jax.random.randint(k1, (B,), 0, TABLE_ROWS, dtype=jnp.int64 if jax.config.jax_enable_x64 else jnp.int32)
    product_group_name = jax.random.randint(k2, (B,), 0, N_GROUP)
    graphical_appearance_name = jax.random.randint(k3, (B,), 0, N_GRAPH)
    perceived_colour_master_name = jax.random.randint(k4, (B,), 0, N_COLOUR)
    emb_table = jax.random.normal(k5, (TABLE_ROWS, EMB), dtype=jnp.float32) * 0.05
    gamma = jnp.ones((D_OUT,), dtype=jnp.float32)
    beta = jnp.zeros((D_OUT,), dtype=jnp.float32)
    moving_mean = jnp.zeros((D_OUT,), dtype=jnp.float32)
    moving_var = jnp.ones((D_OUT,), dtype=jnp.float32)
    return {
        "article_id": article_id,
        "product_group_name": product_group_name,
        "graphical_appearance_name": graphical_appearance_name,
        "perceived_colour_master_name": perceived_colour_master_name,
        "emb_table": emb_table,
        "gamma": gamma,
        "beta": beta,
        "moving_mean": moving_mean,
        "moving_var": moving_var,
    }


def reference(article_id, product_group_name, graphical_appearance_name,
              perceived_colour_master_name, emb_table, gamma, beta,
              moving_mean, moving_var):
    # article branch: StringLookup (pre-applied -> integer ids) + Embedding gather
    x = jnp.take(emb_table, article_id, axis=0)                       # [B, EMB]
    # categorical branches: StringLookup + CategoryEncoding(one_hot)
    xgroup = jax.nn.one_hot(product_group_name, N_GROUP, dtype=jnp.float32)          # [B, 19]
    xgraph = jax.nn.one_hot(graphical_appearance_name, N_GRAPH, dtype=jnp.float32)   # [B, 30]
    xcolour = jax.nn.one_hot(perceived_colour_master_name, N_COLOUR, dtype=jnp.float32)  # [B, 20]
    x = jnp.concatenate([x, xgroup, xgraph, xcolour], axis=-1)        # [B, 133]
    # BatchNormalization, inference mode (training=False): use moving statistics
    x = gamma * (x - moving_mean) * jax.lax.rsqrt(moving_var + BN_EPS) + beta
    return x

if __name__ == "__main__":
    import jax
    _d = setup_inputs()
    print(jax.jit(kernel)(*tuple(_d.values())))

</pallas_src>

<mosaic_0001>
#map = affine_map<(d0, d1) -> (0, 0)>
#map1 = affine_map<(d0, d1) -> (0)>
module attributes {stable_mosaic.version = 14 : i64} {
  func.func @_article_sc(%arg0: i32, %arg1: i32, %arg2: memref<64x100001xf32, #tpu.memory_space<hbm>>, %arg3: memref<4096xi32, #tpu.memory_space<hbm>>, %arg4: memref<4096xi32, #tpu.memory_space<hbm>>, %arg5: memref<4096xi32, #tpu.memory_space<hbm>>, %arg6: memref<4096xi32, #tpu.memory_space<hbm>>, %arg7: memref<133xf32, #tpu.memory_space<hbm>>, %arg8: memref<133xf32, #tpu.memory_space<hbm>>, %arg9: memref<133x4096xf32, #tpu.memory_space<hbm>>, %arg10: memref<4096xi32, #tpu.memory_space<vmem>>, %arg11: memref<128xi32, #tpu.memory_space<vmem>>, %arg12: memref<128xi32, #tpu.memory_space<vmem>>, %arg13: memref<128xi32, #tpu.memory_space<vmem>>, %arg14: memref<144xf32, #tpu.memory_space<vmem>>, %arg15: memref<144xf32, #tpu.memory_space<vmem>>, %arg16: memref<100001xf32, #tpu.memory_space<vmem>>, %arg17: memref<4096xf32, #tpu.memory_space<vmem>>, %arg18: memref<69x128xf32, #tpu.memory_space<vmem>>, %arg19: memref<!tpu.dma_semaphore, #tpu.memory_space<semaphore_mem>>, %arg20: memref<!tpu.dma_semaphore, #tpu.memory_space<semaphore_mem>>) attributes {dimension_semantics = [#tpu.dimension_semantics<core_parallel>, #tpu.dimension_semantics<subcore_parallel>], iteration_bounds = array<i64: 2, 16>, scalar_prefetch = 0 : i64, scratch_operands = 11 : i64, tpu.core_type = #tpu.core_type<sc_vector_subcore>, window_params = [{transform_indices = #map}, {transform_indices = #map1}, {transform_indices = #map1}, {transform_indices = #map1}, {transform_indices = #map1}, {transform_indices = #map1}, {transform_indices = #map1}, {transform_indices = #map}]} {
    %mul3A = arith.constant 2 : i32
    %mul3A_0 = arith.muli %arg1, %mul3A : i32
    %add3A = arith.addi %mul3A_0, %arg0 : i32
    %mul3A_1 = arith.constant 128 : i32
    %mul3A_2 = arith.muli %add3A, %mul3A_1 : i32
    %mul3A_3 = arith.constant 2 : i32
    %mul3A_4 = arith.muli %add3A, %mul3A_3 : i32
    %dma_start3A = arith.constant 0 : i32
    %dma_start3A_5 = tpu.memref_slice %arg2[%mul3A_4, %dma_start3A] : memref<64x100001xf32, #tpu.memory_space<hbm>> -> memref<1x100001xf32, #tpu.memory_space<hbm>>
    %dma_start3A_6 = tpu.memref_squeeze %dma_start3A_5 : memref<1x100001xf32, #tpu.memory_space<hbm>> -> memref<100001xf32, #tpu.memory_space<hbm>>
    %dma_start3A_7 = arith.constant 0 : i32
    %dma_start3A_8 = tpu.memref_slice %arg2[%mul3A_4, %dma_start3A_7] : memref<64x100001xf32, #tpu.memory_space<hbm>> -> memref<1x100001xf32, #tpu.memory_space<hbm>>
    %dma_start3A_9 = tpu.memref_squeeze %dma_start3A_8 : memref<1x100001xf32, #tpu.memory_space<hbm>> -> memref<100001xf32, #tpu.memory_space<hbm>>
    tpu.enqueue_dma source(%dma_start3A_9 : memref<100001xf32, #tpu.memory_space<hbm>>) target(%arg16 : memref<100001xf32, #tpu.memory_space<vmem>>) target_semaphore(%arg19 : memref<!tpu.dma_semaphore, #tpu.memory_space<semaphore_mem>>)
    "tpu.region"() ({
      %run_scoped3A = tpu.sem_alloc : memref<!tpu.dma_semaphore, #tpu.memory_space<semaphore_mem>>
      tpu.enqueue_dma source(%arg3 : memref<4096xi32, #tpu.memory_space<hbm>>) target(%arg10 : memref<4096xi32, #tpu.memory_space<vmem>>) target_semaphore(%run_scoped3A : memref<!tpu.dma_semaphore, #tpu.memory_space<semaphore_mem>>)
      tpu.wait_dma2 semaphore(%run_scoped3A : memref<!tpu.dma_semaphore, #tpu.memory_space<semaphore_mem>>) src(%arg3 : memref<4096xi32, #tpu.memory_space<hbm>>) dst(%arg10 : memref<4096xi32, #tpu.memory_space<vmem>>)
      tpu.yield
    }) : () -> ()
    "tpu.region"() ({
      %run_scoped3A = tpu.sem_alloc : memref<!tpu.dma_semaphore, #tpu.memory_space<semaphore_mem>>
      %dma_start3A_2709 = tpu.memref_slice %arg4[%mul3A_2] : memref<4096xi32, #tpu.memory_space<hbm>> -> memref<128xi32, #tpu.memory_space<hbm>>
      %dma_start3A_2710 = tpu.memref_slice %arg4[%mul3A_2] : memref<4096xi32, #tpu.memory_space<hbm>> -> memref<128xi32, #tpu.memory_space<hbm>>
      tpu.enqueue_dma source(%dma_start3A_2710 : memref<128xi32, #tpu.memory_space<hbm>>) target(%arg11 : memref<128xi32, #tpu.memory_space<vmem>>) target_semaphore(%run_scoped3A : memref<!tpu.dma_semaphore, #tpu.memory_space<semaphore_mem>>)
      %dma_wait3A_2711 = tpu.memref_slice %arg4[%mul3A_2] : memref<4096xi32, #tpu.memory_space<hbm>> -> memref<128xi32, #tpu.memory_space<hbm>>
      %dma_wait3A_2712 = tpu.memref_slice %arg4[%mul3A_2] : memref<4096xi32, #tpu.memory_space<hbm>> -> memref<128xi32, #tpu.memory_space<hbm>>
      tpu.wait_dma2 semaphore(%run_scoped3A : memref<!tpu.dma_semaphore, #tpu.memory_space<semaphore_mem>>) src(%dma_wait3A_2712 : memref<128xi32, #tpu.memory_space<hbm>>) dst(%arg11 : memref<128xi32, #tpu.memory_space<vmem>>)
      tpu.yield
    }) : () -> ()
    "tpu.region"() ({
      %run_scoped3A = tpu.sem_alloc : memref<!tpu.dma_semaphore, #tpu.memory_space<semaphore_mem>>
      %dma_start3A_2709 = tpu.memref_slice %arg5[%mul3A_2] : memref<4096xi32, #tpu.memory_space<hbm>> -> memref<128xi32, #tpu.memory_space<hbm>>
      %dma_start3A_2710 = tpu.memref_slice %arg5[%mul3A_2] : memref<4096xi32, #tpu.memory_space<hbm>> -> memref<128xi32, #tpu.memory_space<hbm>>
      tpu.enqueue_dma source(%dma_start3A_2710 : memref<128xi32, #tpu.memory_space<hbm>>) target(%arg12 : memref<128xi32, #tpu.memory_space<vmem>>) target_semaphore(%run_scoped3A : memref<!tpu.dma_semaphore, #tpu.memory_space<semaphore_mem>>)
      %dma_wait3A_2711 = tpu.memref_slice %arg5[%mul3A_2] : memref<4096xi32, #tpu.memory_space<hbm>> -> memref<128xi32, #tpu.memory_space<hbm>>
      %dma_wait3A_2712 = tpu.memref_slice %arg5[%mul3A_2] : memref<4096xi32, #tpu.memory_space<hbm>> -> memref<128xi32, #tpu.memory_space<hbm>>
      tpu.wait_dma2 semaphore(%run_scoped3A : memref<!tpu.dma_semaphore, #tpu.memory_space<semaphore_mem>>) src(%dma_wait3A_2712 : memref<128xi32, #tpu.memory_space<hbm>>) dst(%arg12 : memref<128xi32, #tpu.memory_space<vmem>>)
      tpu.yield
    }) : () -> ()
    "tpu.region"() ({
      %run_scoped3A = tpu.sem_alloc : memref<!tpu.dma_semaphore, #tpu.memory_space<semaphore_mem>>
      %dma_start3A_2709 = tpu.memref_slice %arg6[%mul3A_2] : memref<4096xi32, #tpu.memory_space<hbm>> -> memref<128xi32, #tpu.memory_space<hbm>>
      %dma_start3A_2710 = tpu.memref_slice %arg6[%mul3A_2] : memref<4096xi32, #tpu.memory_space<hbm>> -> memref<128xi32, #tpu.memory_space<hbm>>
      tpu.enqueue_dma source(%dma_start3A_2710 : memref<128xi32, #tpu.memory_space<hbm>>) target(%arg13 : memref<128xi32, #tpu.memory_space<vmem>>) target_semaphore(%run_scoped3A : memref<!tpu.dma_semaphore, #tpu.memory_space<semaphore_mem>>)
      %dma_wait3A_2711 = tpu.memref_slice %arg6[%mul3A_2] : memref<4096xi32, #tpu.memory_space<hbm>> -> memref<128xi32, #tpu.memory_space<hbm>>
      %dma_wait3A_2712 = tpu.memref_slice %arg6[%mul3A_2] : memref<4096xi32, #tpu.memory_space<hbm>> -> memref<128xi32, #tpu.memory_space<hbm>>
      tpu.wait_dma2 semaphore(%run_scoped3A : memref<!tpu.dma_semaphore, #tpu.memory_space<semaphore_mem>>) src(%dma_wait3A_2712 : memref<128xi32, #tpu.memory_space<hbm>>) dst(%arg13 : memref<128xi32, #tpu.memory_space<vmem>>)
      tpu.yield
    }) : () -> ()
    "tpu.region"() ({
      %run_scoped3A = tpu.sem_alloc : memref<!tpu.dma_semaphore, #tpu.memory_space<semaphore_mem>>
      %dma_start3A_2709 = arith.constant 0 : i32
      %dma_start3A_2710 = tpu.memref_slice %arg14[%dma_start3A_2709] : memref<144xf32, #tpu.memory_space<vmem>> -> memref<133xf32, #tpu.memory_space<vmem>>
      %dma_start3A_2711 = arith.constant 0 : i32
      %dma_start3A_2712 = tpu.memref_slice %arg14[%dma_start3A_2711] : memref<144xf32, #tpu.memory_space<vmem>> -> memref<133xf32, #tpu.memory_space<vmem>>
      tpu.enqueue_dma source(%arg7 : memref<133xf32, #tpu.memory_space<hbm>>) target(%dma_start3A_2712 : memref<133xf32, #tpu.memory_space<vmem>>) target_semaphore(%run_scoped3A : memref<!tpu.dma_semaphore, #tpu.memory_space<semaphore_mem>>)
      %dma_wait3A_2713 = arith.constant 0 : i32
      %dma_wait3A_2714 = tpu.memref_slice %arg14[%dma_wait3A_2713] : memref<144xf32, #tpu.memory_space<vmem>> -> memref<133xf32, #tpu.memory_space<vmem>>
      %dma_wait3A_2715 = arith.constant 0 : i32
      %dma_wait3A_2716 = tpu.memref_slice %arg14[%dma_wait3A_2715] : memref<144xf32, #tpu.memory_space<vmem>> -> memref<133xf32, #tpu.memory_space<vmem>>
      tpu.wait_dma2 semaphore(%run_scoped3A : memref<!tpu.dma_semaphore, #tpu.memory_space<semaphore_mem>>) src(%arg7 : memref<133xf32, #tpu.memory_space<hbm>>) dst(%dma_wait3A_2716 : memref<133xf32, #tpu.memory_space<vmem>>)
      tpu.yield
    }) : () -> ()
    "tpu.region"() ({
      %run_scoped3A = tpu.sem_alloc : memref<!tpu.dma_semaphore, #tpu.memory_space<semaphore_mem>>
      %dma_start3A_2709 = arith.constant 0 : i32
      %dma_start3A_2710 = tpu.memref_slice %arg15[%dma_start3A_2709] : memref<144xf32, #tpu.memory_space<vmem>> -> memref<133xf32, #tpu.memory_space<vmem>>
      %dma_start3A_2711 = arith.constant 0 : i32
      %dma_start3A_2712 = tpu.memref_slice %arg15[%dma_start3A_2711] : memref<144xf32, #tpu.memory_space<vmem>> -> memref<133xf32, #tpu.memory_space<vmem>>
      tpu.enqueue_dma source(%arg8 : memref<133xf32, #tpu.memory_space<hbm>>) target(%dma_start3A_2712 : memref<133xf32, #tpu.memory_space<vmem>>) target_semaphore(%run_scoped3A : memref<!tpu.dma_semaphore, #tpu.memory_space<semaphore_mem>>)
      %dma_wait3A_2713 = arith.constant 0 : i32
      %dma_wait3A_2714 = tpu.memref_slice %arg15[%dma_wait3A_2713] : memref<144xf32, #tpu.memory_space<vmem>> -> memref<133xf32, #tpu.memory_space<vmem>>
      %dma_wait3A_2715 = arith.constant 0 : i32
      %dma_wait3A_2716 = tpu.memref_slice %arg15[%dma_wait3A_2715] : memref<144xf32, #tpu.memory_space<vmem>> -> memref<133xf32, #tpu.memory_space<vmem>>
      tpu.wait_dma2 semaphore(%run_scoped3A : memref<!tpu.dma_semaphore, #tpu.memory_space<semaphore_mem>>) src(%arg8 : memref<133xf32, #tpu.memory_space<hbm>>) dst(%dma_wait3A_2716 : memref<133xf32, #tpu.memory_space<vmem>>)
      tpu.yield
    }) : () -> ()
    %broadcast_in_dim3A = arith.constant 64 : i32
    %broadcast_in_dim3A_10 = vector.broadcast %broadcast_in_dim3A : i32 to vector<16xi32>
    %gather3A = tpu.vector_load_idx %arg15[%broadcast_in_dim3A_10] : memref<144xf32, #tpu.memory_space<vmem>>[vector<16xi32>], vector<16xf32>,
    %swap3A = arith.constant 0 : i32
    %swap3A_11 = arith.index_cast %swap3A : i32 to index
    %swap3A_12 = arith.constant 0 : index
    %swap3A_13 = tpu.vector_load %arg18[%swap3A_11, %swap3A_12] {strides = array<i32>} : memref<69x128xf32, #tpu.memory_space<vmem>>, vector<16xf32>,
    tpu.vector_store %arg18[%swap3A_11, %swap3A_12], %gather3A {strides = array<i32>} : memref<69x128xf32, #tpu.memory_space<vmem>>, vector<16xf32>,
    %swap3A_14 = arith.constant 0 : i32
    %swap3A_15 = arith.index_cast %swap3A_14 : i32 to index
    %swap3A_16 = arith.constant 16 : index
    %swap3A_17 = tpu.vector_load %arg18[%swap3A_15, %swap3A_16] {strides = array<i32>} : memref<69x128xf32, #tpu.memory_space<vmem>>, vector<16xf32>,
    tpu.vector_store %arg18[%swap3A_15, %swap3A_16], %gather3A {strides = array<i32>} : memref<69x128xf32, #tpu.memory_space<vmem>>, vector<16xf32>,
    %swap3A_18 = arith.constant 0 : i32
    %swap3A_19 = arith.index_cast %swap3A_18 : i32 to index
    %swap3A_20 = arith.constant 32 : index
    %swap3A_21 = tpu.vector_load %arg18[%swap3A_19, %swap3A_20] {strides = array<i32>} : memref<69x128xf32, #tpu.memory_space<vmem>>, vector<16xf32>,
    tpu.vector_store %arg18[%swap3A_19, %swap3A_20], %gather3A {strides = array<i32>} : memref<69x128xf32, #tpu.memory_space<vmem>>, vector<16xf32>,
    %swap3A_22 = arith.constant 0 : i32
    %swap3A_23 = arith.index_cast %swap3A_22 : i32 to index
    %swap3A_24 = arith.constant 48 : index
    %swap3A_25 = tpu.vector_load %arg18[%swap3A_23, %swap3A_24] {strides = array<i32>} : memref<69x128xf32, #tpu.memory_space<vmem>>, vector<16xf32>,
    tpu.vector_store %arg18[%swap3A_23, %swap3A_24], %gather3A {strides = array<i32>} : memref<69x128xf32, #tpu.memory_space<vmem>>, vector<16xf32>,
    %swap3A_26 = arith.constant 0 : i32
    %swap3A_27 = arith.index_cast %swap3A_26 : i32 to index
    %swap3A_28 = arith.constant 64 : index
    %swap3A_29 = tpu.vector_load %arg18[%swap3A_27, %swap3A_28] {strides = array<i32>} : memref<69x128xf32, #tpu.memory_space<vmem>>, vector<16xf32>,
    tpu.vector_store %arg18[%swap3A_27, %swap3A_28], %gather3A {strides = array<i32>} : memref<69x128xf32, #tpu.memory_space<vmem>>, vector<16xf32>,
    %swap3A_30 = arith.constant 0 : i32
    %swap3A_31 = arith.index_cast %swap3A_30 : i32 to index
    %swap3A_32 = arith.constant 80 : index
    %swap3A_33 = tpu.vector_load %arg18[%swap3A_31, %swap3A_32] {strides = array<i32>} : memref<69x128xf32, #tpu.memory_space<vmem>>, vector<16xf32>,
    tpu.vector_store %arg18[%swap3A_31, %swap3A_32], %gather3A {strides = array<i32>} : memref<69x128xf32, #tpu.memory_space<vmem>>, vector<16xf32>,
    %swap3A_34 = arith.constant 0 : i32
    %swap3A_35 = arith.index_cast %swap3A_34 : i32 to index
    %swap3A_36 = arith.constant 96 : index
    %swap3A_37 = tpu.vector_load %arg18[%swap3A_35, %swap3A_36] {strides = array<i32>} : memref<69x128xf32, #tpu.memory_space<vmem>>, vector<16xf32>,
    tpu.vector_store %arg18[%swap3A_35, %swap3A_36], %gather3A {strides = array<i32>} : memref<69x128xf32, #tpu.memory_space<vmem>>, vector<16xf32>,
    %swap3A_38 = arith.constant 0 : i32
    %swap3A_39 = arith.index_cast %swap3A_38 : i32 to index
    %swap3A_40 = arith.constant 112 : index
    %swap3A_41 = tpu.vector_load %arg18[%swap3A_39, %swap3A_40] {strides = array<i32>} : memref<69x128xf32, #tpu.memory_space<vmem>>, vector<16xf32>,
    tpu.vector_store %arg18[%swap3A_39, %swap3A_40], %gather3A {strides = array<i32>} : memref<69x128xf32, #tpu.memory_space<vmem>>, vector<16xf32>,
    %broadcast_in_dim3A_42 = arith.constant 65 : i32
    %broadcast_in_dim3A_43 = vector.broadcast %broadcast_in_dim3A_42 : i32 to vector<16xi32>
    %gather3A_44 = tpu.vector_load_idx %arg15[%broadcast_in_dim3A_43] : memref<144xf32, #tpu.memory_space<vmem>>[vector<16xi32>], vector<16xf32>,
    %swap3A_45 = arith.constant 1 : i32
    %swap3A_46 = arith.index_cast %swap3A_45 : i32 to index
    %swap3A_47 = arith.constant 0 : index
    %swap3A_48 = tpu.vector_load %arg18[%swap3A_46, %swap3A_47] {strides = array<i32>} : memref<69x128xf32, #tpu.memory_space<vmem>>, vector<16xf32>,
    tpu.vector_store %arg18[%swap3A_46, %swap3A_47], %gather3A_44 {strides = array<i32>} : memref<69x128xf32, #tpu.memory_space<vmem>>, vector<16xf32>,
    %swap3A_49 = arith.constant 1 : i32
    %swap3A_50 = arith.index_cast %swap3A_49 : i32 to index
    %swap3A_51 = arith.constant 16 : index
    %swap3A_52 = tpu.vector_load %arg18[%swap3A_50, %swap3A_51] {strides = array<i32>} : memref<69x128xf32, #tpu.memory_space<vmem>>, vector<16xf32>,
    tpu.vector_store %arg18[%swap3A_50, %swap3A_51], %gather3A_44 {strides = array<i32>} : memref<69x128xf32, #tpu.memory_space<vmem>>, vector<16xf32>,
    %swap3A_53 = arith.constant 1 : i32
    %swap3A_54 = arith.index_cast %swap3A_53 : i32 to index
    %swap3A_55 = arith.constant 32 : index
    %swap3A_56 = tpu.vector_load %arg18[%swap3A_54, %swap3A_55] {strides = array<i32>} : memref<69x128xf32, #tpu.memory_space<vmem>>, vector<16xf32>,
    tpu.vector_store %arg18[%swap3A_54, %swap3A_55], %gather3A_44 {strides = array<i32>} : memref<69x128xf32, #tpu.memory_space<vmem>>, vector<16xf32>,
    %swap3A_57 = arith.constant 1 : i32
    %swap3A_58 = arith.index_cast %swap3A_57 : i32 to index
    %swap3A_59 = arith.constant 48 : index
    %swap3A_60 = tpu.vector_load %arg18[%swap3A_58, %swap3A_59] {strides = array<i32>} : memref<69x128xf32, #tpu.memory_space<vmem>>, vector<16xf32>,
    tpu.vector_store %arg18[%swap3A_58, %swap3A_59], %gather3A_44 {strides = array<i32>} : memref<69x128xf32, #tpu.memory_space<vmem>>, vector<16xf32>,
    %swap3A_61 = arith.constant 1 : i32
    %swap3A_62 = arith.index_cast %swap3A_61 : i32 to index
    %swap3A_63 = arith.constant 64 : index
    %swap3A_64 = tpu.vector_load %arg18[%swap3A_62, %swap3A_63] {strides = array<i32>} : memref<69x128xf32, #tpu.memory_space<vmem>>, vector<16xf32>,
    tpu.vector_store %arg18[%swap3A_62, %swap3A_63], %gather3A_44 {strides = array<i32>} : memref<69x128xf32, #tpu.memory_space<vmem>>, vector<16xf32>,
    %swap3A_65 = arith.constant 1 : i32
    %swap3A_66 = arith.index_cast %swap3A_65 : i32 to index
    %swap3A_67 = arith.constant 80 : index
    %swap3A_68 = tpu.vector_load %arg18[%swap3A_66, %swap3A_67] {strides = array<i32>} : memref<69x128xf32, #tpu.memory_space<vmem>>, vector<16xf32>,
    tpu.vector_store %arg18[%swap3A_66, %swap3A_67], %gather3A_44 {strides = array<i32>} : memref<69x128xf32, #tpu.memory_space<vmem>>, vector<16xf32>,
    %swap3A_69 = arith.constant 1 : i32
    %swap3A_70 = arith.index_cast %swap3A_69 : i32 to index
    %swap3A_71 = arith.constant 96 : index
    %swap3A_72 = tpu.vector_load %arg18[%swap3A_70, %swap3A_71] {strides = array<i32>} : memref<69x128xf32, #tpu.memory_space<vmem>>, vector<16xf32>,
    tpu.vector_store %arg18[%swap3A_70, %swap3A_71], %gather3A_44 {strides = array<i32>} : memref<69x128xf32, #tpu.memory_space<vmem>>, vector<16xf32>,
    %swap3A_73 = arith.constant 1 : i32
    %swap3A_74 = arith.index_cast %swap3A_73 : i32 to index
    %swap3A_75 = arith.constant 112 : index
    %swap3A_76 = tpu.vector_load %arg18[%swap3A_74, %swap3A_75] {strides = array<i32>} : memref<69x128xf32, #tpu.memory_space<vmem>>, vector<16xf32>,
    tpu.vector_store %arg18[%swap3A_74, %swap3A_75], %gather3A_44 {strides = array<i32>} : memref<69x128xf32, #tpu.memory_space<vmem>>, vector<16xf32>,
    %broadcast_in_dim3A_77 = arith.constant 66 : i32
    %broadcast_in_dim3A_78 = vector.broadcast %broadcast_in_dim3A_77 : i32 to vector<16xi32>
    %gather3A_79 = tpu.vector_load_idx %arg15[%broadcast_in_dim3A_78] : memref<144xf32, #tpu.memory_space<vmem>>[vector<16xi32>], vector<16xf32>,
    %swap3A_80 = arith.constant 2 : i32
    %swap3A_81 = arith.index_cast %swap3A_80 : i32 to index
    %swap3A_82 = arith.constant 0 : index
    %swap3A_83 = tpu.vector_load %arg18[%swap3A_81, %swap3A_82] {strides = array<i32>} : memref<69x128xf32, #tpu.memory_space<vmem>>, vector<16xf32>,
    tpu.vector_store %arg18[%swap3A_81, %swap3A_82], %gather3A_79 {strides = array<i32>} : memref<69x128xf32, #tpu.memory_space<vmem>>, vector<16xf32>,
    %swap3A_84 = arith.constant 2 : i32
    %swap3A_85 = arith.index_cast %swap3A_84 : i32 to index
    %swap3A_86 = arith.constant 16 : index
    %swap3A_87 = tpu.vector_load %arg18[%swap3A_85, %swap3A_86] {strides = array<i32>} : memref<69x128xf32, #tpu.memory_space<vmem>>, vector<16xf32>,
    tpu.vector_store %arg18[%swap3A_85, %swap3A_86], %gather3A_79 {strides = array<i32>} : memref<69x128xf32, #tpu.memory_space<vmem>>, vector<16xf32>,
    %swap3A_88 = arith.constant 2 : i32
    %swap3A_89 = arith.index_cast %swap3A_88 : i32 to index
    %swap3A_90 = arith.constant 32 : index
    %swap3A_91 = tpu.vector_load %arg18[%swap3A_89, %swap3A_90] {strides = array<i32>} : memref<69x128xf32, #tpu.memory_space<vmem>>, vector<16xf32>,
    tpu.vector_store %arg18[%swap3A_89, %swap3A_90], %gather3A_79 {strides = array<i32>} : memref<69x128xf32, #tpu.memory_space<vmem>>, vector<16xf32>,
    %swap3A_92 = arith.constant 2 : i32
    %swap3A_93 = arith.index_cast %swap3A_92 : i32 to index
    %swap3A_94 = arith.constant 48 : index
    %swap3A_95 = tpu.vector_load %arg18[%swap3A_93, %swap3A_94] {strides = array<i32>} : memref<69x128xf32, #tpu.memory_space<vmem>>, vector<16xf32>,
    tpu.vector_store %arg18[%swap3A_93, %swap3A_94], %gather3A_79 {strides = array<i32>} : memref<69x128xf32, #tpu.memory_space<vmem>>, vector<16xf32>,
    %swap3A_96 = arith.constant 2 : i32
    %swap3A_97 = arith.index_cast %swap3A_96 : i32 to index
    %swap3A_98 = arith.constant 64 : index
    %swap3A_99 = tpu.vector_load %arg18[%swap3A_97, %swap3A_98] {strides = array<i32>} : memref<69x128xf32, #tpu.memory_space<vmem>>, vector<16xf32>,
    tpu.vector_store %arg18[%swap3A_97, %swap3A_98], %gather3A_79 {strides = array<i32>} : memref<69x128xf32, #tpu.memory_space<vmem>>, vector<16xf32>,
    %swap3A_100 = arith.constant 2 : i32
    %swap3A_101 = arith.index_cast %swap3A_100 : i32 to index
    %swap3A_102 = arith.constant 80 : index
    %swap3A_103 = tpu.vector_load %arg18[%swap3A_101, %swap3A_102] {strides = array<i32>} : memref<69x128xf32, #tpu.memory_space<vmem>>, vector<16xf32>,
    tpu.vector_store %arg18[%swap3A_101, %swap3A_102], %gather3A_79 {strides = array<i32>} : memref<69x128xf32, #tpu.memory_space<vmem>>, vector<16xf32>,
    %swap3A_104 = arith.constant 2 : i32
    %swap3A_105 = arith.index_cast %swap3A_104 : i32 to index
    %swap3A_106 = arith.constant 96 : index
    %swap3A_107 = tpu.vector_load %arg18[%swap3A_105, %swap3A_106] {strides = array<i32>} : memref<69x128xf32, #tpu.memory_space<vmem>>, vector<16xf32>,
    tpu.vector_store %arg18[%swap3A_105, %swap3A_106], %gather3A_79 {strides = array<i32>} : memref<69x128xf32, #tpu.memory_space<vmem>>, vector<16xf32>,
    %swap3A_108 = arith.constant 2 : i32
    %swap3A_109 = arith.index_cast %swap3A_108 : i32 to index
    %swap3A_110 = arith.constant 112 : index
    %swap3A_111 = tpu.vector_load %arg18[%swap3A_109, %swap3A_110] {strides = array<i32>} : memref<69x128xf32, #tpu.memory_space<vmem>>, vector<16xf32>,
    tpu.vector_store %arg18[%swap3A_109, %swap3A_110], %gather3A_79 {strides = array<i32>} : memref<69x128xf32, #tpu.memory_space<vmem>>, vector<16xf32>,
    %broadcast_in_dim3A_112 = arith.constant 67 : i32
    %broadcast_in_dim3A_113 = vector.broadcast %broadcast_in_dim3A_112 : i32 to vector<16xi32>
    %gather3A_114 = tpu.vector_load_idx %arg15[%broadcast_in_dim3A_113] : memref<144xf32, #tpu.memory_space<vmem>>[vector<16xi32>], vector<16xf32>,
    %swap3A_115 = arith.constant 3 : i32
    %swap3A_116 = arith.index_cast %swap3A_115 : i32 to index
    %swap3A_117 = arith.constant 0 : index
    %swap3A_118 = tpu.vector_load %arg18[%swap3A_116, %swap3A_117] {strides = array<i32>} : memref<69x128xf32, #tpu.memory_space<vmem>>, vector<16xf32>,
    tpu.vector_store %arg18[%swap3A_116, %swap3A_117], %gather3A_114 {strides = array<i32>} : memref<69x128xf32, #tpu.memory_space<vmem>>, vector<16xf32>,
    %swap3A_119 = arith.constant 3 : i32
    %swap3A_120 = arith.index_cast %swap3A_119 : i32 to index
    %swap3A_121 = arith.constant 16 : index
    %swap3A_122 = tpu.vector_load %arg18[%swap3A_120, %swap3A_121] {strides = array<i32>} : memref<69x128xf32, #tpu.memory_space<vmem>>, vector<16xf32>,
    tpu.vector_store %arg18[%swap3A_120, %swap3A_121], %gather3A_114 {strides = array<i32>} : memref<69x128xf32, #tpu.memory_space<vmem>>, vector<16xf32>,
    %swap3A_123 = arith.constant 3 : i32
    %swap3A_124 = arith.index_cast %swap3A_123 : i32 to index
    %swap3A_125 = arith.constant 32 : index
    %swap3A_126 = tpu.vector_load %arg18[%swap3A_124, %swap3A_125] {strides = array<i32>} : memref<69x128xf32, #tpu.memory_space<vmem>>, vector<16xf32>,
    tpu.vector_store %arg18[%swap3A_124, %swap3A_125], %gather3A_114 {strides = array<i32>} : memref<69x128xf32, #tpu.memory_space<vmem>>, vector<16xf32>,
    %swap3A_127 = arith.constant 3 : i32
    %swap3A_128 = arith.index_cast %swap3A_127 : i32 to index
    %swap3A_129 = arith.constant 48 : index
    %swap3A_130 = tpu.vector_load %arg18[%swap3A_128, %swap3A_129] {strides = array<i32>} : memref<69x128xf32, #tpu.memory_space<vmem>>, vector<16xf32>,
    tpu.vector_store %arg18[%swap3A_128, %swap3A_129], %gather3A_114 {strides = array<i32>} : memref<69x128xf32, #tpu.memory_space<vmem>>, vector<16xf32>,
    %swap3A_131 = arith.constant 3 : i32
    %swap3A_132 = arith.index_cast %swap3A_131 : i32 to index
    %swap3A_133 = arith.constant 64 : index
    %swap3A_134 = tpu.vector_load %arg18[%swap3A_132, %swap3A_133] {strides = array<i32>} : memref<69x128xf32, #tpu.memory_space<vmem>>, vector<16xf32>,
    tpu.vector_store %arg18[%swap3A_132, %swap3A_133], %gather3A_114 {strides = array<i32>} : memref<69x128xf32, #tpu.memory_space<vmem>>, vector<16xf32>,
    %swap3A_135 = arith.constant 3 : i32
    %swap3A_136 = arith.index_cast %swap3A_135 : i32 to index
    %swap3A_137 = arith.constant 80 : index
    %swap3A_138 = tpu.vector_load %arg18[%swap3A_136, %swap3A_137] {strides = array<i32>} : memref<69x128xf32, #tpu.memory_space<vmem>>, vector<16xf32>,
    tpu.vector_store %arg18[%swap3A_136, %swap3A_137], %gather3A_114 {strides = array<i32>} : memref<69x128xf32, #tpu.memory_space<vmem>>, vector<16xf32>,
    %swap3A_139 = arith.constant 3 : i32
    %swap3A_140 = arith.index_cast %swap3A_139 : i32 to index
    %swap3A_141 = arith.constant 96 : index
    %swap3A_142 = tpu.vector_load %arg18[%swap3A_140, %swap3A_141] {strides = array<i32>} : memref<69x128xf32, #tpu.memory_space<vmem>>, vector<16xf32>,
    tpu.vector_store %arg18[%swap3A_140, %swap3A_141], %gather3A_114 {strides = array<i32>} : memref<69x128xf32, #tpu.memory_space<vmem>>, vector<16xf32>,
    %swap3A_143 = arith.constant 3 : i32
    %swap3A_144 = arith.index_cast %swap3A_143 : i32 to index
    %swap3A_145 = arith.constant 112 : index
    %swap3A_146 = tpu.vector_load %arg18[%swap3A_144, %swap3A_145] {strides = array<i32>} : memref<69x128xf32, #tpu.memory_space<vmem>>, vector<16xf32>,
    tpu.vector_store %arg18[%swap3A_144, %swap3A_145], %gather3A_114 {strides = array<i32>} : memref<69x128xf32, #tpu.memory_space<vmem>>, vector<16xf32>,
    %broadcast_in_dim3A_147 = arith.constant 68 : i32
    %broadcast_in_dim3A_148 = vector.broadcast %broadcast_in_dim3A_147 : i32 to vector<16xi32>
    %gather3A_149 = tpu.vector_load_idx %arg15[%broadcast_in_dim3A_148] : memref<144xf32, #tpu.memory_space<vmem>>[vector<16xi32>], vector<16xf32>,
    %swap3A_150 = arith.constant 4 : i32
    %swap3A_151 = arith.index_cast %swap3A_150 : i32 to index
    %swap3A_152 = arith.constant 0 : index
    %swap3A_153 = tpu.vector_load %arg18[%swap3A_151, %swap3A_152] {strides = array<i32>} : memref<69x128xf32, #tpu.memory_space<vmem>>, vector<16xf32>,
    tpu.vector_store %arg18[%swap3A_151, %swap3A_152], %gather3A_149 {strides = array<i32>} : memref<69x128xf32, #tpu.memory_space<vmem>>, vector<16xf32>,
    %swap3A_154 = arith.constant 4 : i32
    %swap3A_155 = arith.index_cast %swap3A_154 : i32 to index
    %swap3A_156 = arith.constant 16 : index
    %swap3A_157 = tpu.vector_load %arg18[%swap3A_155, %swap3A_156] {strides = array<i32>} : memref<69x128xf32, #tpu.memory_space<vmem>>, vector<16xf32>,
    tpu.vector_store %arg18[%swap3A_155, %swap3A_156], %gather3A_149 {strides = array<i32>} : memref<69x128xf32, #tpu.memory_space<vmem>>, vector<16xf32>,
    %swap3A_158 = arith.constant 4 : i32
    %swap3A_159 = arith.index_cast %swap3A_158 : i32 to index
    %swap3A_160 = arith.constant 32 : index
    %swap3A_161 = tpu.vector_load %arg18[%swap3A_159, %swap3A_160] {strides = array<i32>} : memref<69x128xf32, #tpu.memory_space<vmem>>, vector<16xf32>,
    tpu.vector_store %arg18[%swap3A_159, %swap3A_160], %gather3A_149 {strides = array<i32>} : memref<69x128xf32, #tpu.memory_space<vmem>>, vector<16xf32>,
    %swap3A_162 = arith.constant 4 : i32
    %swap3A_163 = arith.index_cast %swap3A_162 : i32 to index
    %swap3A_164 = arith.constant 48 : index
    %swap3A_165 = tpu.vector_load %arg18[%swap3A_163, %swap3A_164] {strides = array<i32>} : memref<69x128xf32, #tpu.memory_space<vmem>>, vector<16xf32>,
    tpu.vector_store %arg18[%swap3A_163, %swap3A_164], %gather3A_149 {strides = array<i32>} : memref<69x128xf32, #tpu.memory_space<vmem>>, vector<16xf32>,
    %swap3A_166 = arith.constant 4 : i32
    %swap3A_167 = arith.index_cast %swap3A_166 : i32 to index
    %swap3A_168 = arith.constant 64 : index
    %swap3A_169 = tpu.vector_load %arg18[%swap3A_167, %swap3A_168] {strides = array<i32>} : memref<69x128xf32, #tpu.memory_space<vmem>>, vector<16xf32>,
    tpu.vector_store %arg18[%swap3A_167, %swap3A_168], %gather3A_149 {strides = array<i32>} : memref<69x128xf32, #tpu.memory_space<vmem>>, vector<16xf32>,
    %swap3A_170 = arith.constant 4 : i32
    %swap3A_171 = arith.index_cast %swap3A_170 : i32 to index
    %swap3A_172 = arith.constant 80 : index
    %swap3A_173 = tpu.vector_load %arg18[%swap3A_171, %swap3A_172] {strides = array<i32>} : memref<69x128xf32, #tpu.memory_space<vmem>>, vector<16xf32>,
    tpu.vector_store %arg18[%swap3A_171, %swap3A_172], %gather3A_149 {strides = array<i32>} : memref<69x128xf32, #tpu.memory_space<vmem>>, vector<16xf32>,
    %swap3A_174 = arith.constant 4 : i32
    %swap3A_175 = arith.index_cast %swap3A_174 : i32 to index
    %swap3A_176 = arith.constant 96 : index
    %swap3A_177 = tpu.vector_load %arg18[%swap3A_175, %swap3A_176] {strides = array<i32>} : memref<69x128xf32, #tpu.memory_space<vmem>>, vector<16xf32>,
    tpu.vector_store %arg18[%swap3A_175, %swap3A_176], %gather3A_149 {strides = array<i32>} : memref<69x128xf32, #tpu.memory_space<vmem>>, vector<16xf32>,
    %swap3A_178 = arith.constant 4 : i32
    %swap3A_179 = arith.index_cast %swap3A_178 : i32 to index
    %swap3A_180 = arith.constant 112 : index
    %swap3A_181 = tpu.vector_load %arg18[%swap3A_179, %swap3A_180] {strides = array<i32>} : memref<69x128xf32, #tpu.memory_space<vmem>>, vector<16xf32>,
    tpu.vector_store %arg18[%swap3A_179, %swap3A_180], %gather3A_149 {strides = array<i32>} : memref<69x128xf32, #tpu.memory_space<vmem>>, vector<16xf32>,
    %broadcast_in_dim3A_182 = arith.constant 69 : i32
    %broadcast_in_dim3A_183 = vector.broadcast %broadcast_in_dim3A_182 : i32 to vector<16xi32>
    %gather3A_184 = tpu.vector_load_idx %arg15[%broadcast_in_dim3A_183] : memref<144xf32, #tpu.memory_space<vmem>>[vector<16xi32>], vector<16xf32>,
    %swap3A_185 = arith.constant 5 : i32
    %swap3A_186 = arith.index_cast %swap3A_185 : i32 to index
    %swap3A_187 = arith.constant 0 : index
    %swap3A_188 = tpu.vector_load %arg18[%swap3A_186, %swap3A_187] {strides = array<i32>} : memref<69x128xf32, #tpu.memory_space<vmem>>, vector<16xf32>,
    tpu.vector_store %arg18[%swap3A_186, %swap3A_187], %gather3A_184 {strides = array<i32>} : memref<69x128xf32, #tpu.memory_space<vmem>>, vector<16xf32>,
    %swap3A_189 = arith.constant 5 : i32
    %swap3A_190 = arith.index_cast %swap3A_189 : i32 to index
    %swap3A_191 = arith.constant 16 : index
    %swap3A_192 = tpu.vector_load %arg18[%swap3A_190, %swap3A_191] {strides = array<i32>} : memref<69x128xf32, #tpu.memory_space<vmem>>, vector<16xf32>,
    tpu.vector_store %arg18[%swap3A_190, %swap3A_191], %gather3A_184 {strides = array<i32>} : memref<69x128xf32, #tpu.memory_space<vmem>>, vector<16xf32>,
    %swap3A_193 = arith.constant 5 : i32
    %swap3A_194 = arith.index_cast %swap3A_193 : i32 to index
    %swap3A_195 = arith.constant 32 : index
    %swap3A_196 = tpu.vector_load %arg18[%swap3A_194, %swap3A_195] {strides = array<i32>} : memref<69x128xf32, #tpu.memory_space<vmem>>, vector<16xf32>,
    tpu.vector_store %arg18[%swap3A_194, %swap3A_195], %gather3A_184 {strides = array<i32>} : memref<69x128xf32, #tpu.memory_space<vmem>>, vector<16xf32>,
    %swap3A_197 = arith.constant 5 : i32
    %swap3A_198 = arith.index_cast %swap3A_197 : i32 to index
    %swap3A_199 = arith.constant 48 : index
    %swap3A_200 = tpu.vector_load %arg18[%swap3A_198, %swap3A_199] {strides = array<i32>} : memref<69x128xf32, #tpu.memory_space<vmem>>, vector<16xf32>,
    tpu.vector_store %arg18[%swap3A_198, %swap3A_199], %gather3A_184 {strides = array<i32>} : memref<69x128xf32, #tpu.memory_space<vmem>>, vector<16xf32>,
    %swap3A_201 = arith.constant 5 : i32
    %swap3A_202 = arith.index_cast %swap3A_201 : i32 to index
    %swap3A_203 = arith.constant 64 : index
    %swap3A_204 = tpu.vector_load %arg18[%swap3A_202, %swap3A_203] {strides = array<i32>} : memref<69x128xf32, #tpu.memory_space<vmem>>, vector<16xf32>,
    tpu.vector_store %arg18[%swap3A_202, %swap3A_203], %gather3A_184 {strides = array<i32>} : memref<69x128xf32, #tpu.memory_space<vmem>>, vector<16xf32>,
    %swap3A_205 = arith.constant 5 : i32
    %swap3A_206 = arith.index_cast %swap3A_205 : i32 to index
    %swap3A_207 = arith.constant 80 : index
    %swap3A_208 = tpu.vector_load %arg18[%swap3A_206, %swap3A_207] {strides = array<i32>} : memref<69x128xf32, #tpu.memory_space<vmem>>, vector<16xf32>,
    tpu.vector_store %arg18[%swap3A_206, %swap3A_207], %gather3A_184 {strides = array<i32>} : memref<69x128xf32, #tpu.memory_space<vmem>>, vector<16xf32>,
    %swap3A_209 = arith.constant 5 : i32
    %swap3A_210 = arith.index_cast %swap3A_209 : i32 to index
    %swap3A_211 = arith.constant 96 : index
    %swap3A_212 = tpu.vector_load %arg18[%swap3A_210, %swap3A_211] {strides = array<i32>} : memref<69x128xf32, #tpu.memory_space<vmem>>, vector<16xf32>,
    tpu.vector_store %arg18[%swap3A_210, %swap3A_211], %gather3A_184 {strides = array<i32>} : memref<69x128xf32, #tpu.memory_space<vmem>>, vector<16xf32>,
    %swap3A_213 = arith.constant 5 : i32
    %swap3A_214 = arith.index_cast %swap3A_213 : i32 to index
    %swap3A_215 = arith.constant 112 : index
    %swap3A_216 = tpu.vector_load %arg18[%swap3A_214, %swap3A_215] {strides = array<i32>} : memref<69x128xf32, #tpu.memory_space<vmem>>, vector<16xf32>,
    tpu.vector_store %arg18[%swap3A_214, %swap3A_215], %gather3A_184 {strides = array<i32>} : memref<69x128xf32, #tpu.memory_space<vmem>>, vector<16xf32>,
    %broadcast_in_dim3A_217 = arith.constant 70 : i32
    %broadcast_in_dim3A_218 = vector.broadcast %broadcast_in_dim3A_217 : i32 to vector<16xi32>
    %gather3A_219 = tpu.vector_load_idx %arg15[%broadcast_in_dim3A_218] : memref<144xf32, #tpu.memory_space<vmem>>[vector<16xi32>], vector<16xf32>,
    %swap3A_220 = arith.constant 6 : i32
    %swap3A_221 = arith.index_cast %swap3A_220 : i32 to index
    %swap3A_222 = arith.constant 0 : index
    %swap3A_223 = tpu.vector_load %arg18[%swap3A_221, %swap3A_222] {strides = array<i32>} : memref<69x128xf32, #tpu.memory_space<vmem>>, vector<16xf32>,
    tpu.vector_store %arg18[%swap3A_221, %swap3A_222], %gather3A_219 {strides = array<i32>} : memref<69x128xf32, #tpu.memory_space<vmem>>, vector<16xf32>,
    %swap3A_224 = arith.constant 6 : i32
    %swap3A_225 = arith.index_cast %swap3A_224 : i32 to index
    %swap3A_226 = arith.constant 16 : index
    %swap3A_227 = tpu.vector_load %arg18[%swap3A_225, %swap3A_226] {strides = array<i32>} : memref<69x128xf32, #tpu.memory_space<vmem>>, vector<16xf32>,
    tpu.vector_store %arg18[%swap3A_225, %swap3A_226], %gather3A_219 {strides = array<i32>} : memref<69x128xf32, #tpu.memory_space<vmem>>, vector<16xf32>,
    %swap3A_228 = arith.constant 6 : i32
    %swap3A_229 = arith.index_cast %swap3A_228 : i32 to index
    %swap3A_230 = arith.constant 32 : index
    %swap3A_231 = tpu.vector_load %arg18[%swap3A_229, %swap3A_230] {strides = array<i32>} : memref<69x128xf32, #tpu.memory_space<vmem>>, vector<16xf32>,
    tpu.vector_store %arg18[%swap3A_229, %swap3A_230], %gather3A_219 {strides = array<i32>} : memref<69x128xf32, #tpu.memory_space<vmem>>, vector<16xf32>,
    %swap3A_232 = arith.constant 6 : i32
    %swap3A_233 = arith.index_cast %swap3A_232 : i32 to index
    %swap3A_234 = arith.constant 48 : index
    %swap3A_235 = tpu.vector_load %arg18[%swap3A_233, %swap3A_234] {strides = array<i32>} : memref<69x128xf32, #tpu.memory_space<vmem>>, vector<16xf32>,
    tpu.vector_store %arg18[%swap3A_233, %swap3A_234], %gather3A_219 {strides = array<i32>} : memref<69x128xf32, #tpu.memory_space<vmem>>, vector<16xf32>,
    %swap3A_236 = arith.constant 6 : i32
    %swap3A_237 = arith.index_cast %swap3A_236 : i32 to index
    %swap3A_238 = arith.constant 64 : index
    %swap3A_239 = tpu.vector_load %arg18[%swap3A_237, %swap3A_238] {strides = array<i32>} : memref<69x128xf32, #tpu.memory_space<vmem>>, vector<16xf32>,
    tpu.vector_store %arg18[%swap3A_237, %swap3A_238], %gather3A_219 {strides = array<i32>} : memref<69x128xf32, #tpu.memory_space<vmem>>, vector<16xf32>,
    %swap3A_240 = arith.constant 6 : i32
    %swap3A_241 = arith.index_cast %swap3A_240 : i32 to index
    %swap3A_242 = arith.constant 80 : index
    %swap3A_243 = tpu.vector_load %arg18[%swap3A_241, %swap3A_242] {strides = array<i32>} : memref<69x128xf32, #tpu.memory_space<vmem>>, vector<16xf32>,
    tpu.vector_store %arg18[%swap3A_241, %swap3A_242], %gather3A_219 {strides = array<i32>} : memref<69x128xf32, #tpu.memory_space<vmem>>, vector<16xf32>,
    %swap3A_244 = arith.constant 6 : i32
    %swap3A_245 = arith.index_cast %swap3A_244 : i32 to index
    %swap3A_246 = arith.constant 96 : index
    %swap3A_247 = tpu.vector_load %arg18[%swap3A_245, %swap3A_246] {strides = array<i32>} : memref<69x128xf32, #tpu.memory_space<vmem>>, vector<16xf32>,
    tpu.vector_store %arg18[%swap3A_245, %swap3A_246], %gather3A_219 {strides = array<i32>} : memref<69x128xf32, #tpu.memory_space<vmem>>, vector<16xf32>,
    %swap3A_248 = arith.constant 6 : i32
    %swap3A_249 = arith.index_cast %swap3A_248 : i32 to index
    %swap3A_250 = arith.constant 112 : index
    %swap3A_251 = tpu.vector_load %arg18[%swap3A_249, %swap3A_250] {strides = array<i32>} : memref<69x128xf32, #tpu.memory_space<vmem>>, vector<16xf32>,
    tpu.vector_store %arg18[%swap3A_249, %swap3A_250], %gather3A_219 {strides = array<i32>} : memref<69x128xf32, #tpu.memory_space<vmem>>, vector<16xf32>,
    %broadcast_in_dim3A_252 = arith.constant 71 : i32
    %broadcast_in_dim3A_253 = vector.broadcast %broadcast_in_dim3A_252 : i32 to vector<16xi32>
    %gather3A_254 = tpu.vector_load_idx %arg15[%broadcast_in_dim3A_253] : memref<144xf32, #tpu.memory_space<vmem>>[vector<16xi32>], vector<16xf32>,
    %swap3A_255 = arith.constant 7 : i32
    %swap3A_256 = arith.index_cast %swap3A_255 : i32 to index
    %swap3A_257 = arith.constant 0 : index
    %swap3A_258 = tpu.vector_load %arg18[%swap3A_256, %swap3A_257] {strides = array<i32>} : memref<69x128xf32, #tpu.memory_space<vmem>>, vector<16xf32>,
    tpu.vector_store %arg18[%swap3A_256, %swap3A_257], %gather3A_254 {strides = array<i32>} : memref<69x128xf32, #tpu.memory_space<vmem>>, vector<16xf32>,
    %swap3A_259 = arith.constant 7 : i32
    %swap3A_260 = arith.index_cast %swap3A_259 : i32 to index
    %swap3A_261 = arith.constant 16 : index
    %swap3A_262 = tpu.vector_load %arg18[%swap3A_260, %swap3A_261] {strides = array<i32>} : memref<69x128xf32, #tpu.memory_space<vmem>>, vector<16xf32>,
    tpu.vector_store %arg18[%swap3A_260, %swap3A_261], %gather3A_254 {strides = array<i32>} : memref<69x128xf32, #tpu.memory_space<vmem>>, vector<16xf32>,
    %swap3A_263 = arith.constant 7 : i32
    %swap3A_264 = arith.index_cast %swap3A_263 : i32 to index
    %swap3A_265 = arith.constant 32 : index
    %swap3A_266 = tpu.vector_load %arg18[%swap3A_264, %swap3A_265] {strides = array<i32>} : memref<69x128xf32, #tpu.memory_space<vmem>>, vector<16xf32>,
    tpu.vector_store %arg18[%swap3A_264, %swap3A_265], %gather3A_254 {strides = array<i32>} : memref<69x128xf32, #tpu.memory_space<vmem>>, vector<16xf32>,
    %swap3A_267 = arith.constant 7 : i32
    %swap3A_268 = arith.index_cast %swap3A_267 : i32 to index
    %swap3A_269 = arith.constant 48 : index
    %swap3A_270 = tpu.vector_load %arg18[%swap3A_268, %swap3A_269] {strides = array<i32>} : memref<69x128xf32, #tpu.memory_space<vmem>>, vector<16xf32>,
    tpu.vector_store %arg18[%swap3A_268, %swap3A_269], %gather3A_254 {strides = array<i32>} : memref<69x128xf32, #tpu.memory_space<vmem>>, vector<16xf32>,
    %swap3A_271 = arith.constant 7 : i32
    %swap3A_272 = arith.index_cast %swap3A_271 : i32 to index
    %swap3A_273 = arith.constant 64 : index
    %swap3A_274 = tpu.vector_load %arg18[%swap3A_272, %swap3A_273] {strides = array<i32>} : memref<69x128xf32, #tpu.memory_space<vmem>>, vector<16xf32>,
    tpu.vector_store %arg18[%swap3A_272, %swap3A_273], %gather3A_254 {strides = array<i32>} : memref<69x128xf32, #tpu.memory_space<vmem>>, vector<16xf32>,
    %swap3A_275 = arith.constant 7 : i32
    %swap3A_276 = arith.index_cast %swap3A_275 : i32 to index
    %swap3A_277 = arith.constant 80 : index
    %swap3A_278 = tpu.vector_load %arg18[%swap3A_276, %swap3A_277] {strides = array<i32>} : memref<69x128xf32, #tpu.memory_space<vmem>>, vector<16xf32>,
    tpu.vector_store %arg18[%swap3A_276, %swap3A_277], %gather3A_254 {strides = array<i32>} : memref<69x128xf32, #tpu.memory_space<vmem>>, vector<16xf32>,
    %swap3A_279 = arith.constant 7 : i32
    %swap3A_280 = arith.index_cast %swap3A_279 : i32 to index
    %swap3A_281 = arith.constant 96 : index
    %swap3A_282 = tpu.vector_load %arg18[%swap3A_280, %swap3A_281] {strides = array<i32>} : memref<69x128xf32, #tpu.memory_space<vmem>>, vector<16xf32>,
    tpu.vector_store %arg18[%swap3A_280, %swap3A_281], %gather3A_254 {strides = array<i32>} : memref<69x128xf32, #tpu.memory_space<vmem>>, vector<16xf32>,
    %swap3A_283 = arith.constant 7 : i32
    %swap3A_284 = arith.index_cast %swap3A_283 : i32 to index
    %swap3A_285 = arith.constant 112 : index
    %swap3A_286 = tpu.vector_load %arg18[%swap3A_284, %swap3A_285] {strides = array<i32>} : memref<69x128xf32, #tpu.memory_space<vmem>>, vector<16xf32>,
    tpu.vector_store %arg18[%swap3A_284, %swap3A_285], %gather3A_254 {strides = array<i32>} : memref<69x128xf32, #tpu.memory_space<vmem>>, vector<16xf32>,
    %broadcast_in_dim3A_287 = arith.constant 72 : i32
    %broadcast_in_dim3A_288 = vector.broadcast %broadcast_in_dim3A_287 : i32 to vector<16xi32>
    %gather3A_289 = tpu.vector_load_idx %arg15[%broadcast_in_dim3A_288] : memref<144xf32, #tpu.memory_space<vmem>>[vector<16xi32>], vector<16xf32>,
    %swap3A_290 = arith.constant 8 : i32
    %swap3A_291 = arith.index_cast %swap3A_290 : i32 to index
    %swap3A_292 = arith.constant 0 : index
    %swap3A_293 = tpu.vector_load %arg18[%swap3A_291, %swap3A_292] {strides = array<i32>} : memref<69x128xf32, #tpu.memory_space<vmem>>, vector<16xf32>,
    tpu.vector_store %arg18[%swap3A_291, %swap3A_292], %gather3A_289 {strides = array<i32>} : memref<69x128xf32, #tpu.memory_space<vmem>>, vector<16xf32>,
    %swap3A_294 = arith.constant 8 : i32
    %swap3A_295 = arith.index_cast %swap3A_294 : i32 to index
    %swap3A_296 = arith.constant 16 : index
    %swap3A_297 = tpu.vector_load %arg18[%swap3A_295, %swap3A_296] {strides = array<i32>} : memref<69x128xf32, #tpu.memory_space<vmem>>, vector<16xf32>,
    tpu.vector_store %arg18[%swap3A_295, %swap3A_296], %gather3A_289 {strides = array<i32>} : memref<69x128xf32, #tpu.memory_space<vmem>>, vector<16xf32>,
    %swap3A_298 = arith.constant 8 : i32
    %swap3A_299 = arith.index_cast %swap3A_298 : i32 to index
    %swap3A_300 = arith.constant 32 : index
    %swap3A_301 = tpu.vector_load %arg18[%swap3A_299, %swap3A_300] {strides = array<i32>} : memref<69x128xf32, #tpu.memory_space<vmem>>, vector<16xf32>,
    tpu.vector_store %arg18[%swap3A_299, %swap3A_300], %gather3A_289 {strides = array<i32>} : memref<69x128xf32, #tpu.memory_space<vmem>>, vector<16xf32>,
    %swap3A_302 = arith.constant 8 : i32
    %swap3A_303 = arith.index_cast %swap3A_302 : i32 to index
    %swap3A_304 = arith.constant 48 : index
    %swap3A_305 = tpu.vector_load %arg18[%swap3A_303, %swap3A_304] {strides = array<i32>} : memref<69x128xf32, #tpu.memory_space<vmem>>, vector<16xf32>,
    tpu.vector_store %arg18[%swap3A_303, %swap3A_304], %gather3A_289 {strides = array<i32>} : memref<69x128xf32, #tpu.memory_space<vmem>>, vector<16xf32>,
    %swap3A_306 = arith.constant 8 : i32
    %swap3A_307 = arith.index_cast %swap3A_306 : i32 to index
    %swap3A_308 = arith.constant 64 : index
    %swap3A_309 = tpu.vector_load %arg18[%swap3A_307, %swap3A_308] {strides = array<i32>} : memref<69x128xf32, #tpu.memory_space<vmem>>, vector<16xf32>,
    tpu.vector_store %arg18[%swap3A_307, %swap3A_308], %gather3A_289 {strides = array<i32>} : memref<69x128xf32, #tpu.memory_space<vmem>>, vector<16xf32>,
    %swap3A_310 = arith.constant 8 : i32
    %swap3A_311 = arith.index_cast %swap3A_310 : i32 to index
    %swap3A_312 = arith.constant 80 : index
    %swap3A_313 = tpu.vector_load %arg18[%swap3A_311, %swap3A_312] {strides = array<i32>} : memref<69x128xf32, #tpu.memory_space<vmem>>, vector<16xf32>,
    tpu.vector_store %arg18[%swap3A_311, %swap3A_312], %gather3A_289 {strides = array<i32>} : memref<69x128xf32, #tpu.memory_space<vmem>>, vector<16xf32>,
    %swap3A_314 = arith.constant 8 : i32
    %swap3A_315 = arith.index_cast %swap3A_314 : i32 to index
    %swap3A_316 = arith.constant 96 : index
    %swap3A_317 = tpu.vector_load %arg18[%swap3A_315, %swap3A_316] {strides = array<i32>} : memref<69x128xf32, #tpu.memory_space<vmem>>, vector<16xf32>,
    tpu.vector_store %arg18[%swap3A_315, %swap3A_316], %gather3A_289 {strides = array<i32>} : memref<69x128xf32, #tpu.memory_space<vmem>>, vector<16xf32>,
    %swap3A_318 = arith.constant 8 : i32
    %swap3A_319 = arith.index_cast %swap3A_318 : i32 to index
    %swap3A_320 = arith.constant 112 : index
    %swap3A_321 = tpu.vector_load %arg18[%swap3A_319, %swap3A_320] {strides = array<i32>} : memref<69x128xf32, #tpu.memory_space<vmem>>, vector<16xf32>,
    tpu.vector_store %arg18[%swap3A_319, %swap3A_320], %gather3A_289 {strides = array<i32>} : memref<69x128xf32, #tpu.memory_space<vmem>>, vector<16xf32>,
    %broadcast_in_dim3A_322 = arith.constant 73 : i32
    %broadcast_in_dim3A_323 = vector.broadcast %broadcast_in_dim3A_322 : i32 to vector<16xi32>
    %gather3A_324 = tpu.vector_load_idx %arg15[%broadcast_in_dim3A_323] : memref<144xf32, #tpu.memory_space<vmem>>[vector<16xi32>], vector<16xf32>,
    %swap3A_325 = arith.constant 9 : i32
    %swap3A_326 = arith.index_cast %swap3A_325 : i32 to index
    %swap3A_327 = arith.constant 0 : index
    %swap3A_328 = tpu.vector_load %arg18[%swap3A_326, %swap3A_327] {strides = array<i32>} : memref<69x128xf32, #tpu.memory_space<vmem>>, vector<16xf32>,
    tpu.vector_store %arg18[%swap3A_326, %swap3A_327], %gather3A_324 {strides = array<i32>} : memref<69x128xf32, #tpu.memory_space<vmem>>, vector<16xf32>,
    %swap3A_329 = arith.constant 9 : i32
    %swap3A_330 = arith.index_cast %swap3A_329 : i32 to index
    %swap3A_331 = arith.constant 16 : index
    %swap3A_332 = tpu.vector_load %arg18[%swap3A_330, %swap3A_331] {strides = array<i32>} : memref<69x128xf32, #tpu.memory_space<vmem>>, vector<16xf32>,
    tpu.vector_store %arg18[%swap3A_330, %swap3A_331], %gather3A_324 {strides = array<i32>} : memref<69x128xf32, #tpu.memory_space<vmem>>, vector<16xf32>,
    %swap3A_333 = arith.constant 9 : i32
    %swap3A_334 = arith.index_cast %swap3A_333 : i32 to index
    %swap3A_335 = arith.constant 32 : index
    %swap3A_336 = tpu.vector_load %arg18[%swap3A_334, %swap3A_335] {strides = array<i32>} : memref<69x128xf32, #tpu.memory_space<vmem>>, vector<16xf32>,
    tpu.vector_store %arg18[%swap3A_334, %swap3A_335], %gather3A_324 {strides = array<i32>} : memref<69x128xf32, #tpu.memory_space<vmem>>, vector<16xf32>,
    %swap3A_337 = arith.constant 9 : i32
    %swap3A_338 = arith.index_cast %swap3A_337 : i32 to index
    %swap3A_339 = arith.constant 48 : index
    %swap3A_340 = tpu.vector_load %arg18[%swap3A_338, %swap3A_339] {strides = array<i32>} : memref<69x128xf32, #tpu.memory_space<vmem>>, vector<16xf32>,
    tpu.vector_store %arg18[%swap3A_338, %swap3A_339], %gather3A_324 {strides = array<i32>} : memref<69x128xf32, #tpu.memory_space<vmem>>, vector<16xf32>,
    %swap3A_341 = arith.constant 9 : i32
    %swap3A_342 = arith.index_cast %swap3A_341 : i32 to index
    %swap3A_343 = arith.constant 64 : index
    %swap3A_344 = tpu.vector_load %arg18[%swap3A_342, %swap3A_343] {strides = array<i32>} : memref<69x128xf32, #tpu.memory_space<vmem>>, vector<16xf32>,
    tpu.vector_store %arg18[%swap3A_342, %swap3A_343], %gather3A_324 {strides = array<i32>} : memref<69x128xf32, #tpu.memory_space<vmem>>, vector<16xf32>,
    %swap3A_345 = arith.constant 9 : i32
    %swap3A_346 = arith.index_cast %swap3A_345 : i32 to index
    %swap3A_347 = arith.constant 80 : index
    %swap3A_348 = tpu.vector_load %arg18[%swap3A_346, %swap3A_347] {strides = array<i32>} : memref<69x128xf32, #tpu.memory_space<vmem>>, vector<16xf32>,
    tpu.vector_store %arg18[%swap3A_346, %swap3A_347], %gather3A_324 {strides = array<i32>} : memref<69x128xf32, #tpu.memory_space<vmem>>, vector<16xf32>,
    %swap3A_349 = arith.constant 9 : i32
    %swap3A_350 = arith.index_cast %swap3A_349 : i32 to index
    %swap3A_351 = arith.constant 96 : index
    %swap3A_352 = tpu.vector_load %arg18[%swap3A_350, %swap3A_351] {strides = array<i32>} : memref<69x128xf32, #tpu.memory_space<vmem>>, vector<16xf32>,
    tpu.vector_store %arg18[%swap3A_350, %swap3A_351], %gather3A_324 {strides = array<i32>} : memref<69x128xf32, #tpu.memory_space<vmem>>, vector<16xf32>,
    %swap3A_353 = arith.constant 9 : i32
    %swap3A_354 = arith.index_cast %swap3A_353 : i32 to index
    %swap3A_355 = arith.constant 112 : index
    %swap3A_356 = tpu.vector_load %arg18[%swap3A_354, %swap3A_355] {strides = array<i32>} : memref<69x128xf32, #tpu.memory_space<vmem>>, vector<16xf32>,
    tpu.vector_store %arg18[%swap3A_354, %swap3A_355], %gather3A_324 {strides = array<i32>} : memref<69x128xf32, #tpu.memory_space<vmem>>, vector<16xf32>,
    %broadcast_in_dim3A_357 = arith.constant 74 : i32
    %broadcast_in_dim3A_358 = vector.broadcast %broadcast_in_dim3A_357 : i32 to vector<16xi32>
    %gather3A_359 = tpu.vector_load_idx %arg15[%broadcast_in_dim3A_358] : memref<144xf32, #tpu.memory_space<vmem>>[vector<16xi32>], vector<16xf32>,
    %swap3A_360 = arith.constant 10 : i32
    %swap3A_361 = arith.index_cast %swap3A_360 : i32 to index
    %swap3A_362 = arith.constant 0 : index
    %swap3A_363 = tpu.vector_load %arg18[%swap3A_361, %swap3A_362] {strides = array<i32>} : memref<69x128xf32, #tpu.memory_space<vmem>>, vector<16xf32>,
    tpu.vector_store %arg18[%swap3A_361, %swap3A_362], %gather3A_359 {strides = array<i32>} : memref<69x128xf32, #tpu.memory_space<vmem>>, vector<16xf32>,
    %swap3A_364 = arith.constant 10 : i32
    %swap3A_365 = arith.index_cast %swap3A_364 : i32 to index
    %swap3A_366 = arith.constant 16 : index
    %swap3A_367 = tpu.vector_load %arg18[%swap3A_365, %swap3A_366] {strides = array<i32>} : memref<69x128xf32, #tpu.memory_space<vmem>>, vector<16xf32>,
    tpu.vector_store %arg18[%swap3A_365, %swap3A_366], %gather3A_359 {strides = array<i32>} : memref<69x128xf32, #tpu.memory_space<vmem>>, vector<16xf32>,
    %swap3A_368 = arith.constant 10 : i32
    %swap3A_369 = arith.index_cast %swap3A_368 : i32 to index
    %swap3A_370 = arith.constant 32 : index
    %swap3A_371 = tpu.vector_load %arg18[%swap3A_369, %swap3A_370] {strides = array<i32>} : memref<69x128xf32, #tpu.memory_space<vmem>>, vector<16xf32>,
    tpu.vector_store %arg18[%swap3A_369, %swap3A_370], %gather3A_359 {strides = array<i32>} : memref<69x128xf32, #tpu.memory_space<vmem>>, vector<16xf32>,
    %swap3A_372 = arith.constant 10 : i32
    %swap3A_373 = arith.index_cast %swap3A_372 : i32 to index
    %swap3A_374 = arith.constant 48 : index
    %swap3A_375 = tpu.vector_load %arg18[%swap3A_373, %swap3A_374] {strides = array<i32>} : memref<69x128xf32, #tpu.memory_space<vmem>>, vector<16xf32>,
    tpu.vector_store %arg18[%swap3A_373, %swap3A_374], %gather3A_359 {strides = array<i32>} : memref<69x128xf32, #tpu.memory_space<vmem>>, vector<16xf32>,
    %swap3A_376 = arith.constant 10 : i32
    %swap3A_377 = arith.index_cast %swap3A_376 : i32 to index
    %swap3A_378 = arith.constant 64 : index
    %swap3A_379 = tpu.vector_load %arg18[%swap3A_377, %swap3A_378] {strides = array<i32>} : memref<69x128xf32, #tpu.memory_space<vmem>>, vector<16xf32>,
    tpu.vector_store %arg18[%swap3A_377, %swap3A_378], %gather3A_359 {strides = array<i32>} : memref<69x128xf32, #tpu.memory_space<vmem>>, vector<16xf32>,
    %swap3A_380 = arith.constant 10 : i32
    %swap3A_381 = arith.index_cast %swap3A_380 : i32 to index
    %swap3A_382 = arith.constant 80 : index
    %swap3A_383 = tpu.vector_load %arg18[%swap3A_381, %swap3A_382] {strides = array<i32>} : memref<69x128xf32, #tpu.memory_space<vmem>>, vector<16xf32>,
    tpu.vector_store %arg18[%swap3A_381, %swap3A_382], %gather3A_359 {strides = array<i32>} : memref<69x128xf32, #tpu.memory_space<vmem>>, vector<16xf32>,
    %swap3A_384 = arith.constant 10 : i32
    %swap3A_385 = arith.index_cast %swap3A_384 : i32 to index
    %swap3A_386 = arith.constant 96 : index
    %swap3A_387 = tpu.vector_load %arg18[%swap3A_385, %swap3A_386] {strides = array<i32>} : memref<69x128xf32, #tpu.memory_space<vmem>>, vector<16xf32>,
    tpu.vector_store %arg18[%swap3A_385, %swap3A_386], %gather3A_359 {strides = array<i32>} : memref<69x128xf32, #tpu.memory_space<vmem>>, vector<16xf32>,
    %swap3A_388 = arith.constant 10 : i32
    %swap3A_389 = arith.index_cast %swap3A_388 : i32 to index
    %swap3A_390 = arith.constant 112 : index
    %swap3A_391 = tpu.vector_load %arg18[%swap3A_389, %swap3A_390] {strides = array<i32>} : memref<69x128xf32, #tpu.memory_space<vmem>>, vector<16xf32>,
    tpu.vector_store %arg18[%swap3A_389, %swap3A_390], %gather3A_359 {strides = array<i32>} : memref<69x128xf32, #tpu.memory_space<vmem>>, vector<16xf32>,
    %broadcast_in_dim3A_392 = arith.constant 75 : i32
    %broadcast_in_dim3A_393 = vector.broadcast %broadcast_in_dim3A_392 : i32 to vector<16xi32>
    %gather3A_394 = tpu.vector_load_idx %arg15[%broadcast_in_dim3A_393] : memref<144xf32, #tpu.memory_space<vmem>>[vector<16xi32>], vector<16xf32>,
    %swap3A_395 = arith.constant 11 : i32
    %swap3A_396 = arith.index_cast %swap3A_395 : i32 to index
    %swap3A_397 = arith.constant 0 : index
    %swap3A_398 = tpu.vector_load %arg18[%swap3A_396, %swap3A_397] {strides = array<i32>} : memref<69x128xf32, #tpu.memory_space<vmem>>, vector<16xf32>,
    tpu.vector_store %arg18[%swap3A_396, %swap3A_397], %gather3A_394 {strides = array<i32>} : memref<69x128xf32, #tpu.memory_space<vmem>>, vector<16xf32>,
    %swap3A_399 = arith.constant 11 : i32
    %swap3A_400 = arith.index_cast %swap3A_399 : i32 to index
    %swap3A_401 = arith.constant 16 : index
    %swap3A_402 = tpu.vector_load %arg18[%swap3A_400, %swap3A_401] {strides = array<i32>} : memref<69x128xf32, #tpu.memory_space<vmem>>, vector<16xf32>,
    tpu.vector_store %arg18[%swap3A_400, %swap3A_401], %gather3A_394 {strides = array<i32>} : memref<69x128xf32, #tpu.memory_space<vmem>>, vector<16xf32>,
    %swap3A_403 = arith.constant 11 : i32
    %swap3A_404 = arith.index_cast %swap3A_403 : i32 to index
    %swap3A_405 = arith.constant 32 : index
    %swap3A_406 = tpu.vector_load %arg18[%swap3A_404, %swap3A_405] {strides = array<i32>} : memref<69x128xf32, #tpu.memory_space<vmem>>, vector<16xf32>,
    tpu.vector_store %arg18[%swap3A_404, %swap3A_405], %gather3A_394 {strides = array<i32>} : memref<69x128xf32, #tpu.memory_space<vmem>>, vector<16xf32>,
    %swap3A_407 = arith.constant 11 : i32
    %swap3A_408 = arith.index_cast %swap3A_407 : i32 to index
    %swap3A_409 = arith.constant 48 : index
    %swap3A_410 = tpu.vector_load %arg18[%swap3A_408, %swap3A_409] {strides = array<i32>} : memref<69x128xf32, #tpu.memory_space<vmem>>, vector<16xf32>,
    tpu.vector_store %arg18[%swap3A_408, %swap3A_409], %gather3A_394 {strides = array<i32>} : memref<69x128xf32, #tpu.memory_space<vmem>>, vector<16xf32>,
    %swap3A_411 = arith.constant 11 : i32
    %swap3A_412 = arith.index_cast %swap3A_411 : i32 to index
    %swap3A_413 = arith.constant 64 : index
    %swap3A_414 = tpu.vector_load %arg18[%swap3A_412, %swap3A_413] {strides = array<i32>} : memref<69x128xf32, #tpu.memory_space<vmem>>, vector<16xf32>,
    tpu.vector_store %arg18[%swap3A_412, %swap3A_413], %gather3A_394 {strides = array<i32>} : memref<69x128xf32, #tpu.memory_space<vmem>>, vector<16xf32>,
    %swap3A_415 = arith.constant 11 : i32
    %swap3A_416 = arith.index_cast %swap3A_415 : i32 to index
    %swap3A_417 = arith.constant 80 : index
    %swap3A_418 = tpu.vector_load %arg18[%swap3A_416, %swap3A_417] {strides = array<i32>} : memref<69x128xf32, #tpu.memory_space<vmem>>, vector<16xf32>,
    tpu.vector_store %arg18[%swap3A_416, %swap3A_417], %gather3A_394 {strides = array<i32>} : memref<69x128xf32, #tpu.memory_space<vmem>>, vector<16xf32>,
    %swap3A_419 = arith.constant 11 : i32
    %swap3A_420 = arith.index_cast %swap3A_419 : i32 to index
    %swap3A_421 = arith.constant 96 : index
    %swap3A_422 = tpu.vector_load %arg18[%swap3A_420, %swap3A_421] {strides = array<i32>} : memref<69x128xf32, #tpu.memory_space<vmem>>, vector<16xf32>,
    tpu.vector_store %arg18[%swap3A_420, %swap3A_421], %gather3A_394 {strides = array<i32>} : memref<69x128xf32, #tpu.memory_space<vmem>>, vector<16xf32>,
    %swap3A_423 = arith.constant 11 : i32
    %swap3A_424 = arith.index_cast %swap3A_423 : i32 to index
    %swap3A_425 = arith.constant 112 : index
    %swap3A_426 = tpu.vector_load %arg18[%swap3A_424, %swap3A_425] {strides = array<i32>} : memref<69x128xf32, #tpu.memory_space<vmem>>, vector<16xf32>,
    tpu.vector_store %arg18[%swap3A_424, %swap3A_425], %gather3A_394 {strides = array<i32>} : memref<69x128xf32, #tpu.memory_space<vmem>>, vector<16xf32>,
    %broadcast_in_dim3A_427 = arith.constant 76 : i32
    %broadcast_in_dim3A_428 = vector.broadcast %broadcast_in_dim3A_427 : i32 to vector<16xi32>
    %gather3A_429 = tpu.vector_load_idx %arg15[%broadcast_in_dim3A_428] : memref<144xf32, #tpu.memory_space<vmem>>[vector<16xi32>], vector<16xf32>,
    %swap3A_430 = arith.constant 12 : i32
    %swap3A_431 = arith.index_cast %swap3A_430 : i32 to index
    %swap3A_432 = arith.constant 0 : index
    %swap3A_433 = tpu.vector_load %arg18[%swap3A_431, %swap3A_432] {strides = array<i32>} : memref<69x128xf32, #tpu.memory_space<vmem>>, vector<16xf32>,
    tpu.vector_store %arg18[%swap3A_431, %swap3A_432], %gather3A_429 {strides = array<i32>} : memref<69x128xf32, #tpu.memory_space<vmem>>, vector<16xf32>,
    %swap3A_434 = arith.constant 12 : i32
    %swap3A_435 = arith.index_cast %swap3A_434 : i32 to index
    %swap3A_436 = arith.constant 16 : index
    %swap3A_437 = tpu.vector_load %arg18[%swap3A_435, %swap3A_436] {strides = array<i32>} : memref<69x128xf32, #tpu.memory_space<vmem>>, vector<16xf32>,
    tpu.vector_store %arg18[%swap3A_435, %swap3A_436], %gather3A_429 {strides = array<i32>} : memref<69x128xf32, #tpu.memory_space<vmem>>, vector<16xf32>,
    %swap3A_438 = arith.constant 12 : i32
    %swap3A_439 = arith.index_cast %swap3A_438 : i32 to index
    %swap3A_440 = arith.constant 32 : index
    %swap3A_441 = tpu.vector_load %arg18[%swap3A_439, %swap3A_440] {strides = array<i32>} : memref<69x128xf32, #tpu.memory_space<vmem>>, vector<16xf32>,
    tpu.vector_store %arg18[%swap3A_439, %swap3A_440], %gather3A_429 {strides = array<i32>} : memref<69x128xf32, #tpu.memory_space<vmem>>, vector<16xf32>,
    %swap3A_442 = arith.constant 12 : i32
    %swap3A_443 = arith.index_cast %swap3A_442 : i32 to index
    %swap3A_444 = arith.constant 48 : index
    %swap3A_445 = tpu.vector_load %arg18[%swap3A_443, %swap3A_444] {strides = array<i32>} : memref<69x128xf32, #tpu.memory_space<vmem>>, vector<16xf32>,
    tpu.vector_store %arg18[%swap3A_443, %swap3A_444], %gather3A_429 {strides = array<i32>} : memref<69x128xf32, #tpu.memory_space<vmem>>, vector<16xf32>,
    %swap3A_446 = arith.constant 12 : i32
    %swap3A_447 = arith.index_cast %swap3A_446 : i32 to index
    %swap3A_448 = arith.constant 64 : index
    %swap3A_449 = tpu.vector_load %arg18[%swap3A_447, %swap3A_448] {strides = array<i32>} : memref<69x128xf32, #tpu.memory_space<vmem>>, vector<16xf32>,
    tpu.vector_store %arg18[%swap3A_447, %swap3A_448], %gather3A_429 {strides = array<i32>} : memref<69x128xf32, #tpu.memory_space<vmem>>, vector<16xf32>,
    %swap3A_450 = arith.constant 12 : i32
    %swap3A_451 = arith.index_cast %swap3A_450 : i32 to index
    %swap3A_452 = arith.constant 80 : index
    %swap3A_453 = tpu.vector_load %arg18[%swap3A_451, %swap3A_452] {strides = array<i32>} : memref<69x128xf32, #tpu.memory_space<vmem>>, vector<16xf32>,
    tpu.vector_store %arg18[%swap3A_451, %swap3A_452], %gather3A_429 {strides = array<i32>} : memref<69x128xf32, #tpu.memory_space<vmem>>, vector<16xf32>,
    %swap3A_454 = arith.constant 12 : i32
    %swap3A_455 = arith.index_cast %swap3A_454 : i32 to index
    %swap3A_456 = arith.constant 96 : index
    %swap3A_457 = tpu.vector_load %arg18[%swap3A_455, %swap3A_456] {strides = array<i32>} : memref<69x128xf32, #tpu.memory_space<vmem>>, vector<16xf32>,
    tpu.vector_store %arg18[%swap3A_455, %swap3A_456], %gather3A_429 {strides = array<i32>} : memref<69x128xf32, #tpu.memory_space<vmem>>, vector<16xf32>,
    %swap3A_458 = arith.constant 12 : i32
    %swap3A_459 = arith.index_cast %swap3A_458 : i32 to index
    %swap3A_460 = arith.constant 112 : index
    %swap3A_461 = tpu.vector_load %arg18[%swap3A_459, %swap3A_460] {strides = array<i32>} : memref<69x128xf32, #tpu.memory_space<vmem>>, vector<16xf32>,
    tpu.vector_store %arg18[%swap3A_459, %swap3A_460], %gather3A_429 {strides = array<i32>} : memref<69x128xf32, #tpu.memory_space<vmem>>, vector<16xf32>,
    %broadcast_in_dim3A_462 = arith.constant 77 : i32
    %broadcast_in_dim3A_463 = vector.broadcast %broadcast_in_dim3A_462 : i32 to vector<16xi32>
    %gather3A_464 = tpu.vector_load_idx %arg15[%broadcast_in_dim3A_463] : memref<144xf32, #tpu.memory_space<vmem>>[vector<16xi32>], vector<16xf32>,
    %swap3A_465 = arith.constant 13 : i32
    %swap3A_466 = arith.index_cast %swap3A_465 : i32 to index
    %swap3A_467 = arith.constant 0 : index
    %swap3A_468 = tpu.vector_load %arg18[%swap3A_466, %swap3A_467] {strides = array<i32>} : memref<69x128xf32, #tpu.memory_space<vmem>>, vector<16xf32>,
    tpu.vector_store %arg18[%swap3A_466, %swap3A_467], %gather3A_464 {strides = array<i32>} : memref<69x128xf32, #tpu.memory_space<vmem>>, vector<16xf32>,
    %swap3A_469 = arith.constant 13 : i32
    %swap3A_470 = arith.index_cast %swap3A_469 : i32 to index
    %swap3A_471 = arith.constant 16 : index
    %swap3A_472 = tpu.vector_load %arg18[%swap3A_470, %swap3A_471] {strides = array<i32>} : memref<69x128xf32, #tpu.memory_space<vmem>>, vector<16xf32>,
    tpu.vector_store %arg18[%swap3A_470, %swap3A_471], %gather3A_464 {strides = array<i32>} : memref<69x128xf32, #tpu.memory_space<vmem>>, vector<16xf32>,
    %swap3A_473 = arith.constant 13 : i32
    %swap3A_474 = arith.index_cast %swap3A_473 : i32 to index
    %swap3A_475 = arith.constant 32 : index
    %swap3A_476 = tpu.vector_load %arg18[%swap3A_474, %swap3A_475] {strides = array<i32>} : memref<69x128xf32, #tpu.memory_space<vmem>>, vector<16xf32>,
    tpu.vector_store %arg18[%swap3A_474, %swap3A_475], %gather3A_464 {strides = array<i32>} : memref<69x128xf32, #tpu.memory_space<vmem>>, vector<16xf32>,
    %swap3A_477 = arith.constant 13 : i32
    %swap3A_478 = arith.index_cast %swap3A_477 : i32 to index
    %swap3A_479 = arith.constant 48 : index
    %swap3A_480 = tpu.vector_load %arg18[%swap3A_478, %swap3A_479] {strides = array<i32>} : memref<69x128xf32, #tpu.memory_space<vmem>>, vector<16xf32>,
    tpu.vector_store %arg18[%swap3A_478, %swap3A_479], %gather3A_464 {strides = array<i32>} : memref<69x128xf32, #tpu.memory_space<vmem>>, vector<16xf32>,
    %swap3A_481 = arith.constant 13 : i32
    %swap3A_482 = arith.index_cast %swap3A_481 : i32 to index
    %swap3A_483 = arith.constant 64 : index
    %swap3A_484 = tpu.vector_load %arg18[%swap3A_482, %swap3A_483] {strides = array<i32>} : memref<69x128xf32, #tpu.memory_space<vmem>>, vector<16xf32>,
    tpu.vector_store %arg18[%swap3A_482, %swap3A_483], %gather3A_464 {strides = array<i32>} : memref<69x128xf32, #tpu.memory_space<vmem>>, vector<16xf32>,
    %swap3A_485 = arith.constant 13 : i32
    %swap3A_486 = arith.index_cast %swap3A_485 : i32 to index
    %swap3A_487 = arith.constant 80 : index
    %swap3A_488 = tpu.vector_load %arg18[%swap3A_486, %swap3A_487] {strides = array<i32>} : memref<69x128xf32, #tpu.memory_space<vmem>>, vector<16xf32>,
    tpu.vector_store %arg18[%swap3A_486, %swap3A_487], %gather3A_464 {strides = array<i32>} : memref<69x128xf32, #tpu.memory_space<vmem>>, vector<16xf32>,
    %swap3A_489 = arith.constant 13 : i32
    %swap3A_490 = arith.index_cast %swap3A_489 : i32 to index
    %swap3A_491 = arith.constant 96 : index
    %swap3A_492 = tpu.vector_load %arg18[%swap3A_490, %swap3A_491] {strides = array<i32>} : memref<69x128xf32, #tpu.memory_space<vmem>>, vector<16xf32>,
    tpu.vector_store %arg18[%swap3A_490, %swap3A_491], %gather3A_464 {strides = array<i32>} : memref<69x128xf32, #tpu.memory_space<vmem>>, vector<16xf32>,
    %swap3A_493 = arith.constant 13 : i32
    %swap3A_494 = arith.index_cast %swap3A_493 : i32 to index
    %swap3A_495 = arith.constant 112 : index
    %swap3A_496 = tpu.vector_load %arg18[%swap3A_494, %swap3A_495] {strides = array<i32>} : memref<69x128xf32, #tpu.memory_space<vmem>>, vector<16xf32>,
    tpu.vector_store %arg18[%swap3A_494, %swap3A_495], %gather3A_464 {strides = array<i32>} : memref<69x128xf32, #tpu.memory_space<vmem>>, vector<16xf32>,
    %broadcast_in_dim3A_497 = arith.constant 78 : i32
    %broadcast_in_dim3A_498 = vector.broadcast %broadcast_in_dim3A_497 : i32 to vector<16xi32>
    %gather3A_499 = tpu.vector_load_idx %arg15[%broadcast_in_dim3A_498] : memref<144xf32, #tpu.memory_space<vmem>>[vector<16xi32>], vector<16xf32>,
    %swap3A_500 = arith.constant 14 : i32
    %swap3A_501 = arith.index_cast %swap3A_500 : i32 to index
    %swap3A_502 = arith.constant 0 : index
    %swap3A_503 = tpu.vector_load %arg18[%swap3A_501, %swap3A_502] {strides = array<i32>} : memref<69x128xf32, #tpu.memory_space<vmem>>, vector<16xf32>,
    tpu.vector_store %arg18[%swap3A_501, %swap3A_502], %gather3A_499 {strides = array<i32>} : memref<69x128xf32, #tpu.memory_space<vmem>>, vector<16xf32>,
    %swap3A_504 = arith.constant 14 : i32
    %swap3A_505 = arith.index_cast %swap3A_504 : i32 to index
    %swap3A_506 = arith.constant 16 : index
    %swap3A_507 = tpu.vector_load %arg18[%swap3A_505, %swap3A_506] {strides = array<i32>} : memref<69x128xf32, #tpu.memory_space<vmem>>, vector<16xf32>,
    tpu.vector_store %arg18[%swap3A_505, %swap3A_506], %gather3A_499 {strides = array<i32>} : memref<69x128xf32, #tpu.memory_space<vmem>>, vector<16xf32>,
    %swap3A_508 = arith.constant 14 : i32
    %swap3A_509 = arith.index_cast %swap3A_508 : i32 to index
    %swap3A_510 = arith.constant 32 : index
    %swap3A_511 = tpu.vector_load %arg18[%swap3A_509, %swap3A_510] {strides = array<i32>} : memref<69x128xf32, #tpu.memory_space<vmem>>, vector<16xf32>,
    tpu.vector_store %arg18[%swap3A_509, %swap3A_510], %gather3A_499 {strides = array<i32>} : memref<69x128xf32, #tpu.memory_space<vmem>>, vector<16xf32>,
    %swap3A_512 = arith.constant 14 : i32
    %swap3A_513 = arith.index_cast %swap3A_512 : i32 to index
    %swap3A_514 = arith.constant 48 : index
    %swap3A_515 = tpu.vector_load %arg18[%swap3A_513, %swap3A_514] {strides = array<i32>} : memref<69x128xf32, #tpu.memory_space<vmem>>, vector<16xf32>,
    tpu.vector_store %arg18[%swap3A_513, %swap3A_514], %gather3A_499 {strides = array<i32>} : memref<69x128xf32, #tpu.memory_space<vmem>>, vector<16xf32>,
    %swap3A_516 = arith.constant 14 : i32
    %swap3A_517 = arith.index_cast %swap3A_516 : i32 to index
    %swap3A_518 = arith.constant 64 : index
    %swap3A_519 = tpu.vector_load %arg18[%swap3A_517, %swap3A_518] {strides = array<i32>} : memref<69x128xf32, #tpu.memory_space<vmem>>, vector<16xf32>,
    tpu.vector_store %arg18[%swap3A_517, %swap3A_518], %gather3A_499 {strides = array<i32>} : memref<69x128xf32, #tpu.memory_space<vmem>>, vector<16xf32>,
    %swap3A_520 = arith.constant 14 : i32
    %swap3A_521 = arith.index_cast %swap3A_520 : i32 to index
    %swap3A_522 = arith.constant 80 : index
    %swap3A_523 = tpu.vector_load %arg18[%swap3A_521, %swap3A_522] {strides = array<i32>} : memref<69x128xf32, #tpu.memory_space<vmem>>, vector<16xf32>,
    tpu.vector_store %arg18[%swap3A_521, %swap3A_522], %gather3A_499 {strides = array<i32>} : memref<69x128xf32, #tpu.memory_space<vmem>>, vector<16xf32>,
    %swap3A_524 = arith.constant 14 : i32
    %swap3A_525 = arith.index_cast %swap3A_524 : i32 to index
    %swap3A_526 = arith.constant 96 : index
    %swap3A_527 = tpu.vector_load %arg18[%swap3A_525, %swap3A_526] {strides = array<i32>} : memref<69x128xf32, #tpu.memory_space<vmem>>, vector<16xf32>,
    tpu.vector_store %arg18[%swap3A_525, %swap3A_526], %gather3A_499 {strides = array<i32>} : memref<69x128xf32, #tpu.memory_space<vmem>>, vector<16xf32>,
    %swap3A_528 = arith.constant 14 : i32
    %swap3A_529 = arith.index_cast %swap3A_528 : i32 to index
    %swap3A_530 = arith.constant 112 : index
    %swap3A_531 = tpu.vector_load %arg18[%swap3A_529, %swap3A_530] {strides = array<i32>} : memref<69x128xf32, #tpu.memory_space<vmem>>, vector<16xf32>,
    tpu.vector_store %arg18[%swap3A_529, %swap3A_530], %gather3A_499 {strides = array<i32>} : memref<69x128xf32, #tpu.memory_space<vmem>>, vector<16xf32>,
    %broadcast_in_dim3A_532 = arith.constant 79 : i32
    %broadcast_in_dim3A_533 = vector.broadcast %broadcast_in_dim3A_532 : i32 to vector<16xi32>
    %gather3A_534 = tpu.vector_load_idx %arg15[%broadcast_in_dim3A_533] : memref<144xf32, #tpu.memory_space<vmem>>[vector<16xi32>], vector<16xf32>,
    %swap3A_535 = arith.constant 15 : i32
    %swap3A_536 = arith.index_cast %swap3A_535 : i32 to index
    %swap3A_537 = arith.constant 0 : index
    %swap3A_538 = tpu.vector_load %arg18[%swap3A_536, %swap3A_537] {strides = array<i32>} : memref<69x128xf32, #tpu.memory_space<vmem>>, vector<16xf32>,
    tpu.vector_store %arg18[%swap3A_536, %swap3A_537], %gather3A_534 {strides = array<i32>} : memref<69x128xf32, #tpu.memory_space<vmem>>, vector<16xf32>,
    %swap3A_539 = arith.constant 15 : i32
    %swap3A_540 = arith.index_cast %swap3A_539 : i32 to index
    %swap3A_541 = arith.constant 16 : index
    %swap3A_542 = tpu.vector_load %arg18[%swap3A_540, %swap3A_541] {strides = array<i32>} : memref<69x128xf32, #tpu.memory_space<vmem>>, vector<16xf32>,
    tpu.vector_store %arg18[%swap3A_540, %swap3A_541], %gather3A_534 {strides = array<i32>} : memref<69x128xf32, #tpu.memory_space<vmem>>, vector<16xf32>,
    %swap3A_543 = arith.constant 15 : i32
    %swap3A_544 = arith.index_cast %swap3A_543 : i32 to index
    %swap3A_545 = arith.constant 32 : index
    %swap3A_546 = tpu.vector_load %arg18[%swap3A_544, %swap3A_545] {strides = array<i32>} : memref<69x128xf32, #tpu.memory_space<vmem>>, vector<16xf32>,
    tpu.vector_store %arg18[%swap3A_544, %swap3A_545], %gather3A_534 {strides = array<i32>} : memref<69x128xf32, #tpu.memory_space<vmem>>, vector<16xf32>,
    %swap3A_547 = arith.constant 15 : i32
    %swap3A_548 = arith.index_cast %swap3A_547 : i32 to index
    %swap3A_549 = arith.constant 48 : index
    %swap3A_550 = tpu.vector_load %arg18[%swap3A_548, %swap3A_549] {strides = array<i32>} : memref<69x128xf32, #tpu.memory_space<vmem>>, vector<16xf32>,
    tpu.vector_store %arg18[%swap3A_548, %swap3A_549], %gather3A_534 {strides = array<i32>} : memref<69x128xf32, #tpu.memory_space<vmem>>, vector<16xf32>,
    %swap3A_551 = arith.constant 15 : i32
    %swap3A_552 = arith.index_cast %swap3A_551 : i32 to index
    %swap3A_553 = arith.constant 64 : index
    %swap3A_554 = tpu.vector_load %arg18[%swap3A_552, %swap3A_553] {strides = array<i32>} : memref<69x128xf32, #tpu.memory_space<vmem>>, vector<16xf32>,
    tpu.vector_store %arg18[%swap3A_552, %swap3A_553], %gather3A_534 {strides = array<i32>} : memref<69x128xf32, #tpu.memory_space<vmem>>, vector<16xf32>,
    %swap3A_555 = arith.constant 15 : i32
    %swap3A_556 = arith.index_cast %swap3A_555 : i32 to index
    %swap3A_557 = arith.constant 80 : index
    %swap3A_558 = tpu.vector_load %arg18[%swap3A_556, %swap3A_557] {strides = array<i32>} : memref<69x128xf32, #tpu.memory_space<vmem>>, vector<16xf32>,
    tpu.vector_store %arg18[%swap3A_556, %swap3A_557], %gather3A_534 {strides = array<i32>} : memref<69x128xf32, #tpu.memory_space<vmem>>, vector<16xf32>,
    %swap3A_559 = arith.constant 15 : i32
    %swap3A_560 = arith.index_cast %swap3A_559 : i32 to index
    %swap3A_561 = arith.constant 96 : index
    %swap3A_562 = tpu.vector_load %arg18[%swap3A_560, %swap3A_561] {strides = array<i32>} : memref<69x128xf32, #tpu.memory_space<vmem>>, vector<16xf32>,
    tpu.vector_store %arg18[%swap3A_560, %swap3A_561], %gather3A_534 {strides = array<i32>} : memref<69x128xf32, #tpu.memory_space<vmem>>, vector<16xf32>,
    %swap3A_563 = arith.constant 15 : i32
    %swap3A_564 = arith.index_cast %swap3A_563 : i32 to index
    %swap3A_565 = arith.constant 112 : index
    %swap3A_566 = tpu.vector_load %arg18[%swap3A_564, %swap3A_565] {strides = array<i32>} : memref<69x128xf32, #tpu.memory_space<vmem>>, vector<16xf32>,
    tpu.vector_store %arg18[%swap3A_564, %swap3A_565], %gather3A_534 {strides = array<i32>} : memref<69x128xf32, #tpu.memory_space<vmem>>, vector<16xf32>,
    %broadcast_in_dim3A_567 = arith.constant 80 : i32
    %broadcast_in_dim3A_568 = vector.broadcast %broadcast_in_dim3A_567 : i32 to vector<16xi32>
    %gather3A_569 = tpu.vector_load_idx %arg15[%broadcast_in_dim3A_568] : memref<144xf32, #tpu.memory_space<vmem>>[vector<16xi32>], vector<16xf32>,
    %swap3A_570 = arith.constant 16 : i32
    %swap3A_571 = arith.index_cast %swap3A_570 : i32 to index
    %swap3A_572 = arith.constant 0 : index
    %swap3A_573 = tpu.vector_load %arg18[%swap3A_571, %swap3A_572] {strides = array<i32>} : memref<69x128xf32, #tpu.memory_space<vmem>>, vector<16xf32>,
    tpu.vector_store %arg18[%swap3A_571, %swap3A_572], %gather3A_569 {strides = array<i32>} : memref<69x128xf32, #tpu.memory_space<vmem>>, vector<16xf32>,
    %swap3A_574 = arith.constant 16 : i32
    %swap3A_575 = arith.index_cast %swap3A_574 : i32 to index
    %swap3A_576 = arith.constant 16 : index
    %swap3A_577 = tpu.vector_load %arg18[%swap3A_575, %swap3A_576] {strides = array<i32>} : memref<69x128xf32, #tpu.memory_space<vmem>>, vector<16xf32>,
    tpu.vector_store %arg18[%swap3A_575, %swap3A_576], %gather3A_569 {strides = array<i32>} : memref<69x128xf32, #tpu.memory_space<vmem>>, vector<16xf32>,
    %swap3A_578 = arith.constant 16 : i32
    %swap3A_579 = arith.index_cast %swap3A_578 : i32 to index
    %swap3A_580 = arith.constant 32 : index
    %swap3A_581 = tpu.vector_load %arg18[%swap3A_579, %swap3A_580] {strides = array<i32>} : memref<69x128xf32, #tpu.memory_space<vmem>>, vector<16xf32>,
    tpu.vector_store %arg18[%swap3A_579, %swap3A_580], %gather3A_569 {strides = array<i32>} : memref<69x128xf32, #tpu.memory_space<vmem>>, vector<16xf32>,
    %swap3A_582 = arith.constant 16 : i32
    %swap3A_583 = arith.index_cast %swap3A_582 : i32 to index
    %swap3A_584 = arith.constant 48 : index
    %swap3A_585 = tpu.vector_load %arg18[%swap3A_583, %swap3A_584] {strides = array<i32>} : memref<69x128xf32, #tpu.memory_space<vmem>>, vector<16xf32>,
    tpu.vector_store %arg18[%swap3A_583, %swap3A_584], %gather3A_569 {strides = array<i32>} : memref<69x128xf32, #tpu.memory_space<vmem>>, vector<16xf32>,
    %swap3A_586 = arith.constant 16 : i32
    %swap3A_587 = arith.index_cast %swap3A_586 : i32 to index
    %swap3A_588 = arith.constant 64 : index
    %swap3A_589 = tpu.vector_load %arg18[%swap3A_587, %swap3A_588] {strides = array<i32>} : memref<69x128xf32, #tpu.memory_space<vmem>>, vector<16xf32>,
    tpu.vector_store %arg18[%swap3A_587, %swap3A_588], %gather3A_569 {strides = array<i32>} : memref<69x128xf32, #tpu.memory_space<vmem>>, vector<16xf32>,
    %swap3A_590 = arith.constant 16 : i32
    %swap3A_591 = arith.index_cast %swap3A_590 : i32 to index
    %swap3A_592 = arith.constant 80 : index
    %swap3A_593 = tpu.vector_load %arg18[%swap3A_591, %swap3A_592] {strides = array<i32>} : memref<69x128xf32, #tpu.memory_space<vmem>>, vector<16xf32>,
    tpu.vector_store %arg18[%swap3A_591, %swap3A_592], %gather3A_569 {strides = array<i32>} : memref<69x128xf32, #tpu.memory_space<vmem>>, vector<16xf32>,
    %swap3A_594 = arith.constant 16 : i32
    %swap3A_595 = arith.index_cast %swap3A_594 : i32 to index
    %swap3A_596 = arith.constant 96 : index
    %swap3A_597 = tpu.vector_load %arg18[%swap3A_595, %swap3A_596] {strides = array<i32>} : memref<69x128xf32, #tpu.memory_space<vmem>>, vector<16xf32>,
    tpu.vector_store %arg18[%swap3A_595, %swap3A_596], %gather3A_569 {strides = array<i32>} : memref<69x128xf32, #tpu.memory_space<vmem>>, vector<16xf32>,
    %swap3A_598 = arith.constant 16 : i32
    %swap3A_599 = arith.index_cast %swap3A_598 : i32 to index
    %swap3A_600 = arith.constant 112 : index
    %swap3A_601 = tpu.vector_load %arg18[%swap3A_599, %swap3A_600] {strides = array<i32>} : memref<69x128xf32, #tpu.memory_space<vmem>>, vector<16xf32>,
    tpu.vector_store %arg18[%swap3A_599, %swap3A_600], %gather3A_569 {strides = array<i32>} : memref<69x128xf32, #tpu.memory_space<vmem>>, vector<16xf32>,
    %broadcast_in_dim3A_602 = arith.constant 81 : i32
    %broadcast_in_dim3A_603 = vector.broadcast %broadcast_in_dim3A_602 : i32 to vector<16xi32>
    %gather3A_604 = tpu.vector_load_idx %arg15[%broadcast_in_dim3A_603] : memref<144xf32, #tpu.memory_space<vmem>>[vector<16xi32>], vector<16xf32>,
    %swap3A_605 = arith.constant 17 : i32
    %swap3A_606 = arith.index_cast %swap3A_605 : i32 to index
    %swap3A_607 = arith.constant 0 : index
    %swap3A_608 = tpu.vector_load %arg18[%swap3A_606, %swap3A_607] {strides = array<i32>} : memref<69x128xf32, #tpu.memory_space<vmem>>, vector<16xf32>,
    tpu.vector_store %arg18[%swap3A_606, %swap3A_607], %gather3A_604 {strides = array<i32>} : memref<69x128xf32, #tpu.memory_space<vmem>>, vector<16xf32>,
    %swap3A_609 = arith.constant 17 : i32
    %swap3A_610 = arith.index_cast %swap3A_609 : i32 to index
    %swap3A_611 = arith.constant 16 : index
    %swap3A_612 = tpu.vector_load %arg18[%swap3A_610, %swap3A_611] {strides = array<i32>} : memref<69x128xf32, #tpu.memory_space<vmem>>, vector<16xf32>,
    tpu.vector_store %arg18[%swap3A_610, %swap3A_611], %gather3A_604 {strides = array<i32>} : memref<69x128xf32, #tpu.memory_space<vmem>>, vector<16xf32>,
    %swap3A_613 = arith.constant 17 : i32
    %swap3A_614 = arith.index_cast %swap3A_613 : i32 to index
    %swap3A_615 = arith.constant 32 : index
    %swap3A_616 = tpu.vector_load %arg18[%swap3A_614, %swap3A_615] {strides = array<i32>} : memref<69x128xf32, #tpu.memory_space<vmem>>, vector<16xf32>,
    tpu.vector_store %arg18[%swap3A_614, %swap3A_615], %gather3A_604 {strides = array<i32>} : memref<69x128xf32, #tpu.memory_space<vmem>>, vector<16xf32>,
    %swap3A_617 = arith.constant 17 : i32
    %swap3A_618 = arith.index_cast %swap3A_617 : i32 to index
    %swap3A_619 = arith.constant 48 : index
    %swap3A_620 = tpu.vector_load %arg18[%swap3A_618, %swap3A_619] {strides = array<i32>} : memref<69x128xf32, #tpu.memory_space<vmem>>, vector<16xf32>,
    tpu.vector_store %arg18[%swap3A_618, %swap3A_619], %gather3A_604 {strides = array<i32>} : memref<69x128xf32, #tpu.memory_space<vmem>>, vector<16xf32>,
    %swap3A_621 = arith.constant 17 : i32
    %swap3A_622 = arith.index_cast %swap3A_621 : i32 to index
    %swap3A_623 = arith.constant 64 : index
    %swap3A_624 = tpu.vector_load %arg18[%swap3A_622, %swap3A_623] {strides = array<i32>} : memref<69x128xf32, #tpu.memory_space<vmem>>, vector<16xf32>,
    tpu.vector_store %arg18[%swap3A_622, %swap3A_623], %gather3A_604 {strides = array<i32>} : memref<69x128xf32, #tpu.memory_space<vmem>>, vector<16xf32>,
    %swap3A_625 = arith.constant 17 : i32
    %swap3A_626 = arith.index_cast %swap3A_625 : i32 to index
    %swap3A_627 = arith.constant 80 : index
    %swap3A_628 = tpu.vector_load %arg18[%swap3A_626, %swap3A_627] {strides = array<i32>} : memref<69x128xf32, #tpu.memory_space<vmem>>, vector<16xf32>,
    tpu.vector_store %arg18[%swap3A_626, %swap3A_627], %gather3A_604 {strides = array<i32>} : memref<69x128xf32, #tpu.memory_space<vmem>>, vector<16xf32>,
    %swap3A_629 = arith.constant 17 : i32
    %swap3A_630 = arith.index_cast %swap3A_629 : i32 to index
    %swap3A_631 = arith.constant 96 : index
    %swap3A_632 = tpu.vector_load %arg18[%swap3A_630, %swap3A_631] {strides = array<i32>} : memref<69x128xf32, #tpu.memory_space<vmem>>, vector<16xf32>,
    tpu.vector_store %arg18[%swap3A_630, %swap3A_631], %gather3A_604 {strides = array<i32>} : memref<69x128xf32, #tpu.memory_space<vmem>>, vector<16xf32>,
    %swap3A_633 = arith.constant 17 : i32
    %swap3A_634 = arith.index_cast %swap3A_633 : i32 to index
    %swap3A_635 = arith.constant 112 : index
    %swap3A_636 = tpu.vector_load %arg18[%swap3A_634, %swap3A_635] {strides = array<i32>} : memref<69x128xf32, #tpu.memory_space<vmem>>, vector<16xf32>,
    tpu.vector_store %arg18[%swap3A_634, %swap3A_635], %gather3A_604 {strides = array<i32>} : memref<69x128xf32, #tpu.memory_space<vmem>>, vector<16xf32>,
    %broadcast_in_dim3A_637 = arith.constant 82 : i32
    %broadcast_in_dim3A_638 = vector.broadcast %broadcast_in_dim3A_637 : i32 to vector<16xi32>
    %gather3A_639 = tpu.vector_load_idx %arg15[%broadcast_in_dim3A_638] : memref<144xf32, #tpu.memory_space<vmem>>[vector<16xi32>], vector<16xf32>,
    %swap3A_640 = arith.constant 18 : i32
    %swap3A_641 = arith.index_cast %swap3A_640 : i32 to index
    %swap3A_642 = arith.constant 0 : index
    %swap3A_643 = tpu.vector_load %arg18[%swap3A_641, %swap3A_642] {strides = array<i32>} : memref<69x128xf32, #tpu.memory_space<vmem>>, vector<16xf32>,
    tpu.vector_store %arg18[%swap3A_641, %swap3A_642], %gather3A_639 {strides = array<i32>} : memref<69x128xf32, #tpu.memory_space<vmem>>, vector<16xf32>,
    %swap3A_644 = arith.constant 18 : i32
    %swap3A_645 = arith.index_cast %swap3A_644 : i32 to index
    %swap3A_646 = arith.constant 16 : index
    %swap3A_647 = tpu.vector_load %arg18[%swap3A_645, %swap3A_646] {strides = array<i32>} : memref<69x128xf32, #tpu.memory_space<vmem>>, vector<16xf32>,
    tpu.vector_store %arg18[%swap3A_645, %swap3A_646], %gather3A_639 {strides = array<i32>} : memref<69x128xf32, #tpu.memory_space<vmem>>, vector<16xf32>,
    %swap3A_648 = arith.constant 18 : i32
    %swap3A_649 = arith.index_cast %swap3A_648 : i32 to index
    %swap3A_650 = arith.constant 32 : index
    %swap3A_651 = tpu.vector_load %arg18[%swap3A_649, %swap3A_650] {strides = array<i32>} : memref<69x128xf32, #tpu.memory_space<vmem>>, vector<16xf32>,
    tpu.vector_store %arg18[%swap3A_649, %swap3A_650], %gather3A_639 {strides = array<i32>} : memref<69x128xf32, #tpu.memory_space<vmem>>, vector<16xf32>,
    %swap3A_652 = arith.constant 18 : i32
    %swap3A_653 = arith.index_cast %swap3A_652 : i32 to index
    %swap3A_654 = arith.constant 48 : index
    %swap3A_655 = tpu.vector_load %arg18[%swap3A_653, %swap3A_654] {strides = array<i32>} : memref<69x128xf32, #tpu.memory_space<vmem>>, vector<16xf32>,
    tpu.vector_store %arg18[%swap3A_653, %swap3A_654], %gather3A_639 {strides = array<i32>} : memref<69x128xf32, #tpu.memory_space<vmem>>, vector<16xf32>,
    %swap3A_656 = arith.constant 18 : i32
    %swap3A_657 = arith.index_cast %swap3A_656 : i32 to index
    %swap3A_658 = arith.constant 64 : index
    %swap3A_659 = tpu.vector_load %arg18[%swap3A_657, %swap3A_658] {strides = array<i32>} : memref<69x128xf32, #tpu.memory_space<vmem>>, vector<16xf32>,
    tpu.vector_store %arg18[%swap3A_657, %swap3A_658], %gather3A_639 {strides = array<i32>} : memref<69x128xf32, #tpu.memory_space<vmem>>, vector<16xf32>,
    %swap3A_660 = arith.constant 18 : i32
    %swap3A_661 = arith.index_cast %swap3A_660 : i32 to index
    %swap3A_662 = arith.constant 80 : index
    %swap3A_663 = tpu.vector_load %arg18[%swap3A_661, %swap3A_662] {strides = array<i32>} : memref<69x128xf32, #tpu.memory_space<vmem>>, vector<16xf32>,
    tpu.vector_store %arg18[%swap3A_661, %swap3A_662], %gather3A_639 {strides = array<i32>} : memref<69x128xf32, #tpu.memory_space<vmem>>, vector<16xf32>,
    %swap3A_664 = arith.constant 18 : i32
    %swap3A_665 = arith.index_cast %swap3A_664 : i32 to index
    %swap3A_666 = arith.constant 96 : index
    %swap3A_667 = tpu.vector_load %arg18[%swap3A_665, %swap3A_666] {strides = array<i32>} : memref<69x128xf32, #tpu.memory_space<vmem>>, vector<16xf32>,
    tpu.vector_store %arg18[%swap3A_665, %swap3A_666], %gather3A_639 {strides = array<i32>} : memref<69x128xf32, #tpu.memory_space<vmem>>, vector<16xf32>,
    %swap3A_668 = arith.constant 18 : i32
    %swap3A_669 = arith.index_cast %swap3A_668 : i32 to index
    %swap3A_670 = arith.constant 112 : index
    %swap3A_671 = tpu.vector_load %arg18[%swap3A_669, %swap3A_670] {strides = array<i32>} : memref<69x128xf32, #tpu.memory_space<vmem>>, vector<16xf32>,
    tpu.vector_store %arg18[%swap3A_669, %swap3A_670], %gather3A_639 {strides = array<i32>} : memref<69x128xf32, #tpu.memory_space<vmem>>, vector<16xf32>,
    %broadcast_in_dim3A_672 = arith.constant 83 : i32
    %broadcast_in_dim3A_673 = vector.broadcast %broadcast_in_dim3A_672 : i32 to vector<16xi32>
    %gather3A_674 = tpu.vector_load_idx %arg15[%broadcast_in_dim3A_673] : memref<144xf32, #tpu.memory_space<vmem>>[vector<16xi32>], vector<16xf32>,
    %swap3A_675 = arith.constant 19 : i32
    %swap3A_676 = arith.index_cast %swap3A_675 : i32 to index
    %swap3A_677 = arith.constant 0 : index
    %swap3A_678 = tpu.vector_load %arg18[%swap3A_676, %swap3A_677] {strides = array<i32>} : memref<69x128xf32, #tpu.memory_space<vmem>>, vector<16xf32>,
    tpu.vector_store %arg18[%swap3A_676, %swap3A_677], %gather3A_674 {strides = array<i32>} : memref<69x128xf32, #tpu.memory_space<vmem>>, vector<16xf32>,
    %swap3A_679 = arith.constant 19 : i32
    %swap3A_680 = arith.index_cast %swap3A_679 : i32 to index
    %swap3A_681 = arith.constant 16 : index
    %swap3A_682 = tpu.vector_load %arg18[%swap3A_680, %swap3A_681] {strides = array<i32>} : memref<69x128xf32, #tpu.memory_space<vmem>>, vector<16xf32>,
    tpu.vector_store %arg18[%swap3A_680, %swap3A_681], %gather3A_674 {strides = array<i32>} : memref<69x128xf32, #tpu.memory_space<vmem>>, vector<16xf32>,
    %swap3A_683 = arith.constant 19 : i32
    %swap3A_684 = arith.index_cast %swap3A_683 : i32 to index
    %swap3A_685 = arith.constant 32 : index
    %swap3A_686 = tpu.vector_load %arg18[%swap3A_684, %swap3A_685] {strides = array<i32>} : memref<69x128xf32, #tpu.memory_space<vmem>>, vector<16xf32>,
    tpu.vector_store %arg18[%swap3A_684, %swap3A_685], %gather3A_674 {strides = array<i32>} : memref<69x128xf32, #tpu.memory_space<vmem>>, vector<16xf32>,
    %swap3A_687 = arith.constant 19 : i32
    %swap3A_688 = arith.index_cast %swap3A_687 : i32 to index
    %swap3A_689 = arith.constant 48 : index
    %swap3A_690 = tpu.vector_load %arg18[%swap3A_688, %swap3A_689] {strides = array<i32>} : memref<69x128xf32, #tpu.memory_space<vmem>>, vector<16xf32>,
    tpu.vector_store %arg18[%swap3A_688, %swap3A_689], %gather3A_674 {strides = array<i32>} : memref<69x128xf32, #tpu.memory_space<vmem>>, vector<16xf32>,
    %swap3A_691 = arith.constant 19 : i32
    %swap3A_692 = arith.index_cast %swap3A_691 : i32 to index
    %swap3A_693 = arith.constant 64 : index
    %swap3A_694 = tpu.vector_load %arg18[%swap3A_692, %swap3A_693] {strides = array<i32>} : memref<69x128xf32, #tpu.memory_space<vmem>>, vector<16xf32>,
    tpu.vector_store %arg18[%swap3A_692, %swap3A_693], %gather3A_674 {strides = array<i32>} : memref<69x128xf32, #tpu.memory_space<vmem>>, vector<16xf32>,
    %swap3A_695 = arith.constant 19 : i32
    %swap3A_696 = arith.index_cast %swap3A_695 : i32 to index
    %swap3A_697 = arith.constant 80 : index
    %swap3A_698 = tpu.vector_load %arg18[%swap3A_696, %swap3A_697] {strides = array<i32>} : memref<69x128xf32, #tpu.memory_space<vmem>>, vector<16xf32>,
    tpu.vector_store %arg18[%swap3A_696, %swap3A_697], %gather3A_674 {strides = array<i32>} : memref<69x128xf32, #tpu.memory_space<vmem>>, vector<16xf32>,
    %swap3A_699 = arith.constant 19 : i32
    %swap3A_700 = arith.index_cast %swap3A_699 : i32 to index
    %swap3A_701 = arith.constant 96 : index
    %swap3A_702 = tpu.vector_load %arg18[%swap3A_700, %swap3A_701] {strides = array<i32>} : memref<69x128xf32, #tpu.memory_space<vmem>>, vector<16xf32>,
    tpu.vector_store %arg18[%swap3A_700, %swap3A_701], %gather3A_674 {strides = array<i32>} : memref<69x128xf32, #tpu.memory_space<vmem>>, vector<16xf32>,
    %swap3A_703 = arith.constant 19 : i32
    %swap3A_704 = arith.index_cast %swap3A_703 : i32 to index
    %swap3A_705 = arith.constant 112 : index
    %swap3A_706 = tpu.vector_load %arg18[%swap3A_704, %swap3A_705] {strides = array<i32>} : memref<69x128xf32, #tpu.memory_space<vmem>>, vector<16xf32>,
    tpu.vector_store %arg18[%swap3A_704, %swap3A_705], %gather3A_674 {strides = array<i32>} : memref<69x128xf32, #tpu.memory_space<vmem>>, vector<16xf32>,
    %broadcast_in_dim3A_707 = arith.constant 84 : i32
    %broadcast_in_dim3A_708 = vector.broadcast %broadcast_in_dim3A_707 : i32 to vector<16xi32>
    %gather3A_709 = tpu.vector_load_idx %arg15[%broadcast_in_dim3A_708] : memref<144xf32, #tpu.memory_space<vmem>>[vector<16xi32>], vector<16xf32>,
    %swap3A_710 = arith.constant 20 : i32
    %swap3A_711 = arith.index_cast %swap3A_710 : i32 to index
    %swap3A_712 = arith.constant 0 : index
    %swap3A_713 = tpu.vector_load %arg18[%swap3A_711, %swap3A_712] {strides = array<i32>} : memref<69x128xf32, #tpu.memory_space<vmem>>, vector<16xf32>,
    tpu.vector_store %arg18[%swap3A_711, %swap3A_712], %gather3A_709 {strides = array<i32>} : memref<69x128xf32, #tpu.memory_space<vmem>>, vector<16xf32>,
    %swap3A_714 = arith.constant 20 : i32
    %swap3A_715 = arith.index_cast %swap3A_714 : i32 to index
    %swap3A_716 = arith.constant 16 : index
    %swap3A_717 = tpu.vector_load %arg18[%swap3A_715, %swap3A_716] {strides = array<i32>} : memref<69x128xf32, #tpu.memory_space<vmem>>, vector<16xf32>,
    tpu.vector_store %arg18[%swap3A_715, %swap3A_716], %gather3A_709 {strides = array<i32>} : memref<69x128xf32, #tpu.memory_space<vmem>>, vector<16xf32>,
    %swap3A_718 = arith.constant 20 : i32
    %swap3A_719 = arith.index_cast %swap3A_718 : i32 to index
    %swap3A_720 = arith.constant 32 : index
    %swap3A_721 = tpu.vector_load %arg18[%swap3A_719, %swap3A_720] {strides = array<i32>} : memref<69x128xf32, #tpu.memory_space<vmem>>, vector<16xf32>,
    tpu.vector_store %arg18[%swap3A_719, %swap3A_720], %gather3A_709 {strides = array<i32>} : memref<69x128xf32, #tpu.memory_space<vmem>>, vector<16xf32>,
    %swap3A_722 = arith.constant 20 : i32
    %swap3A_723 = arith.index_cast %swap3A_722 : i32 to index
    %swap3A_724 = arith.constant 48 : index
    %swap3A_725 = tpu.vector_load %arg18[%swap3A_723, %swap3A_724] {strides = array<i32>} : memref<69x128xf32, #tpu.memory_space<vmem>>, vector<16xf32>,
    tpu.vector_store %arg18[%swap3A_723, %swap3A_724], %gather3A_709 {strides = array<i32>} : memref<69x128xf32, #tpu.memory_space<vmem>>, vector<16xf32>,
    %swap3A_726 = arith.constant 20 : i32
    %swap3A_727 = arith.index_cast %swap3A_726 : i32 to index
    %swap3A_728 = arith.constant 64 : index
    %swap3A_729 = tpu.vector_load %arg18[%swap3A_727, %swap3A_728] {strides = array<i32>} : memref<69x128xf32, #tpu.memory_space<vmem>>, vector<16xf32>,
    tpu.vector_store %arg18[%swap3A_727, %swap3A_728], %gather3A_709 {strides = array<i32>} : memref<69x128xf32, #tpu.memory_space<vmem>>, vector<16xf32>,
    %swap3A_730 = arith.constant 20 : i32
    %swap3A_731 = arith.index_cast %swap3A_730 : i32 to index
    %swap3A_732 = arith.constant 80 : index
    %swap3A_733 = tpu.vector_load %arg18[%swap3A_731, %swap3A_732] {strides = array<i32>} : memref<69x128xf32, #tpu.memory_space<vmem>>, vector<16xf32>,
    tpu.vector_store %arg18[%swap3A_731, %swap3A_732], %gather3A_709 {strides = array<i32>} : memref<69x128xf32, #tpu.memory_space<vmem>>, vector<16xf32>,
    %swap3A_734 = arith.constant 20 : i32
    %swap3A_735 = arith.index_cast %swap3A_734 : i32 to index
    %swap3A_736 = arith.constant 96 : index
    %swap3A_737 = tpu.vector_load %arg18[%swap3A_735, %swap3A_736] {strides = array<i32>} : memref<69x128xf32, #tpu.memory_space<vmem>>, vector<16xf32>,
    tpu.vector_store %arg18[%swap3A_735, %swap3A_736], %gather3A_709 {strides = array<i32>} : memref<69x128xf32, #tpu.memory_space<vmem>>, vector<16xf32>,
    %swap3A_738 = arith.constant 20 : i32
    %swap3A_739 = arith.index_cast %swap3A_738 : i32 to index
    %swap3A_740 = arith.constant 112 : index
    %swap3A_741 = tpu.vector_load %arg18[%swap3A_739, %swap3A_740] {strides = array<i32>} : memref<69x128xf32, #tpu.memory_space<vmem>>, vector<16xf32>,
    tpu.vector_store %arg18[%swap3A_739, %swap3A_740], %gather3A_709 {strides = array<i32>} : memref<69x128xf32, #tpu.memory_space<vmem>>, vector<16xf32>,
    %broadcast_in_dim3A_742 = arith.constant 85 : i32
    %broadcast_in_dim3A_743 = vector.broadcast %broadcast_in_dim3A_742 : i32 to vector<16xi32>
    %gather3A_744 = tpu.vector_load_idx %arg15[%broadcast_in_dim3A_743] : memref<144xf32, #tpu.memory_space<vmem>>[vector<16xi32>], vector<16xf32>,
    %swap3A_745 = arith.constant 21 : i32
    %swap3A_746 = arith.index_cast %swap3A_745 : i32 to index
    %swap3A_747 = arith.constant 0 : index
    %swap3A_748 = tpu.vector_load %arg18[%swap3A_746, %swap3A_747] {strides = array<i32>} : memref<69x128xf32, #tpu.memory_space<vmem>>, vector<16xf32>,
    tpu.vector_store %arg18[%swap3A_746, %swap3A_747], %gather3A_744 {strides = array<i32>} : memref<69x128xf32, #tpu.memory_space<vmem>>, vector<16xf32>,
    %swap3A_749 = arith.constant 21 : i32
    %swap3A_750 = arith.index_cast %swap3A_749 : i32 to index
    %swap3A_751 = arith.constant 16 : index
    %swap3A_752 = tpu.vector_load %arg18[%swap3A_750, %swap3A_751] {strides = array<i32>} : memref<69x128xf32, #tpu.memory_space<vmem>>, vector<16xf32>,
    tpu.vector_store %arg18[%swap3A_750, %swap3A_751], %gather3A_744 {strides = array<i32>} : memref<69x128xf32, #tpu.memory_space<vmem>>, vector<16xf32>,
    %swap3A_753 = arith.constant 21 : i32
    %swap3A_754 = arith.index_cast %swap3A_753 : i32 to index
    %swap3A_755 = arith.constant 32 : index
    %swap3A_756 = tpu.vector_load %arg18[%swap3A_754, %swap3A_755] {strides = array<i32>} : memref<69x128xf32, #tpu.memory_space<vmem>>, vector<16xf32>,
    tpu.vector_store %arg18[%swap3A_754, %swap3A_755], %gather3A_744 {strides = array<i32>} : memref<69x128xf32, #tpu.memory_space<vmem>>, vector<16xf32>,
    %swap3A_757 = arith.constant 21 : i32
    %swap3A_758 = arith.index_cast %swap3A_757 : i32 to index
    %swap3A_759 = arith.constant 48 : index
    %swap3A_760 = tpu.vector_load %arg18[%swap3A_758, %swap3A_759] {strides = array<i32>} : memref<69x128xf32, #tpu.memory_space<vmem>>, vector<16xf32>,
    tpu.vector_store %arg18[%swap3A_758, %swap3A_759], %gather3A_744 {strides = array<i32>} : memref<69x128xf32, #tpu.memory_space<vmem>>, vector<16xf32>,
    %swap3A_761 = arith.constant 21 : i32
    %swap3A_762 = arith.index_cast %swap3A_761 : i32 to index
    %swap3A_763 = arith.constant 64 : index
    %swap3A_764 = tpu.vector_load %arg18[%swap3A_762, %swap3A_763] {strides = array<i32>} : memref<69x128xf32, #tpu.memory_space<vmem>>, vector<16xf32>,
    tpu.vector_store %arg18[%swap3A_762, %swap3A_763], %gather3A_744 {strides = array<i32>} : memref<69x128xf32, #tpu.memory_space<vmem>>, vector<16xf32>,
    %swap3A_765 = arith.constant 21 : i32
    %swap3A_766 = arith.index_cast %swap3A_765 : i32 to index
    %swap3A_767 = arith.constant 80 : index
    %swap3A_768 = tpu.vector_load %arg18[%swap3A_766, %swap3A_767] {strides = array<i32>} : memref<69x128xf32, #tpu.memory_space<vmem>>, vector<16xf32>,
    tpu.vector_store %arg18[%swap3A_766, %swap3A_767], %gather3A_744 {strides = array<i32>} : memref<69x128xf32, #tpu.memory_space<vmem>>, vector<16xf32>,
    %swap3A_769 = arith.constant 21 : i32
    %swap3A_770 = arith.index_cast %swap3A_769 : i32 to index
    %swap3A_771 = arith.constant 96 : index
    %swap3A_772 = tpu.vector_load %arg18[%swap3A_770, %swap3A_771] {strides = array<i32>} : memref<69x128xf32, #tpu.memory_space<vmem>>, vector<16xf32>,
    tpu.vector_store %arg18[%swap3A_770, %swap3A_771], %gather3A_744 {strides = array<i32>} : memref<69x128xf32, #tpu.memory_space<vmem>>, vector<16xf32>,
    %swap3A_773 = arith.constant 21 : i32
    %swap3A_774 = arith.index_cast %swap3A_773 : i32 to index
    %swap3A_775 = arith.constant 112 : index
    %swap3A_776 = tpu.vector_load %arg18[%swap3A_774, %swap3A_775] {strides = array<i32>} : memref<69x128xf32, #tpu.memory_space<vmem>>, vector<16xf32>,
    tpu.vector_store %arg18[%swap3A_774, %swap3A_775], %gather3A_744 {strides = array<i32>} : memref<69x128xf32, #tpu.memory_space<vmem>>, vector<16xf32>,
    %broadcast_in_dim3A_777 = arith.constant 86 : i32
    %broadcast_in_dim3A_778 = vector.broadcast %broadcast_in_dim3A_777 : i32 to vector<16xi32>
    %gather3A_779 = tpu.vector_load_idx %arg15[%broadcast_in_dim3A_778] : memref<144xf32, #tpu.memory_space<vmem>>[vector<16xi32>], vector<16xf32>,
    %swap3A_780 = arith.constant 22 : i32
    %swap3A_781 = arith.index_cast %swap3A_780 : i32 to index
    %swap3A_782 = arith.constant 0 : index
    %swap3A_783 = tpu.vector_load %arg18[%swap3A_781, %swap3A_782] {strides = array<i32>} : memref<69x128xf32, #tpu.memory_space<vmem>>, vector<16xf32>,
    tpu.vector_store %arg18[%swap3A_781, %swap3A_782], %gather3A_779 {strides = array<i32>} : memref<69x128xf32, #tpu.memory_space<vmem>>, vector<16xf32>,
    %swap3A_784 = arith.constant 22 : i32
    %swap3A_785 = arith.index_cast %swap3A_784 : i32 to index
    %swap3A_786 = arith.constant 16 : index
    %swap3A_787 = tpu.vector_load %arg18[%swap3A_785, %swap3A_786] {strides = array<i32>} : memref<69x128xf32, #tpu.memory_space<vmem>>, vector<16xf32>,
    tpu.vector_store %arg18[%swap3A_785, %swap3A_786], %gather3A_779 {strides = array<i32>} : memref<69x128xf32, #tpu.memory_space<vmem>>, vector<16xf32>,
    %swap3A_788 = arith.constant 22 : i32
    %swap3A_789 = arith.index_cast %swap3A_788 : i32 to index
    %swap3A_790 = arith.constant 32 : index
    %swap3A_791 = tpu.vector_load %arg18[%swap3A_789, %swap3A_790] {strides = array<i32>} : memref<69x128xf32, #tpu.memory_space<vmem>>, vector<16xf32>,
    tpu.vector_store %arg18[%swap3A_789, %swap3A_790], %gather3A_779 {strides = array<i32>} : memref<69x128xf32, #tpu.memory_space<vmem>>, vector<16xf32>,
    %swap3A_792 = arith.constant 22 : i32
    %swap3A_793 = arith.index_cast %swap3A_792 : i32 to index
    %swap3A_794 = arith.constant 48 : index
    %swap3A_795 = tpu.vector_load %arg18[%swap3A_793, %swap3A_794] {strides = array<i32>} : memref<69x128xf32, #tpu.memory_space<vmem>>, vector<16xf32>,
    tpu.vector_store %arg18[%swap3A_793, %swap3A_794], %gather3A_779 {strides = array<i32>} : memref<69x128xf32, #tpu.memory_space<vmem>>, vector<16xf32>,
    %swap3A_796 = arith.constant 22 : i32
    %swap3A_797 = arith.index_cast %swap3A_796 : i32 to index
    %swap3A_798 = arith.constant 64 : index
    %swap3A_799 = tpu.vector_load %arg18[%swap3A_797, %swap3A_798] {strides = array<i32>} : memref<69x128xf32, #tpu.memory_space<vmem>>, vector<16xf32>,
    tpu.vector_store %arg18[%swap3A_797, %swap3A_798], %gather3A_779 {strides = array<i32>} : memref<69x128xf32, #tpu.memory_space<vmem>>, vector<16xf32>,
    %swap3A_800 = arith.constant 22 : i32
    %swap3A_801 = arith.index_cast %swap3A_800 : i32 to index
    %swap3A_802 = arith.constant 80 : index
    %swap3A_803 = tpu.vector_load %arg18[%swap3A_801, %swap3A_802] {strides = array<i32>} : memref<69x128xf32, #tpu.memory_space<vmem>>, vector<16xf32>,
    tpu.vector_store %arg18[%swap3A_801, %swap3A_802], %gather3A_779 {strides = array<i32>} : memref<69x128xf32, #tpu.memory_space<vmem>>, vector<16xf32>,
    %swap3A_804 = arith.constant 22 : i32
    %swap3A_805 = arith.index_cast %swap3A_804 : i32 to index
    %swap3A_806 = arith.constant 96 : index
    %swap3A_807 = tpu.vector_load %arg18[%swap3A_805, %swap3A_806] {strides = array<i32>} : memref<69x128xf32, #tpu.memory_space<vmem>>, vector<16xf32>,
    tpu.vector_store %arg18[%swap3A_805, %swap3A_806], %gather3A_779 {strides = array<i32>} : memref<69x128xf32, #tpu.memory_space<vmem>>, vector<16xf32>,
    %swap3A_808 = arith.constant 22 : i32
    %swap3A_809 = arith.index_cast %swap3A_808 : i32 to index
    %swap3A_810 = arith.constant 112 : index
    %swap3A_811 = tpu.vector_load %arg18[%swap3A_809, %swap3A_810] {strides = array<i32>} : memref<69x128xf32, #tpu.memory_space<vmem>>, vector<16xf32>,
    tpu.vector_store %arg18[%swap3A_809, %swap3A_810], %gather3A_779 {strides = array<i32>} : memref<69x128xf32, #tpu.memory_space<vmem>>, vector<16xf32>,
    %broadcast_in_dim3A_812 = arith.constant 87 : i32
    %broadcast_in_dim3A_813 = vector.broadcast %broadcast_in_dim3A_812 : i32 to vector<16xi32>
    %gather3A_814 = tpu.vector_load_idx %arg15[%broadcast_in_dim3A_813] : memref<144xf32, #tpu.memory_space<vmem>>[vector<16xi32>], vector<16xf32>,
    %swap3A_815 = arith.constant 23 : i32
    %swap3A_816 = arith.index_cast %swap3A_815 : i32 to index
    %swap3A_817 = arith.constant 0 : index
    %swap3A_818 = tpu.vector_load %arg18[%swap3A_816, %swap3A_817] {strides = array<i32>} : memref<69x128xf32, #tpu.memory_space<vmem>>, vector<16xf32>,
    tpu.vector_store %arg18[%swap3A_816, %swap3A_817], %gather3A_814 {strides = array<i32>} : memref<69x128xf32, #tpu.memory_space<vmem>>, vector<16xf32>,
    %swap3A_819 = arith.constant 23 : i32
    %swap3A_820 = arith.index_cast %swap3A_819 : i32 to index
    %swap3A_821 = arith.constant 16 : index
    %swap3A_822 = tpu.vector_load %arg18[%swap3A_820, %swap3A_821] {strides = array<i32>} : memref<69x128xf32, #tpu.memory_space<vmem>>, vector<16xf32>,
    tpu.vector_store %arg18[%swap3A_820, %swap3A_821], %gather3A_814 {strides = array<i32>} : memref<69x128xf32, #tpu.memory_space<vmem>>, vector<16xf32>,
    %swap3A_823 = arith.constant 23 : i32
    %swap3A_824 = arith.index_cast %swap3A_823 : i32 to index
    %swap3A_825 = arith.constant 32 : index
    %swap3A_826 = tpu.vector_load %arg18[%swap3A_824, %swap3A_825] {strides = array<i32>} : memref<69x128xf32, #tpu.memory_space<vmem>>, vector<16xf32>,
    tpu.vector_store %arg18[%swap3A_824, %swap3A_825], %gather3A_814 {strides = array<i32>} : memref<69x128xf32, #tpu.memory_space<vmem>>, vector<16xf32>,
    %swap3A_827 = arith.constant 23 : i32
    %swap3A_828 = arith.index_cast %swap3A_827 : i32 to index
    %swap3A_829 = arith.constant 48 : index
    %swap3A_830 = tpu.vector_load %arg18[%swap3A_828, %swap3A_829] {strides = array<i32>} : memref<69x128xf32, #tpu.memory_space<vmem>>, vector<16xf32>,
    tpu.vector_store %arg18[%swap3A_828, %swap3A_829], %gather3A_814 {strides = array<i32>} : memref<69x128xf32, #tpu.memory_space<vmem>>, vector<16xf32>,
    %swap3A_831 = arith.constant 23 : i32
    %swap3A_832 = arith.index_cast %swap3A_831 : i32 to index
    %swap3A_833 = arith.constant 64 : index
    %swap3A_834 = tpu.vector_load %arg18[%swap3A_832, %swap3A_833] {strides = array<i32>} : memref<69x128xf32, #tpu.memory_space<vmem>>, vector<16xf32>,
    tpu.vector_store %arg18[%swap3A_832, %swap3A_833], %gather3A_814 {strides = array<i32>} : memref<69x128xf32, #tpu.memory_space<vmem>>, vector<16xf32>,
    %swap3A_835 = arith.constant 23 : i32
    %swap3A_836 = arith.index_cast %swap3A_835 : i32 to index
    %swap3A_837 = arith.constant 80 : index
    %swap3A_838 = tpu.vector_load %arg18[%swap3A_836, %swap3A_837] {strides = array<i32>} : memref<69x128xf32, #tpu.memory_space<vmem>>, vector<16xf32>,
    tpu.vector_store %arg18[%swap3A_836, %swap3A_837], %gather3A_814 {strides = array<i32>} : memref<69x128xf32, #tpu.memory_space<vmem>>, vector<16xf32>,
    %swap3A_839 = arith.constant 23 : i32
    %swap3A_840 = arith.index_cast %swap3A_839 : i32 to index
    %swap3A_841 = arith.constant 96 : index
    %swap3A_842 = tpu.vector_load %arg18[%swap3A_840, %swap3A_841] {strides = array<i32>} : memref<69x128xf32, #tpu.memory_space<vmem>>, vector<16xf32>,
    tpu.vector_store %arg18[%swap3A_840, %swap3A_841], %gather3A_814 {strides = array<i32>} : memref<69x128xf32, #tpu.memory_space<vmem>>, vector<16xf32>,
    %swap3A_843 = arith.constant 23 : i32
    %swap3A_844 = arith.index_cast %swap3A_843 : i32 to index
    %swap3A_845 = arith.constant 112 : index
    %swap3A_846 = tpu.vector_load %arg18[%swap3A_844, %swap3A_845] {strides = array<i32>} : memref<69x128xf32, #tpu.memory_space<vmem>>, vector<16xf32>,
    tpu.vector_store %arg18[%swap3A_844, %swap3A_845], %gather3A_814 {strides = array<i32>} : memref<69x128xf32, #tpu.memory_space<vmem>>, vector<16xf32>,
    %broadcast_in_dim3A_847 = arith.constant 88 : i32
    %broadcast_in_dim3A_848 = vector.broadcast %broadcast_in_dim3A_847 : i32 to vector<16xi32>
    %gather3A_849 = tpu.vector_load_idx %arg15[%broadcast_in_dim3A_848] : memref<144xf32, #tpu.memory_space<vmem>>[vector<16xi32>], vector<16xf32>,
    %swap3A_850 = arith.constant 24 : i32
    %swap3A_851 = arith.index_cast %swap3A_850 : i32 to index
    %swap3A_852 = arith.constant 0 : index
    %swap3A_853 = tpu.vector_load %arg18[%swap3A_851, %swap3A_852] {strides = array<i32>} : memref<69x128xf32, #tpu.memory_space<vmem>>, vector<16xf32>,
    tpu.vector_store %arg18[%swap3A_851, %swap3A_852], %gather3A_849 {strides = array<i32>} : memref<69x128xf32, #tpu.memory_space<vmem>>, vector<16xf32>,
    %swap3A_854 = arith.constant 24 : i32
    %swap3A_855 = arith.index_cast %swap3A_854 : i32 to index
    %swap3A_856 = arith.constant 16 : index
    %swap3A_857 = tpu.vector_load %arg18[%swap3A_855, %swap3A_856] {strides = array<i32>} : memref<69x128xf32, #tpu.memory_space<vmem>>, vector<16xf32>,
    tpu.vector_store %arg18[%swap3A_855, %swap3A_856], %gather3A_849 {strides = array<i32>} : memref<69x128xf32, #tpu.memory_space<vmem>>, vector<16xf32>,
    %swap3A_858 = arith.constant 24 : i32
    %swap3A_859 = arith.index_cast %swap3A_858 : i32 to index
    %swap3A_860 = arith.constant 32 : index
    %swap3A_861 = tpu.vector_load %arg18[%swap3A_859, %swap3A_860] {strides = array<i32>} : memref<69x128xf32, #tpu.memory_space<vmem>>, vector<16xf32>,
    tpu.vector_store %arg18[%swap3A_859, %swap3A_860], %gather3A_849 {strides = array<i32>} : memref<69x128xf32, #tpu.memory_space<vmem>>, vector<16xf32>,
    %swap3A_862 = arith.constant 24 : i32
    %swap3A_863 = arith.index_cast %swap3A_862 : i32 to index
    %swap3A_864 = arith.constant 48 : index
    %swap3A_865 = tpu.vector_load %arg18[%swap3A_863, %swap3A_864] {strides = array<i32>} : memref<69x128xf32, #tpu.memory_space<vmem>>, vector<16xf32>,
    tpu.vector_store %arg18[%swap3A_863, %swap3A_864], %gather3A_849 {strides = array<i32>} : memref<69x128xf32, #tpu.memory_space<vmem>>, vector<16xf32>,
    %swap3A_866 = arith.constant 24 : i32
    %swap3A_867 = arith.index_cast %swap3A_866 : i32 to index
    %swap3A_868 = arith.constant 64 : index
    %swap3A_869 = tpu.vector_load %arg18[%swap3A_867, %swap3A_868] {strides = array<i32>} : memref<69x128xf32, #tpu.memory_space<vmem>>, vector<16xf32>,
    tpu.vector_store %arg18[%swap3A_867, %swap3A_868], %gather3A_849 {strides = array<i32>} : memref<69x128xf32, #tpu.memory_space<vmem>>, vector<16xf32>,
    %swap3A_870 = arith.constant 24 : i32
    %swap3A_871 = arith.index_cast %swap3A_870 : i32 to index
    %swap3A_872 = arith.constant 80 : index
    %swap3A_873 = tpu.vector_load %arg18[%swap3A_871, %swap3A_872] {strides = array<i32>} : memref<69x128xf32, #tpu.memory_space<vmem>>, vector<16xf32>,
    tpu.vector_store %arg18[%swap3A_871, %swap3A_872], %gather3A_849 {strides = array<i32>} : memref<69x128xf32, #tpu.memory_space<vmem>>, vector<16xf32>,
    %swap3A_874 = arith.constant 24 : i32
    %swap3A_875 = arith.index_cast %swap3A_874 : i32 to index
    %swap3A_876 = arith.constant 96 : index
    %swap3A_877 = tpu.vector_load %arg18[%swap3A_875, %swap3A_876] {strides = array<i32>} : memref<69x128xf32, #tpu.memory_space<vmem>>, vector<16xf32>,
    tpu.vector_store %arg18[%swap3A_875, %swap3A_876], %gather3A_849 {strides = array<i32>} : memref<69x128xf32, #tpu.memory_space<vmem>>, vector<16xf32>,
    %swap3A_878 = arith.constant 24 : i32
    %swap3A_879 = arith.index_cast %swap3A_878 : i32 to index
    %swap3A_880 = arith.constant 112 : index
    %swap3A_881 = tpu.vector_load %arg18[%swap3A_879, %swap3A_880] {strides = array<i32>} : memref<69x128xf32, #tpu.memory_space<vmem>>, vector<16xf32>,
    tpu.vector_store %arg18[%swap3A_879, %swap3A_880], %gather3A_849 {strides = array<i32>} : memref<69x128xf32, #tpu.memory_space<vmem>>, vector<16xf32>,
    %broadcast_in_dim3A_882 = arith.constant 89 : i32
    %broadcast_in_dim3A_883 = vector.broadcast %broadcast_in_dim3A_882 : i32 to vector<16xi32>
    %gather3A_884 = tpu.vector_load_idx %arg15[%broadcast_in_dim3A_883] : memref<144xf32, #tpu.memory_space<vmem>>[vector<16xi32>], vector<16xf32>,
    %swap3A_885 = arith.constant 25 : i32
    %swap3A_886 = arith.index_cast %swap3A_885 : i32 to index
    %swap3A_887 = arith.constant 0 : index
    %swap3A_888 = tpu.vector_load %arg18[%swap3A_886, %swap3A_887] {strides = array<i32>} : memref<69x128xf32, #tpu.memory_space<vmem>>, vector<16xf32>,
    tpu.vector_store %arg18[%swap3A_886, %swap3A_887], %gather3A_884 {strides = array<i32>} : memref<69x128xf32, #tpu.memory_space<vmem>>, vector<16xf32>,
    %swap3A_889 = arith.constant 25 : i32
    %swap3A_890 = arith.index_cast %swap3A_889 : i32 to index
    %swap3A_891 = arith.constant 16 : index
    %swap3A_892 = tpu.vector_load %arg18[%swap3A_890, %swap3A_891] {strides = array<i32>} : memref<69x128xf32, #tpu.memory_space<vmem>>, vector<16xf32>,
    tpu.vector_store %arg18[%swap3A_890, %swap3A_891], %gather3A_884 {strides = array<i32>} : memref<69x128xf32, #tpu.memory_space<vmem>>, vector<16xf32>,
    %swap3A_893 = arith.constant 25 : i32
    %swap3A_894 = arith.index_cast %swap3A_893 : i32 to index
    %swap3A_895 = arith.constant 32 : index
    %swap3A_896 = tpu.vector_load %arg18[%swap3A_894, %swap3A_895] {strides = array<i32>} : memref<69x128xf32, #tpu.memory_space<vmem>>, vector<16xf32>,
    tpu.vector_store %arg18[%swap3A_894, %swap3A_895], %gather3A_884 {strides = array<i32>} : memref<69x128xf32, #tpu.memory_space<vmem>>, vector<16xf32>,
    %swap3A_897 = arith.constant 25 : i32
    %swap3A_898 = arith.index_cast %swap3A_897 : i32 to index
    %swap3A_899 = arith.constant 48 : index
    %swap3A_900 = tpu.vector_load %arg18[%swap3A_898, %swap3A_899] {strides = array<i32>} : memref<69x128xf32, #tpu.memory_space<vmem>>, vector<16xf32>,
    tpu.vector_store %arg18[%swap3A_898, %swap3A_899], %gather3A_884 {strides = array<i32>} : memref<69x128xf32, #tpu.memory_space<vmem>>, vector<16xf32>,
    %swap3A_901 = arith.constant 25 : i32
    %swap3A_902 = arith.index_cast %swap3A_901 : i32 to index
    %swap3A_903 = arith.constant 64 : index
    %swap3A_904 = tpu.vector_load %arg18[%swap3A_902, %swap3A_903] {strides = array<i32>} : memref<69x128xf32, #tpu.memory_space<vmem>>, vector<16xf32>,
    tpu.vector_store %arg18[%swap3A_902, %swap3A_903], %gather3A_884 {strides = array<i32>} : memref<69x128xf32, #tpu.memory_space<vmem>>, vector<16xf32>,
    %swap3A_905 = arith.constant 25 : i32
    %swap3A_906 = arith.index_cast %swap3A_905 : i32 to index
    %swap3A_907 = arith.constant 80 : index
    %swap3A_908 = tpu.vector_load %arg18[%swap3A_906, %swap3A_907] {strides = array<i32>} : memref<69x128xf32, #tpu.memory_space<vmem>>, vector<16xf32>,
    tpu.vector_store %arg18[%swap3A_906, %swap3A_907], %gather3A_884 {strides = array<i32>} : memref<69x128xf32, #tpu.memory_space<vmem>>, vector<16xf32>,
    %swap3A_909 = arith.constant 25 : i32
    %swap3A_910 = arith.index_cast %swap3A_909 : i32 to index
    %swap3A_911 = arith.constant 96 : index
    %swap3A_912 = tpu.vector_load %arg18[%swap3A_910, %swap3A_911] {strides = array<i32>} : memref<69x128xf32, #tpu.memory_space<vmem>>, vector<16xf32>,
    tpu.vector_store %arg18[%swap3A_910, %swap3A_911], %gather3A_884 {strides = array<i32>} : memref<69x128xf32, #tpu.memory_space<vmem>>, vector<16xf32>,
    %swap3A_913 = arith.constant 25 : i32
    %swap3A_914 = arith.index_cast %swap3A_913 : i32 to index
    %swap3A_915 = arith.constant 112 : index
    %swap3A_916 = tpu.vector_load %arg18[%swap3A_914, %swap3A_915] {strides = array<i32>} : memref<69x128xf32, #tpu.memory_space<vmem>>, vector<16xf32>,
    tpu.vector_store %arg18[%swap3A_914, %swap3A_915], %gather3A_884 {strides = array<i32>} : memref<69x128xf32, #tpu.memory_space<vmem>>, vector<16xf32>,
    %broadcast_in_dim3A_917 = arith.constant 90 : i32
    %broadcast_in_dim3A_918 = vector.broadcast %broadcast_in_dim3A_917 : i32 to vector<16xi32>
    %gather3A_919 = tpu.vector_load_idx %arg15[%broadcast_in_dim3A_918] : memref<144xf32, #tpu.memory_space<vmem>>[vector<16xi32>], vector<16xf32>,
    %swap3A_920 = arith.constant 26 : i32
    %swap3A_921 = arith.index_cast %swap3A_920 : i32 to index
    %swap3A_922 = arith.constant 0 : index
    %swap3A_923 = tpu.vector_load %arg18[%swap3A_921, %swap3A_922] {strides = array<i32>} : memref<69x128xf32, #tpu.memory_space<vmem>>, vector<16xf32>,
    tpu.vector_store %arg18[%swap3A_921, %swap3A_922], %gather3A_919 {strides = array<i32>} : memref<69x128xf32, #tpu.memory_space<vmem>>, vector<16xf32>,
    %swap3A_924 = arith.constant 26 : i32
    %swap3A_925 = arith.index_cast %swap3A_924 : i32 to index
    %swap3A_926 = arith.constant 16 : index
    %swap3A_927 = tpu.vector_load %arg18[%swap3A_925, %swap3A_926] {strides = array<i32>} : memref<69x128xf32, #tpu.memory_space<vmem>>, vector<16xf32>,
    tpu.vector_store %arg18[%swap3A_925, %swap3A_926], %gather3A_919 {strides = array<i32>} : memref<69x128xf32, #tpu.memory_space<vmem>>, vector<16xf32>,
    %swap3A_928 = arith.constant 26 : i32
    %swap3A_929 = arith.index_cast %swap3A_928 : i32 to index
    %swap3A_930 = arith.constant 32 : index
    %swap3A_931 = tpu.vector_load %arg18[%swap3A_929, %swap3A_930] {strides = array<i32>} : memref<69x128xf32, #tpu.memory_space<vmem>>, vector<16xf32>,
    tpu.vector_store %arg18[%swap3A_929, %swap3A_930], %gather3A_919 {strides = array<i32>} : memref<69x128xf32, #tpu.memory_space<vmem>>, vector<16xf32>,
    %swap3A_932 = arith.constant 26 : i32
    %swap3A_933 = arith.index_cast %swap3A_932 : i32 to index
    %swap3A_934 = arith.constant 48 : index
    %swap3A_935 = tpu.vector_load %arg18[%swap3A_933, %swap3A_934] {strides = array<i32>} : memref<69x128xf32, #tpu.memory_space<vmem>>, vector<16xf32>,
    tpu.vector_store %arg18[%swap3A_933, %swap3A_934], %gather3A_919 {strides = array<i32>} : memref<69x128xf32, #tpu.memory_space<vmem>>, vector<16xf32>,
    %swap3A_936 = arith.constant 26 : i32
    %swap3A_937 = arith.index_cast %swap3A_936 : i32 to index
    %swap3A_938 = arith.constant 64 : index
    %swap3A_939 = tpu.vector_load %arg18[%swap3A_937, %swap3A_938] {strides = array<i32>} : memref<69x128xf32, #tpu.memory_space<vmem>>, vector<16xf32>,
    tpu.vector_store %arg18[%swap3A_937, %swap3A_938], %gather3A_919 {strides = array<i32>} : memref<69x128xf32, #tpu.memory_space<vmem>>, vector<16xf32>,
    %swap3A_940 = arith.constant 26 : i32
    %swap3A_941 = arith.index_cast %swap3A_940 : i32 to index
    %swap3A_942 = arith.constant 80 : index
    %swap3A_943 = tpu.vector_load %arg18[%swap3A_941, %swap3A_942] {strides = array<i32>} : memref<69x128xf32, #tpu.memory_space<vmem>>, vector<16xf32>,
    tpu.vector_store %arg18[%swap3A_941, %swap3A_942], %gather3A_919 {strides = array<i32>} : memref<69x128xf32, #tpu.memory_space<vmem>>, vector<16xf32>,
    %swap3A_944 = arith.constant 26 : i32
    %swap3A_945 = arith.index_cast %swap3A_944 : i32 to index
    %swap3A_946 = arith.constant 96 : index
    %swap3A_947 = tpu.vector_load %arg18[%swap3A_945, %swap3A_946] {strides = array<i32>} : memref<69x128xf32, #tpu.memory_space<vmem>>, vector<16xf32>,
    tpu.vector_store %arg18[%swap3A_945, %swap3A_946], %gather3A_919 {strides = array<i32>} : memref<69x128xf32, #tpu.memory_space<vmem>>, vector<16xf32>,
    %swap3A_948 = arith.constant 26 : i32
    %swap3A_949 = arith.index_cast %swap3A_948 : i32 to index
    %swap3A_950 = arith.constant 112 : index
    %swap3A_951 = tpu.vector_load %arg18[%swap3A_949, %swap3A_950] {strides = array<i32>} : memref<69x128xf32, #tpu.memory_space<vmem>>, vector<16xf32>,
    tpu.vector_store %arg18[%swap3A_949, %swap3A_950], %gather3A_919 {strides = array<i32>} : memref<69x128xf32, #tpu.memory_space<vmem>>, vector<16xf32>,
    %broadcast_in_dim3A_952 = arith.constant 91 : i32
    %broadcast_in_dim3A_953 = vector.broadcast %broadcast_in_dim3A_952 : i32 to vector<16xi32>
    %gather3A_954 = tpu.vector_load_idx %arg15[%broadcast_in_dim3A_953] : memref<144xf32, #tpu.memory_space<vmem>>[vector<16xi32>], vector<16xf32>,
    %swap3A_955 = arith.constant 27 : i32
    %swap3A_956 = arith.index_cast %swap3A_955 : i32 to index
    %swap3A_957 = arith.constant 0 : index
    %swap3A_958 = tpu.vector_load %arg18[%swap3A_956, %swap3A_957] {strides = array<i32>} : memref<69x128xf32, #tpu.memory_space<vmem>>, vector<16xf32>,
    tpu.vector_store %arg18[%swap3A_956, %swap3A_957], %gather3A_954 {strides = array<i32>} : memref<69x128xf32, #tpu.memory_space<vmem>>, vector<16xf32>,
    %swap3A_959 = arith.constant 27 : i32
    %swap3A_960 = arith.index_cast %swap3A_959 : i32 to index
    %swap3A_961 = arith.constant 16 : index
    %swap3A_962 = tpu.vector_load %arg18[%swap3A_960, %swap3A_961] {strides = array<i32>} : memref<69x128xf32, #tpu.memory_space<vmem>>, vector<16xf32>,
    tpu.vector_store %arg18[%swap3A_960, %swap3A_961], %gather3A_954 {strides = array<i32>} : memref<69x128xf32, #tpu.memory_space<vmem>>, vector<16xf32>,
    %swap3A_963 = arith.constant 27 : i32
    %swap3A_964 = arith.index_cast %swap3A_963 : i32 to index
    %swap3A_965 = arith.constant 32 : index
    %swap3A_966 = tpu.vector_load %arg18[%swap3A_964, %swap3A_965] {strides = array<i32>} : memref<69x128xf32, #tpu.memory_space<vmem>>, vector<16xf32>,
    tpu.vector_store %arg18[%swap3A_964, %swap3A_965], %gather3A_954 {strides = array<i32>} : memref<69x128xf32, #tpu.memory_space<vmem>>, vector<16xf32>,
    %swap3A_967 = arith.constant 27 : i32
    %swap3A_968 = arith.index_cast %swap3A_967 : i32 to index
    %swap3A_969 = arith.constant 48 : index
    %swap3A_970 = tpu.vector_load %arg18[%swap3A_968, %swap3A_969] {strides = array<i32>} : memref<69x128xf32, #tpu.memory_space<vmem>>, vector<16xf32>,
    tpu.vector_store %arg18[%swap3A_968, %swap3A_969], %gather3A_954 {strides = array<i32>} : memref<69x128xf32, #tpu.memory_space<vmem>>, vector<16xf32>,
    %swap3A_971 = arith.constant 27 : i32
    %swap3A_972 = arith.index_cast %swap3A_971 : i32 to index
    %swap3A_973 = arith.constant 64 : index
    %swap3A_974 = tpu.vector_load %arg18[%swap3A_972, %swap3A_973] {strides = array<i32>} : memref<69x128xf32, #tpu.memory_space<vmem>>, vector<16xf32>,
    tpu.vector_store %arg18[%swap3A_972, %swap3A_973], %gather3A_954 {strides = array<i32>} : memref<69x128xf32, #tpu.memory_space<vmem>>, vector<16xf32>,
    %swap3A_975 = arith.constant 27 : i32
    %swap3A_976 = arith.index_cast %swap3A_975 : i32 to index
    %swap3A_977 = arith.constant 80 : index
    %swap3A_978 = tpu.vector_load %arg18[%swap3A_976, %swap3A_977] {strides = array<i32>} : memref<69x128xf32, #tpu.memory_space<vmem>>, vector<16xf32>,
    tpu.vector_store %arg18[%swap3A_976, %swap3A_977], %gather3A_954 {strides = array<i32>} : memref<69x128xf32, #tpu.memory_space<vmem>>, vector<16xf32>,
    %swap3A_979 = arith.constant 27 : i32
    %swap3A_980 = arith.index_cast %swap3A_979 : i32 to index
    %swap3A_981 = arith.constant 96 : index
    %swap3A_982 = tpu.vector_load %arg18[%swap3A_980, %swap3A_981] {strides = array<i32>} : memref<69x128xf32, #tpu.memory_space<vmem>>, vector<16xf32>,
    tpu.vector_store %arg18[%swap3A_980, %swap3A_981], %gather3A_954 {strides = array<i32>} : memref<69x128xf32, #tpu.memory_space<vmem>>, vector<16xf32>,
    %swap3A_983 = arith.constant 27 : i32
    %swap3A_984 = arith.index_cast %swap3A_983 : i32 to index
    %swap3A_985 = arith.constant 112 : index
    %swap3A_986 = tpu.vector_load %arg18[%swap3A_984, %swap3A_985] {strides = array<i32>} : memref<69x128xf32, #tpu.memory_space<vmem>>, vector<16xf32>,
    tpu.vector_store %arg18[%swap3A_984, %swap3A_985], %gather3A_954 {strides = array<i32>} : memref<69x128xf32, #tpu.memory_space<vmem>>, vector<16xf32>,
    %broadcast_in_dim3A_987 = arith.constant 92 : i32
    %broadcast_in_dim3A_988 = vector.broadcast %broadcast_in_dim3A_987 : i32 to vector<16xi32>
    %gather3A_989 = tpu.vector_load_idx %arg15[%broadcast_in_dim3A_988] : memref<144xf32, #tpu.memory_space<vmem>>[vector<16xi32>], vector<16xf32>,
    %swap3A_990 = arith.constant 28 : i32
    %swap3A_991 = arith.index_cast %swap3A_990 : i32 to index
    %swap3A_992 = arith.constant 0 : index
    %swap3A_993 = tpu.vector_load %arg18[%swap3A_991, %swap3A_992] {strides = array<i32>} : memref<69x128xf32, #tpu.memory_space<vmem>>, vector<16xf32>,
    tpu.vector_store %arg18[%swap3A_991, %swap3A_992], %gather3A_989 {strides = array<i32>} : memref<69x128xf32, #tpu.memory_space<vmem>>, vector<16xf32>,
    %swap3A_994 = arith.constant 28 : i32
    %swap3A_995 = arith.index_cast %swap3A_994 : i32 to index
    %swap3A_996 = arith.constant 16 : index
    %swap3A_997 = tpu.vector_load %arg18[%swap3A_995, %swap3A_996] {strides = array<i32>} : memref<69x128xf32, #tpu.memory_space<vmem>>, vector<16xf32>,
    tpu.vector_store %arg18[%swap3A_995, %swap3A_996], %gather3A_989 {strides = array<i32>} : memref<69x128xf32, #tpu.memory_space<vmem>>, vector<16xf32>,
    %swap3A_998 = arith.constant 28 : i32
    %swap3A_999 = arith.index_cast %swap3A_998 : i32 to index
    %swap3A_1000 = arith.constant 32 : index
    %swap3A_1001 = tpu.vector_load %arg18[%swap3A_999, %swap3A_1000] {strides = array<i32>} : memref<69x128xf32, #tpu.memory_space<vmem>>, vector<16xf32>,
    tpu.vector_store %arg18[%swap3A_999, %swap3A_1000], %gather3A_989 {strides = array<i32>} : memref<69x128xf32, #tpu.memory_space<vmem>>, vector<16xf32>,
    %swap3A_1002 = arith.constant 28 : i32
    %swap3A_1003 = arith.index_cast %swap3A_1002 : i32 to index
    %swap3A_1004 = arith.constant 48 : index
    %swap3A_1005 = tpu.vector_load %arg18[%swap3A_1003, %swap3A_1004] {strides = array<i32>} : memref<69x128xf32, #tpu.memory_space<vmem>>, vector<16xf32>,
    tpu.vector_store %arg18[%swap3A_1003, %swap3A_1004], %gather3A_989 {strides = array<i32>} : memref<69x128xf32, #tpu.memory_space<vmem>>, vector<16xf32>,
    %swap3A_1006 = arith.constant 28 : i32
    %swap3A_1007 = arith.index_cast %swap3A_1006 : i32 to index
    %swap3A_1008 = arith.constant 64 : index
    %swap3A_1009 = tpu.vector_load %arg18[%swap3A_1007, %swap3A_1008] {strides = array<i32>} : memref<69x128xf32, #tpu.memory_space<vmem>>, vector<16xf32>,
    tpu.vector_store %arg18[%swap3A_1007, %swap3A_1008], %gather3A_989 {strides = array<i32>} : memref<69x128xf32, #tpu.memory_space<vmem>>, vector<16xf32>,
    %swap3A_1010 = arith.constant 28 : i32
    %swap3A_1011 = arith.index_cast %swap3A_1010 : i32 to index
    %swap3A_1012 = arith.constant 80 : index
    %swap3A_1013 = tpu.vector_load %arg18[%swap3A_1011, %swap3A_1012] {strides = array<i32>} : memref<69x128xf32, #tpu.memory_space<vmem>>, vector<16xf32>,
    tpu.vector_store %arg18[%swap3A_1011, %swap3A_1012], %gather3A_989 {strides = array<i32>} : memref<69x128xf32, #tpu.memory_space<vmem>>, vector<16xf32>,
    %swap3A_1014 = arith.constant 28 : i32
    %swap3A_1015 = arith.index_cast %swap3A_1014 : i32 to index
    %swap3A_1016 = arith.constant 96 : index
    %swap3A_1017 = tpu.vector_load %arg18[%swap3A_1015, %swap3A_1016] {strides = array<i32>} : memref<69x128xf32, #tpu.memory_space<vmem>>, vector<16xf32>,
    tpu.vector_store %arg18[%swap3A_1015, %swap3A_1016], %gather3A_989 {strides = array<i32>} : memref<69x128xf32, #tpu.memory_space<vmem>>, vector<16xf32>,
    %swap3A_1018 = arith.constant 28 : i32
    %swap3A_1019 = arith.index_cast %swap3A_1018 : i32 to index
    %swap3A_1020 = arith.constant 112 : index
    %swap3A_1021 = tpu.vector_load %arg18[%swap3A_1019, %swap3A_1020] {strides = array<i32>} : memref<69x128xf32, #tpu.memory_space<vmem>>, vector<16xf32>,
    tpu.vector_store %arg18[%swap3A_1019, %swap3A_1020], %gather3A_989 {strides = array<i32>} : memref<69x128xf32, #tpu.memory_space<vmem>>, vector<16xf32>,
    %broadcast_in_dim3A_1022 = arith.constant 93 : i32
    %broadcast_in_dim3A_1023 = vector.broadcast %broadcast_in_dim3A_1022 : i32 to vector<16xi32>
    %gather3A_1024 = tpu.vector_load_idx %arg15[%broadcast_in_dim3A_1023] : memref<144xf32, #tpu.memory_space<vmem>>[vector<16xi32>], vector<16xf32>,
    %swap3A_1025 = arith.constant 29 : i32
    %swap3A_1026 = arith.index_cast %swap3A_1025 : i32 to index
    %swap3A_1027 = arith.constant 0 : index
    %swap3A_1028 = tpu.vector_load %arg18[%swap3A_1026, %swap3A_1027] {strides = array<i32>} : memref<69x128xf32, #tpu.memory_space<vmem>>, vector<16xf32>,
    tpu.vector_store %arg18[%swap3A_1026, %swap3A_1027], %gather3A_1024 {strides = array<i32>} : memref<69x128xf32, #tpu.memory_space<vmem>>, vector<16xf32>,
    %swap3A_1029 = arith.constant 29 : i32
    %swap3A_1030 = arith.index_cast %swap3A_1029 : i32 to index
    %swap3A_1031 = arith.constant 16 : index
    %swap3A_1032 = tpu.vector_load %arg18[%swap3A_1030, %swap3A_1031] {strides = array<i32>} : memref<69x128xf32, #tpu.memory_space<vmem>>, vector<16xf32>,
    tpu.vector_store %arg18[%swap3A_1030, %swap3A_1031], %gather3A_1024 {strides = array<i32>} : memref<69x128xf32, #tpu.memory_space<vmem>>, vector<16xf32>,
    %swap3A_1033 = arith.constant 29 : i32
    %swap3A_1034 = arith.index_cast %swap3A_1033 : i32 to index
    %swap3A_1035 = arith.constant 32 : index
    %swap3A_1036 = tpu.vector_load %arg18[%swap3A_1034, %swap3A_1035] {strides = array<i32>} : memref<69x128xf32, #tpu.memory_space<vmem>>, vector<16xf32>,
    tpu.vector_store %arg18[%swap3A_1034, %swap3A_1035], %gather3A_1024 {strides = array<i32>} : memref<69x128xf32, #tpu.memory_space<vmem>>, vector<16xf32>,
    %swap3A_1037 = arith.constant 29 : i32
    %swap3A_1038 = arith.index_cast %swap3A_1037 : i32 to index
    %swap3A_1039 = arith.constant 48 : index
    %swap3A_1040 = tpu.vector_load %arg18[%swap3A_1038, %swap3A_1039] {strides = array<i32>} : memref<69x128xf32, #tpu.memory_space<vmem>>, vector<16xf32>,
    tpu.vector_store %arg18[%swap3A_1038, %swap3A_1039], %gather3A_1024 {strides = array<i32>} : memref<69x128xf32, #tpu.memory_space<vmem>>, vector<16xf32>,
    %swap3A_1041 = arith.constant 29 : i32
    %swap3A_1042 = arith.index_cast %swap3A_1041 : i32 to index
    %swap3A_1043 = arith.constant 64 : index
    %swap3A_1044 = tpu.vector_load %arg18[%swap3A_1042, %swap3A_1043] {strides = array<i32>} : memref<69x128xf32, #tpu.memory_space<vmem>>, vector<16xf32>,
    tpu.vector_store %arg18[%swap3A_1042, %swap3A_1043], %gather3A_1024 {strides = array<i32>} : memref<69x128xf32, #tpu.memory_space<vmem>>, vector<16xf32>,
    %swap3A_1045 = arith.constant 29 : i32
    %swap3A_1046 = arith.index_cast %swap3A_1045 : i32 to index
    %swap3A_1047 = arith.constant 80 : index
    %swap3A_1048 = tpu.vector_load %arg18[%swap3A_1046, %swap3A_1047] {strides = array<i32>} : memref<69x128xf32, #tpu.memory_space<vmem>>, vector<16xf32>,
    tpu.vector_store %arg18[%swap3A_1046, %swap3A_1047], %gather3A_1024 {strides = array<i32>} : memref<69x128xf32, #tpu.memory_space<vmem>>, vector<16xf32>,
    %swap3A_1049 = arith.constant 29 : i32
    %swap3A_1050 = arith.index_cast %swap3A_1049 : i32 to index
    %swap3A_1051 = arith.constant 96 : index
    %swap3A_1052 = tpu.vector_load %arg18[%swap3A_1050, %swap3A_1051] {strides = array<i32>} : memref<69x128xf32, #tpu.memory_space<vmem>>, vector<16xf32>,
    tpu.vector_store %arg18[%swap3A_1050, %swap3A_1051], %gather3A_1024 {strides = array<i32>} : memref<69x128xf32, #tpu.memory_space<vmem>>, vector<16xf32>,
    %swap3A_1053 = arith.constant 29 : i32
    %swap3A_1054 = arith.index_cast %swap3A_1053 : i32 to index
    %swap3A_1055 = arith.constant 112 : index
    %swap3A_1056 = tpu.vector_load %arg18[%swap3A_1054, %swap3A_1055] {strides = array<i32>} : memref<69x128xf32, #tpu.memory_space<vmem>>, vector<16xf32>,
    tpu.vector_store %arg18[%swap3A_1054, %swap3A_1055], %gather3A_1024 {strides = array<i32>} : memref<69x128xf32, #tpu.memory_space<vmem>>, vector<16xf32>,
    %broadcast_in_dim3A_1057 = arith.constant 94 : i32
    %broadcast_in_dim3A_1058 = vector.broadcast %broadcast_in_dim3A_1057 : i32 to vector<16xi32>
    %gather3A_1059 = tpu.vector_load_idx %arg15[%broadcast_in_dim3A_1058] : memref<144xf32, #tpu.memory_space<vmem>>[vector<16xi32>], vector<16xf32>,
    %swap3A_1060 = arith.constant 30 : i32
    %swap3A_1061 = arith.index_cast %swap3A_1060 : i32 to index
    %swap3A_1062 = arith.constant 0 : index
    %swap3A_1063 = tpu.vector_load %arg18[%swap3A_1061, %swap3A_1062] {strides = array<i32>} : memref<69x128xf32, #tpu.memory_space<vmem>>, vector<16xf32>,
    tpu.vector_store %arg18[%swap3A_1061, %swap3A_1062], %gather3A_1059 {strides = array<i32>} : memref<69x128xf32, #tpu.memory_space<vmem>>, vector<16xf32>,
    %swap3A_1064 = arith.constant 30 : i32
    %swap3A_1065 = arith.index_cast %swap3A_1064 : i32 to index
    %swap3A_1066 = arith.constant 16 : index
    %swap3A_1067 = tpu.vector_load %arg18[%swap3A_1065, %swap3A_1066] {strides = array<i32>} : memref<69x128xf32, #tpu.memory_space<vmem>>, vector<16xf32>,
    tpu.vector_store %arg18[%swap3A_1065, %swap3A_1066], %gather3A_1059 {strides = array<i32>} : memref<69x128xf32, #tpu.memory_space<vmem>>, vector<16xf32>,
    %swap3A_1068 = arith.constant 30 : i32
    %swap3A_1069 = arith.index_cast %swap3A_1068 : i32 to index
    %swap3A_1070 = arith.constant 32 : index
    %swap3A_1071 = tpu.vector_load %arg18[%swap3A_1069, %swap3A_1070] {strides = array<i32>} : memref<69x128xf32, #tpu.memory_space<vmem>>, vector<16xf32>,
    tpu.vector_store %arg18[%swap3A_1069, %swap3A_1070], %gather3A_1059 {strides = array<i32>} : memref<69x128xf32, #tpu.memory_space<vmem>>, vector<16xf32>,
    %swap3A_1072 = arith.constant 30 : i32
    %swap3A_1073 = arith.index_cast %swap3A_1072 : i32 to index
    %swap3A_1074 = arith.constant 48 : index
    %swap3A_1075 = tpu.vector_load %arg18[%swap3A_1073, %swap3A_1074] {strides = array<i32>} : memref<69x128xf32, #tpu.memory_space<vmem>>, vector<16xf32>,
    tpu.vector_store %arg18[%swap3A_1073, %swap3A_1074], %gather3A_1059 {strides = array<i32>} : memref<69x128xf32, #tpu.memory_space<vmem>>, vector<16xf32>,
    %swap3A_1076 = arith.constant 30 : i32
    %swap3A_1077 = arith.index_cast %swap3A_1076 : i32 to index
    %swap3A_1078 = arith.constant 64 : index
    %swap3A_1079 = tpu.vector_load %arg18[%swap3A_1077, %swap3A_1078] {strides = array<i32>} : memref<69x128xf32, #tpu.memory_space<vmem>>, vector<16xf32>,
    tpu.vector_store %arg18[%swap3A_1077, %swap3A_1078], %gather3A_1059 {strides = array<i32>} : memref<69x128xf32, #tpu.memory_space<vmem>>, vector<16xf32>,
    %swap3A_1080 = arith.constant 30 : i32
    %swap3A_1081 = arith.index_cast %swap3A_1080 : i32 to index
    %swap3A_1082 = arith.constant 80 : index
    %swap3A_1083 = tpu.vector_load %arg18[%swap3A_1081, %swap3A_1082] {strides = array<i32>} : memref<69x128xf32, #tpu.memory_space<vmem>>, vector<16xf32>,
    tpu.vector_store %arg18[%swap3A_1081, %swap3A_1082], %gather3A_1059 {strides = array<i32>} : memref<69x128xf32, #tpu.memory_space<vmem>>, vector<16xf32>,
    %swap3A_1084 = arith.constant 30 : i32
    %swap3A_1085 = arith.index_cast %swap3A_1084 : i32 to index
    %swap3A_1086 = arith.constant 96 : index
    %swap3A_1087 = tpu.vector_load %arg18[%swap3A_1085, %swap3A_1086] {strides = array<i32>} : memref<69x128xf32, #tpu.memory_space<vmem>>, vector<16xf32>,
    tpu.vector_store %arg18[%swap3A_1085, %swap3A_1086], %gather3A_1059 {strides = array<i32>} : memref<69x128xf32, #tpu.memory_space<vmem>>, vector<16xf32>,
    %swap3A_1088 = arith.constant 30 : i32
    %swap3A_1089 = arith.index_cast %swap3A_1088 : i32 to index
    %swap3A_1090 = arith.constant 112 : index
    %swap3A_1091 = tpu.vector_load %arg18[%swap3A_1089, %swap3A_1090] {strides = array<i32>} : memref<69x128xf32, #tpu.memory_space<vmem>>, vector<16xf32>,
    tpu.vector_store %arg18[%swap3A_1089, %swap3A_1090], %gather3A_1059 {strides = array<i32>} : memref<69x128xf32, #tpu.memory_space<vmem>>, vector<16xf32>,
    %broadcast_in_dim3A_1092 = arith.constant 95 : i32
    %broadcast_in_dim3A_1093 = vector.broadcast %broadcast_in_dim3A_1092 : i32 to vector<16xi32>
    %gather3A_1094 = tpu.vector_load_idx %arg15[%broadcast_in_dim3A_1093] : memref<144xf32, #tpu.memory_space<vmem>>[vector<16xi32>], vector<16xf32>,
    %swap3A_1095 = arith.constant 31 : i32
    %swap3A_1096 = arith.index_cast %swap3A_1095 : i32 to index
    %swap3A_1097 = arith.constant 0 : index
    %swap3A_1098 = tpu.vector_load %arg18[%swap3A_1096, %swap3A_1097] {strides = array<i32>} : memref<69x128xf32, #tpu.memory_space<vmem>>, vector<16xf32>,
    tpu.vector_store %arg18[%swap3A_1096, %swap3A_1097], %gather3A_1094 {strides = array<i32>} : memref<69x128xf32, #tpu.memory_space<vmem>>, vector<16xf32>,
    %swap3A_1099 = arith.constant 31 : i32
    %swap3A_1100 = arith.index_cast %swap3A_1099 : i32 to index
    %swap3A_1101 = arith.constant 16 : index
    %swap3A_1102 = tpu.vector_load %arg18[%swap3A_1100, %swap3A_1101] {strides = array<i32>} : memref<69x128xf32, #tpu.memory_space<vmem>>, vector<16xf32>,
    tpu.vector_store %arg18[%swap3A_1100, %swap3A_1101], %gather3A_1094 {strides = array<i32>} : memref<69x128xf32, #tpu.memory_space<vmem>>, vector<16xf32>,
    %swap3A_1103 = arith.constant 31 : i32
    %swap3A_1104 = arith.index_cast %swap3A_1103 : i32 to index
    %swap3A_1105 = arith.constant 32 : index
    %swap3A_1106 = tpu.vector_load %arg18[%swap3A_1104, %swap3A_1105] {strides = array<i32>} : memref<69x128xf32, #tpu.memory_space<vmem>>, vector<16xf32>,
    tpu.vector_store %arg18[%swap3A_1104, %swap3A_1105], %gather3A_1094 {strides = array<i32>} : memref<69x128xf32, #tpu.memory_space<vmem>>, vector<16xf32>,
    %swap3A_1107 = arith.constant 31 : i32
    %swap3A_1108 = arith.index_cast %swap3A_1107 : i32 to index
    %swap3A_1109 = arith.constant 48 : index
    %swap3A_1110 = tpu.vector_load %arg18[%swap3A_1108, %swap3A_1109] {strides = array<i32>} : memref<69x128xf32, #tpu.memory_space<vmem>>, vector<16xf32>,
    tpu.vector_store %arg18[%swap3A_1108, %swap3A_1109], %gather3A_1094 {strides = array<i32>} : memref<69x128xf32, #tpu.memory_space<vmem>>, vector<16xf32>,
    %swap3A_1111 = arith.constant 31 : i32
    %swap3A_1112 = arith.index_cast %swap3A_1111 : i32 to index
    %swap3A_1113 = arith.constant 64 : index
    %swap3A_1114 = tpu.vector_load %arg18[%swap3A_1112, %swap3A_1113] {strides = array<i32>} : memref<69x128xf32, #tpu.memory_space<vmem>>, vector<16xf32>,
    tpu.vector_store %arg18[%swap3A_1112, %swap3A_1113], %gather3A_1094 {strides = array<i32>} : memref<69x128xf32, #tpu.memory_space<vmem>>, vector<16xf32>,
    %swap3A_1115 = arith.constant 31 : i32
    %swap3A_1116 = arith.index_cast %swap3A_1115 : i32 to index
    %swap3A_1117 = arith.constant 80 : index
    %swap3A_1118 = tpu.vector_load %arg18[%swap3A_1116, %swap3A_1117] {strides = array<i32>} : memref<69x128xf32, #tpu.memory_space<vmem>>, vector<16xf32>,
    tpu.vector_store %arg18[%swap3A_1116, %swap3A_1117], %gather3A_1094 {strides = array<i32>} : memref<69x128xf32, #tpu.memory_space<vmem>>, vector<16xf32>,
    %swap3A_1119 = arith.constant 31 : i32
    %swap3A_1120 = arith.index_cast %swap3A_1119 : i32 to index
    %swap3A_1121 = arith.constant 96 : index
    %swap3A_1122 = tpu.vector_load %arg18[%swap3A_1120, %swap3A_1121] {strides = array<i32>} : memref<69x128xf32, #tpu.memory_space<vmem>>, vector<16xf32>,
    tpu.vector_store %arg18[%swap3A_1120, %swap3A_1121], %gather3A_1094 {strides = array<i32>} : memref<69x128xf32, #tpu.memory_space<vmem>>, vector<16xf32>,
    %swap3A_1123 = arith.constant 31 : i32
    %swap3A_1124 = arith.index_cast %swap3A_1123 : i32 to index
    %swap3A_1125 = arith.constant 112 : index
    %swap3A_1126 = tpu.vector_load %arg18[%swap3A_1124, %swap3A_1125] {strides = array<i32>} : memref<69x128xf32, #tpu.memory_space<vmem>>, vector<16xf32>,
    tpu.vector_store %arg18[%swap3A_1124, %swap3A_1125], %gather3A_1094 {strides = array<i32>} : memref<69x128xf32, #tpu.memory_space<vmem>>, vector<16xf32>,
    %broadcast_in_dim3A_1127 = arith.constant 96 : i32
    %broadcast_in_dim3A_1128 = vector.broadcast %broadcast_in_dim3A_1127 : i32 to vector<16xi32>
    %gather3A_1129 = tpu.vector_load_idx %arg15[%broadcast_in_dim3A_1128] : memref<144xf32, #tpu.memory_space<vmem>>[vector<16xi32>], vector<16xf32>,
    %swap3A_1130 = arith.constant 32 : i32
    %swap3A_1131 = arith.index_cast %swap3A_1130 : i32 to index
    %swap3A_1132 = arith.constant 0 : index
    %swap3A_1133 = tpu.vector_load %arg18[%swap3A_1131, %swap3A_1132] {strides = array<i32>} : memref<69x128xf32, #tpu.memory_space<vmem>>, vector<16xf32>,
    tpu.vector_store %arg18[%swap3A_1131, %swap3A_1132], %gather3A_1129 {strides = array<i32>} : memref<69x128xf32, #tpu.memory_space<vmem>>, vector<16xf32>,
    %swap3A_1134 = arith.constant 32 : i32
    %swap3A_1135 = arith.index_cast %swap3A_1134 : i32 to index
    %swap3A_1136 = arith.constant 16 : index
    %swap3A_1137 = tpu.vector_load %arg18[%swap3A_1135, %swap3A_1136] {strides = array<i32>} : memref<69x128xf32, #tpu.memory_space<vmem>>, vector<16xf32>,
    tpu.vector_store %arg18[%swap3A_1135, %swap3A_1136], %gather3A_1129 {strides = array<i32>} : memref<69x128xf32, #tpu.memory_space<vmem>>, vector<16xf32>,
    %swap3A_1138 = arith.constant 32 : i32
    %swap3A_1139 = arith.index_cast %swap3A_1138 : i32 to index
    %swap3A_1140 = arith.constant 32 : index
    %swap3A_1141 = tpu.vector_load %arg18[%swap3A_1139, %swap3A_1140] {strides = array<i32>} : memref<69x128xf32, #tpu.memory_space<vmem>>, vector<16xf32>,
    tpu.vector_store %arg18[%swap3A_1139, %swap3A_1140], %gather3A_1129 {strides = array<i32>} : memref<69x128xf32, #tpu.memory_space<vmem>>, vector<16xf32>,
    %swap3A_1142 = arith.constant 32 : i32
    %swap3A_1143 = arith.index_cast %swap3A_1142 : i32 to index
    %swap3A_1144 = arith.constant 48 : index
    %swap3A_1145 = tpu.vector_load %arg18[%swap3A_1143, %swap3A_1144] {strides = array<i32>} : memref<69x128xf32, #tpu.memory_space<vmem>>, vector<16xf32>,
    tpu.vector_store %arg18[%swap3A_1143, %swap3A_1144], %gather3A_1129 {strides = array<i32>} : memref<69x128xf32, #tpu.memory_space<vmem>>, vector<16xf32>,
    %swap3A_1146 = arith.constant 32 : i32
    %swap3A_1147 = arith.index_cast %swap3A_1146 : i32 to index
    %swap3A_1148 = arith.constant 64 : index
    %swap3A_1149 = tpu.vector_load %arg18[%swap3A_1147, %swap3A_1148] {strides = array<i32>} : memref<69x128xf32, #tpu.memory_space<vmem>>, vector<16xf32>,
    tpu.vector_store %arg18[%swap3A_1147, %swap3A_1148], %gather3A_1129 {strides = array<i32>} : memref<69x128xf32, #tpu.memory_space<vmem>>, vector<16xf32>,
    %swap3A_1150 = arith.constant 32 : i32
    %swap3A_1151 = arith.index_cast %swap3A_1150 : i32 to index
    %swap3A_1152 = arith.constant 80 : index
    %swap3A_1153 = tpu.vector_load %arg18[%swap3A_1151, %swap3A_1152] {strides = array<i32>} : memref<69x128xf32, #tpu.memory_space<vmem>>, vector<16xf32>,
    tpu.vector_store %arg18[%swap3A_1151, %swap3A_1152], %gather3A_1129 {strides = array<i32>} : memref<69x128xf32, #tpu.memory_space<vmem>>, vector<16xf32>,
    %swap3A_1154 = arith.constant 32 : i32
    %swap3A_1155 = arith.index_cast %swap3A_1154 : i32 to index
    %swap3A_1156 = arith.constant 96 : index
    %swap3A_1157 = tpu.vector_load %arg18[%swap3A_1155, %swap3A_1156] {strides = array<i32>} : memref<69x128xf32, #tpu.memory_space<vmem>>, vector<16xf32>,
    tpu.vector_store %arg18[%swap3A_1155, %swap3A_1156], %gather3A_1129 {strides = array<i32>} : memref<69x128xf32, #tpu.memory_space<vmem>>, vector<16xf32>,
    %swap3A_1158 = arith.constant 32 : i32
    %swap3A_1159 = arith.index_cast %swap3A_1158 : i32 to index
    %swap3A_1160 = arith.constant 112 : index
    %swap3A_1161 = tpu.vector_load %arg18[%swap3A_1159, %swap3A_1160] {strides = array<i32>} : memref<69x128xf32, #tpu.memory_space<vmem>>, vector<16xf32>,
    tpu.vector_store %arg18[%swap3A_1159, %swap3A_1160], %gather3A_1129 {strides = array<i32>} : memref<69x128xf32, #tpu.memory_space<vmem>>, vector<16xf32>,
    %broadcast_in_dim3A_1162 = arith.constant 97 : i32
    %broadcast_in_dim3A_1163 = vector.broadcast %broadcast_in_dim3A_1162 : i32 to vector<16xi32>
    %gather3A_1164 = tpu.vector_load_idx %arg15[%broadcast_in_dim3A_1163] : memref<144xf32, #tpu.memory_space<vmem>>[vector<16xi32>], vector<16xf32>,
    %swap3A_1165 = arith.constant 33 : i32
    %swap3A_1166 = arith.index_cast %swap3A_1165 : i32 to index
    %swap3A_1167 = arith.constant 0 : index
    %swap3A_1168 = tpu.vector_load %arg18[%swap3A_1166, %swap3A_1167] {strides = array<i32>} : memref<69x128xf32, #tpu.memory_space<vmem>>, vector<16xf32>,
    tpu.vector_store %arg18[%swap3A_1166, %swap3A_1167], %gather3A_1164 {strides = array<i32>} : memref<69x128xf32, #tpu.memory_space<vmem>>, vector<16xf32>,
    %swap3A_1169 = arith.constant 33 : i32
    %swap3A_1170 = arith.index_cast %swap3A_1169 : i32 to index
    %swap3A_1171 = arith.constant 16 : index
    %swap3A_1172 = tpu.vector_load %arg18[%swap3A_1170, %swap3A_1171] {strides = array<i32>} : memref<69x128xf32, #tpu.memory_space<vmem>>, vector<16xf32>,
    tpu.vector_store %arg18[%swap3A_1170, %swap3A_1171], %gather3A_1164 {strides = array<i32>} : memref<69x128xf32, #tpu.memory_space<vmem>>, vector<16xf32>,
    %swap3A_1173 = arith.constant 33 : i32
    %swap3A_1174 = arith.index_cast %swap3A_1173 : i32 to index
    %swap3A_1175 = arith.constant 32 : index
    %swap3A_1176 = tpu.vector_load %arg18[%swap3A_1174, %swap3A_1175] {strides = array<i32>} : memref<69x128xf32, #tpu.memory_space<vmem>>, vector<16xf32>,
    tpu.vector_store %arg18[%swap3A_1174, %swap3A_1175], %gather3A_1164 {strides = array<i32>} : memref<69x128xf32, #tpu.memory_space<vmem>>, vector<16xf32>,
    %swap3A_1177 = arith.constant 33 : i32
    %swap3A_1178 = arith.index_cast %swap3A_1177 : i32 to index
    %swap3A_1179 = arith.constant 48 : index
    %swap3A_1180 = tpu.vector_load %arg18[%swap3A_1178, %swap3A_1179] {strides = array<i32>} : memref<69x128xf32, #tpu.memory_space<vmem>>, vector<16xf32>,
    tpu.vector_store %arg18[%swap3A_1178, %swap3A_1179], %gather3A_1164 {strides = array<i32>} : memref<69x128xf32, #tpu.memory_space<vmem>>, vector<16xf32>,
    %swap3A_1181 = arith.constant 33 : i32
    %swap3A_1182 = arith.index_cast %swap3A_1181 : i32 to index
    %swap3A_1183 = arith.constant 64 : index
    %swap3A_1184 = tpu.vector_load %arg18[%swap3A_1182, %swap3A_1183] {strides = array<i32>} : memref<69x128xf32, #tpu.memory_space<vmem>>, vector<16xf32>,
    tpu.vector_store %arg18[%swap3A_1182, %swap3A_1183], %gather3A_1164 {strides = array<i32>} : memref<69x128xf32, #tpu.memory_space<vmem>>, vector<16xf32>,
    %swap3A_1185 = arith.constant 33 : i32
    %swap3A_1186 = arith.index_cast %swap3A_1185 : i32 to index
    %swap3A_1187 = arith.constant 80 : index
    %swap3A_1188 = tpu.vector_load %arg18[%swap3A_1186, %swap3A_1187] {strides = array<i32>} : memref<69x128xf32, #tpu.memory_space<vmem>>, vector<16xf32>,
    tpu.vector_store %arg18[%swap3A_1186, %swap3A_1187], %gather3A_1164 {strides = array<i32>} : memref<69x128xf32, #tpu.memory_space<vmem>>, vector<16xf32>,
    %swap3A_1189 = arith.constant 33 : i32
    %swap3A_1190 = arith.index_cast %swap3A_1189 : i32 to index
    %swap3A_1191 = arith.constant 96 : index
    %swap3A_1192 = tpu.vector_load %arg18[%swap3A_1190, %swap3A_1191] {strides = array<i32>} : memref<69x128xf32, #tpu.memory_space<vmem>>, vector<16xf32>,
    tpu.vector_store %arg18[%swap3A_1190, %swap3A_1191], %gather3A_1164 {strides = array<i32>} : memref<69x128xf32, #tpu.memory_space<vmem>>, vector<16xf32>,
    %swap3A_1193 = arith.constant 33 : i32
    %swap3A_1194 = arith.index_cast %swap3A_1193 : i32 to index
    %swap3A_1195 = arith.constant 112 : index
    %swap3A_1196 = tpu.vector_load %arg18[%swap3A_1194, %swap3A_1195] {strides = array<i32>} : memref<69x128xf32, #tpu.memory_space<vmem>>, vector<16xf32>,
    tpu.vector_store %arg18[%swap3A_1194, %swap3A_1195], %gather3A_1164 {strides = array<i32>} : memref<69x128xf32, #tpu.memory_space<vmem>>, vector<16xf32>,
    %broadcast_in_dim3A_1197 = arith.constant 98 : i32
    %broadcast_in_dim3A_1198 = vector.broadcast %broadcast_in_dim3A_1197 : i32 to vector<16xi32>
    %gather3A_1199 = tpu.vector_load_idx %arg15[%broadcast_in_dim3A_1198] : memref<144xf32, #tpu.memory_space<vmem>>[vector<16xi32>], vector<16xf32>,
    %swap3A_1200 = arith.constant 34 : i32
    %swap3A_1201 = arith.index_cast %swap3A_1200 : i32 to index
    %swap3A_1202 = arith.constant 0 : index
    %swap3A_1203 = tpu.vector_load %arg18[%swap3A_1201, %swap3A_1202] {strides = array<i32>} : memref<69x128xf32, #tpu.memory_space<vmem>>, vector<16xf32>,
    tpu.vector_store %arg18[%swap3A_1201, %swap3A_1202], %gather3A_1199 {strides = array<i32>} : memref<69x128xf32, #tpu.memory_space<vmem>>, vector<16xf32>,
    %swap3A_1204 = arith.constant 34 : i32
    %swap3A_1205 = arith.index_cast %swap3A_1204 : i32 to index
    %swap3A_1206 = arith.constant 16 : index
    %swap3A_1207 = tpu.vector_load %arg18[%swap3A_1205, %swap3A_1206] {strides = array<i32>} : memref<69x128xf32, #tpu.memory_space<vmem>>, vector<16xf32>,
    tpu.vector_store %arg18[%swap3A_1205, %swap3A_1206], %gather3A_1199 {strides = array<i32>} : memref<69x128xf32, #tpu.memory_space<vmem>>, vector<16xf32>,
    %swap3A_1208 = arith.constant 34 : i32
    %swap3A_1209 = arith.index_cast %swap3A_1208 : i32 to index
    %swap3A_1210 = arith.constant 32 : index
    %swap3A_1211 = tpu.vector_load %arg18[%swap3A_1209, %swap3A_1210] {strides = array<i32>} : memref<69x128xf32, #tpu.memory_space<vmem>>, vector<16xf32>,
    tpu.vector_store %arg18[%swap3A_1209, %swap3A_1210], %gather3A_1199 {strides = array<i32>} : memref<69x128xf32, #tpu.memory_space<vmem>>, vector<16xf32>,
    %swap3A_1212 = arith.constant 34 : i32
    %swap3A_1213 = arith.index_cast %swap3A_1212 : i32 to index
    %swap3A_1214 = arith.constant 48 : index
    %swap3A_1215 = tpu.vector_load %arg18[%swap3A_1213, %swap3A_1214] {strides = array<i32>} : memref<69x128xf32, #tpu.memory_space<vmem>>, vector<16xf32>,
    tpu.vector_store %arg18[%swap3A_1213, %swap3A_1214], %gather3A_1199 {strides = array<i32>} : memref<69x128xf32, #tpu.memory_space<vmem>>, vector<16xf32>,
    %swap3A_1216 = arith.constant 34 : i32
    %swap3A_1217 = arith.index_cast %swap3A_1216 : i32 to index
    %swap3A_1218 = arith.constant 64 : index
    %swap3A_1219 = tpu.vector_load %arg18[%swap3A_1217, %swap3A_1218] {strides = array<i32>} : memref<69x128xf32, #tpu.memory_space<vmem>>, vector<16xf32>,
    tpu.vector_store %arg18[%swap3A_1217, %swap3A_1218], %gather3A_1199 {strides = array<i32>} : memref<69x128xf32, #tpu.memory_space<vmem>>, vector<16xf32>,
    %swap3A_1220 = arith.constant 34 : i32
    %swap3A_1221 = arith.index_cast %swap3A_1220 : i32 to index
    %swap3A_1222 = arith.constant 80 : index
    %swap3A_1223 = tpu.vector_load %arg18[%swap3A_1221, %swap3A_1222] {strides = array<i32>} : memref<69x128xf32, #tpu.memory_space<vmem>>, vector<16xf32>,
    tpu.vector_store %arg18[%swap3A_1221, %swap3A_1222], %gather3A_1199 {strides = array<i32>} : memref<69x128xf32, #tpu.memory_space<vmem>>, vector<16xf32>,
    %swap3A_1224 = arith.constant 34 : i32
    %swap3A_1225 = arith.index_cast %swap3A_1224 : i32 to index
    %swap3A_1226 = arith.constant 96 : index
    %swap3A_1227 = tpu.vector_load %arg18[%swap3A_1225, %swap3A_1226] {strides = array<i32>} : memref<69x128xf32, #tpu.memory_space<vmem>>, vector<16xf32>,
    tpu.vector_store %arg18[%swap3A_1225, %swap3A_1226], %gather3A_1199 {strides = array<i32>} : memref<69x128xf32, #tpu.memory_space<vmem>>, vector<16xf32>,
    %swap3A_1228 = arith.constant 34 : i32
    %swap3A_1229 = arith.index_cast %swap3A_1228 : i32 to index
    %swap3A_1230 = arith.constant 112 : index
    %swap3A_1231 = tpu.vector_load %arg18[%swap3A_1229, %swap3A_1230] {strides = array<i32>} : memref<69x128xf32, #tpu.memory_space<vmem>>, vector<16xf32>,
    tpu.vector_store %arg18[%swap3A_1229, %swap3A_1230], %gather3A_1199 {strides = array<i32>} : memref<69x128xf32, #tpu.memory_space<vmem>>, vector<16xf32>,
    %broadcast_in_dim3A_1232 = arith.constant 99 : i32
    %broadcast_in_dim3A_1233 = vector.broadcast %broadcast_in_dim3A_1232 : i32 to vector<16xi32>
    %gather3A_1234 = tpu.vector_load_idx %arg15[%broadcast_in_dim3A_1233] : memref<144xf32, #tpu.memory_space<vmem>>[vector<16xi32>], vector<16xf32>,
    %swap3A_1235 = arith.constant 35 : i32
    %swap3A_1236 = arith.index_cast %swap3A_1235 : i32 to index
    %swap3A_1237 = arith.constant 0 : index
    %swap3A_1238 = tpu.vector_load %arg18[%swap3A_1236, %swap3A_1237] {strides = array<i32>} : memref<69x128xf32, #tpu.memory_space<vmem>>, vector<16xf32>,
    tpu.vector_store %arg18[%swap3A_1236, %swap3A_1237], %gather3A_1234 {strides = array<i32>} : memref<69x128xf32, #tpu.memory_space<vmem>>, vector<16xf32>,
    %swap3A_1239 = arith.constant 35 : i32
    %swap3A_1240 = arith.index_cast %swap3A_1239 : i32 to index
    %swap3A_1241 = arith.constant 16 : index
    %swap3A_1242 = tpu.vector_load %arg18[%swap3A_1240, %swap3A_1241] {strides = array<i32>} : memref<69x128xf32, #tpu.memory_space<vmem>>, vector<16xf32>,
    tpu.vector_store %arg18[%swap3A_1240, %swap3A_1241], %gather3A_1234 {strides = array<i32>} : memref<69x128xf32, #tpu.memory_space<vmem>>, vector<16xf32>,
    %swap3A_1243 = arith.constant 35 : i32
    %swap3A_1244 = arith.index_cast %swap3A_1243 : i32 to index
    %swap3A_1245 = arith.constant 32 : index
    %swap3A_1246 = tpu.vector_load %arg18[%swap3A_1244, %swap3A_1245] {strides = array<i32>} : memref<69x128xf32, #tpu.memory_space<vmem>>, vector<16xf32>,
    tpu.vector_store %arg18[%swap3A_1244, %swap3A_1245], %gather3A_1234 {strides = array<i32>} : memref<69x128xf32, #tpu.memory_space<vmem>>, vector<16xf32>,
    %swap3A_1247 = arith.constant 35 : i32
    %swap3A_1248 = arith.index_cast %swap3A_1247 : i32 to index
    %swap3A_1249 = arith.constant 48 : index
    %swap3A_1250 = tpu.vector_load %arg18[%swap3A_1248, %swap3A_1249] {strides = array<i32>} : memref<69x128xf32, #tpu.memory_space<vmem>>, vector<16xf32>,
    tpu.vector_store %arg18[%swap3A_1248, %swap3A_1249], %gather3A_1234 {strides = array<i32>} : memref<69x128xf32, #tpu.memory_space<vmem>>, vector<16xf32>,
    %swap3A_1251 = arith.constant 35 : i32
    %swap3A_1252 = arith.index_cast %swap3A_1251 : i32 to index
    %swap3A_1253 = arith.constant 64 : index
    %swap3A_1254 = tpu.vector_load %arg18[%swap3A_1252, %swap3A_1253] {strides = array<i32>} : memref<69x128xf32, #tpu.memory_space<vmem>>, vector<16xf32>,
    tpu.vector_store %arg18[%swap3A_1252, %swap3A_1253], %gather3A_1234 {strides = array<i32>} : memref<69x128xf32, #tpu.memory_space<vmem>>, vector<16xf32>,
    %swap3A_1255 = arith.constant 35 : i32
    %swap3A_1256 = arith.index_cast %swap3A_1255 : i32 to index
    %swap3A_1257 = arith.constant 80 : index
    %swap3A_1258 = tpu.vector_load %arg18[%swap3A_1256, %swap3A_1257] {strides = array<i32>} : memref<69x128xf32, #tpu.memory_space<vmem>>, vector<16xf32>,
    tpu.vector_store %arg18[%swap3A_1256, %swap3A_1257], %gather3A_1234 {strides = array<i32>} : memref<69x128xf32, #tpu.memory_space<vmem>>, vector<16xf32>,
    %swap3A_1259 = arith.constant 35 : i32
    %swap3A_1260 = arith.index_cast %swap3A_1259 : i32 to index
    %swap3A_1261 = arith.constant 96 : index
    %swap3A_1262 = tpu.vector_load %arg18[%swap3A_1260, %swap3A_1261] {strides = array<i32>} : memref<69x128xf32, #tpu.memory_space<vmem>>, vector<16xf32>,
    tpu.vector_store %arg18[%swap3A_1260, %swap3A_1261], %gather3A_1234 {strides = array<i32>} : memref<69x128xf32, #tpu.memory_space<vmem>>, vector<16xf32>,
    %swap3A_1263 = arith.constant 35 : i32
    %swap3A_1264 = arith.index_cast %swap3A_1263 : i32 to index
    %swap3A_1265 = arith.constant 112 : index
    %swap3A_1266 = tpu.vector_load %arg18[%swap3A_1264, %swap3A_1265] {strides = array<i32>} : memref<69x128xf32, #tpu.memory_space<vmem>>, vector<16xf32>,
    tpu.vector_store %arg18[%swap3A_1264, %swap3A_1265], %gather3A_1234 {strides = array<i32>} : memref<69x128xf32, #tpu.memory_space<vmem>>, vector<16xf32>,
    %broadcast_in_dim3A_1267 = arith.constant 100 : i32
    %broadcast_in_dim3A_1268 = vector.broadcast %broadcast_in_dim3A_1267 : i32 to vector<16xi32>
    %gather3A_1269 = tpu.vector_load_idx %arg15[%broadcast_in_dim3A_1268] : memref<144xf32, #tpu.memory_space<vmem>>[vector<16xi32>], vector<16xf32>,
    %swap3A_1270 = arith.constant 36 : i32
    %swap3A_1271 = arith.index_cast %swap3A_1270 : i32 to index
    %swap3A_1272 = arith.constant 0 : index
    %swap3A_1273 = tpu.vector_load %arg18[%swap3A_1271, %swap3A_1272] {strides = array<i32>} : memref<69x128xf32, #tpu.memory_space<vmem>>, vector<16xf32>,
    tpu.vector_store %arg18[%swap3A_1271, %swap3A_1272], %gather3A_1269 {strides = array<i32>} : memref<69x128xf32, #tpu.memory_space<vmem>>, vector<16xf32>,
    %swap3A_1274 = arith.constant 36 : i32
    %swap3A_1275 = arith.index_cast %swap3A_1274 : i32 to index
    %swap3A_1276 = arith.constant 16 : index
    %swap3A_1277 = tpu.vector_load %arg18[%swap3A_1275, %swap3A_1276] {strides = array<i32>} : memref<69x128xf32, #tpu.memory_space<vmem>>, vector<16xf32>,
    tpu.vector_store %arg18[%swap3A_1275, %swap3A_1276], %gather3A_1269 {strides = array<i32>} : memref<69x128xf32, #tpu.memory_space<vmem>>, vector<16xf32>,
    %swap3A_1278 = arith.constant 36 : i32
    %swap3A_1279 = arith.index_cast %swap3A_1278 : i32 to index
    %swap3A_1280 = arith.constant 32 : index
    %swap3A_1281 = tpu.vector_load %arg18[%swap3A_1279, %swap3A_1280] {strides = array<i32>} : memref<69x128xf32, #tpu.memory_space<vmem>>, vector<16xf32>,
    tpu.vector_store %arg18[%swap3A_1279, %swap3A_1280], %gather3A_1269 {strides = array<i32>} : memref<69x128xf32, #tpu.memory_space<vmem>>, vector<16xf32>,
    %swap3A_1282 = arith.constant 36 : i32
    %swap3A_1283 = arith.index_cast %swap3A_1282 : i32 to index
    %swap3A_1284 = arith.constant 48 : index
    %swap3A_1285 = tpu.vector_load %arg18[%swap3A_1283, %swap3A_1284] {strides = array<i32>} : memref<69x128xf32, #tpu.memory_space<vmem>>, vector<16xf32>,
    tpu.vector_store %arg18[%swap3A_1283, %swap3A_1284], %gather3A_1269 {strides = array<i32>} : memref<69x128xf32, #tpu.memory_space<vmem>>, vector<16xf32>,
    %swap3A_1286 = arith.constant 36 : i32
    %swap3A_1287 = arith.index_cast %swap3A_1286 : i32 to index
    %swap3A_1288 = arith.constant 64 : index
    %swap3A_1289 = tpu.vector_load %arg18[%swap3A_1287, %swap3A_1288] {strides = array<i32>} : memref<69x128xf32, #tpu.memory_space<vmem>>, vector<16xf32>,
    tpu.vector_store %arg18[%swap3A_1287, %swap3A_1288], %gather3A_1269 {strides = array<i32>} : memref<69x128xf32, #tpu.memory_space<vmem>>, vector<16xf32>,
    %swap3A_1290 = arith.constant 36 : i32
    %swap3A_1291 = arith.index_cast %swap3A_1290 : i32 to index
    %swap3A_1292 = arith.constant 80 : index
    %swap3A_1293 = tpu.vector_load %arg18[%swap3A_1291, %swap3A_1292] {strides = array<i32>} : memref<69x128xf32, #tpu.memory_space<vmem>>, vector<16xf32>,
    tpu.vector_store %arg18[%swap3A_1291, %swap3A_1292], %gather3A_1269 {strides = array<i32>} : memref<69x128xf32, #tpu.memory_space<vmem>>, vector<16xf32>,
    %swap3A_1294 = arith.constant 36 : i32
    %swap3A_1295 = arith.index_cast %swap3A_1294 : i32 to index
    %swap3A_1296 = arith.constant 96 : index
    %swap3A_1297 = tpu.vector_load %arg18[%swap3A_1295, %swap3A_1296] {strides = array<i32>} : memref<69x128xf32, #tpu.memory_space<vmem>>, vector<16xf32>,
    tpu.vector_store %arg18[%swap3A_1295, %swap3A_1296], %gather3A_1269 {strides = array<i32>} : memref<69x128xf32, #tpu.memory_space<vmem>>, vector<16xf32>,
    %swap3A_1298 = arith.constant 36 : i32
    %swap3A_1299 = arith.index_cast %swap3A_1298 : i32 to index
    %swap3A_1300 = arith.constant 112 : index
    %swap3A_1301 = tpu.vector_load %arg18[%swap3A_1299, %swap3A_1300] {strides = array<i32>} : memref<69x128xf32, #tpu.memory_space<vmem>>, vector<16xf32>,
    tpu.vector_store %arg18[%swap3A_1299, %swap3A_1300], %gather3A_1269 {strides = array<i32>} : memref<69x128xf32, #tpu.memory_space<vmem>>, vector<16xf32>,
    %broadcast_in_dim3A_1302 = arith.constant 101 : i32
    %broadcast_in_dim3A_1303 = vector.broadcast %broadcast_in_dim3A_1302 : i32 to vector<16xi32>
    %gather3A_1304 = tpu.vector_load_idx %arg15[%broadcast_in_dim3A_1303] : memref<144xf32, #tpu.memory_space<vmem>>[vector<16xi32>], vector<16xf32>,
    %swap3A_1305 = arith.constant 37 : i32
    %swap3A_1306 = arith.index_cast %swap3A_1305 : i32 to index
    %swap3A_1307 = arith.constant 0 : index
    %swap3A_1308 = tpu.vector_load %arg18[%swap3A_1306, %swap3A_1307] {strides = array<i32>} : memref<69x128xf32, #tpu.memory_space<vmem>>, vector<16xf32>,
    tpu.vector_store %arg18[%swap3A_1306, %swap3A_1307], %gather3A_1304 {strides = array<i32>} : memref<69x128xf32, #tpu.memory_space<vmem>>, vector<16xf32>,
    %swap3A_1309 = arith.constant 37 : i32
    %swap3A_1310 = arith.index_cast %swap3A_1309 : i32 to index
    %swap3A_1311 = arith.constant 16 : index
    %swap3A_1312 = tpu.vector_load %arg18[%swap3A_1310, %swap3A_1311] {strides = array<i32>} : memref<69x128xf32, #tpu.memory_space<vmem>>, vector<16xf32>,
    tpu.vector_store %arg18[%swap3A_1310, %swap3A_1311], %gather3A_1304 {strides = array<i32>} : memref<69x128xf32, #tpu.memory_space<vmem>>, vector<16xf32>,
    %swap3A_1313 = arith.constant 37 : i32
    %swap3A_1314 = arith.index_cast %swap3A_1313 : i32 to index
    %swap3A_1315 = arith.constant 32 : index
    %swap3A_1316 = tpu.vector_load %arg18[%swap3A_1314, %swap3A_1315] {strides = array<i32>} : memref<69x128xf32, #tpu.memory_space<vmem>>, vector<16xf32>,
    tpu.vector_store %arg18[%swap3A_1314, %swap3A_1315], %gather3A_1304 {strides = array<i32>} : memref<69x128xf32, #tpu.memory_space<vmem>>, vector<16xf32>,
    %swap3A_1317 = arith.constant 37 : i32
    %swap3A_1318 = arith.index_cast %swap3A_1317 : i32 to index
    %swap3A_1319 = arith.constant 48 : index
    %swap3A_1320 = tpu.vector_load %arg18[%swap3A_1318, %swap3A_1319] {strides = array<i32>} : memref<69x128xf32, #tpu.memory_space<vmem>>, vector<16xf32>,
    tpu.vector_store %arg18[%swap3A_1318, %swap3A_1319], %gather3A_1304 {strides = array<i32>} : memref<69x128xf32, #tpu.memory_space<vmem>>, vector<16xf32>,
    %swap3A_1321 = arith.constant 37 : i32
    %swap3A_1322 = arith.index_cast %swap3A_1321 : i32 to index
    %swap3A_1323 = arith.constant 64 : index
    %swap3A_1324 = tpu.vector_load %arg18[%swap3A_1322, %swap3A_1323] {strides = array<i32>} : memref<69x128xf32, #tpu.memory_space<vmem>>, vector<16xf32>,
    tpu.vector_store %arg18[%swap3A_1322, %swap3A_1323], %gather3A_1304 {strides = array<i32>} : memref<69x128xf32, #tpu.memory_space<vmem>>, vector<16xf32>,
    %swap3A_1325 = arith.constant 37 : i32
    %swap3A_1326 = arith.index_cast %swap3A_1325 : i32 to index
    %swap3A_1327 = arith.constant 80 : index
    %swap3A_1328 = tpu.vector_load %arg18[%swap3A_1326, %swap3A_1327] {strides = array<i32>} : memref<69x128xf32, #tpu.memory_space<vmem>>, vector<16xf32>,
    tpu.vector_store %arg18[%swap3A_1326, %swap3A_1327], %gather3A_1304 {strides = array<i32>} : memref<69x128xf32, #tpu.memory_space<vmem>>, vector<16xf32>,
    %swap3A_1329 = arith.constant 37 : i32
    %swap3A_1330 = arith.index_cast %swap3A_1329 : i32 to index
    %swap3A_1331 = arith.constant 96 : index
    %swap3A_1332 = tpu.vector_load %arg18[%swap3A_1330, %swap3A_1331] {strides = array<i32>} : memref<69x128xf32, #tpu.memory_space<vmem>>, vector<16xf32>,
    tpu.vector_store %arg18[%swap3A_1330, %swap3A_1331], %gather3A_1304 {strides = array<i32>} : memref<69x128xf32, #tpu.memory_space<vmem>>, vector<16xf32>,
    %swap3A_1333 = arith.constant 37 : i32
    %swap3A_1334 = arith.index_cast %swap3A_1333 : i32 to index
    %swap3A_1335 = arith.constant 112 : index
    %swap3A_1336 = tpu.vector_load %arg18[%swap3A_1334, %swap3A_1335] {strides = array<i32>} : memref<69x128xf32, #tpu.memory_space<vmem>>, vector<16xf32>,
    tpu.vector_store %arg18[%swap3A_1334, %swap3A_1335], %gather3A_1304 {strides = array<i32>} : memref<69x128xf32, #tpu.memory_space<vmem>>, vector<16xf32>,
    %broadcast_in_dim3A_1337 = arith.constant 102 : i32
    %broadcast_in_dim3A_1338 = vector.broadcast %broadcast_in_dim3A_1337 : i32 to vector<16xi32>
    %gather3A_1339 = tpu.vector_load_idx %arg15[%broadcast_in_dim3A_1338] : memref<144xf32, #tpu.memory_space<vmem>>[vector<16xi32>], vector<16xf32>,
    %swap3A_1340 = arith.constant 38 : i32
    %swap3A_1341 = arith.index_cast %swap3A_1340 : i32 to index
    %swap3A_1342 = arith.constant 0 : index
    %swap3A_1343 = tpu.vector_load %arg18[%swap3A_1341, %swap3A_1342] {strides = array<i32>} : memref<69x128xf32, #tpu.memory_space<vmem>>, vector<16xf32>,
    tpu.vector_store %arg18[%swap3A_1341, %swap3A_1342], %gather3A_1339 {strides = array<i32>} : memref<69x128xf32, #tpu.memory_space<vmem>>, vector<16xf32>,
    %swap3A_1344 = arith.constant 38 : i32
    %swap3A_1345 = arith.index_cast %swap3A_1344 : i32 to index
    %swap3A_1346 = arith.constant 16 : index
    %swap3A_1347 = tpu.vector_load %arg18[%swap3A_1345, %swap3A_1346] {strides = array<i32>} : memref<69x128xf32, #tpu.memory_space<vmem>>, vector<16xf32>,
    tpu.vector_store %arg18[%swap3A_1345, %swap3A_1346], %gather3A_1339 {strides = array<i32>} : memref<69x128xf32, #tpu.memory_space<vmem>>, vector<16xf32>,
    %swap3A_1348 = arith.constant 38 : i32
    %swap3A_1349 = arith.index_cast %swap3A_1348 : i32 to index
    %swap3A_1350 = arith.constant 32 : index
    %swap3A_1351 = tpu.vector_load %arg18[%swap3A_1349, %swap3A_1350] {strides = array<i32>} : memref<69x128xf32, #tpu.memory_space<vmem>>, vector<16xf32>,
    tpu.vector_store %arg18[%swap3A_1349, %swap3A_1350], %gather3A_1339 {strides = array<i32>} : memref<69x128xf32, #tpu.memory_space<vmem>>, vector<16xf32>,
    %swap3A_1352 = arith.constant 38 : i32
    %swap3A_1353 = arith.index_cast %swap3A_1352 : i32 to index
    %swap3A_1354 = arith.constant 48 : index
    %swap3A_1355 = tpu.vector_load %arg18[%swap3A_1353, %swap3A_1354] {strides = array<i32>} : memref<69x128xf32, #tpu.memory_space<vmem>>, vector<16xf32>,
    tpu.vector_store %arg18[%swap3A_1353, %swap3A_1354], %gather3A_1339 {strides = array<i32>} : memref<69x128xf32, #tpu.memory_space<vmem>>, vector<16xf32>,
    %swap3A_1356 = arith.constant 38 : i32
    %swap3A_1357 = arith.index_cast %swap3A_1356 : i32 to index
    %swap3A_1358 = arith.constant 64 : index
    %swap3A_1359 = tpu.vector_load %arg18[%swap3A_1357, %swap3A_1358] {strides = array<i32>} : memref<69x128xf32, #tpu.memory_space<vmem>>, vector<16xf32>,
    tpu.vector_store %arg18[%swap3A_1357, %swap3A_1358], %gather3A_1339 {strides = array<i32>} : memref<69x128xf32, #tpu.memory_space<vmem>>, vector<16xf32>,
    %swap3A_1360 = arith.constant 38 : i32
    %swap3A_1361 = arith.index_cast %swap3A_1360 : i32 to index
    %swap3A_1362 = arith.constant 80 : index
    %swap3A_1363 = tpu.vector_load %arg18[%swap3A_1361, %swap3A_1362] {strides = array<i32>} : memref<69x128xf32, #tpu.memory_space<vmem>>, vector<16xf32>,
    tpu.vector_store %arg18[%swap3A_1361, %swap3A_1362], %gather3A_1339 {strides = array<i32>} : memref<69x128xf32, #tpu.memory_space<vmem>>, vector<16xf32>,
    %swap3A_1364 = arith.constant 38 : i32
    %swap3A_1365 = arith.index_cast %swap3A_1364 : i32 to index
    %swap3A_1366 = arith.constant 96 : index
    %swap3A_1367 = tpu.vector_load %arg18[%swap3A_1365, %swap3A_1366] {strides = array<i32>} : memref<69x128xf32, #tpu.memory_space<vmem>>, vector<16xf32>,
    tpu.vector_store %arg18[%swap3A_1365, %swap3A_1366], %gather3A_1339 {strides = array<i32>} : memref<69x128xf32, #tpu.memory_space<vmem>>, vector<16xf32>,
    %swap3A_1368 = arith.constant 38 : i32
    %swap3A_1369 = arith.index_cast %swap3A_1368 : i32 to index
    %swap3A_1370 = arith.constant 112 : index
    %swap3A_1371 = tpu.vector_load %arg18[%swap3A_1369, %swap3A_1370] {strides = array<i32>} : memref<69x128xf32, #tpu.memory_space<vmem>>, vector<16xf32>,
    tpu.vector_store %arg18[%swap3A_1369, %swap3A_1370], %gather3A_1339 {strides = array<i32>} : memref<69x128xf32, #tpu.memory_space<vmem>>, vector<16xf32>,
    %broadcast_in_dim3A_1372 = arith.constant 103 : i32
    %broadcast_in_dim3A_1373 = vector.broadcast %broadcast_in_dim3A_1372 : i32 to vector<16xi32>
    %gather3A_1374 = tpu.vector_load_idx %arg15[%broadcast_in_dim3A_1373] : memref<144xf32, #tpu.memory_space<vmem>>[vector<16xi32>], vector<16xf32>,
    %swap3A_1375 = arith.constant 39 : i32
    %swap3A_1376 = arith.index_cast %swap3A_1375 : i32 to index
    %swap3A_1377 = arith.constant 0 : index
    %swap3A_1378 = tpu.vector_load %arg18[%swap3A_1376, %swap3A_1377] {strides = array<i32>} : memref<69x128xf32, #tpu.memory_space<vmem>>, vector<16xf32>,
    tpu.vector_store %arg18[%swap3A_1376, %swap3A_1377], %gather3A_1374 {strides = array<i32>} : memref<69x128xf32, #tpu.memory_space<vmem>>, vector<16xf32>,
    %swap3A_1379 = arith.constant 39 : i32
    %swap3A_1380 = arith.index_cast %swap3A_1379 : i32 to index
    %swap3A_1381 = arith.constant 16 : index
    %swap3A_1382 = tpu.vector_load %arg18[%swap3A_1380, %swap3A_1381] {strides = array<i32>} : memref<69x128xf32, #tpu.memory_space<vmem>>, vector<16xf32>,
    tpu.vector_store %arg18[%swap3A_1380, %swap3A_1381], %gather3A_1374 {strides = array<i32>} : memref<69x128xf32, #tpu.memory_space<vmem>>, vector<16xf32>,
    %swap3A_1383 = arith.constant 39 : i32
    %swap3A_1384 = arith.index_cast %swap3A_1383 : i32 to index
    %swap3A_1385 = arith.constant 32 : index
    %swap3A_1386 = tpu.vector_load %arg18[%swap3A_1384, %swap3A_1385] {strides = array<i32>} : memref<69x128xf32, #tpu.memory_space<vmem>>, vector<16xf32>,
    tpu.vector_store %arg18[%swap3A_1384, %swap3A_1385], %gather3A_1374 {strides = array<i32>} : memref<69x128xf32, #tpu.memory_space<vmem>>, vector<16xf32>,
    %swap3A_1387 = arith.constant 39 : i32
    %swap3A_1388 = arith.index_cast %swap3A_1387 : i32 to index
    %swap3A_1389 = arith.constant 48 : index
    %swap3A_1390 = tpu.vector_load %arg18[%swap3A_1388, %swap3A_1389] {strides = array<i32>} : memref<69x128xf32, #tpu.memory_space<vmem>>, vector<16xf32>,
    tpu.vector_store %arg18[%swap3A_1388, %swap3A_1389], %gather3A_1374 {strides = array<i32>} : memref<69x128xf32, #tpu.memory_space<vmem>>, vector<16xf32>,
    %swap3A_1391 = arith.constant 39 : i32
    %swap3A_1392 = arith.index_cast %swap3A_1391 : i32 to index
    %swap3A_1393 = arith.constant 64 : index
    %swap3A_1394 = tpu.vector_load %arg18[%swap3A_1392, %swap3A_1393] {strides = array<i32>} : memref<69x128xf32, #tpu.memory_space<vmem>>, vector<16xf32>,
    tpu.vector_store %arg18[%swap3A_1392, %swap3A_1393], %gather3A_1374 {strides = array<i32>} : memref<69x128xf32, #tpu.memory_space<vmem>>, vector<16xf32>,
    %swap3A_1395 = arith.constant 39 : i32
    %swap3A_1396 = arith.index_cast %swap3A_1395 : i32 to index
    %swap3A_1397 = arith.constant 80 : index
    %swap3A_1398 = tpu.vector_load %arg18[%swap3A_1396, %swap3A_1397] {strides = array<i32>} : memref<69x128xf32, #tpu.memory_space<vmem>>, vector<16xf32>,
    tpu.vector_store %arg18[%swap3A_1396, %swap3A_1397], %gather3A_1374 {strides = array<i32>} : memref<69x128xf32, #tpu.memory_space<vmem>>, vector<16xf32>,
    %swap3A_1399 = arith.constant 39 : i32
    %swap3A_1400 = arith.index_cast %swap3A_1399 : i32 to index
    %swap3A_1401 = arith.constant 96 : index
    %swap3A_1402 = tpu.vector_load %arg18[%swap3A_1400, %swap3A_1401] {strides = array<i32>} : memref<69x128xf32, #tpu.memory_space<vmem>>, vector<16xf32>,
    tpu.vector_store %arg18[%swap3A_1400, %swap3A_1401], %gather3A_1374 {strides = array<i32>} : memref<69x128xf32, #tpu.memory_space<vmem>>, vector<16xf32>,
    %swap3A_1403 = arith.constant 39 : i32
    %swap3A_1404 = arith.index_cast %swap3A_1403 : i32 to index
    %swap3A_1405 = arith.constant 112 : index
    %swap3A_1406 = tpu.vector_load %arg18[%swap3A_1404, %swap3A_1405] {strides = array<i32>} : memref<69x128xf32, #tpu.memory_space<vmem>>, vector<16xf32>,
    tpu.vector_store %arg18[%swap3A_1404, %swap3A_1405], %gather3A_1374 {strides = array<i32>} : memref<69x128xf32, #tpu.memory_space<vmem>>, vector<16xf32>,
    %broadcast_in_dim3A_1407 = arith.constant 104 : i32
    %broadcast_in_dim3A_1408 = vector.broadcast %broadcast_in_dim3A_1407 : i32 to vector<16xi32>
    %gather3A_1409 = tpu.vector_load_idx %arg15[%broadcast_in_dim3A_1408] : memref<144xf32, #tpu.memory_space<vmem>>[vector<16xi32>], vector<16xf32>,
    %swap3A_1410 = arith.constant 40 : i32
    %swap3A_1411 = arith.index_cast %swap3A_1410 : i32 to index
    %swap3A_1412 = arith.constant 0 : index
    %swap3A_1413 = tpu.vector_load %arg18[%swap3A_1411, %swap3A_1412] {strides = array<i32>} : memref<69x128xf32, #tpu.memory_space<vmem>>, vector<16xf32>,
    tpu.vector_store %arg18[%swap3A_1411, %swap3A_1412], %gather3A_1409 {strides = array<i32>} : memref<69x128xf32, #tpu.memory_space<vmem>>, vector<16xf32>,
    %swap3A_1414 = arith.constant 40 : i32
    %swap3A_1415 = arith.index_cast %swap3A_1414 : i32 to index
    %swap3A_1416 = arith.constant 16 : index
    %swap3A_1417 = tpu.vector_load %arg18[%swap3A_1415, %swap3A_1416] {strides = array<i32>} : memref<69x128xf32, #tpu.memory_space<vmem>>, vector<16xf32>,
    tpu.vector_store %arg18[%swap3A_1415, %swap3A_1416], %gather3A_1409 {strides = array<i32>} : memref<69x128xf32, #tpu.memory_space<vmem>>, vector<16xf32>,
    %swap3A_1418 = arith.constant 40 : i32
    %swap3A_1419 = arith.index_cast %swap3A_1418 : i32 to index
    %swap3A_1420 = arith.constant 32 : index
    %swap3A_1421 = tpu.vector_load %arg18[%swap3A_1419, %swap3A_1420] {strides = array<i32>} : memref<69x128xf32, #tpu.memory_space<vmem>>, vector<16xf32>,
    tpu.vector_store %arg18[%swap3A_1419, %swap3A_1420], %gather3A_1409 {strides = array<i32>} : memref<69x128xf32, #tpu.memory_space<vmem>>, vector<16xf32>,
    %swap3A_1422 = arith.constant 40 : i32
    %swap3A_1423 = arith.index_cast %swap3A_1422 : i32 to index
    %swap3A_1424 = arith.constant 48 : index
    %swap3A_1425 = tpu.vector_load %arg18[%swap3A_1423, %swap3A_1424] {strides = array<i32>} : memref<69x128xf32, #tpu.memory_space<vmem>>, vector<16xf32>,
    tpu.vector_store %arg18[%swap3A_1423, %swap3A_1424], %gather3A_1409 {strides = array<i32>} : memref<69x128xf32, #tpu.memory_space<vmem>>, vector<16xf32>,
    %swap3A_1426 = arith.constant 40 : i32
    %swap3A_1427 = arith.index_cast %swap3A_1426 : i32 to index
    %swap3A_1428 = arith.constant 64 : index
    %swap3A_1429 = tpu.vector_load %arg18[%swap3A_1427, %swap3A_1428] {strides = array<i32>} : memref<69x128xf32, #tpu.memory_space<vmem>>, vector<16xf32>,
    tpu.vector_store %arg18[%swap3A_1427, %swap3A_1428], %gather3A_1409 {strides = array<i32>} : memref<69x128xf32, #tpu.memory_space<vmem>>, vector<16xf32>,
    %swap3A_1430 = arith.constant 40 : i32
    %swap3A_1431 = arith.index_cast %swap3A_1430 : i32 to index
    %swap3A_1432 = arith.constant 80 : index
    %swap3A_1433 = tpu.vector_load %arg18[%swap3A_1431, %swap3A_1432] {strides = array<i32>} : memref<69x128xf32, #tpu.memory_space<vmem>>, vector<16xf32>,
    tpu.vector_store %arg18[%swap3A_1431, %swap3A_1432], %gather3A_1409 {strides = array<i32>} : memref<69x128xf32, #tpu.memory_space<vmem>>, vector<16xf32>,
    %swap3A_1434 = arith.constant 40 : i32
    %swap3A_1435 = arith.index_cast %swap3A_1434 : i32 to index
    %swap3A_1436 = arith.constant 96 : index
    %swap3A_1437 = tpu.vector_load %arg18[%swap3A_1435, %swap3A_1436] {strides = array<i32>} : memref<69x128xf32, #tpu.memory_space<vmem>>, vector<16xf32>,
    tpu.vector_store %arg18[%swap3A_1435, %swap3A_1436], %gather3A_1409 {strides = array<i32>} : memref<69x128xf32, #tpu.memory_space<vmem>>, vector<16xf32>,
    %swap3A_1438 = arith.constant 40 : i32
    %swap3A_1439 = arith.index_cast %swap3A_1438 : i32 to index
    %swap3A_1440 = arith.constant 112 : index
    %swap3A_1441 = tpu.vector_load %arg18[%swap3A_1439, %swap3A_1440] {strides = array<i32>} : memref<69x128xf32, #tpu.memory_space<vmem>>, vector<16xf32>,
    tpu.vector_store %arg18[%swap3A_1439, %swap3A_1440], %gather3A_1409 {strides = array<i32>} : memref<69x128xf32, #tpu.memory_space<vmem>>, vector<16xf32>,
    %broadcast_in_dim3A_1442 = arith.constant 105 : i32
    %broadcast_in_dim3A_1443 = vector.broadcast %broadcast_in_dim3A_1442 : i32 to vector<16xi32>
    %gather3A_1444 = tpu.vector_load_idx %arg15[%broadcast_in_dim3A_1443] : memref<144xf32, #tpu.memory_space<vmem>>[vector<16xi32>], vector<16xf32>,
    %swap3A_1445 = arith.constant 41 : i32
    %swap3A_1446 = arith.index_cast %swap3A_1445 : i32 to index
    %swap3A_1447 = arith.constant 0 : index
    %swap3A_1448 = tpu.vector_load %arg18[%swap3A_1446, %swap3A_1447] {strides = array<i32>} : memref<69x128xf32, #tpu.memory_space<vmem>>, vector<16xf32>,
    tpu.vector_store %arg18[%swap3A_1446, %swap3A_1447], %gather3A_1444 {strides = array<i32>} : memref<69x128xf32, #tpu.memory_space<vmem>>, vector<16xf32>,
    %swap3A_1449 = arith.constant 41 : i32
    %swap3A_1450 = arith.index_cast %swap3A_1449 : i32 to index
    %swap3A_1451 = arith.constant 16 : index
    %swap3A_1452 = tpu.vector_load %arg18[%swap3A_1450, %swap3A_1451] {strides = array<i32>} : memref<69x128xf32, #tpu.memory_space<vmem>>, vector<16xf32>,
    tpu.vector_store %arg18[%swap3A_1450, %swap3A_1451], %gather3A_1444 {strides = array<i32>} : memref<69x128xf32, #tpu.memory_space<vmem>>, vector<16xf32>,
    %swap3A_1453 = arith.constant 41 : i32
    %swap3A_1454 = arith.index_cast %swap3A_1453 : i32 to index
    %swap3A_1455 = arith.constant 32 : index
    %swap3A_1456 = tpu.vector_load %arg18[%swap3A_1454, %swap3A_1455] {strides = array<i32>} : memref<69x128xf32, #tpu.memory_space<vmem>>, vector<16xf32>,
    tpu.vector_store %arg18[%swap3A_1454, %swap3A_1455], %gather3A_1444 {strides = array<i32>} : memref<69x128xf32, #tpu.memory_space<vmem>>, vector<16xf32>,
    %swap3A_1457 = arith.constant 41 : i32
    %swap3A_1458 = arith.index_cast %swap3A_1457 : i32 to index
    %swap3A_1459 = arith.constant 48 : index
    %swap3A_1460 = tpu.vector_load %arg18[%swap3A_1458, %swap3A_1459] {strides = array<i32>} : memref<69x128xf32, #tpu.memory_space<vmem>>, vector<16xf32>,
    tpu.vector_store %arg18[%swap3A_1458, %swap3A_1459], %gather3A_1444 {strides = array<i32>} : memref<69x128xf32, #tpu.memory_space<vmem>>, vector<16xf32>,
    %swap3A_1461 = arith.constant 41 : i32
    %swap3A_1462 = arith.index_cast %swap3A_1461 : i32 to index
    %swap3A_1463 = arith.constant 64 : index
    %swap3A_1464 = tpu.vector_load %arg18[%swap3A_1462, %swap3A_1463] {strides = array<i32>} : memref<69x128xf32, #tpu.memory_space<vmem>>, vector<16xf32>,
    tpu.vector_store %arg18[%swap3A_1462, %swap3A_1463], %gather3A_1444 {strides = array<i32>} : memref<69x128xf32, #tpu.memory_space<vmem>>, vector<16xf32>,
    %swap3A_1465 = arith.constant 41 : i32
    %swap3A_1466 = arith.index_cast %swap3A_1465 : i32 to index
    %swap3A_1467 = arith.constant 80 : index
    %swap3A_1468 = tpu.vector_load %arg18[%swap3A_1466, %swap3A_1467] {strides = array<i32>} : memref<69x128xf32, #tpu.memory_space<vmem>>, vector<16xf32>,
    tpu.vector_store %arg18[%swap3A_1466, %swap3A_1467], %gather3A_1444 {strides = array<i32>} : memref<69x128xf32, #tpu.memory_space<vmem>>, vector<16xf32>,
    %swap3A_1469 = arith.constant 41 : i32
    %swap3A_1470 = arith.index_cast %swap3A_1469 : i32 to index
    %swap3A_1471 = arith.constant 96 : index
    %swap3A_1472 = tpu.vector_load %arg18[%swap3A_1470, %swap3A_1471] {strides = array<i32>} : memref<69x128xf32, #tpu.memory_space<vmem>>, vector<16xf32>,
    tpu.vector_store %arg18[%swap3A_1470, %swap3A_1471], %gather3A_1444 {strides = array<i32>} : memref<69x128xf32, #tpu.memory_space<vmem>>, vector<16xf32>,
    %swap3A_1473 = arith.constant 41 : i32
    %swap3A_1474 = arith.index_cast %swap3A_1473 : i32 to index
    %swap3A_1475 = arith.constant 112 : index
    %swap3A_1476 = tpu.vector_load %arg18[%swap3A_1474, %swap3A_1475] {strides = array<i32>} : memref<69x128xf32, #tpu.memory_space<vmem>>, vector<16xf32>,
    tpu.vector_store %arg18[%swap3A_1474, %swap3A_1475], %gather3A_1444 {strides = array<i32>} : memref<69x128xf32, #tpu.memory_space<vmem>>, vector<16xf32>,
    %broadcast_in_dim3A_1477 = arith.constant 106 : i32
    %broadcast_in_dim3A_1478 = vector.broadcast %broadcast_in_dim3A_1477 : i32 to vector<16xi32>
    %gather3A_1479 = tpu.vector_load_idx %arg15[%broadcast_in_dim3A_1478] : memref<144xf32, #tpu.memory_space<vmem>>[vector<16xi32>], vector<16xf32>,
    %swap3A_1480 = arith.constant 42 : i32
    %swap3A_1481 = arith.index_cast %swap3A_1480 : i32 to index
    %swap3A_1482 = arith.constant 0 : index
    %swap3A_1483 = tpu.vector_load %arg18[%swap3A_1481, %swap3A_1482] {strides = array<i32>} : memref<69x128xf32, #tpu.memory_space<vmem>>, vector<16xf32>,
    tpu.vector_store %arg18[%swap3A_1481, %swap3A_1482], %gather3A_1479 {strides = array<i32>} : memref<69x128xf32, #tpu.memory_space<vmem>>, vector<16xf32>,
    %swap3A_1484 = arith.constant 42 : i32
    %swap3A_1485 = arith.index_cast %swap3A_1484 : i32 to index
    %swap3A_1486 = arith.constant 16 : index
    %swap3A_1487 = tpu.vector_load %arg18[%swap3A_1485, %swap3A_1486] {strides = array<i32>} : memref<69x128xf32, #tpu.memory_space<vmem>>, vector<16xf32>,
    tpu.vector_store %arg18[%swap3A_1485, %swap3A_1486], %gather3A_1479 {strides = array<i32>} : memref<69x128xf32, #tpu.memory_space<vmem>>, vector<16xf32>,
    %swap3A_1488 = arith.constant 42 : i32
    %swap3A_1489 = arith.index_cast %swap3A_1488 : i32 to index
    %swap3A_1490 = arith.constant 32 : index
    %swap3A_1491 = tpu.vector_load %arg18[%swap3A_1489, %swap3A_1490] {strides = array<i32>} : memref<69x128xf32, #tpu.memory_space<vmem>>, vector<16xf32>,
    tpu.vector_store %arg18[%swap3A_1489, %swap3A_1490], %gather3A_1479 {strides = array<i32>} : memref<69x128xf32, #tpu.memory_space<vmem>>, vector<16xf32>,
    %swap3A_1492 = arith.constant 42 : i32
    %swap3A_1493 = arith.index_cast %swap3A_1492 : i32 to index
    %swap3A_1494 = arith.constant 48 : index
    %swap3A_1495 = tpu.vector_load %arg18[%swap3A_1493, %swap3A_1494] {strides = array<i32>} : memref<69x128xf32, #tpu.memory_space<vmem>>, vector<16xf32>,
    tpu.vector_store %arg18[%swap3A_1493, %swap3A_1494], %gather3A_1479 {strides = array<i32>} : memref<69x128xf32, #tpu.memory_space<vmem>>, vector<16xf32>,
    %swap3A_1496 = arith.constant 42 : i32
    %swap3A_1497 = arith.index_cast %swap3A_1496 : i32 to index
    %swap3A_1498 = arith.constant 64 : index
    %swap3A_1499 = tpu.vector_load %arg18[%swap3A_1497, %swap3A_1498] {strides = array<i32>} : memref<69x128xf32, #tpu.memory_space<vmem>>, vector<16xf32>,
    tpu.vector_store %arg18[%swap3A_1497, %swap3A_1498], %gather3A_1479 {strides = array<i32>} : memref<69x128xf32, #tpu.memory_space<vmem>>, vector<16xf32>,
    %swap3A_1500 = arith.constant 42 : i32
    %swap3A_1501 = arith.index_cast %swap3A_1500 : i32 to index
    %swap3A_1502 = arith.constant 80 : index
    %swap3A_1503 = tpu.vector_load %arg18[%swap3A_1501, %swap3A_1502] {strides = array<i32>} : memref<69x128xf32, #tpu.memory_space<vmem>>, vector<16xf32>,
    tpu.vector_store %arg18[%swap3A_1501, %swap3A_1502], %gather3A_1479 {strides = array<i32>} : memref<69x128xf32, #tpu.memory_space<vmem>>, vector<16xf32>,
    %swap3A_1504 = arith.constant 42 : i32
    %swap3A_1505 = arith.index_cast %swap3A_1504 : i32 to index
    %swap3A_1506 = arith.constant 96 : index
    %swap3A_1507 = tpu.vector_load %arg18[%swap3A_1505, %swap3A_1506] {strides = array<i32>} : memref<69x128xf32, #tpu.memory_space<vmem>>, vector<16xf32>,
    tpu.vector_store %arg18[%swap3A_1505, %swap3A_1506], %gather3A_1479 {strides = array<i32>} : memref<69x128xf32, #tpu.memory_space<vmem>>, vector<16xf32>,
    %swap3A_1508 = arith.constant 42 : i32
    %swap3A_1509 = arith.index_cast %swap3A_1508 : i32 to index
    %swap3A_1510 = arith.constant 112 : index
    %swap3A_1511 = tpu.vector_load %arg18[%swap3A_1509, %swap3A_1510] {strides = array<i32>} : memref<69x128xf32, #tpu.memory_space<vmem>>, vector<16xf32>,
    tpu.vector_store %arg18[%swap3A_1509, %swap3A_1510], %gather3A_1479 {strides = array<i32>} : memref<69x128xf32, #tpu.memory_space<vmem>>, vector<16xf32>,
    %broadcast_in_dim3A_1512 = arith.constant 107 : i32
    %broadcast_in_dim3A_1513 = vector.broadcast %broadcast_in_dim3A_1512 : i32 to vector<16xi32>
    %gather3A_1514 = tpu.vector_load_idx %arg15[%broadcast_in_dim3A_1513] : memref<144xf32, #tpu.memory_space<vmem>>[vector<16xi32>], vector<16xf32>,
    %swap3A_1515 = arith.constant 43 : i32
    %swap3A_1516 = arith.index_cast %swap3A_1515 : i32 to index
    %swap3A_1517 = arith.constant 0 : index
    %swap3A_1518 = tpu.vector_load %arg18[%swap3A_1516, %swap3A_1517] {strides = array<i32>} : memref<69x128xf32, #tpu.memory_space<vmem>>, vector<16xf32>,
    tpu.vector_store %arg18[%swap3A_1516, %swap3A_1517], %gather3A_1514 {strides = array<i32>} : memref<69x128xf32, #tpu.memory_space<vmem>>, vector<16xf32>,
    %swap3A_1519 = arith.constant 43 : i32
    %swap3A_1520 = arith.index_cast %swap3A_1519 : i32 to index
    %swap3A_1521 = arith.constant 16 : index
    %swap3A_1522 = tpu.vector_load %arg18[%swap3A_1520, %swap3A_1521] {strides = array<i32>} : memref<69x128xf32, #tpu.memory_space<vmem>>, vector<16xf32>,
    tpu.vector_store %arg18[%swap3A_1520, %swap3A_1521], %gather3A_1514 {strides = array<i32>} : memref<69x128xf32, #tpu.memory_space<vmem>>, vector<16xf32>,
    %swap3A_1523 = arith.constant 43 : i32
    %swap3A_1524 = arith.index_cast %swap3A_1523 : i32 to index
    %swap3A_1525 = arith.constant 32 : index
    %swap3A_1526 = tpu.vector_load %arg18[%swap3A_1524, %swap3A_1525] {strides = array<i32>} : memref<69x128xf32, #tpu.memory_space<vmem>>, vector<16xf32>,
    tpu.vector_store %arg18[%swap3A_1524, %swap3A_1525], %gather3A_1514 {strides = array<i32>} : memref<69x128xf32, #tpu.memory_space<vmem>>, vector<16xf32>,
    %swap3A_1527 = arith.constant 43 : i32
    %swap3A_1528 = arith.index_cast %swap3A_1527 : i32 to index
    %swap3A_1529 = arith.constant 48 : index
    %swap3A_1530 = tpu.vector_load %arg18[%swap3A_1528, %swap3A_1529] {strides = array<i32>} : memref<69x128xf32, #tpu.memory_space<vmem>>, vector<16xf32>,
    tpu.vector_store %arg18[%swap3A_1528, %swap3A_1529], %gather3A_1514 {strides = array<i32>} : memref<69x128xf32, #tpu.memory_space<vmem>>, vector<16xf32>,
    %swap3A_1531 = arith.constant 43 : i32
    %swap3A_1532 = arith.index_cast %swap3A_1531 : i32 to index
    %swap3A_1533 = arith.constant 64 : index
    %swap3A_1534 = tpu.vector_load %arg18[%swap3A_1532, %swap3A_1533] {strides = array<i32>} : memref<69x128xf32, #tpu.memory_space<vmem>>, vector<16xf32>,
    tpu.vector_store %arg18[%swap3A_1532, %swap3A_1533], %gather3A_1514 {strides = array<i32>} : memref<69x128xf32, #tpu.memory_space<vmem>>, vector<16xf32>,
    %swap3A_1535 = arith.constant 43 : i32
    %swap3A_1536 = arith.index_cast %swap3A_1535 : i32 to index
    %swap3A_1537 = arith.constant 80 : index
    %swap3A_1538 = tpu.vector_load %arg18[%swap3A_1536, %swap3A_1537] {strides = array<i32>} : memref<69x128xf32, #tpu.memory_space<vmem>>, vector<16xf32>,
    tpu.vector_store %arg18[%swap3A_1536, %swap3A_1537], %gather3A_1514 {strides = array<i32>} : memref<69x128xf32, #tpu.memory_space<vmem>>, vector<16xf32>,
    %swap3A_1539 = arith.constant 43 : i32
    %swap3A_1540 = arith.index_cast %swap3A_1539 : i32 to index
    %swap3A_1541 = arith.constant 96 : index
    %swap3A_1542 = tpu.vector_load %arg18[%swap3A_1540, %swap3A_1541] {strides = array<i32>} : memref<69x128xf32, #tpu.memory_space<vmem>>, vector<16xf32>,
    tpu.vector_store %arg18[%swap3A_1540, %swap3A_1541], %gather3A_1514 {strides = array<i32>} : memref<69x128xf32, #tpu.memory_space<vmem>>, vector<16xf32>,
    %swap3A_1543 = arith.constant 43 : i32
    %swap3A_1544 = arith.index_cast %swap3A_1543 : i32 to index
    %swap3A_1545 = arith.constant 112 : index
    %swap3A_1546 = tpu.vector_load %arg18[%swap3A_1544, %swap3A_1545] {strides = array<i32>} : memref<69x128xf32, #tpu.memory_space<vmem>>, vector<16xf32>,
    tpu.vector_store %arg18[%swap3A_1544, %swap3A_1545], %gather3A_1514 {strides = array<i32>} : memref<69x128xf32, #tpu.memory_space<vmem>>, vector<16xf32>,
    %broadcast_in_dim3A_1547 = arith.constant 108 : i32
    %broadcast_in_dim3A_1548 = vector.broadcast %broadcast_in_dim3A_1547 : i32 to vector<16xi32>
    %gather3A_1549 = tpu.vector_load_idx %arg15[%broadcast_in_dim3A_1548] : memref<144xf32, #tpu.memory_space<vmem>>[vector<16xi32>], vector<16xf32>,
    %swap3A_1550 = arith.constant 44 : i32
    %swap3A_1551 = arith.index_cast %swap3A_1550 : i32 to index
    %swap3A_1552 = arith.constant 0 : index
    %swap3A_1553 = tpu.vector_load %arg18[%swap3A_1551, %swap3A_1552] {strides = array<i32>} : memref<69x128xf32, #tpu.memory_space<vmem>>, vector<16xf32>,
    tpu.vector_store %arg18[%swap3A_1551, %swap3A_1552], %gather3A_1549 {strides = array<i32>} : memref<69x128xf32, #tpu.memory_space<vmem>>, vector<16xf32>,
    %swap3A_1554 = arith.constant 44 : i32
    %swap3A_1555 = arith.index_cast %swap3A_1554 : i32 to index
    %swap3A_1556 = arith.constant 16 : index
    %swap3A_1557 = tpu.vector_load %arg18[%swap3A_1555, %swap3A_1556] {strides = array<i32>} : memref<69x128xf32, #tpu.memory_space<vmem>>, vector<16xf32>,
    tpu.vector_store %arg18[%swap3A_1555, %swap3A_1556], %gather3A_1549 {strides = array<i32>} : memref<69x128xf32, #tpu.memory_space<vmem>>, vector<16xf32>,
    %swap3A_1558 = arith.constant 44 : i32
    %swap3A_1559 = arith.index_cast %swap3A_1558 : i32 to index
    %swap3A_1560 = arith.constant 32 : index
    %swap3A_1561 = tpu.vector_load %arg18[%swap3A_1559, %swap3A_1560] {strides = array<i32>} : memref<69x128xf32, #tpu.memory_space<vmem>>, vector<16xf32>,
    tpu.vector_store %arg18[%swap3A_1559, %swap3A_1560], %gather3A_1549 {strides = array<i32>} : memref<69x128xf32, #tpu.memory_space<vmem>>, vector<16xf32>,
    %swap3A_1562 = arith.constant 44 : i32
    %swap3A_1563 = arith.index_cast %swap3A_1562 : i32 to index
    %swap3A_1564 = arith.constant 48 : index
    %swap3A_1565 = tpu.vector_load %arg18[%swap3A_1563, %swap3A_1564] {strides = array<i32>} : memref<69x128xf32, #tpu.memory_space<vmem>>, vector<16xf32>,
    tpu.vector_store %arg18[%swap3A_1563, %swap3A_1564], %gather3A_1549 {strides = array<i32>} : memref<69x128xf32, #tpu.memory_space<vmem>>, vector<16xf32>,
    %swap3A_1566 = arith.constant 44 : i32
    %swap3A_1567 = arith.index_cast %swap3A_1566 : i32 to index
    %swap3A_1568 = arith.constant 64 : index
    %swap3A_1569 = tpu.vector_load %arg18[%swap3A_1567, %swap3A_1568] {strides = array<i32>} : memref<69x128xf32, #tpu.memory_space<vmem>>, vector<16xf32>,
    tpu.vector_store %arg18[%swap3A_1567, %swap3A_1568], %gather3A_1549 {strides = array<i32>} : memref<69x128xf32, #tpu.memory_space<vmem>>, vector<16xf32>,
    %swap3A_1570 = arith.constant 44 : i32
    %swap3A_1571 = arith.index_cast %swap3A_1570 : i32 to index
    %swap3A_1572 = arith.constant 80 : index
    %swap3A_1573 = tpu.vector_load %arg18[%swap3A_1571, %swap3A_1572] {strides = array<i32>} : memref<69x128xf32, #tpu.memory_space<vmem>>, vector<16xf32>,
    tpu.vector_store %arg18[%swap3A_1571, %swap3A_1572], %gather3A_1549 {strides = array<i32>} : memref<69x128xf32, #tpu.memory_space<vmem>>, vector<16xf32>,
    %swap3A_1574 = arith.constant 44 : i32
    %swap3A_1575 = arith.index_cast %swap3A_1574 : i32 to index
    %swap3A_1576 = arith.constant 96 : index
    %swap3A_1577 = tpu.vector_load %arg18[%swap3A_1575, %swap3A_1576] {strides = array<i32>} : memref<69x128xf32, #tpu.memory_space<vmem>>, vector<16xf32>,
    tpu.vector_store %arg18[%swap3A_1575, %swap3A_1576], %gather3A_1549 {strides = array<i32>} : memref<69x128xf32, #tpu.memory_space<vmem>>, vector<16xf32>,
    %swap3A_1578 = arith.constant 44 : i32
    %swap3A_1579 = arith.index_cast %swap3A_1578 : i32 to index
    %swap3A_1580 = arith.constant 112 : index
    %swap3A_1581 = tpu.vector_load %arg18[%swap3A_1579, %swap3A_1580] {strides = array<i32>} : memref<69x128xf32, #tpu.memory_space<vmem>>, vector<16xf32>,
    tpu.vector_store %arg18[%swap3A_1579, %swap3A_1580], %gather3A_1549 {strides = array<i32>} : memref<69x128xf32, #tpu.memory_space<vmem>>, vector<16xf32>,
    %broadcast_in_dim3A_1582 = arith.constant 109 : i32
    %broadcast_in_dim3A_1583 = vector.broadcast %broadcast_in_dim3A_1582 : i32 to vector<16xi32>
    %gather3A_1584 = tpu.vector_load_idx %arg15[%broadcast_in_dim3A_1583] : memref<144xf32, #tpu.memory_space<vmem>>[vector<16xi32>], vector<16xf32>,
    %swap3A_1585 = arith.constant 45 : i32
    %swap3A_1586 = arith.index_cast %swap3A_1585 : i32 to index
    %swap3A_1587 = arith.constant 0 : index
    %swap3A_1588 = tpu.vector_load %arg18[%swap3A_1586, %swap3A_1587] {strides = array<i32>} : memref<69x128xf32, #tpu.memory_space<vmem>>, vector<16xf32>,
    tpu.vector_store %arg18[%swap3A_1586, %swap3A_1587], %gather3A_1584 {strides = array<i32>} : memref<69x128xf32, #tpu.memory_space<vmem>>, vector<16xf32>,
    %swap3A_1589 = arith.constant 45 : i32
    %swap3A_1590 = arith.index_cast %swap3A_1589 : i32 to index
    %swap3A_1591 = arith.constant 16 : index
    %swap3A_1592 = tpu.vector_load %arg18[%swap3A_1590, %swap3A_1591] {strides = array<i32>} : memref<69x128xf32, #tpu.memory_space<vmem>>, vector<16xf32>,
    tpu.vector_store %arg18[%swap3A_1590, %swap3A_1591], %gather3A_1584 {strides = array<i32>} : memref<69x128xf32, #tpu.memory_space<vmem>>, vector<16xf32>,
    %swap3A_1593 = arith.constant 45 : i32
    %swap3A_1594 = arith.index_cast %swap3A_1593 : i32 to index
    %swap3A_1595 = arith.constant 32 : index
    %swap3A_1596 = tpu.vector_load %arg18[%swap3A_1594, %swap3A_1595] {strides = array<i32>} : memref<69x128xf32, #tpu.memory_space<vmem>>, vector<16xf32>,
    tpu.vector_store %arg18[%swap3A_1594, %swap3A_1595], %gather3A_1584 {strides = array<i32>} : memref<69x128xf32, #tpu.memory_space<vmem>>, vector<16xf32>,
    %swap3A_1597 = arith.constant 45 : i32
    %swap3A_1598 = arith.index_cast %swap3A_1597 : i32 to index
    %swap3A_1599 = arith.constant 48 : index
    %swap3A_1600 = tpu.vector_load %arg18[%swap3A_1598, %swap3A_1599] {strides = array<i32>} : memref<69x128xf32, #tpu.memory_space<vmem>>, vector<16xf32>,
    tpu.vector_store %arg18[%swap3A_1598, %swap3A_1599], %gather3A_1584 {strides = array<i32>} : memref<69x128xf32, #tpu.memory_space<vmem>>, vector<16xf32>,
    %swap3A_1601 = arith.constant 45 : i32
    %swap3A_1602 = arith.index_cast %swap3A_1601 : i32 to index
    %swap3A_1603 = arith.constant 64 : index
    %swap3A_1604 = tpu.vector_load %arg18[%swap3A_1602, %swap3A_1603] {strides = array<i32>} : memref<69x128xf32, #tpu.memory_space<vmem>>, vector<16xf32>,
    tpu.vector_store %arg18[%swap3A_1602, %swap3A_1603], %gather3A_1584 {strides = array<i32>} : memref<69x128xf32, #tpu.memory_space<vmem>>, vector<16xf32>,
    %swap3A_1605 = arith.constant 45 : i32
    %swap3A_1606 = arith.index_cast %swap3A_1605 : i32 to index
    %swap3A_1607 = arith.constant 80 : index
    %swap3A_1608 = tpu.vector_load %arg18[%swap3A_1606, %swap3A_1607] {strides = array<i32>} : memref<69x128xf32, #tpu.memory_space<vmem>>, vector<16xf32>,
    tpu.vector_store %arg18[%swap3A_1606, %swap3A_1607], %gather3A_1584 {strides = array<i32>} : memref<69x128xf32, #tpu.memory_space<vmem>>, vector<16xf32>,
    %swap3A_1609 = arith.constant 45 : i32
    %swap3A_1610 = arith.index_cast %swap3A_1609 : i32 to index
    %swap3A_1611 = arith.constant 96 : index
    %swap3A_1612 = tpu.vector_load %arg18[%swap3A_1610, %swap3A_1611] {strides = array<i32>} : memref<69x128xf32, #tpu.memory_space<vmem>>, vector<16xf32>,
    tpu.vector_store %arg18[%swap3A_1610, %swap3A_1611], %gather3A_1584 {strides = array<i32>} : memref<69x128xf32, #tpu.memory_space<vmem>>, vector<16xf32>,
    %swap3A_1613 = arith.constant 45 : i32
    %swap3A_1614 = arith.index_cast %swap3A_1613 : i32 to index
    %swap3A_1615 = arith.constant 112 : index
    %swap3A_1616 = tpu.vector_load %arg18[%swap3A_1614, %swap3A_1615] {strides = array<i32>} : memref<69x128xf32, #tpu.memory_space<vmem>>, vector<16xf32>,
    tpu.vector_store %arg18[%swap3A_1614, %swap3A_1615], %gather3A_1584 {strides = array<i32>} : memref<69x128xf32, #tpu.memory_space<vmem>>, vector<16xf32>,
    %broadcast_in_dim3A_1617 = arith.constant 110 : i32
    %broadcast_in_dim3A_1618 = vector.broadcast %broadcast_in_dim3A_1617 : i32 to vector<16xi32>
    %gather3A_1619 = tpu.vector_load_idx %arg15[%broadcast_in_dim3A_1618] : memref<144xf32, #tpu.memory_space<vmem>>[vector<16xi32>], vector<16xf32>,
    %swap3A_1620 = arith.constant 46 : i32
    %swap3A_1621 = arith.index_cast %swap3A_1620 : i32 to index
    %swap3A_1622 = arith.constant 0 : index
    %swap3A_1623 = tpu.vector_load %arg18[%swap3A_1621, %swap3A_1622] {strides = array<i32>} : memref<69x128xf32, #tpu.memory_space<vmem>>, vector<16xf32>,
    tpu.vector_store %arg18[%swap3A_1621, %swap3A_1622], %gather3A_1619 {strides = array<i32>} : memref<69x128xf32, #tpu.memory_space<vmem>>, vector<16xf32>,
    %swap3A_1624 = arith.constant 46 : i32
    %swap3A_1625 = arith.index_cast %swap3A_1624 : i32 to index
    %swap3A_1626 = arith.constant 16 : index
    %swap3A_1627 = tpu.vector_load %arg18[%swap3A_1625, %swap3A_1626] {strides = array<i32>} : memref<69x128xf32, #tpu.memory_space<vmem>>, vector<16xf32>,
    tpu.vector_store %arg18[%swap3A_1625, %swap3A_1626], %gather3A_1619 {strides = array<i32>} : memref<69x128xf32, #tpu.memory_space<vmem>>, vector<16xf32>,
    %swap3A_1628 = arith.constant 46 : i32
    %swap3A_1629 = arith.index_cast %swap3A_1628 : i32 to index
    %swap3A_1630 = arith.constant 32 : index
    %swap3A_1631 = tpu.vector_load %arg18[%swap3A_1629, %swap3A_1630] {strides = array<i32>} : memref<69x128xf32, #tpu.memory_space<vmem>>, vector<16xf32>,
    tpu.vector_store %arg18[%swap3A_1629, %swap3A_1630], %gather3A_1619 {strides = array<i32>} : memref<69x128xf32, #tpu.memory_space<vmem>>, vector<16xf32>,
    %swap3A_1632 = arith.constant 46 : i32
    %swap3A_1633 = arith.index_cast %swap3A_1632 : i32 to index
    %swap3A_1634 = arith.constant 48 : index
    %swap3A_1635 = tpu.vector_load %arg18[%swap3A_1633, %swap3A_1634] {strides = array<i32>} : memref<69x128xf32, #tpu.memory_space<vmem>>, vector<16xf32>,
    tpu.vector_store %arg18[%swap3A_1633, %swap3A_1634], %gather3A_1619 {strides = array<i32>} : memref<69x128xf32, #tpu.memory_space<vmem>>, vector<16xf32>,
    %swap3A_1636 = arith.constant 46 : i32
    %swap3A_1637 = arith.index_cast %swap3A_1636 : i32 to index
    %swap3A_1638 = arith.constant 64 : index
    %swap3A_1639 = tpu.vector_load %arg18[%swap3A_1637, %swap3A_1638] {strides = array<i32>} : memref<69x128xf32, #tpu.memory_space<vmem>>, vector<16xf32>,
    tpu.vector_store %arg18[%swap3A_1637, %swap3A_1638], %gather3A_1619 {strides = array<i32>} : memref<69x128xf32, #tpu.memory_space<vmem>>, vector<16xf32>,
    %swap3A_1640 = arith.constant 46 : i32
    %swap3A_1641 = arith.index_cast %swap3A_1640 : i32 to index
    %swap3A_1642 = arith.constant 80 : index
    %swap3A_1643 = tpu.vector_load %arg18[%swap3A_1641, %swap3A_1642] {strides = array<i32>} : memref<69x128xf32, #tpu.memory_space<vmem>>, vector<16xf32>,
    tpu.vector_store %arg18[%swap3A_1641, %swap3A_1642], %gather3A_1619 {strides = array<i32>} : memref<69x128xf32, #tpu.memory_space<vmem>>, vector<16xf32>,
    %swap3A_1644 = arith.constant 46 : i32
    %swap3A_1645 = arith.index_cast %swap3A_1644 : i32 to index
    %swap3A_1646 = arith.constant 96 : index
    %swap3A_1647 = tpu.vector_load %arg18[%swap3A_1645, %swap3A_1646] {strides = array<i32>} : memref<69x128xf32, #tpu.memory_space<vmem>>, vector<16xf32>,
    tpu.vector_store %arg18[%swap3A_1645, %swap3A_1646], %gather3A_1619 {strides = array<i32>} : memref<69x128xf32, #tpu.memory_space<vmem>>, vector<16xf32>,
    %swap3A_1648 = arith.constant 46 : i32
    %swap3A_1649 = arith.index_cast %swap3A_1648 : i32 to index
    %swap3A_1650 = arith.constant 112 : index
    %swap3A_1651 = tpu.vector_load %arg18[%swap3A_1649, %swap3A_1650] {strides = array<i32>} : memref<69x128xf32, #tpu.memory_space<vmem>>, vector<16xf32>,
    tpu.vector_store %arg18[%swap3A_1649, %swap3A_1650], %gather3A_1619 {strides = array<i32>} : memref<69x128xf32, #tpu.memory_space<vmem>>, vector<16xf32>,
    %broadcast_in_dim3A_1652 = arith.constant 111 : i32
    %broadcast_in_dim3A_1653 = vector.broadcast %broadcast_in_dim3A_1652 : i32 to vector<16xi32>
    %gather3A_1654 = tpu.vector_load_idx %arg15[%broadcast_in_dim3A_1653] : memref<144xf32, #tpu.memory_space<vmem>>[vector<16xi32>], vector<16xf32>,
    %swap3A_1655 = arith.constant 47 : i32
    %swap3A_1656 = arith.index_cast %swap3A_1655 : i32 to index
    %swap3A_1657 = arith.constant 0 : index
    %swap3A_1658 = tpu.vector_load %arg18[%swap3A_1656, %swap3A_1657] {strides = array<i32>} : memref<69x128xf32, #tpu.memory_space<vmem>>, vector<16xf32>,
    tpu.vector_store %arg18[%swap3A_1656, %swap3A_1657], %gather3A_1654 {strides = array<i32>} : memref<69x128xf32, #tpu.memory_space<vmem>>, vector<16xf32>,
    %swap3A_1659 = arith.constant 47 : i32
    %swap3A_1660 = arith.index_cast %swap3A_1659 : i32 to index
    %swap3A_1661 = arith.constant 16 : index
    %swap3A_1662 = tpu.vector_load %arg18[%swap3A_1660, %swap3A_1661] {strides = array<i32>} : memref<69x128xf32, #tpu.memory_space<vmem>>, vector<16xf32>,
    tpu.vector_store %arg18[%swap3A_1660, %swap3A_1661], %gather3A_1654 {strides = array<i32>} : memref<69x128xf32, #tpu.memory_space<vmem>>, vector<16xf32>,
    %swap3A_1663 = arith.constant 47 : i32
    %swap3A_1664 = arith.index_cast %swap3A_1663 : i32 to index
    %swap3A_1665 = arith.constant 32 : index
    %swap3A_1666 = tpu.vector_load %arg18[%swap3A_1664, %swap3A_1665] {strides = array<i32>} : memref<69x128xf32, #tpu.memory_space<vmem>>, vector<16xf32>,
    tpu.vector_store %arg18[%swap3A_1664, %swap3A_1665], %gather3A_1654 {strides = array<i32>} : memref<69x128xf32, #tpu.memory_space<vmem>>, vector<16xf32>,
    %swap3A_1667 = arith.constant 47 : i32
    %swap3A_1668 = arith.index_cast %swap3A_1667 : i32 to index
    %swap3A_1669 = arith.constant 48 : index
    %swap3A_1670 = tpu.vector_load %arg18[%swap3A_1668, %swap3A_1669] {strides = array<i32>} : memref<69x128xf32, #tpu.memory_space<vmem>>, vector<16xf32>,
    tpu.vector_store %arg18[%swap3A_1668, %swap3A_1669], %gather3A_1654 {strides = array<i32>} : memref<69x128xf32, #tpu.memory_space<vmem>>, vector<16xf32>,
    %swap3A_1671 = arith.constant 47 : i32
    %swap3A_1672 = arith.index_cast %swap3A_1671 : i32 to index
    %swap3A_1673 = arith.constant 64 : index
    %swap3A_1674 = tpu.vector_load %arg18[%swap3A_1672, %swap3A_1673] {strides = array<i32>} : memref<69x128xf32, #tpu.memory_space<vmem>>, vector<16xf32>,
    tpu.vector_store %arg18[%swap3A_1672, %swap3A_1673], %gather3A_1654 {strides = array<i32>} : memref<69x128xf32, #tpu.memory_space<vmem>>, vector<16xf32>,
    %swap3A_1675 = arith.constant 47 : i32
    %swap3A_1676 = arith.index_cast %swap3A_1675 : i32 to index
    %swap3A_1677 = arith.constant 80 : index
    %swap3A_1678 = tpu.vector_load %arg18[%swap3A_1676, %swap3A_1677] {strides = array<i32>} : memref<69x128xf32, #tpu.memory_space<vmem>>, vector<16xf32>,
    tpu.vector_store %arg18[%swap3A_1676, %swap3A_1677], %gather3A_1654 {strides = array<i32>} : memref<69x128xf32, #tpu.memory_space<vmem>>, vector<16xf32>,
    %swap3A_1679 = arith.constant 47 : i32
    %swap3A_1680 = arith.index_cast %swap3A_1679 : i32 to index
    %swap3A_1681 = arith.constant 96 : index
    %swap3A_1682 = tpu.vector_load %arg18[%swap3A_1680, %swap3A_1681] {strides = array<i32>} : memref<69x128xf32, #tpu.memory_space<vmem>>, vector<16xf32>,
    tpu.vector_store %arg18[%swap3A_1680, %swap3A_1681], %gather3A_1654 {strides = array<i32>} : memref<69x128xf32, #tpu.memory_space<vmem>>, vector<16xf32>,
    %swap3A_1683 = arith.constant 47 : i32
    %swap3A_1684 = arith.index_cast %swap3A_1683 : i32 to index
    %swap3A_1685 = arith.constant 112 : index
    %swap3A_1686 = tpu.vector_load %arg18[%swap3A_1684, %swap3A_1685] {strides = array<i32>} : memref<69x128xf32, #tpu.memory_space<vmem>>, vector<16xf32>,
    tpu.vector_store %arg18[%swap3A_1684, %swap3A_1685], %gather3A_1654 {strides = array<i32>} : memref<69x128xf32, #tpu.memory_space<vmem>>, vector<16xf32>,
    %broadcast_in_dim3A_1687 = arith.constant 112 : i32
    %broadcast_in_dim3A_1688 = vector.broadcast %broadcast_in_dim3A_1687 : i32 to vector<16xi32>
    %gather3A_1689 = tpu.vector_load_idx %arg15[%broadcast_in_dim3A_1688] : memref<144xf32, #tpu.memory_space<vmem>>[vector<16xi32>], vector<16xf32>,
    %swap3A_1690 = arith.constant 48 : i32
    %swap3A_1691 = arith.index_cast %swap3A_1690 : i32 to index
    %swap3A_1692 = arith.constant 0 : index
    %swap3A_1693 = tpu.vector_load %arg18[%swap3A_1691, %swap3A_1692] {strides = array<i32>} : memref<69x128xf32, #tpu.memory_space<vmem>>, vector<16xf32>,
    tpu.vector_store %arg18[%swap3A_1691, %swap3A_1692], %gather3A_1689 {strides = array<i32>} : memref<69x128xf32, #tpu.memory_space<vmem>>, vector<16xf32>,
    %swap3A_1694 = arith.constant 48 : i32
    %swap3A_1695 = arith.index_cast %swap3A_1694 : i32 to index
    %swap3A_1696 = arith.constant 16 : index
    %swap3A_1697 = tpu.vector_load %arg18[%swap3A_1695, %swap3A_1696] {strides = array<i32>} : memref<69x128xf32, #tpu.memory_space<vmem>>, vector<16xf32>,
    tpu.vector_store %arg18[%swap3A_1695, %swap3A_1696], %gather3A_1689 {strides = array<i32>} : memref<69x128xf32, #tpu.memory_space<vmem>>, vector<16xf32>,
    %swap3A_1698 = arith.constant 48 : i32
    %swap3A_1699 = arith.index_cast %swap3A_1698 : i32 to index
    %swap3A_1700 = arith.constant 32 : index
    %swap3A_1701 = tpu.vector_load %arg18[%swap3A_1699, %swap3A_1700] {strides = array<i32>} : memref<69x128xf32, #tpu.memory_space<vmem>>, vector<16xf32>,
    tpu.vector_store %arg18[%swap3A_1699, %swap3A_1700], %gather3A_1689 {strides = array<i32>} : memref<69x128xf32, #tpu.memory_space<vmem>>, vector<16xf32>,
    %swap3A_1702 = arith.constant 48 : i32
    %swap3A_1703 = arith.index_cast %swap3A_1702 : i32 to index
    %swap3A_1704 = arith.constant 48 : index
    %swap3A_1705 = tpu.vector_load %arg18[%swap3A_1703, %swap3A_1704] {strides = array<i32>} : memref<69x128xf32, #tpu.memory_space<vmem>>, vector<16xf32>,
    tpu.vector_store %arg18[%swap3A_1703, %swap3A_1704], %gather3A_1689 {strides = array<i32>} : memref<69x128xf32, #tpu.memory_space<vmem>>, vector<16xf32>,
    %swap3A_1706 = arith.constant 48 : i32
    %swap3A_1707 = arith.index_cast %swap3A_1706 : i32 to index
    %swap3A_1708 = arith.constant 64 : index
    %swap3A_1709 = tpu.vector_load %arg18[%swap3A_1707, %swap3A_1708] {strides = array<i32>} : memref<69x128xf32, #tpu.memory_space<vmem>>, vector<16xf32>,
    tpu.vector_store %arg18[%swap3A_1707, %swap3A_1708], %gather3A_1689 {strides = array<i32>} : memref<69x128xf32, #tpu.memory_space<vmem>>, vector<16xf32>,
    %swap3A_1710 = arith.constant 48 : i32
    %swap3A_1711 = arith.index_cast %swap3A_1710 : i32 to index
    %swap3A_1712 = arith.constant 80 : index
    %swap3A_1713 = tpu.vector_load %arg18[%swap3A_1711, %swap3A_1712] {strides = array<i32>} : memref<69x128xf32, #tpu.memory_space<vmem>>, vector<16xf32>,
    tpu.vector_store %arg18[%swap3A_1711, %swap3A_1712], %gather3A_1689 {strides = array<i32>} : memref<69x128xf32, #tpu.memory_space<vmem>>, vector<16xf32>,
    %swap3A_1714 = arith.constant 48 : i32
    %swap3A_1715 = arith.index_cast %swap3A_1714 : i32 to index
    %swap3A_1716 = arith.constant 96 : index
    %swap3A_1717 = tpu.vector_load %arg18[%swap3A_1715, %swap3A_1716] {strides = array<i32>} : memref<69x128xf32, #tpu.memory_space<vmem>>, vector<16xf32>,
    tpu.vector_store %arg18[%swap3A_1715, %swap3A_1716], %gather3A_1689 {strides = array<i32>} : memref<69x128xf32, #tpu.memory_space<vmem>>, vector<16xf32>,
    %swap3A_1718 = arith.constant 48 : i32
    %swap3A_1719 = arith.index_cast %swap3A_1718 : i32 to index
    %swap3A_1720 = arith.constant 112 : index
    %swap3A_1721 = tpu.vector_load %arg18[%swap3A_1719, %swap3A_1720] {strides = array<i32>} : memref<69x128xf32, #tpu.memory_space<vmem>>, vector<16xf32>,
    tpu.vector_store %arg18[%swap3A_1719, %swap3A_1720], %gather3A_1689 {strides = array<i32>} : memref<69x128xf32, #tpu.memory_space<vmem>>, vector<16xf32>,
    %broadcast_in_dim3A_1722 = arith.constant 113 : i32
    %broadcast_in_dim3A_1723 = vector.broadcast %broadcast_in_dim3A_1722 : i32 to vector<16xi32>
    %gather3A_1724 = tpu.vector_load_idx %arg15[%broadcast_in_dim3A_1723] : memref<144xf32, #tpu.memory_space<vmem>>[vector<16xi32>], vector<16xf32>,
    %swap3A_1725 = arith.constant 49 : i32
    %swap3A_1726 = arith.index_cast %swap3A_1725 : i32 to index
    %swap3A_1727 = arith.constant 0 : index
    %swap3A_1728 = tpu.vector_load %arg18[%swap3A_1726, %swap3A_1727] {strides = array<i32>} : memref<69x128xf32, #tpu.memory_space<vmem>>, vector<16xf32>,
    tpu.vector_store %arg18[%swap3A_1726, %swap3A_1727], %gather3A_1724 {strides = array<i32>} : memref<69x128xf32, #tpu.memory_space<vmem>>, vector<16xf32>,
    %swap3A_1729 = arith.constant 49 : i32
    %swap3A_1730 = arith.index_cast %swap3A_1729 : i32 to index
    %swap3A_1731 = arith.constant 16 : index
    %swap3A_1732 = tpu.vector_load %arg18[%swap3A_1730, %swap3A_1731] {strides = array<i32>} : memref<69x128xf32, #tpu.memory_space<vmem>>, vector<16xf32>,
    tpu.vector_store %arg18[%swap3A_1730, %swap3A_1731], %gather3A_1724 {strides = array<i32>} : memref<69x128xf32, #tpu.memory_space<vmem>>, vector<16xf32>,
    %swap3A_1733 = arith.constant 49 : i32
    %swap3A_1734 = arith.index_cast %swap3A_1733 : i32 to index
    %swap3A_1735 = arith.constant 32 : index
    %swap3A_1736 = tpu.vector_load %arg18[%swap3A_1734, %swap3A_1735] {strides = array<i32>} : memref<69x128xf32, #tpu.memory_space<vmem>>, vector<16xf32>,
    tpu.vector_store %arg18[%swap3A_1734, %swap3A_1735], %gather3A_1724 {strides = array<i32>} : memref<69x128xf32, #tpu.memory_space<vmem>>, vector<16xf32>,
    %swap3A_1737 = arith.constant 49 : i32
    %swap3A_1738 = arith.index_cast %swap3A_1737 : i32 to index
    %swap3A_1739 = arith.constant 48 : index
    %swap3A_1740 = tpu.vector_load %arg18[%swap3A_1738, %swap3A_1739] {strides = array<i32>} : memref<69x128xf32, #tpu.memory_space<vmem>>, vector<16xf32>,
    tpu.vector_store %arg18[%swap3A_1738, %swap3A_1739], %gather3A_1724 {strides = array<i32>} : memref<69x128xf32, #tpu.memory_space<vmem>>, vector<16xf32>,
    %swap3A_1741 = arith.constant 49 : i32
    %swap3A_1742 = arith.index_cast %swap3A_1741 : i32 to index
    %swap3A_1743 = arith.constant 64 : index
    %swap3A_1744 = tpu.vector_load %arg18[%swap3A_1742, %swap3A_1743] {strides = array<i32>} : memref<69x128xf32, #tpu.memory_space<vmem>>, vector<16xf32>,
    tpu.vector_store %arg18[%swap3A_1742, %swap3A_1743], %gather3A_1724 {strides = array<i32>} : memref<69x128xf32, #tpu.memory_space<vmem>>, vector<16xf32>,
    %swap3A_1745 = arith.constant 49 : i32
    %swap3A_1746 = arith.index_cast %swap3A_1745 : i32 to index
    %swap3A_1747 = arith.constant 80 : index
    %swap3A_1748 = tpu.vector_load %arg18[%swap3A_1746, %swap3A_1747] {strides = array<i32>} : memref<69x128xf32, #tpu.memory_space<vmem>>, vector<16xf32>,
    tpu.vector_store %arg18[%swap3A_1746, %swap3A_1747], %gather3A_1724 {strides = array<i32>} : memref<69x128xf32, #tpu.memory_space<vmem>>, vector<16xf32>,
    %swap3A_1749 = arith.constant 49 : i32
    %swap3A_1750 = arith.index_cast %swap3A_1749 : i32 to index
    %swap3A_1751 = arith.constant 96 : index
    %swap3A_1752 = tpu.vector_load %arg18[%swap3A_1750, %swap3A_1751] {strides = array<i32>} : memref<69x128xf32, #tpu.memory_space<vmem>>, vector<16xf32>,
    tpu.vector_store %arg18[%swap3A_1750, %swap3A_1751], %gather3A_1724 {strides = array<i32>} : memref<69x128xf32, #tpu.memory_space<vmem>>, vector<16xf32>,
    %swap3A_1753 = arith.constant 49 : i32
    %swap3A_1754 = arith.index_cast %swap3A_1753 : i32 to index
    %swap3A_1755 = arith.constant 112 : index
    %swap3A_1756 = tpu.vector_load %arg18[%swap3A_1754, %swap3A_1755] {strides = array<i32>} : memref<69x128xf32, #tpu.memory_space<vmem>>, vector<16xf32>,
    tpu.vector_store %arg18[%swap3A_1754, %swap3A_1755], %gather3A_1724 {strides = array<i32>} : memref<69x128xf32, #tpu.memory_space<vmem>>, vector<16xf32>,
    %broadcast_in_dim3A_1757 = arith.constant 114 : i32
    %broadcast_in_dim3A_1758 = vector.broadcast %broadcast_in_dim3A_1757 : i32 to vector<16xi32>
    %gather3A_1759 = tpu.vector_load_idx %arg15[%broadcast_in_dim3A_1758] : memref<144xf32, #tpu.memory_space<vmem>>[vector<16xi32>], vector<16xf32>,
    %swap3A_1760 = arith.constant 50 : i32
    %swap3A_1761 = arith.index_cast %swap3A_1760 : i32 to index
    %swap3A_1762 = arith.constant 0 : index
    %swap3A_1763 = tpu.vector_load %arg18[%swap3A_1761, %swap3A_1762] {strides = array<i32>} : memref<69x128xf32, #tpu.memory_space<vmem>>, vector<16xf32>,
    tpu.vector_store %arg18[%swap3A_1761, %swap3A_1762], %gather3A_1759 {strides = array<i32>} : memref<69x128xf32, #tpu.memory_space<vmem>>, vector<16xf32>,
    %swap3A_1764 = arith.constant 50 : i32
    %swap3A_1765 = arith.index_cast %swap3A_1764 : i32 to index
    %swap3A_1766 = arith.constant 16 : index
    %swap3A_1767 = tpu.vector_load %arg18[%swap3A_1765, %swap3A_1766] {strides = array<i32>} : memref<69x128xf32, #tpu.memory_space<vmem>>, vector<16xf32>,
    tpu.vector_store %arg18[%swap3A_1765, %swap3A_1766], %gather3A_1759 {strides = array<i32>} : memref<69x128xf32, #tpu.memory_space<vmem>>, vector<16xf32>,
    %swap3A_1768 = arith.constant 50 : i32
    %swap3A_1769 = arith.index_cast %swap3A_1768 : i32 to index
    %swap3A_1770 = arith.constant 32 : index
    %swap3A_1771 = tpu.vector_load %arg18[%swap3A_1769, %swap3A_1770] {strides = array<i32>} : memref<69x128xf32, #tpu.memory_space<vmem>>, vector<16xf32>,
    tpu.vector_store %arg18[%swap3A_1769, %swap3A_1770], %gather3A_1759 {strides = array<i32>} : memref<69x128xf32, #tpu.memory_space<vmem>>, vector<16xf32>,
    %swap3A_1772 = arith.constant 50 : i32
    %swap3A_1773 = arith.index_cast %swap3A_1772 : i32 to index
    %swap3A_1774 = arith.constant 48 : index
    %swap3A_1775 = tpu.vector_load %arg18[%swap3A_1773, %swap3A_1774] {strides = array<i32>} : memref<69x128xf32, #tpu.memory_space<vmem>>, vector<16xf32>,
    tpu.vector_store %arg18[%swap3A_1773, %swap3A_1774], %gather3A_1759 {strides = array<i32>} : memref<69x128xf32, #tpu.memory_space<vmem>>, vector<16xf32>,
    %swap3A_1776 = arith.constant 50 : i32
    %swap3A_1777 = arith.index_cast %swap3A_1776 : i32 to index
    %swap3A_1778 = arith.constant 64 : index
    %swap3A_1779 = tpu.vector_load %arg18[%swap3A_1777, %swap3A_1778] {strides = array<i32>} : memref<69x128xf32, #tpu.memory_space<vmem>>, vector<16xf32>,
    tpu.vector_store %arg18[%swap3A_1777, %swap3A_1778], %gather3A_1759 {strides = array<i32>} : memref<69x128xf32, #tpu.memory_space<vmem>>, vector<16xf32>,
    %swap3A_1780 = arith.constant 50 : i32
    %swap3A_1781 = arith.index_cast %swap3A_1780 : i32 to index
    %swap3A_1782 = arith.constant 80 : index
    %swap3A_1783 = tpu.vector_load %arg18[%swap3A_1781, %swap3A_1782] {strides = array<i32>} : memref<69x128xf32, #tpu.memory_space<vmem>>, vector<16xf32>,
    tpu.vector_store %arg18[%swap3A_1781, %swap3A_1782], %gather3A_1759 {strides = array<i32>} : memref<69x128xf32, #tpu.memory_space<vmem>>, vector<16xf32>,
    %swap3A_1784 = arith.constant 50 : i32
    %swap3A_1785 = arith.index_cast %swap3A_1784 : i32 to index
    %swap3A_1786 = arith.constant 96 : index
    %swap3A_1787 = tpu.vector_load %arg18[%swap3A_1785, %swap3A_1786] {strides = array<i32>} : memref<69x128xf32, #tpu.memory_space<vmem>>, vector<16xf32>,
    tpu.vector_store %arg18[%swap3A_1785, %swap3A_1786], %gather3A_1759 {strides = array<i32>} : memref<69x128xf32, #tpu.memory_space<vmem>>, vector<16xf32>,
    %swap3A_1788 = arith.constant 50 : i32
    %swap3A_1789 = arith.index_cast %swap3A_1788 : i32 to index
    %swap3A_1790 = arith.constant 112 : index
    %swap3A_1791 = tpu.vector_load %arg18[%swap3A_1789, %swap3A_1790] {strides = array<i32>} : memref<69x128xf32, #tpu.memory_space<vmem>>, vector<16xf32>,
    tpu.vector_store %arg18[%swap3A_1789, %swap3A_1790], %gather3A_1759 {strides = array<i32>} : memref<69x128xf32, #tpu.memory_space<vmem>>, vector<16xf32>,
    %broadcast_in_dim3A_1792 = arith.constant 115 : i32
    %broadcast_in_dim3A_1793 = vector.broadcast %broadcast_in_dim3A_1792 : i32 to vector<16xi32>
    %gather3A_1794 = tpu.vector_load_idx %arg15[%broadcast_in_dim3A_1793] : memref<144xf32, #tpu.memory_space<vmem>>[vector<16xi32>], vector<16xf32>,
    %swap3A_1795 = arith.constant 51 : i32
    %swap3A_1796 = arith.index_cast %swap3A_1795 : i32 to index
    %swap3A_1797 = arith.constant 0 : index
    %swap3A_1798 = tpu.vector_load %arg18[%swap3A_1796, %swap3A_1797] {strides = array<i32>} : memref<69x128xf32, #tpu.memory_space<vmem>>, vector<16xf32>,
    tpu.vector_store %arg18[%swap3A_1796, %swap3A_1797], %gather3A_1794 {strides = array<i32>} : memref<69x128xf32, #tpu.memory_space<vmem>>, vector<16xf32>,
    %swap3A_1799 = arith.constant 51 : i32
    %swap3A_1800 = arith.index_cast %swap3A_1799 : i32 to index
    %swap3A_1801 = arith.constant 16 : index
    %swap3A_1802 = tpu.vector_load %arg18[%swap3A_1800, %swap3A_1801] {strides = array<i32>} : memref<69x128xf32, #tpu.memory_space<vmem>>, vector<16xf32>,
    tpu.vector_store %arg18[%swap3A_1800, %swap3A_1801], %gather3A_1794 {strides = array<i32>} : memref<69x128xf32, #tpu.memory_space<vmem>>, vector<16xf32>,
    %swap3A_1803 = arith.constant 51 : i32
    %swap3A_1804 = arith.index_cast %swap3A_1803 : i32 to index
    %swap3A_1805 = arith.constant 32 : index
    %swap3A_1806 = tpu.vector_load %arg18[%swap3A_1804, %swap3A_1805] {strides = array<i32>} : memref<69x128xf32, #tpu.memory_space<vmem>>, vector<16xf32>,
    tpu.vector_store %arg18[%swap3A_1804, %swap3A_1805], %gather3A_1794 {strides = array<i32>} : memref<69x128xf32, #tpu.memory_space<vmem>>, vector<16xf32>,
    %swap3A_1807 = arith.constant 51 : i32
    %swap3A_1808 = arith.index_cast %swap3A_1807 : i32 to index
    %swap3A_1809 = arith.constant 48 : index
    %swap3A_1810 = tpu.vector_load %arg18[%swap3A_1808, %swap3A_1809] {strides = array<i32>} : memref<69x128xf32, #tpu.memory_space<vmem>>, vector<16xf32>,
    tpu.vector_store %arg18[%swap3A_1808, %swap3A_1809], %gather3A_1794 {strides = array<i32>} : memref<69x128xf32, #tpu.memory_space<vmem>>, vector<16xf32>,
    %swap3A_1811 = arith.constant 51 : i32
    %swap3A_1812 = arith.index_cast %swap3A_1811 : i32 to index
    %swap3A_1813 = arith.constant 64 : index
    %swap3A_1814 = tpu.vector_load %arg18[%swap3A_1812, %swap3A_1813] {strides = array<i32>} : memref<69x128xf32, #tpu.memory_space<vmem>>, vector<16xf32>,
    tpu.vector_store %arg18[%swap3A_1812, %swap3A_1813], %gather3A_1794 {strides = array<i32>} : memref<69x128xf32, #tpu.memory_space<vmem>>, vector<16xf32>,
    %swap3A_1815 = arith.constant 51 : i32
    %swap3A_1816 = arith.index_cast %swap3A_1815 : i32 to index
    %swap3A_1817 = arith.constant 80 : index
    %swap3A_1818 = tpu.vector_load %arg18[%swap3A_1816, %swap3A_1817] {strides = array<i32>} : memref<69x128xf32, #tpu.memory_space<vmem>>, vector<16xf32>,
    tpu.vector_store %arg18[%swap3A_1816, %swap3A_1817], %gather3A_1794 {strides = array<i32>} : memref<69x128xf32, #tpu.memory_space<vmem>>, vector<16xf32>,
    %swap3A_1819 = arith.constant 51 : i32
    %swap3A_1820 = arith.index_cast %swap3A_1819 : i32 to index
    %swap3A_1821 = arith.constant 96 : index
    %swap3A_1822 = tpu.vector_load %arg18[%swap3A_1820, %swap3A_1821] {strides = array<i32>} : memref<69x128xf32, #tpu.memory_space<vmem>>, vector<16xf32>,
    tpu.vector_store %arg18[%swap3A_1820, %swap3A_1821], %gather3A_1794 {strides = array<i32>} : memref<69x128xf32, #tpu.memory_space<vmem>>, vector<16xf32>,
    %swap3A_1823 = arith.constant 51 : i32
    %swap3A_1824 = arith.index_cast %swap3A_1823 : i32 to index
    %swap3A_1825 = arith.constant 112 : index
    %swap3A_1826 = tpu.vector_load %arg18[%swap3A_1824, %swap3A_1825] {strides = array<i32>} : memref<69x128xf32, #tpu.memory_space<vmem>>, vector<16xf32>,
    tpu.vector_store %arg18[%swap3A_1824, %swap3A_1825], %gather3A_1794 {strides = array<i32>} : memref<69x128xf32, #tpu.memory_space<vmem>>, vector<16xf32>,
    %broadcast_in_dim3A_1827 = arith.constant 116 : i32
    %broadcast_in_dim3A_1828 = vector.broadcast %broadcast_in_dim3A_1827 : i32 to vector<16xi32>
    %gather3A_1829 = tpu.vector_load_idx %arg15[%broadcast_in_dim3A_1828] : memref<144xf32, #tpu.memory_space<vmem>>[vector<16xi32>], vector<16xf32>,
    %swap3A_1830 = arith.constant 52 : i32
    %swap3A_1831 = arith.index_cast %swap3A_1830 : i32 to index
    %swap3A_1832 = arith.constant 0 : index
    %swap3A_1833 = tpu.vector_load %arg18[%swap3A_1831, %swap3A_1832] {strides = array<i32>} : memref<69x128xf32, #tpu.memory_space<vmem>>, vector<16xf32>,
    tpu.vector_store %arg18[%swap3A_1831, %swap3A_1832], %gather3A_1829 {strides = array<i32>} : memref<69x128xf32, #tpu.memory_space<vmem>>, vector<16xf32>,
    %swap3A_1834 = arith.constant 52 : i32
    %swap3A_1835 = arith.index_cast %swap3A_1834 : i32 to index
    %swap3A_1836 = arith.constant 16 : index
    %swap3A_1837 = tpu.vector_load %arg18[%swap3A_1835, %swap3A_1836] {strides = array<i32>} : memref<69x128xf32, #tpu.memory_space<vmem>>, vector<16xf32>,
    tpu.vector_store %arg18[%swap3A_1835, %swap3A_1836], %gather3A_1829 {strides = array<i32>} : memref<69x128xf32, #tpu.memory_space<vmem>>, vector<16xf32>,
    %swap3A_1838 = arith.constant 52 : i32
    %swap3A_1839 = arith.index_cast %swap3A_1838 : i32 to index
    %swap3A_1840 = arith.constant 32 : index
    %swap3A_1841 = tpu.vector_load %arg18[%swap3A_1839, %swap3A_1840] {strides = array<i32>} : memref<69x128xf32, #tpu.memory_space<vmem>>, vector<16xf32>,
    tpu.vector_store %arg18[%swap3A_1839, %swap3A_1840], %gather3A_1829 {strides = array<i32>} : memref<69x128xf32, #tpu.memory_space<vmem>>, vector<16xf32>,
    %swap3A_1842 = arith.constant 52 : i32
    %swap3A_1843 = arith.index_cast %swap3A_1842 : i32 to index
    %swap3A_1844 = arith.constant 48 : index
    %swap3A_1845 = tpu.vector_load %arg18[%swap3A_1843, %swap3A_1844] {strides = array<i32>} : memref<69x128xf32, #tpu.memory_space<vmem>>, vector<16xf32>,
    tpu.vector_store %arg18[%swap3A_1843, %swap3A_1844], %gather3A_1829 {strides = array<i32>} : memref<69x128xf32, #tpu.memory_space<vmem>>, vector<16xf32>,
    %swap3A_1846 = arith.constant 52 : i32
    %swap3A_1847 = arith.index_cast %swap3A_1846 : i32 to index
    %swap3A_1848 = arith.constant 64 : index
    %swap3A_1849 = tpu.vector_load %arg18[%swap3A_1847, %swap3A_1848] {strides = array<i32>} : memref<69x128xf32, #tpu.memory_space<vmem>>, vector<16xf32>,
    tpu.vector_store %arg18[%swap3A_1847, %swap3A_1848], %gather3A_1829 {strides = array<i32>} : memref<69x128xf32, #tpu.memory_space<vmem>>, vector<16xf32>,
    %swap3A_1850 = arith.constant 52 : i32
    %swap3A_1851 = arith.index_cast %swap3A_1850 : i32 to index
    %swap3A_1852 = arith.constant 80 : index
    %swap3A_1853 = tpu.vector_load %arg18[%swap3A_1851, %swap3A_1852] {strides = array<i32>} : memref<69x128xf32, #tpu.memory_space<vmem>>, vector<16xf32>,
    tpu.vector_store %arg18[%swap3A_1851, %swap3A_1852], %gather3A_1829 {strides = array<i32>} : memref<69x128xf32, #tpu.memory_space<vmem>>, vector<16xf32>,
    %swap3A_1854 = arith.constant 52 : i32
    %swap3A_1855 = arith.index_cast %swap3A_1854 : i32 to index
    %swap3A_1856 = arith.constant 96 : index
    %swap3A_1857 = tpu.vector_load %arg18[%swap3A_1855, %swap3A_1856] {strides = array<i32>} : memref<69x128xf32, #tpu.memory_space<vmem>>, vector<16xf32>,
    tpu.vector_store %arg18[%swap3A_1855, %swap3A_1856], %gather3A_1829 {strides = array<i32>} : memref<69x128xf32, #tpu.memory_space<vmem>>, vector<16xf32>,
    %swap3A_1858 = arith.constant 52 : i32
    %swap3A_1859 = arith.index_cast %swap3A_1858 : i32 to index
    %swap3A_1860 = arith.constant 112 : index
    %swap3A_1861 = tpu.vector_load %arg18[%swap3A_1859, %swap3A_1860] {strides = array<i32>} : memref<69x128xf32, #tpu.memory_space<vmem>>, vector<16xf32>,
    tpu.vector_store %arg18[%swap3A_1859, %swap3A_1860], %gather3A_1829 {strides = array<i32>} : memref<69x128xf32, #tpu.memory_space<vmem>>, vector<16xf32>,
    %broadcast_in_dim3A_1862 = arith.constant 117 : i32
    %broadcast_in_dim3A_1863 = vector.broadcast %broadcast_in_dim3A_1862 : i32 to vector<16xi32>
    %gather3A_1864 = tpu.vector_load_idx %arg15[%broadcast_in_dim3A_1863] : memref<144xf32, #tpu.memory_space<vmem>>[vector<16xi32>], vector<16xf32>,
    %swap3A_1865 = arith.constant 53 : i32
    %swap3A_1866 = arith.index_cast %swap3A_1865 : i32 to index
    %swap3A_1867 = arith.constant 0 : index
    %swap3A_1868 = tpu.vector_load %arg18[%swap3A_1866, %swap3A_1867] {strides = array<i32>} : memref<69x128xf32, #tpu.memory_space<vmem>>, vector<16xf32>,
    tpu.vector_store %arg18[%swap3A_1866, %swap3A_1867], %gather3A_1864 {strides = array<i32>} : memref<69x128xf32, #tpu.memory_space<vmem>>, vector<16xf32>,
    %swap3A_1869 = arith.constant 53 : i32
    %swap3A_1870 = arith.index_cast %swap3A_1869 : i32 to index
    %swap3A_1871 = arith.constant 16 : index
    %swap3A_1872 = tpu.vector_load %arg18[%swap3A_1870, %swap3A_1871] {strides = array<i32>} : memref<69x128xf32, #tpu.memory_space<vmem>>, vector<16xf32>,
    tpu.vector_store %arg18[%swap3A_1870, %swap3A_1871], %gather3A_1864 {strides = array<i32>} : memref<69x128xf32, #tpu.memory_space<vmem>>, vector<16xf32>,
    %swap3A_1873 = arith.constant 53 : i32
    %swap3A_1874 = arith.index_cast %swap3A_1873 : i32 to index
    %swap3A_1875 = arith.constant 32 : index
    %swap3A_1876 = tpu.vector_load %arg18[%swap3A_1874, %swap3A_1875] {strides = array<i32>} : memref<69x128xf32, #tpu.memory_space<vmem>>, vector<16xf32>,
    tpu.vector_store %arg18[%swap3A_1874, %swap3A_1875], %gather3A_1864 {strides = array<i32>} : memref<69x128xf32, #tpu.memory_space<vmem>>, vector<16xf32>,
    %swap3A_1877 = arith.constant 53 : i32
    %swap3A_1878 = arith.index_cast %swap3A_1877 : i32 to index
    %swap3A_1879 = arith.constant 48 : index
    %swap3A_1880 = tpu.vector_load %arg18[%swap3A_1878, %swap3A_1879] {strides = array<i32>} : memref<69x128xf32, #tpu.memory_space<vmem>>, vector<16xf32>,
    tpu.vector_store %arg18[%swap3A_1878, %swap3A_1879], %gather3A_1864 {strides = array<i32>} : memref<69x128xf32, #tpu.memory_space<vmem>>, vector<16xf32>,
    %swap3A_1881 = arith.constant 53 : i32
    %swap3A_1882 = arith.index_cast %swap3A_1881 : i32 to index
    %swap3A_1883 = arith.constant 64 : index
    %swap3A_1884 = tpu.vector_load %arg18[%swap3A_1882, %swap3A_1883] {strides = array<i32>} : memref<69x128xf32, #tpu.memory_space<vmem>>, vector<16xf32>,
    tpu.vector_store %arg18[%swap3A_1882, %swap3A_1883], %gather3A_1864 {strides = array<i32>} : memref<69x128xf32, #tpu.memory_space<vmem>>, vector<16xf32>,
    %swap3A_1885 = arith.constant 53 : i32
    %swap3A_1886 = arith.index_cast %swap3A_1885 : i32 to index
    %swap3A_1887 = arith.constant 80 : index
    %swap3A_1888 = tpu.vector_load %arg18[%swap3A_1886, %swap3A_1887] {strides = array<i32>} : memref<69x128xf32, #tpu.memory_space<vmem>>, vector<16xf32>,
    tpu.vector_store %arg18[%swap3A_1886, %swap3A_1887], %gather3A_1864 {strides = array<i32>} : memref<69x128xf32, #tpu.memory_space<vmem>>, vector<16xf32>,
    %swap3A_1889 = arith.constant 53 : i32
    %swap3A_1890 = arith.index_cast %swap3A_1889 : i32 to index
    %swap3A_1891 = arith.constant 96 : index
    %swap3A_1892 = tpu.vector_load %arg18[%swap3A_1890, %swap3A_1891] {strides = array<i32>} : memref<69x128xf32, #tpu.memory_space<vmem>>, vector<16xf32>,
    tpu.vector_store %arg18[%swap3A_1890, %swap3A_1891], %gather3A_1864 {strides = array<i32>} : memref<69x128xf32, #tpu.memory_space<vmem>>, vector<16xf32>,
    %swap3A_1893 = arith.constant 53 : i32
    %swap3A_1894 = arith.index_cast %swap3A_1893 : i32 to index
    %swap3A_1895 = arith.constant 112 : index
    %swap3A_1896 = tpu.vector_load %arg18[%swap3A_1894, %swap3A_1895] {strides = array<i32>} : memref<69x128xf32, #tpu.memory_space<vmem>>, vector<16xf32>,
    tpu.vector_store %arg18[%swap3A_1894, %swap3A_1895], %gather3A_1864 {strides = array<i32>} : memref<69x128xf32, #tpu.memory_space<vmem>>, vector<16xf32>,
    %broadcast_in_dim3A_1897 = arith.constant 118 : i32
    %broadcast_in_dim3A_1898 = vector.broadcast %broadcast_in_dim3A_1897 : i32 to vector<16xi32>
    %gather3A_1899 = tpu.vector_load_idx %arg15[%broadcast_in_dim3A_1898] : memref<144xf32, #tpu.memory_space<vmem>>[vector<16xi32>], vector<16xf32>,
    %swap3A_1900 = arith.constant 54 : i32
    %swap3A_1901 = arith.index_cast %swap3A_1900 : i32 to index
    %swap3A_1902 = arith.constant 0 : index
    %swap3A_1903 = tpu.vector_load %arg18[%swap3A_1901, %swap3A_1902] {strides = array<i32>} : memref<69x128xf32, #tpu.memory_space<vmem>>, vector<16xf32>,
    tpu.vector_store %arg18[%swap3A_1901, %swap3A_1902], %gather3A_1899 {strides = array<i32>} : memref<69x128xf32, #tpu.memory_space<vmem>>, vector<16xf32>,
    %swap3A_1904 = arith.constant 54 : i32
    %swap3A_1905 = arith.index_cast %swap3A_1904 : i32 to index
    %swap3A_1906 = arith.constant 16 : index
    %swap3A_1907 = tpu.vector_load %arg18[%swap3A_1905, %swap3A_1906] {strides = array<i32>} : memref<69x128xf32, #tpu.memory_space<vmem>>, vector<16xf32>,
    tpu.vector_store %arg18[%swap3A_1905, %swap3A_1906], %gather3A_1899 {strides = array<i32>} : memref<69x128xf32, #tpu.memory_space<vmem>>, vector<16xf32>,
    %swap3A_1908 = arith.constant 54 : i32
    %swap3A_1909 = arith.index_cast %swap3A_1908 : i32 to index
    %swap3A_1910 = arith.constant 32 : index
    %swap3A_1911 = tpu.vector_load %arg18[%swap3A_1909, %swap3A_1910] {strides = array<i32>} : memref<69x128xf32, #tpu.memory_space<vmem>>, vector<16xf32>,
    tpu.vector_store %arg18[%swap3A_1909, %swap3A_1910], %gather3A_1899 {strides = array<i32>} : memref<69x128xf32, #tpu.memory_space<vmem>>, vector<16xf32>,
    %swap3A_1912 = arith.constant 54 : i32
    %swap3A_1913 = arith.index_cast %swap3A_1912 : i32 to index
    %swap3A_1914 = arith.constant 48 : index
    %swap3A_1915 = tpu.vector_load %arg18[%swap3A_1913, %swap3A_1914] {strides = array<i32>} : memref<69x128xf32, #tpu.memory_space<vmem>>, vector<16xf32>,
    tpu.vector_store %arg18[%swap3A_1913, %swap3A_1914], %gather3A_1899 {strides = array<i32>} : memref<69x128xf32, #tpu.memory_space<vmem>>, vector<16xf32>,
    %swap3A_1916 = arith.constant 54 : i32
    %swap3A_1917 = arith.index_cast %swap3A_1916 : i32 to index
    %swap3A_1918 = arith.constant 64 : index
    %swap3A_1919 = tpu.vector_load %arg18[%swap3A_1917, %swap3A_1918] {strides = array<i32>} : memref<69x128xf32, #tpu.memory_space<vmem>>, vector<16xf32>,
    tpu.vector_store %arg18[%swap3A_1917, %swap3A_1918], %gather3A_1899 {strides = array<i32>} : memref<69x128xf32, #tpu.memory_space<vmem>>, vector<16xf32>,
    %swap3A_1920 = arith.constant 54 : i32
    %swap3A_1921 = arith.index_cast %swap3A_1920 : i32 to index
    %swap3A_1922 = arith.constant 80 : index
    %swap3A_1923 = tpu.vector_load %arg18[%swap3A_1921, %swap3A_1922] {strides = array<i32>} : memref<69x128xf32, #tpu.memory_space<vmem>>, vector<16xf32>,
    tpu.vector_store %arg18[%swap3A_1921, %swap3A_1922], %gather3A_1899 {strides = array<i32>} : memref<69x128xf32, #tpu.memory_space<vmem>>, vector<16xf32>,
    %swap3A_1924 = arith.constant 54 : i32
    %swap3A_1925 = arith.index_cast %swap3A_1924 : i32 to index
    %swap3A_1926 = arith.constant 96 : index
    %swap3A_1927 = tpu.vector_load %arg18[%swap3A_1925, %swap3A_1926] {strides = array<i32>} : memref<69x128xf32, #tpu.memory_space<vmem>>, vector<16xf32>,
    tpu.vector_store %arg18[%swap3A_1925, %swap3A_1926], %gather3A_1899 {strides = array<i32>} : memref<69x128xf32, #tpu.memory_space<vmem>>, vector<16xf32>,
    %swap3A_1928 = arith.constant 54 : i32
    %swap3A_1929 = arith.index_cast %swap3A_1928 : i32 to index
    %swap3A_1930 = arith.constant 112 : index
    %swap3A_1931 = tpu.vector_load %arg18[%swap3A_1929, %swap3A_1930] {strides = array<i32>} : memref<69x128xf32, #tpu.memory_space<vmem>>, vector<16xf32>,
    tpu.vector_store %arg18[%swap3A_1929, %swap3A_1930], %gather3A_1899 {strides = array<i32>} : memref<69x128xf32, #tpu.memory_space<vmem>>, vector<16xf32>,
    %broadcast_in_dim3A_1932 = arith.constant 119 : i32
    %broadcast_in_dim3A_1933 = vector.broadcast %broadcast_in_dim3A_1932 : i32 to vector<16xi32>
    %gather3A_1934 = tpu.vector_load_idx %arg15[%broadcast_in_dim3A_1933] : memref<144xf32, #tpu.memory_space<vmem>>[vector<16xi32>], vector<16xf32>,
    %swap3A_1935 = arith.constant 55 : i32
    %swap3A_1936 = arith.index_cast %swap3A_1935 : i32 to index
    %swap3A_1937 = arith.constant 0 : index
    %swap3A_1938 = tpu.vector_load %arg18[%swap3A_1936, %swap3A_1937] {strides = array<i32>} : memref<69x128xf32, #tpu.memory_space<vmem>>, vector<16xf32>,
    tpu.vector_store %arg18[%swap3A_1936, %swap3A_1937], %gather3A_1934 {strides = array<i32>} : memref<69x128xf32, #tpu.memory_space<vmem>>, vector<16xf32>,
    %swap3A_1939 = arith.constant 55 : i32
    %swap3A_1940 = arith.index_cast %swap3A_1939 : i32 to index
    %swap3A_1941 = arith.constant 16 : index
    %swap3A_1942 = tpu.vector_load %arg18[%swap3A_1940, %swap3A_1941] {strides = array<i32>} : memref<69x128xf32, #tpu.memory_space<vmem>>, vector<16xf32>,
    tpu.vector_store %arg18[%swap3A_1940, %swap3A_1941], %gather3A_1934 {strides = array<i32>} : memref<69x128xf32, #tpu.memory_space<vmem>>, vector<16xf32>,
    %swap3A_1943 = arith.constant 55 : i32
    %swap3A_1944 = arith.index_cast %swap3A_1943 : i32 to index
    %swap3A_1945 = arith.constant 32 : index
    %swap3A_1946 = tpu.vector_load %arg18[%swap3A_1944, %swap3A_1945] {strides = array<i32>} : memref<69x128xf32, #tpu.memory_space<vmem>>, vector<16xf32>,
    tpu.vector_store %arg18[%swap3A_1944, %swap3A_1945], %gather3A_1934 {strides = array<i32>} : memref<69x128xf32, #tpu.memory_space<vmem>>, vector<16xf32>,
    %swap3A_1947 = arith.constant 55 : i32
    %swap3A_1948 = arith.index_cast %swap3A_1947 : i32 to index
    %swap3A_1949 = arith.constant 48 : index
    %swap3A_1950 = tpu.vector_load %arg18[%swap3A_1948, %swap3A_1949] {strides = array<i32>} : memref<69x128xf32, #tpu.memory_space<vmem>>, vector<16xf32>,
    tpu.vector_store %arg18[%swap3A_1948, %swap3A_1949], %gather3A_1934 {strides = array<i32>} : memref<69x128xf32, #tpu.memory_space<vmem>>, vector<16xf32>,
    %swap3A_1951 = arith.constant 55 : i32
    %swap3A_1952 = arith.index_cast %swap3A_1951 : i32 to index
    %swap3A_1953 = arith.constant 64 : index
    %swap3A_1954 = tpu.vector_load %arg18[%swap3A_1952, %swap3A_1953] {strides = array<i32>} : memref<69x128xf32, #tpu.memory_space<vmem>>, vector<16xf32>,
    tpu.vector_store %arg18[%swap3A_1952, %swap3A_1953], %gather3A_1934 {strides = array<i32>} : memref<69x128xf32, #tpu.memory_space<vmem>>, vector<16xf32>,
    %swap3A_1955 = arith.constant 55 : i32
    %swap3A_1956 = arith.index_cast %swap3A_1955 : i32 to index
    %swap3A_1957 = arith.constant 80 : index
    %swap3A_1958 = tpu.vector_load %arg18[%swap3A_1956, %swap3A_1957] {strides = array<i32>} : memref<69x128xf32, #tpu.memory_space<vmem>>, vector<16xf32>,
    tpu.vector_store %arg18[%swap3A_1956, %swap3A_1957], %gather3A_1934 {strides = array<i32>} : memref<69x128xf32, #tpu.memory_space<vmem>>, vector<16xf32>,
    %swap3A_1959 = arith.constant 55 : i32
    %swap3A_1960 = arith.index_cast %swap3A_1959 : i32 to index
    %swap3A_1961 = arith.constant 96 : index
    %swap3A_1962 = tpu.vector_load %arg18[%swap3A_1960, %swap3A_1961] {strides = array<i32>} : memref<69x128xf32, #tpu.memory_space<vmem>>, vector<16xf32>,
    tpu.vector_store %arg18[%swap3A_1960, %swap3A_1961], %gather3A_1934 {strides = array<i32>} : memref<69x128xf32, #tpu.memory_space<vmem>>, vector<16xf32>,
    %swap3A_1963 = arith.constant 55 : i32
    %swap3A_1964 = arith.index_cast %swap3A_1963 : i32 to index
    %swap3A_1965 = arith.constant 112 : index
    %swap3A_1966 = tpu.vector_load %arg18[%swap3A_1964, %swap3A_1965] {strides = array<i32>} : memref<69x128xf32, #tpu.memory_space<vmem>>, vector<16xf32>,
    tpu.vector_store %arg18[%swap3A_1964, %swap3A_1965], %gather3A_1934 {strides = array<i32>} : memref<69x128xf32, #tpu.memory_space<vmem>>, vector<16xf32>,
    %broadcast_in_dim3A_1967 = arith.constant 120 : i32
    %broadcast_in_dim3A_1968 = vector.broadcast %broadcast_in_dim3A_1967 : i32 to vector<16xi32>
    %gather3A_1969 = tpu.vector_load_idx %arg15[%broadcast_in_dim3A_1968] : memref<144xf32, #tpu.memory_space<vmem>>[vector<16xi32>], vector<16xf32>,
    %swap3A_1970 = arith.constant 56 : i32
    %swap3A_1971 = arith.index_cast %swap3A_1970 : i32 to index
    %swap3A_1972 = arith.constant 0 : index
    %swap3A_1973 = tpu.vector_load %arg18[%swap3A_1971, %swap3A_1972] {strides = array<i32>} : memref<69x128xf32, #tpu.memory_space<vmem>>, vector<16xf32>,
    tpu.vector_store %arg18[%swap3A_1971, %swap3A_1972], %gather3A_1969 {strides = array<i32>} : memref<69x128xf32, #tpu.memory_space<vmem>>, vector<16xf32>,
    %swap3A_1974 = arith.constant 56 : i32
    %swap3A_1975 = arith.index_cast %swap3A_1974 : i32 to index
    %swap3A_1976 = arith.constant 16 : index
    %swap3A_1977 = tpu.vector_load %arg18[%swap3A_1975, %swap3A_1976] {strides = array<i32>} : memref<69x128xf32, #tpu.memory_space<vmem>>, vector<16xf32>,
    tpu.vector_store %arg18[%swap3A_1975, %swap3A_1976], %gather3A_1969 {strides = array<i32>} : memref<69x128xf32, #tpu.memory_space<vmem>>, vector<16xf32>,
    %swap3A_1978 = arith.constant 56 : i32
    %swap3A_1979 = arith.index_cast %swap3A_1978 : i32 to index
    %swap3A_1980 = arith.constant 32 : index
    %swap3A_1981 = tpu.vector_load %arg18[%swap3A_1979, %swap3A_1980] {strides = array<i32>} : memref<69x128xf32, #tpu.memory_space<vmem>>, vector<16xf32>,
    tpu.vector_store %arg18[%swap3A_1979, %swap3A_1980], %gather3A_1969 {strides = array<i32>} : memref<69x128xf32, #tpu.memory_space<vmem>>, vector<16xf32>,
    %swap3A_1982 = arith.constant 56 : i32
    %swap3A_1983 = arith.index_cast %swap3A_1982 : i32 to index
    %swap3A_1984 = arith.constant 48 : index
    %swap3A_1985 = tpu.vector_load %arg18[%swap3A_1983, %swap3A_1984] {strides = array<i32>} : memref<69x128xf32, #tpu.memory_space<vmem>>, vector<16xf32>,
    tpu.vector_store %arg18[%swap3A_1983, %swap3A_1984], %gather3A_1969 {strides = array<i32>} : memref<69x128xf32, #tpu.memory_space<vmem>>, vector<16xf32>,
    %swap3A_1986 = arith.constant 56 : i32
    %swap3A_1987 = arith.index_cast %swap3A_1986 : i32 to index
    %swap3A_1988 = arith.constant 64 : index
    %swap3A_1989 = tpu.vector_load %arg18[%swap3A_1987, %swap3A_1988] {strides = array<i32>} : memref<69x128xf32, #tpu.memory_space<vmem>>, vector<16xf32>,
    tpu.vector_store %arg18[%swap3A_1987, %swap3A_1988], %gather3A_1969 {strides = array<i32>} : memref<69x128xf32, #tpu.memory_space<vmem>>, vector<16xf32>,
    %swap3A_1990 = arith.constant 56 : i32
    %swap3A_1991 = arith.index_cast %swap3A_1990 : i32 to index
    %swap3A_1992 = arith.constant 80 : index
    %swap3A_1993 = tpu.vector_load %arg18[%swap3A_1991, %swap3A_1992] {strides = array<i32>} : memref<69x128xf32, #tpu.memory_space<vmem>>, vector<16xf32>,
    tpu.vector_store %arg18[%swap3A_1991, %swap3A_1992], %gather3A_1969 {strides = array<i32>} : memref<69x128xf32, #tpu.memory_space<vmem>>, vector<16xf32>,
    %swap3A_1994 = arith.constant 56 : i32
    %swap3A_1995 = arith.index_cast %swap3A_1994 : i32 to index
    %swap3A_1996 = arith.constant 96 : index
    %swap3A_1997 = tpu.vector_load %arg18[%swap3A_1995, %swap3A_1996] {strides = array<i32>} : memref<69x128xf32, #tpu.memory_space<vmem>>, vector<16xf32>,
    tpu.vector_store %arg18[%swap3A_1995, %swap3A_1996], %gather3A_1969 {strides = array<i32>} : memref<69x128xf32, #tpu.memory_space<vmem>>, vector<16xf32>,
    %swap3A_1998 = arith.constant 56 : i32
    %swap3A_1999 = arith.index_cast %swap3A_1998 : i32 to index
    %swap3A_2000 = arith.constant 112 : index
    %swap3A_2001 = tpu.vector_load %arg18[%swap3A_1999, %swap3A_2000] {strides = array<i32>} : memref<69x128xf32, #tpu.memory_space<vmem>>, vector<16xf32>,
    tpu.vector_store %arg18[%swap3A_1999, %swap3A_2000], %gather3A_1969 {strides = array<i32>} : memref<69x128xf32, #tpu.memory_space<vmem>>, vector<16xf32>,
    %broadcast_in_dim3A_2002 = arith.constant 121 : i32
    %broadcast_in_dim3A_2003 = vector.broadcast %broadcast_in_dim3A_2002 : i32 to vector<16xi32>
    %gather3A_2004 = tpu.vector_load_idx %arg15[%broadcast_in_dim3A_2003] : memref<144xf32, #tpu.memory_space<vmem>>[vector<16xi32>], vector<16xf32>,
    %swap3A_2005 = arith.constant 57 : i32
    %swap3A_2006 = arith.index_cast %swap3A_2005 : i32 to index
    %swap3A_2007 = arith.constant 0 : index
    %swap3A_2008 = tpu.vector_load %arg18[%swap3A_2006, %swap3A_2007] {strides = array<i32>} : memref<69x128xf32, #tpu.memory_space<vmem>>, vector<16xf32>,
    tpu.vector_store %arg18[%swap3A_2006, %swap3A_2007], %gather3A_2004 {strides = array<i32>} : memref<69x128xf32, #tpu.memory_space<vmem>>, vector<16xf32>,
    %swap3A_2009 = arith.constant 57 : i32
    %swap3A_2010 = arith.index_cast %swap3A_2009 : i32 to index
    %swap3A_2011 = arith.constant 16 : index
    %swap3A_2012 = tpu.vector_load %arg18[%swap3A_2010, %swap3A_2011] {strides = array<i32>} : memref<69x128xf32, #tpu.memory_space<vmem>>, vector<16xf32>,
    tpu.vector_store %arg18[%swap3A_2010, %swap3A_2011], %gather3A_2004 {strides = array<i32>} : memref<69x128xf32, #tpu.memory_space<vmem>>, vector<16xf32>,
    %swap3A_2013 = arith.constant 57 : i32
    %swap3A_2014 = arith.index_cast %swap3A_2013 : i32 to index
    %swap3A_2015 = arith.constant 32 : index
    %swap3A_2016 = tpu.vector_load %arg18[%swap3A_2014, %swap3A_2015] {strides = array<i32>} : memref<69x128xf32, #tpu.memory_space<vmem>>, vector<16xf32>,
    tpu.vector_store %arg18[%swap3A_2014, %swap3A_2015], %gather3A_2004 {strides = array<i32>} : memref<69x128xf32, #tpu.memory_space<vmem>>, vector<16xf32>,
    %swap3A_2017 = arith.constant 57 : i32
    %swap3A_2018 = arith.index_cast %swap3A_2017 : i32 to index
    %swap3A_2019 = arith.constant 48 : index
    %swap3A_2020 = tpu.vector_load %arg18[%swap3A_2018, %swap3A_2019] {strides = array<i32>} : memref<69x128xf32, #tpu.memory_space<vmem>>, vector<16xf32>,
    tpu.vector_store %arg18[%swap3A_2018, %swap3A_2019], %gather3A_2004 {strides = array<i32>} : memref<69x128xf32, #tpu.memory_space<vmem>>, vector<16xf32>,
    %swap3A_2021 = arith.constant 57 : i32
    %swap3A_2022 = arith.index_cast %swap3A_2021 : i32 to index
    %swap3A_2023 = arith.constant 64 : index
    %swap3A_2024 = tpu.vector_load %arg18[%swap3A_2022, %swap3A_2023] {strides = array<i32>} : memref<69x128xf32, #tpu.memory_space<vmem>>, vector<16xf32>,
    tpu.vector_store %arg18[%swap3A_2022, %swap3A_2023], %gather3A_2004 {strides = array<i32>} : memref<69x128xf32, #tpu.memory_space<vmem>>, vector<16xf32>,
    %swap3A_2025 = arith.constant 57 : i32
    %swap3A_2026 = arith.index_cast %swap3A_2025 : i32 to index
    %swap3A_2027 = arith.constant 80 : index
    %swap3A_2028 = tpu.vector_load %arg18[%swap3A_2026, %swap3A_2027] {strides = array<i32>} : memref<69x128xf32, #tpu.memory_space<vmem>>, vector<16xf32>,
    tpu.vector_store %arg18[%swap3A_2026, %swap3A_2027], %gather3A_2004 {strides = array<i32>} : memref<69x128xf32, #tpu.memory_space<vmem>>, vector<16xf32>,
    %swap3A_2029 = arith.constant 57 : i32
    %swap3A_2030 = arith.index_cast %swap3A_2029 : i32 to index
    %swap3A_2031 = arith.constant 96 : index
    %swap3A_2032 = tpu.vector_load %arg18[%swap3A_2030, %swap3A_2031] {strides = array<i32>} : memref<69x128xf32, #tpu.memory_space<vmem>>, vector<16xf32>,
    tpu.vector_store %arg18[%swap3A_2030, %swap3A_2031], %gather3A_2004 {strides = array<i32>} : memref<69x128xf32, #tpu.memory_space<vmem>>, vector<16xf32>,
    %swap3A_2033 = arith.constant 57 : i32
    %swap3A_2034 = arith.index_cast %swap3A_2033 : i32 to index
    %swap3A_2035 = arith.constant 112 : index
    %swap3A_2036 = tpu.vector_load %arg18[%swap3A_2034, %swap3A_2035] {strides = array<i32>} : memref<69x128xf32, #tpu.memory_space<vmem>>, vector<16xf32>,
    tpu.vector_store %arg18[%swap3A_2034, %swap3A_2035], %gather3A_2004 {strides = array<i32>} : memref<69x128xf32, #tpu.memory_space<vmem>>, vector<16xf32>,
    %broadcast_in_dim3A_2037 = arith.constant 122 : i32
    %broadcast_in_dim3A_2038 = vector.broadcast %broadcast_in_dim3A_2037 : i32 to vector<16xi32>
    %gather3A_2039 = tpu.vector_load_idx %arg15[%broadcast_in_dim3A_2038] : memref<144xf32, #tpu.memory_space<vmem>>[vector<16xi32>], vector<16xf32>,
    %swap3A_2040 = arith.constant 58 : i32
    %swap3A_2041 = arith.index_cast %swap3A_2040 : i32 to index
    %swap3A_2042 = arith.constant 0 : index
    %swap3A_2043 = tpu.vector_load %arg18[%swap3A_2041, %swap3A_2042] {strides = array<i32>} : memref<69x128xf32, #tpu.memory_space<vmem>>, vector<16xf32>,
    tpu.vector_store %arg18[%swap3A_2041, %swap3A_2042], %gather3A_2039 {strides = array<i32>} : memref<69x128xf32, #tpu.memory_space<vmem>>, vector<16xf32>,
    %swap3A_2044 = arith.constant 58 : i32
    %swap3A_2045 = arith.index_cast %swap3A_2044 : i32 to index
    %swap3A_2046 = arith.constant 16 : index
    %swap3A_2047 = tpu.vector_load %arg18[%swap3A_2045, %swap3A_2046] {strides = array<i32>} : memref<69x128xf32, #tpu.memory_space<vmem>>, vector<16xf32>,
    tpu.vector_store %arg18[%swap3A_2045, %swap3A_2046], %gather3A_2039 {strides = array<i32>} : memref<69x128xf32, #tpu.memory_space<vmem>>, vector<16xf32>,
    %swap3A_2048 = arith.constant 58 : i32
    %swap3A_2049 = arith.index_cast %swap3A_2048 : i32 to index
    %swap3A_2050 = arith.constant 32 : index
    %swap3A_2051 = tpu.vector_load %arg18[%swap3A_2049, %swap3A_2050] {strides = array<i32>} : memref<69x128xf32, #tpu.memory_space<vmem>>, vector<16xf32>,
    tpu.vector_store %arg18[%swap3A_2049, %swap3A_2050], %gather3A_2039 {strides = array<i32>} : memref<69x128xf32, #tpu.memory_space<vmem>>, vector<16xf32>,
    %swap3A_2052 = arith.constant 58 : i32
    %swap3A_2053 = arith.index_cast %swap3A_2052 : i32 to index
    %swap3A_2054 = arith.constant 48 : index
    %swap3A_2055 = tpu.vector_load %arg18[%swap3A_2053, %swap3A_2054] {strides = array<i32>} : memref<69x128xf32, #tpu.memory_space<vmem>>, vector<16xf32>,
    tpu.vector_store %arg18[%swap3A_2053, %swap3A_2054], %gather3A_2039 {strides = array<i32>} : memref<69x128xf32, #tpu.memory_space<vmem>>, vector<16xf32>,
    %swap3A_2056 = arith.constant 58 : i32
    %swap3A_2057 = arith.index_cast %swap3A_2056 : i32 to index
    %swap3A_2058 = arith.constant 64 : index
    %swap3A_2059 = tpu.vector_load %arg18[%swap3A_2057, %swap3A_2058] {strides = array<i32>} : memref<69x128xf32, #tpu.memory_space<vmem>>, vector<16xf32>,
    tpu.vector_store %arg18[%swap3A_2057, %swap3A_2058], %gather3A_2039 {strides = array<i32>} : memref<69x128xf32, #tpu.memory_space<vmem>>, vector<16xf32>,
    %swap3A_2060 = arith.constant 58 : i32
    %swap3A_2061 = arith.index_cast %swap3A_2060 : i32 to index
    %swap3A_2062 = arith.constant 80 : index
    %swap3A_2063 = tpu.vector_load %arg18[%swap3A_2061, %swap3A_2062] {strides = array<i32>} : memref<69x128xf32, #tpu.memory_space<vmem>>, vector<16xf32>,
    tpu.vector_store %arg18[%swap3A_2061, %swap3A_2062], %gather3A_2039 {strides = array<i32>} : memref<69x128xf32, #tpu.memory_space<vmem>>, vector<16xf32>,
    %swap3A_2064 = arith.constant 58 : i32
    %swap3A_2065 = arith.index_cast %swap3A_2064 : i32 to index
    %swap3A_2066 = arith.constant 96 : index
    %swap3A_2067 = tpu.vector_load %arg18[%swap3A_2065, %swap3A_2066] {strides = array<i32>} : memref<69x128xf32, #tpu.memory_space<vmem>>, vector<16xf32>,
    tpu.vector_store %arg18[%swap3A_2065, %swap3A_2066], %gather3A_2039 {strides = array<i32>} : memref<69x128xf32, #tpu.memory_space<vmem>>, vector<16xf32>,
    %swap3A_2068 = arith.constant 58 : i32
    %swap3A_2069 = arith.index_cast %swap3A_2068 : i32 to index
    %swap3A_2070 = arith.constant 112 : index
    %swap3A_2071 = tpu.vector_load %arg18[%swap3A_2069, %swap3A_2070] {strides = array<i32>} : memref<69x128xf32, #tpu.memory_space<vmem>>, vector<16xf32>,
    tpu.vector_store %arg18[%swap3A_2069, %swap3A_2070], %gather3A_2039 {strides = array<i32>} : memref<69x128xf32, #tpu.memory_space<vmem>>, vector<16xf32>,
    %broadcast_in_dim3A_2072 = arith.constant 123 : i32
    %broadcast_in_dim3A_2073 = vector.broadcast %broadcast_in_dim3A_2072 : i32 to vector<16xi32>
    %gather3A_2074 = tpu.vector_load_idx %arg15[%broadcast_in_dim3A_2073] : memref<144xf32, #tpu.memory_space<vmem>>[vector<16xi32>], vector<16xf32>,
    %swap3A_2075 = arith.constant 59 : i32
    %swap3A_2076 = arith.index_cast %swap3A_2075 : i32 to index
    %swap3A_2077 = arith.constant 0 : index
    %swap3A_2078 = tpu.vector_load %arg18[%swap3A_2076, %swap3A_2077] {strides = array<i32>} : memref<69x128xf32, #tpu.memory_space<vmem>>, vector<16xf32>,
    tpu.vector_store %arg18[%swap3A_2076, %swap3A_2077], %gather3A_2074 {strides = array<i32>} : memref<69x128xf32, #tpu.memory_space<vmem>>, vector<16xf32>,
    %swap3A_2079 = arith.constant 59 : i32
    %swap3A_2080 = arith.index_cast %swap3A_2079 : i32 to index
    %swap3A_2081 = arith.constant 16 : index
    %swap3A_2082 = tpu.vector_load %arg18[%swap3A_2080, %swap3A_2081] {strides = array<i32>} : memref<69x128xf32, #tpu.memory_space<vmem>>, vector<16xf32>,
    tpu.vector_store %arg18[%swap3A_2080, %swap3A_2081], %gather3A_2074 {strides = array<i32>} : memref<69x128xf32, #tpu.memory_space<vmem>>, vector<16xf32>,
    %swap3A_2083 = arith.constant 59 : i32
    %swap3A_2084 = arith.index_cast %swap3A_2083 : i32 to index
    %swap3A_2085 = arith.constant 32 : index
    %swap3A_2086 = tpu.vector_load %arg18[%swap3A_2084, %swap3A_2085] {strides = array<i32>} : memref<69x128xf32, #tpu.memory_space<vmem>>, vector<16xf32>,
    tpu.vector_store %arg18[%swap3A_2084, %swap3A_2085], %gather3A_2074 {strides = array<i32>} : memref<69x128xf32, #tpu.memory_space<vmem>>, vector<16xf32>,
    %swap3A_2087 = arith.constant 59 : i32
    %swap3A_2088 = arith.index_cast %swap3A_2087 : i32 to index
    %swap3A_2089 = arith.constant 48 : index
    %swap3A_2090 = tpu.vector_load %arg18[%swap3A_2088, %swap3A_2089] {strides = array<i32>} : memref<69x128xf32, #tpu.memory_space<vmem>>, vector<16xf32>,
    tpu.vector_store %arg18[%swap3A_2088, %swap3A_2089], %gather3A_2074 {strides = array<i32>} : memref<69x128xf32, #tpu.memory_space<vmem>>, vector<16xf32>,
    %swap3A_2091 = arith.constant 59 : i32
    %swap3A_2092 = arith.index_cast %swap3A_2091 : i32 to index
    %swap3A_2093 = arith.constant 64 : index
    %swap3A_2094 = tpu.vector_load %arg18[%swap3A_2092, %swap3A_2093] {strides = array<i32>} : memref<69x128xf32, #tpu.memory_space<vmem>>, vector<16xf32>,
    tpu.vector_store %arg18[%swap3A_2092, %swap3A_2093], %gather3A_2074 {strides = array<i32>} : memref<69x128xf32, #tpu.memory_space<vmem>>, vector<16xf32>,
    %swap3A_2095 = arith.constant 59 : i32
    %swap3A_2096 = arith.index_cast %swap3A_2095 : i32 to index
    %swap3A_2097 = arith.constant 80 : index
    %swap3A_2098 = tpu.vector_load %arg18[%swap3A_2096, %swap3A_2097] {strides = array<i32>} : memref<69x128xf32, #tpu.memory_space<vmem>>, vector<16xf32>,
    tpu.vector_store %arg18[%swap3A_2096, %swap3A_2097], %gather3A_2074 {strides = array<i32>} : memref<69x128xf32, #tpu.memory_space<vmem>>, vector<16xf32>,
    %swap3A_2099 = arith.constant 59 : i32
    %swap3A_2100 = arith.index_cast %swap3A_2099 : i32 to index
    %swap3A_2101 = arith.constant 96 : index
    %swap3A_2102 = tpu.vector_load %arg18[%swap3A_2100, %swap3A_2101] {strides = array<i32>} : memref<69x128xf32, #tpu.memory_space<vmem>>, vector<16xf32>,
    tpu.vector_store %arg18[%swap3A_2100, %swap3A_2101], %gather3A_2074 {strides = array<i32>} : memref<69x128xf32, #tpu.memory_space<vmem>>, vector<16xf32>,
    %swap3A_2103 = arith.constant 59 : i32
    %swap3A_2104 = arith.index_cast %swap3A_2103 : i32 to index
    %swap3A_2105 = arith.constant 112 : index
    %swap3A_2106 = tpu.vector_load %arg18[%swap3A_2104, %swap3A_2105] {strides = array<i32>} : memref<69x128xf32, #tpu.memory_space<vmem>>, vector<16xf32>,
    tpu.vector_store %arg18[%swap3A_2104, %swap3A_2105], %gather3A_2074 {strides = array<i32>} : memref<69x128xf32, #tpu.memory_space<vmem>>, vector<16xf32>,
    %broadcast_in_dim3A_2107 = arith.constant 124 : i32
    %broadcast_in_dim3A_2108 = vector.broadcast %broadcast_in_dim3A_2107 : i32 to vector<16xi32>
    %gather3A_2109 = tpu.vector_load_idx %arg15[%broadcast_in_dim3A_2108] : memref<144xf32, #tpu.memory_space<vmem>>[vector<16xi32>], vector<16xf32>,
    %swap3A_2110 = arith.constant 60 : i32
    %swap3A_2111 = arith.index_cast %swap3A_2110 : i32 to index
    %swap3A_2112 = arith.constant 0 : index
    %swap3A_2113 = tpu.vector_load %arg18[%swap3A_2111, %swap3A_2112] {strides = array<i32>} : memref<69x128xf32, #tpu.memory_space<vmem>>, vector<16xf32>,
    tpu.vector_store %arg18[%swap3A_2111, %swap3A_2112], %gather3A_2109 {strides = array<i32>} : memref<69x128xf32, #tpu.memory_space<vmem>>, vector<16xf32>,
    %swap3A_2114 = arith.constant 60 : i32
    %swap3A_2115 = arith.index_cast %swap3A_2114 : i32 to index
    %swap3A_2116 = arith.constant 16 : index
    %swap3A_2117 = tpu.vector_load %arg18[%swap3A_2115, %swap3A_2116] {strides = array<i32>} : memref<69x128xf32, #tpu.memory_space<vmem>>, vector<16xf32>,
    tpu.vector_store %arg18[%swap3A_2115, %swap3A_2116], %gather3A_2109 {strides = array<i32>} : memref<69x128xf32, #tpu.memory_space<vmem>>, vector<16xf32>,
    %swap3A_2118 = arith.constant 60 : i32
    %swap3A_2119 = arith.index_cast %swap3A_2118 : i32 to index
    %swap3A_2120 = arith.constant 32 : index
    %swap3A_2121 = tpu.vector_load %arg18[%swap3A_2119, %swap3A_2120] {strides = array<i32>} : memref<69x128xf32, #tpu.memory_space<vmem>>, vector<16xf32>,
    tpu.vector_store %arg18[%swap3A_2119, %swap3A_2120], %gather3A_2109 {strides = array<i32>} : memref<69x128xf32, #tpu.memory_space<vmem>>, vector<16xf32>,
    %swap3A_2122 = arith.constant 60 : i32
    %swap3A_2123 = arith.index_cast %swap3A_2122 : i32 to index
    %swap3A_2124 = arith.constant 48 : index
    %swap3A_2125 = tpu.vector_load %arg18[%swap3A_2123, %swap3A_2124] {strides = array<i32>} : memref<69x128xf32, #tpu.memory_space<vmem>>, vector<16xf32>,
    tpu.vector_store %arg18[%swap3A_2123, %swap3A_2124], %gather3A_2109 {strides = array<i32>} : memref<69x128xf32, #tpu.memory_space<vmem>>, vector<16xf32>,
    %swap3A_2126 = arith.constant 60 : i32
    %swap3A_2127 = arith.index_cast %swap3A_2126 : i32 to index
    %swap3A_2128 = arith.constant 64 : index
    %swap3A_2129 = tpu.vector_load %arg18[%swap3A_2127, %swap3A_2128] {strides = array<i32>} : memref<69x128xf32, #tpu.memory_space<vmem>>, vector<16xf32>,
    tpu.vector_store %arg18[%swap3A_2127, %swap3A_2128], %gather3A_2109 {strides = array<i32>} : memref<69x128xf32, #tpu.memory_space<vmem>>, vector<16xf32>,
    %swap3A_2130 = arith.constant 60 : i32
    %swap3A_2131 = arith.index_cast %swap3A_2130 : i32 to index
    %swap3A_2132 = arith.constant 80 : index
    %swap3A_2133 = tpu.vector_load %arg18[%swap3A_2131, %swap3A_2132] {strides = array<i32>} : memref<69x128xf32, #tpu.memory_space<vmem>>, vector<16xf32>,
    tpu.vector_store %arg18[%swap3A_2131, %swap3A_2132], %gather3A_2109 {strides = array<i32>} : memref<69x128xf32, #tpu.memory_space<vmem>>, vector<16xf32>,
    %swap3A_2134 = arith.constant 60 : i32
    %swap3A_2135 = arith.index_cast %swap3A_2134 : i32 to index
    %swap3A_2136 = arith.constant 96 : index
    %swap3A_2137 = tpu.vector_load %arg18[%swap3A_2135, %swap3A_2136] {strides = array<i32>} : memref<69x128xf32, #tpu.memory_space<vmem>>, vector<16xf32>,
    tpu.vector_store %arg18[%swap3A_2135, %swap3A_2136], %gather3A_2109 {strides = array<i32>} : memref<69x128xf32, #tpu.memory_space<vmem>>, vector<16xf32>,
    %swap3A_2138 = arith.constant 60 : i32
    %swap3A_2139 = arith.index_cast %swap3A_2138 : i32 to index
    %swap3A_2140 = arith.constant 112 : index
    %swap3A_2141 = tpu.vector_load %arg18[%swap3A_2139, %swap3A_2140] {strides = array<i32>} : memref<69x128xf32, #tpu.memory_space<vmem>>, vector<16xf32>,
    tpu.vector_store %arg18[%swap3A_2139, %swap3A_2140], %gather3A_2109 {strides = array<i32>} : memref<69x128xf32, #tpu.memory_space<vmem>>, vector<16xf32>,
    %broadcast_in_dim3A_2142 = arith.constant 125 : i32
    %broadcast_in_dim3A_2143 = vector.broadcast %broadcast_in_dim3A_2142 : i32 to vector<16xi32>
    %gather3A_2144 = tpu.vector_load_idx %arg15[%broadcast_in_dim3A_2143] : memref<144xf32, #tpu.memory_space<vmem>>[vector<16xi32>], vector<16xf32>,
    %swap3A_2145 = arith.constant 61 : i32
    %swap3A_2146 = arith.index_cast %swap3A_2145 : i32 to index
    %swap3A_2147 = arith.constant 0 : index
    %swap3A_2148 = tpu.vector_load %arg18[%swap3A_2146, %swap3A_2147] {strides = array<i32>} : memref<69x128xf32, #tpu.memory_space<vmem>>, vector<16xf32>,
    tpu.vector_store %arg18[%swap3A_2146, %swap3A_2147], %gather3A_2144 {strides = array<i32>} : memref<69x128xf32, #tpu.memory_space<vmem>>, vector<16xf32>,
    %swap3A_2149 = arith.constant 61 : i32
    %swap3A_2150 = arith.index_cast %swap3A_2149 : i32 to index
    %swap3A_2151 = arith.constant 16 : index
    %swap3A_2152 = tpu.vector_load %arg18[%swap3A_2150, %swap3A_2151] {strides = array<i32>} : memref<69x128xf32, #tpu.memory_space<vmem>>, vector<16xf32>,
    tpu.vector_store %arg18[%swap3A_2150, %swap3A_2151], %gather3A_2144 {strides = array<i32>} : memref<69x128xf32, #tpu.memory_space<vmem>>, vector<16xf32>,
    %swap3A_2153 = arith.constant 61 : i32
    %swap3A_2154 = arith.index_cast %swap3A_2153 : i32 to index
    %swap3A_2155 = arith.constant 32 : index
    %swap3A_2156 = tpu.vector_load %arg18[%swap3A_2154, %swap3A_2155] {strides = array<i32>} : memref<69x128xf32, #tpu.memory_space<vmem>>, vector<16xf32>,
    tpu.vector_store %arg18[%swap3A_2154, %swap3A_2155], %gather3A_2144 {strides = array<i32>} : memref<69x128xf32, #tpu.memory_space<vmem>>, vector<16xf32>,
    %swap3A_2157 = arith.constant 61 : i32
    %swap3A_2158 = arith.index_cast %swap3A_2157 : i32 to index
    %swap3A_2159 = arith.constant 48 : index
    %swap3A_2160 = tpu.vector_load %arg18[%swap3A_2158, %swap3A_2159] {strides = array<i32>} : memref<69x128xf32, #tpu.memory_space<vmem>>, vector<16xf32>,
    tpu.vector_store %arg18[%swap3A_2158, %swap3A_2159], %gather3A_2144 {strides = array<i32>} : memref<69x128xf32, #tpu.memory_space<vmem>>, vector<16xf32>,
    %swap3A_2161 = arith.constant 61 : i32
    %swap3A_2162 = arith.index_cast %swap3A_2161 : i32 to index
    %swap3A_2163 = arith.constant 64 : index
    %swap3A_2164 = tpu.vector_load %arg18[%swap3A_2162, %swap3A_2163] {strides = array<i32>} : memref<69x128xf32, #tpu.memory_space<vmem>>, vector<16xf32>,
    tpu.vector_store %arg18[%swap3A_2162, %swap3A_2163], %gather3A_2144 {strides = array<i32>} : memref<69x128xf32, #tpu.memory_space<vmem>>, vector<16xf32>,
    %swap3A_2165 = arith.constant 61 : i32
    %swap3A_2166 = arith.index_cast %swap3A_2165 : i32 to index
    %swap3A_2167 = arith.constant 80 : index
    %swap3A_2168 = tpu.vector_load %arg18[%swap3A_2166, %swap3A_2167] {strides = array<i32>} : memref<69x128xf32, #tpu.memory_space<vmem>>, vector<16xf32>,
    tpu.vector_store %arg18[%swap3A_2166, %swap3A_2167], %gather3A_2144 {strides = array<i32>} : memref<69x128xf32, #tpu.memory_space<vmem>>, vector<16xf32>,
    %swap3A_2169 = arith.constant 61 : i32
    %swap3A_2170 = arith.index_cast %swap3A_2169 : i32 to index
    %swap3A_2171 = arith.constant 96 : index
    %swap3A_2172 = tpu.vector_load %arg18[%swap3A_2170, %swap3A_2171] {strides = array<i32>} : memref<69x128xf32, #tpu.memory_space<vmem>>, vector<16xf32>,
    tpu.vector_store %arg18[%swap3A_2170, %swap3A_2171], %gather3A_2144 {strides = array<i32>} : memref<69x128xf32, #tpu.memory_space<vmem>>, vector<16xf32>,
    %swap3A_2173 = arith.constant 61 : i32
    %swap3A_2174 = arith.index_cast %swap3A_2173 : i32 to index
    %swap3A_2175 = arith.constant 112 : index
    %swap3A_2176 = tpu.vector_load %arg18[%swap3A_2174, %swap3A_2175] {strides = array<i32>} : memref<69x128xf32, #tpu.memory_space<vmem>>, vector<16xf32>,
    tpu.vector_store %arg18[%swap3A_2174, %swap3A_2175], %gather3A_2144 {strides = array<i32>} : memref<69x128xf32, #tpu.memory_space<vmem>>, vector<16xf32>,
    %broadcast_in_dim3A_2177 = arith.constant 126 : i32
    %broadcast_in_dim3A_2178 = vector.broadcast %broadcast_in_dim3A_2177 : i32 to vector<16xi32>
    %gather3A_2179 = tpu.vector_load_idx %arg15[%broadcast_in_dim3A_2178] : memref<144xf32, #tpu.memory_space<vmem>>[vector<16xi32>], vector<16xf32>,
    %swap3A_2180 = arith.constant 62 : i32
    %swap3A_2181 = arith.index_cast %swap3A_2180 : i32 to index
    %swap3A_2182 = arith.constant 0 : index
    %swap3A_2183 = tpu.vector_load %arg18[%swap3A_2181, %swap3A_2182] {strides = array<i32>} : memref<69x128xf32, #tpu.memory_space<vmem>>, vector<16xf32>,
    tpu.vector_store %arg18[%swap3A_2181, %swap3A_2182], %gather3A_2179 {strides = array<i32>} : memref<69x128xf32, #tpu.memory_space<vmem>>, vector<16xf32>,
    %swap3A_2184 = arith.constant 62 : i32
    %swap3A_2185 = arith.index_cast %swap3A_2184 : i32 to index
    %swap3A_2186 = arith.constant 16 : index
    %swap3A_2187 = tpu.vector_load %arg18[%swap3A_2185, %swap3A_2186] {strides = array<i32>} : memref<69x128xf32, #tpu.memory_space<vmem>>, vector<16xf32>,
    tpu.vector_store %arg18[%swap3A_2185, %swap3A_2186], %gather3A_2179 {strides = array<i32>} : memref<69x128xf32, #tpu.memory_space<vmem>>, vector<16xf32>,
    %swap3A_2188 = arith.constant 62 : i32
    %swap3A_2189 = arith.index_cast %swap3A_2188 : i32 to index
    %swap3A_2190 = arith.constant 32 : index
    %swap3A_2191 = tpu.vector_load %arg18[%swap3A_2189, %swap3A_2190] {strides = array<i32>} : memref<69x128xf32, #tpu.memory_space<vmem>>, vector<16xf32>,
    tpu.vector_store %arg18[%swap3A_2189, %swap3A_2190], %gather3A_2179 {strides = array<i32>} : memref<69x128xf32, #tpu.memory_space<vmem>>, vector<16xf32>,
    %swap3A_2192 = arith.constant 62 : i32
    %swap3A_2193 = arith.index_cast %swap3A_2192 : i32 to index
    %swap3A_2194 = arith.constant 48 : index
    %swap3A_2195 = tpu.vector_load %arg18[%swap3A_2193, %swap3A_2194] {strides = array<i32>} : memref<69x128xf32, #tpu.memory_space<vmem>>, vector<16xf32>,
    tpu.vector_store %arg18[%swap3A_2193, %swap3A_2194], %gather3A_2179 {strides = array<i32>} : memref<69x128xf32, #tpu.memory_space<vmem>>, vector<16xf32>,
    %swap3A_2196 = arith.constant 62 : i32
    %swap3A_2197 = arith.index_cast %swap3A_2196 : i32 to index
    %swap3A_2198 = arith.constant 64 : index
    %swap3A_2199 = tpu.vector_load %arg18[%swap3A_2197, %swap3A_2198] {strides = array<i32>} : memref<69x128xf32, #tpu.memory_space<vmem>>, vector<16xf32>,
    tpu.vector_store %arg18[%swap3A_2197, %swap3A_2198], %gather3A_2179 {strides = array<i32>} : memref<69x128xf32, #tpu.memory_space<vmem>>, vector<16xf32>,
    %swap3A_2200 = arith.constant 62 : i32
    %swap3A_2201 = arith.index_cast %swap3A_2200 : i32 to index
    %swap3A_2202 = arith.constant 80 : index
    %swap3A_2203 = tpu.vector_load %arg18[%swap3A_2201, %swap3A_2202] {strides = array<i32>} : memref<69x128xf32, #tpu.memory_space<vmem>>, vector<16xf32>,
    tpu.vector_store %arg18[%swap3A_2201, %swap3A_2202], %gather3A_2179 {strides = array<i32>} : memref<69x128xf32, #tpu.memory_space<vmem>>, vector<16xf32>,
    %swap3A_2204 = arith.constant 62 : i32
    %swap3A_2205 = arith.index_cast %swap3A_2204 : i32 to index
    %swap3A_2206 = arith.constant 96 : index
    %swap3A_2207 = tpu.vector_load %arg18[%swap3A_2205, %swap3A_2206] {strides = array<i32>} : memref<69x128xf32, #tpu.memory_space<vmem>>, vector<16xf32>,
    tpu.vector_store %arg18[%swap3A_2205, %swap3A_2206], %gather3A_2179 {strides = array<i32>} : memref<69x128xf32, #tpu.memory_space<vmem>>, vector<16xf32>,
    %swap3A_2208 = arith.constant 62 : i32
    %swap3A_2209 = arith.index_cast %swap3A_2208 : i32 to index
    %swap3A_2210 = arith.constant 112 : index
    %swap3A_2211 = tpu.vector_load %arg18[%swap3A_2209, %swap3A_2210] {strides = array<i32>} : memref<69x128xf32, #tpu.memory_space<vmem>>, vector<16xf32>,
    tpu.vector_store %arg18[%swap3A_2209, %swap3A_2210], %gather3A_2179 {strides = array<i32>} : memref<69x128xf32, #tpu.memory_space<vmem>>, vector<16xf32>,
    %broadcast_in_dim3A_2212 = arith.constant 127 : i32
    %broadcast_in_dim3A_2213 = vector.broadcast %broadcast_in_dim3A_2212 : i32 to vector<16xi32>
    %gather3A_2214 = tpu.vector_load_idx %arg15[%broadcast_in_dim3A_2213] : memref<144xf32, #tpu.memory_space<vmem>>[vector<16xi32>], vector<16xf32>,
    %swap3A_2215 = arith.constant 63 : i32
    %swap3A_2216 = arith.index_cast %swap3A_2215 : i32 to index
    %swap3A_2217 = arith.constant 0 : index
    %swap3A_2218 = tpu.vector_load %arg18[%swap3A_2216, %swap3A_2217] {strides = array<i32>} : memref<69x128xf32, #tpu.memory_space<vmem>>, vector<16xf32>,
    tpu.vector_store %arg18[%swap3A_2216, %swap3A_2217], %gather3A_2214 {strides = array<i32>} : memref<69x128xf32, #tpu.memory_space<vmem>>, vector<16xf32>,
    %swap3A_2219 = arith.constant 63 : i32
    %swap3A_2220 = arith.index_cast %swap3A_2219 : i32 to index
    %swap3A_2221 = arith.constant 16 : index
    %swap3A_2222 = tpu.vector_load %arg18[%swap3A_2220, %swap3A_2221] {strides = array<i32>} : memref<69x128xf32, #tpu.memory_space<vmem>>, vector<16xf32>,
    tpu.vector_store %arg18[%swap3A_2220, %swap3A_2221], %gather3A_2214 {strides = array<i32>} : memref<69x128xf32, #tpu.memory_space<vmem>>, vector<16xf32>,
    %swap3A_2223 = arith.constant 63 : i32
    %swap3A_2224 = arith.index_cast %swap3A_2223 : i32 to index
    %swap3A_2225 = arith.constant 32 : index
    %swap3A_2226 = tpu.vector_load %arg18[%swap3A_2224, %swap3A_2225] {strides = array<i32>} : memref<69x128xf32, #tpu.memory_space<vmem>>, vector<16xf32>,
    tpu.vector_store %arg18[%swap3A_2224, %swap3A_2225], %gather3A_2214 {strides = array<i32>} : memref<69x128xf32, #tpu.memory_space<vmem>>, vector<16xf32>,
    %swap3A_2227 = arith.constant 63 : i32
    %swap3A_2228 = arith.index_cast %swap3A_2227 : i32 to index
    %swap3A_2229 = arith.constant 48 : index
    %swap3A_2230 = tpu.vector_load %arg18[%swap3A_2228, %swap3A_2229] {strides = array<i32>} : memref<69x128xf32, #tpu.memory_space<vmem>>, vector<16xf32>,
    tpu.vector_store %arg18[%swap3A_2228, %swap3A_2229], %gather3A_2214 {strides = array<i32>} : memref<69x128xf32, #tpu.memory_space<vmem>>, vector<16xf32>,
    %swap3A_2231 = arith.constant 63 : i32
    %swap3A_2232 = arith.index_cast %swap3A_2231 : i32 to index
    %swap3A_2233 = arith.constant 64 : index
    %swap3A_2234 = tpu.vector_load %arg18[%swap3A_2232, %swap3A_2233] {strides = array<i32>} : memref<69x128xf32, #tpu.memory_space<vmem>>, vector<16xf32>,
    tpu.vector_store %arg18[%swap3A_2232, %swap3A_2233], %gather3A_2214 {strides = array<i32>} : memref<69x128xf32, #tpu.memory_space<vmem>>, vector<16xf32>,
    %swap3A_2235 = arith.constant 63 : i32
    %swap3A_2236 = arith.index_cast %swap3A_2235 : i32 to index
    %swap3A_2237 = arith.constant 80 : index
    %swap3A_2238 = tpu.vector_load %arg18[%swap3A_2236, %swap3A_2237] {strides = array<i32>} : memref<69x128xf32, #tpu.memory_space<vmem>>, vector<16xf32>,
    tpu.vector_store %arg18[%swap3A_2236, %swap3A_2237], %gather3A_2214 {strides = array<i32>} : memref<69x128xf32, #tpu.memory_space<vmem>>, vector<16xf32>,
    %swap3A_2239 = arith.constant 63 : i32
    %swap3A_2240 = arith.index_cast %swap3A_2239 : i32 to index
    %swap3A_2241 = arith.constant 96 : index
    %swap3A_2242 = tpu.vector_load %arg18[%swap3A_2240, %swap3A_2241] {strides = array<i32>} : memref<69x128xf32, #tpu.memory_space<vmem>>, vector<16xf32>,
    tpu.vector_store %arg18[%swap3A_2240, %swap3A_2241], %gather3A_2214 {strides = array<i32>} : memref<69x128xf32, #tpu.memory_space<vmem>>, vector<16xf32>,
    %swap3A_2243 = arith.constant 63 : i32
    %swap3A_2244 = arith.index_cast %swap3A_2243 : i32 to index
    %swap3A_2245 = arith.constant 112 : index
    %swap3A_2246 = tpu.vector_load %arg18[%swap3A_2244, %swap3A_2245] {strides = array<i32>} : memref<69x128xf32, #tpu.memory_space<vmem>>, vector<16xf32>,
    tpu.vector_store %arg18[%swap3A_2244, %swap3A_2245], %gather3A_2214 {strides = array<i32>} : memref<69x128xf32, #tpu.memory_space<vmem>>, vector<16xf32>,
    %broadcast_in_dim3A_2247 = arith.constant 128 : i32
    %broadcast_in_dim3A_2248 = vector.broadcast %broadcast_in_dim3A_2247 : i32 to vector<16xi32>
    %gather3A_2249 = tpu.vector_load_idx %arg15[%broadcast_in_dim3A_2248] : memref<144xf32, #tpu.memory_space<vmem>>[vector<16xi32>], vector<16xf32>,
    %swap3A_2250 = arith.constant 64 : i32
    %swap3A_2251 = arith.index_cast %swap3A_2250 : i32 to index
    %swap3A_2252 = arith.constant 0 : index
    %swap3A_2253 = tpu.vector_load %arg18[%swap3A_2251, %swap3A_2252] {strides = array<i32>} : memref<69x128xf32, #tpu.memory_space<vmem>>, vector<16xf32>,
    tpu.vector_store %arg18[%swap3A_2251, %swap3A_2252], %gather3A_2249 {strides = array<i32>} : memref<69x128xf32, #tpu.memory_space<vmem>>, vector<16xf32>,
    %swap3A_2254 = arith.constant 64 : i32
    %swap3A_2255 = arith.index_cast %swap3A_2254 : i32 to index
    %swap3A_2256 = arith.constant 16 : index
    %swap3A_2257 = tpu.vector_load %arg18[%swap3A_2255, %swap3A_2256] {strides = array<i32>} : memref<69x128xf32, #tpu.memory_space<vmem>>, vector<16xf32>,
    tpu.vector_store %arg18[%swap3A_2255, %swap3A_2256], %gather3A_2249 {strides = array<i32>} : memref<69x128xf32, #tpu.memory_space<vmem>>, vector<16xf32>,
    %swap3A_2258 = arith.constant 64 : i32
    %swap3A_2259 = arith.index_cast %swap3A_2258 : i32 to index
    %swap3A_2260 = arith.constant 32 : index
    %swap3A_2261 = tpu.vector_load %arg18[%swap3A_2259, %swap3A_2260] {strides = array<i32>} : memref<69x128xf32, #tpu.memory_space<vmem>>, vector<16xf32>,
    tpu.vector_store %arg18[%swap3A_2259, %swap3A_2260], %gather3A_2249 {strides = array<i32>} : memref<69x128xf32, #tpu.memory_space<vmem>>, vector<16xf32>,
    %swap3A_2262 = arith.constant 64 : i32
    %swap3A_2263 = arith.index_cast %swap3A_2262 : i32 to index
    %swap3A_2264 = arith.constant 48 : index
    %swap3A_2265 = tpu.vector_load %arg18[%swap3A_2263, %swap3A_2264] {strides = array<i32>} : memref<69x128xf32, #tpu.memory_space<vmem>>, vector<16xf32>,
    tpu.vector_store %arg18[%swap3A_2263, %swap3A_2264], %gather3A_2249 {strides = array<i32>} : memref<69x128xf32, #tpu.memory_space<vmem>>, vector<16xf32>,
    %swap3A_2266 = arith.constant 64 : i32
    %swap3A_2267 = arith.index_cast %swap3A_2266 : i32 to index
    %swap3A_2268 = arith.constant 64 : index
    %swap3A_2269 = tpu.vector_load %arg18[%swap3A_2267, %swap3A_2268] {strides = array<i32>} : memref<69x128xf32, #tpu.memory_space<vmem>>, vector<16xf32>,
    tpu.vector_store %arg18[%swap3A_2267, %swap3A_2268], %gather3A_2249 {strides = array<i32>} : memref<69x128xf32, #tpu.memory_space<vmem>>, vector<16xf32>,
    %swap3A_2270 = arith.constant 64 : i32
    %swap3A_2271 = arith.index_cast %swap3A_2270 : i32 to index
    %swap3A_2272 = arith.constant 80 : index
    %swap3A_2273 = tpu.vector_load %arg18[%swap3A_2271, %swap3A_2272] {strides = array<i32>} : memref<69x128xf32, #tpu.memory_space<vmem>>, vector<16xf32>,
    tpu.vector_store %arg18[%swap3A_2271, %swap3A_2272], %gather3A_2249 {strides = array<i32>} : memref<69x128xf32, #tpu.memory_space<vmem>>, vector<16xf32>,
    %swap3A_2274 = arith.constant 64 : i32
    %swap3A_2275 = arith.index_cast %swap3A_2274 : i32 to index
    %swap3A_2276 = arith.constant 96 : index
    %swap3A_2277 = tpu.vector_load %arg18[%swap3A_2275, %swap3A_2276] {strides = array<i32>} : memref<69x128xf32, #tpu.memory_space<vmem>>, vector<16xf32>,
    tpu.vector_store %arg18[%swap3A_2275, %swap3A_2276], %gather3A_2249 {strides = array<i32>} : memref<69x128xf32, #tpu.memory_space<vmem>>, vector<16xf32>,
    %swap3A_2278 = arith.constant 64 : i32
    %swap3A_2279 = arith.index_cast %swap3A_2278 : i32 to index
    %swap3A_2280 = arith.constant 112 : index
    %swap3A_2281 = tpu.vector_load %arg18[%swap3A_2279, %swap3A_2280] {strides = array<i32>} : memref<69x128xf32, #tpu.memory_space<vmem>>, vector<16xf32>,
    tpu.vector_store %arg18[%swap3A_2279, %swap3A_2280], %gather3A_2249 {strides = array<i32>} : memref<69x128xf32, #tpu.memory_space<vmem>>, vector<16xf32>,
    %broadcast_in_dim3A_2282 = arith.constant 129 : i32
    %broadcast_in_dim3A_2283 = vector.broadcast %broadcast_in_dim3A_2282 : i32 to vector<16xi32>
    %gather3A_2284 = tpu.vector_load_idx %arg15[%broadcast_in_dim3A_2283] : memref<144xf32, #tpu.memory_space<vmem>>[vector<16xi32>], vector<16xf32>,
    %swap3A_2285 = arith.constant 65 : i32
    %swap3A_2286 = arith.index_cast %swap3A_2285 : i32 to index
    %swap3A_2287 = arith.constant 0 : index
    %swap3A_2288 = tpu.vector_load %arg18[%swap3A_2286, %swap3A_2287] {strides = array<i32>} : memref<69x128xf32, #tpu.memory_space<vmem>>, vector<16xf32>,
    tpu.vector_store %arg18[%swap3A_2286, %swap3A_2287], %gather3A_2284 {strides = array<i32>} : memref<69x128xf32, #tpu.memory_space<vmem>>, vector<16xf32>,
    %swap3A_2289 = arith.constant 65 : i32
    %swap3A_2290 = arith.index_cast %swap3A_2289 : i32 to index
    %swap3A_2291 = arith.constant 16 : index
    %swap3A_2292 = tpu.vector_load %arg18[%swap3A_2290, %swap3A_2291] {strides = array<i32>} : memref<69x128xf32, #tpu.memory_space<vmem>>, vector<16xf32>,
    tpu.vector_store %arg18[%swap3A_2290, %swap3A_2291], %gather3A_2284 {strides = array<i32>} : memref<69x128xf32, #tpu.memory_space<vmem>>, vector<16xf32>,
    %swap3A_2293 = arith.constant 65 : i32
    %swap3A_2294 = arith.index_cast %swap3A_2293 : i32 to index
    %swap3A_2295 = arith.constant 32 : index
    %swap3A_2296 = tpu.vector_load %arg18[%swap3A_2294, %swap3A_2295] {strides = array<i32>} : memref<69x128xf32, #tpu.memory_space<vmem>>, vector<16xf32>,
    tpu.vector_store %arg18[%swap3A_2294, %swap3A_2295], %gather3A_2284 {strides = array<i32>} : memref<69x128xf32, #tpu.memory_space<vmem>>, vector<16xf32>,
    %swap3A_2297 = arith.constant 65 : i32
    %swap3A_2298 = arith.index_cast %swap3A_2297 : i32 to index
    %swap3A_2299 = arith.constant 48 : index
    %swap3A_2300 = tpu.vector_load %arg18[%swap3A_2298, %swap3A_2299] {strides = array<i32>} : memref<69x128xf32, #tpu.memory_space<vmem>>, vector<16xf32>,
    tpu.vector_store %arg18[%swap3A_2298, %swap3A_2299], %gather3A_2284 {strides = array<i32>} : memref<69x128xf32, #tpu.memory_space<vmem>>, vector<16xf32>,
    %swap3A_2301 = arith.constant 65 : i32
    %swap3A_2302 = arith.index_cast %swap3A_2301 : i32 to index
    %swap3A_2303 = arith.constant 64 : index
    %swap3A_2304 = tpu.vector_load %arg18[%swap3A_2302, %swap3A_2303] {strides = array<i32>} : memref<69x128xf32, #tpu.memory_space<vmem>>, vector<16xf32>,
    tpu.vector_store %arg18[%swap3A_2302, %swap3A_2303], %gather3A_2284 {strides = array<i32>} : memref<69x128xf32, #tpu.memory_space<vmem>>, vector<16xf32>,
    %swap3A_2305 = arith.constant 65 : i32
    %swap3A_2306 = arith.index_cast %swap3A_2305 : i32 to index
    %swap3A_2307 = arith.constant 80 : index
    %swap3A_2308 = tpu.vector_load %arg18[%swap3A_2306, %swap3A_2307] {strides = array<i32>} : memref<69x128xf32, #tpu.memory_space<vmem>>, vector<16xf32>,
    tpu.vector_store %arg18[%swap3A_2306, %swap3A_2307], %gather3A_2284 {strides = array<i32>} : memref<69x128xf32, #tpu.memory_space<vmem>>, vector<16xf32>,
    %swap3A_2309 = arith.constant 65 : i32
    %swap3A_2310 = arith.index_cast %swap3A_2309 : i32 to index
    %swap3A_2311 = arith.constant 96 : index
    %swap3A_2312 = tpu.vector_load %arg18[%swap3A_2310, %swap3A_2311] {strides = array<i32>} : memref<69x128xf32, #tpu.memory_space<vmem>>, vector<16xf32>,
    tpu.vector_store %arg18[%swap3A_2310, %swap3A_2311], %gather3A_2284 {strides = array<i32>} : memref<69x128xf32, #tpu.memory_space<vmem>>, vector<16xf32>,
    %swap3A_2313 = arith.constant 65 : i32
    %swap3A_2314 = arith.index_cast %swap3A_2313 : i32 to index
    %swap3A_2315 = arith.constant 112 : index
    %swap3A_2316 = tpu.vector_load %arg18[%swap3A_2314, %swap3A_2315] {strides = array<i32>} : memref<69x128xf32, #tpu.memory_space<vmem>>, vector<16xf32>,
    tpu.vector_store %arg18[%swap3A_2314, %swap3A_2315], %gather3A_2284 {strides = array<i32>} : memref<69x128xf32, #tpu.memory_space<vmem>>, vector<16xf32>,
    %broadcast_in_dim3A_2317 = arith.constant 130 : i32
    %broadcast_in_dim3A_2318 = vector.broadcast %broadcast_in_dim3A_2317 : i32 to vector<16xi32>
    %gather3A_2319 = tpu.vector_load_idx %arg15[%broadcast_in_dim3A_2318] : memref<144xf32, #tpu.memory_space<vmem>>[vector<16xi32>], vector<16xf32>,
    %swap3A_2320 = arith.constant 66 : i32
    %swap3A_2321 = arith.index_cast %swap3A_2320 : i32 to index
    %swap3A_2322 = arith.constant 0 : index
    %swap3A_2323 = tpu.vector_load %arg18[%swap3A_2321, %swap3A_2322] {strides = array<i32>} : memref<69x128xf32, #tpu.memory_space<vmem>>, vector<16xf32>,
    tpu.vector_store %arg18[%swap3A_2321, %swap3A_2322], %gather3A_2319 {strides = array<i32>} : memref<69x128xf32, #tpu.memory_space<vmem>>, vector<16xf32>,
    %swap3A_2324 = arith.constant 66 : i32
    %swap3A_2325 = arith.index_cast %swap3A_2324 : i32 to index
    %swap3A_2326 = arith.constant 16 : index
    %swap3A_2327 = tpu.vector_load %arg18[%swap3A_2325, %swap3A_2326] {strides = array<i32>} : memref<69x128xf32, #tpu.memory_space<vmem>>, vector<16xf32>,
    tpu.vector_store %arg18[%swap3A_2325, %swap3A_2326], %gather3A_2319 {strides = array<i32>} : memref<69x128xf32, #tpu.memory_space<vmem>>, vector<16xf32>,
    %swap3A_2328 = arith.constant 66 : i32
    %swap3A_2329 = arith.index_cast %swap3A_2328 : i32 to index
    %swap3A_2330 = arith.constant 32 : index
    %swap3A_2331 = tpu.vector_load %arg18[%swap3A_2329, %swap3A_2330] {strides = array<i32>} : memref<69x128xf32, #tpu.memory_space<vmem>>, vector<16xf32>,
    tpu.vector_store %arg18[%swap3A_2329, %swap3A_2330], %gather3A_2319 {strides = array<i32>} : memref<69x128xf32, #tpu.memory_space<vmem>>, vector<16xf32>,
    %swap3A_2332 = arith.constant 66 : i32
    %swap3A_2333 = arith.index_cast %swap3A_2332 : i32 to index
    %swap3A_2334 = arith.constant 48 : index
    %swap3A_2335 = tpu.vector_load %arg18[%swap3A_2333, %swap3A_2334] {strides = array<i32>} : memref<69x128xf32, #tpu.memory_space<vmem>>, vector<16xf32>,
    tpu.vector_store %arg18[%swap3A_2333, %swap3A_2334], %gather3A_2319 {strides = array<i32>} : memref<69x128xf32, #tpu.memory_space<vmem>>, vector<16xf32>,
    %swap3A_2336 = arith.constant 66 : i32
    %swap3A_2337 = arith.index_cast %swap3A_2336 : i32 to index
    %swap3A_2338 = arith.constant 64 : index
    %swap3A_2339 = tpu.vector_load %arg18[%swap3A_2337, %swap3A_2338] {strides = array<i32>} : memref<69x128xf32, #tpu.memory_space<vmem>>, vector<16xf32>,
    tpu.vector_store %arg18[%swap3A_2337, %swap3A_2338], %gather3A_2319 {strides = array<i32>} : memref<69x128xf32, #tpu.memory_space<vmem>>, vector<16xf32>,
    %swap3A_2340 = arith.constant 66 : i32
    %swap3A_2341 = arith.index_cast %swap3A_2340 : i32 to index
    %swap3A_2342 = arith.constant 80 : index
    %swap3A_2343 = tpu.vector_load %arg18[%swap3A_2341, %swap3A_2342] {strides = array<i32>} : memref<69x128xf32, #tpu.memory_space<vmem>>, vector<16xf32>,
    tpu.vector_store %arg18[%swap3A_2341, %swap3A_2342], %gather3A_2319 {strides = array<i32>} : memref<69x128xf32, #tpu.memory_space<vmem>>, vector<16xf32>,
    %swap3A_2344 = arith.constant 66 : i32
    %swap3A_2345 = arith.index_cast %swap3A_2344 : i32 to index
    %swap3A_2346 = arith.constant 96 : index
    %swap3A_2347 = tpu.vector_load %arg18[%swap3A_2345, %swap3A_2346] {strides = array<i32>} : memref<69x128xf32, #tpu.memory_space<vmem>>, vector<16xf32>,
    tpu.vector_store %arg18[%swap3A_2345, %swap3A_2346], %gather3A_2319 {strides = array<i32>} : memref<69x128xf32, #tpu.memory_space<vmem>>, vector<16xf32>,
    %swap3A_2348 = arith.constant 66 : i32
    %swap3A_2349 = arith.index_cast %swap3A_2348 : i32 to index
    %swap3A_2350 = arith.constant 112 : index
    %swap3A_2351 = tpu.vector_load %arg18[%swap3A_2349, %swap3A_2350] {strides = array<i32>} : memref<69x128xf32, #tpu.memory_space<vmem>>, vector<16xf32>,
    tpu.vector_store %arg18[%swap3A_2349, %swap3A_2350], %gather3A_2319 {strides = array<i32>} : memref<69x128xf32, #tpu.memory_space<vmem>>, vector<16xf32>,
    %broadcast_in_dim3A_2352 = arith.constant 131 : i32
    %broadcast_in_dim3A_2353 = vector.broadcast %broadcast_in_dim3A_2352 : i32 to vector<16xi32>
    %gather3A_2354 = tpu.vector_load_idx %arg15[%broadcast_in_dim3A_2353] : memref<144xf32, #tpu.memory_space<vmem>>[vector<16xi32>], vector<16xf32>,
    %swap3A_2355 = arith.constant 67 : i32
    %swap3A_2356 = arith.index_cast %swap3A_2355 : i32 to index
    %swap3A_2357 = arith.constant 0 : index
    %swap3A_2358 = tpu.vector_load %arg18[%swap3A_2356, %swap3A_2357] {strides = array<i32>} : memref<69x128xf32, #tpu.memory_space<vmem>>, vector<16xf32>,
    tpu.vector_store %arg18[%swap3A_2356, %swap3A_2357], %gather3A_2354 {strides = array<i32>} : memref<69x128xf32, #tpu.memory_space<vmem>>, vector<16xf32>,
    %swap3A_2359 = arith.constant 67 : i32
    %swap3A_2360 = arith.index_cast %swap3A_2359 : i32 to index
    %swap3A_2361 = arith.constant 16 : index
    %swap3A_2362 = tpu.vector_load %arg18[%swap3A_2360, %swap3A_2361] {strides = array<i32>} : memref<69x128xf32, #tpu.memory_space<vmem>>, vector<16xf32>,
    tpu.vector_store %arg18[%swap3A_2360, %swap3A_2361], %gather3A_2354 {strides = array<i32>} : memref<69x128xf32, #tpu.memory_space<vmem>>, vector<16xf32>,
    %swap3A_2363 = arith.constant 67 : i32
    %swap3A_2364 = arith.index_cast %swap3A_2363 : i32 to index
    %swap3A_2365 = arith.constant 32 : index
    %swap3A_2366 = tpu.vector_load %arg18[%swap3A_2364, %swap3A_2365] {strides = array<i32>} : memref<69x128xf32, #tpu.memory_space<vmem>>, vector<16xf32>,
    tpu.vector_store %arg18[%swap3A_2364, %swap3A_2365], %gather3A_2354 {strides = array<i32>} : memref<69x128xf32, #tpu.memory_space<vmem>>, vector<16xf32>,
    %swap3A_2367 = arith.constant 67 : i32
    %swap3A_2368 = arith.index_cast %swap3A_2367 : i32 to index
    %swap3A_2369 = arith.constant 48 : index
    %swap3A_2370 = tpu.vector_load %arg18[%swap3A_2368, %swap3A_2369] {strides = array<i32>} : memref<69x128xf32, #tpu.memory_space<vmem>>, vector<16xf32>,
    tpu.vector_store %arg18[%swap3A_2368, %swap3A_2369], %gather3A_2354 {strides = array<i32>} : memref<69x128xf32, #tpu.memory_space<vmem>>, vector<16xf32>,
    %swap3A_2371 = arith.constant 67 : i32
    %swap3A_2372 = arith.index_cast %swap3A_2371 : i32 to index
    %swap3A_2373 = arith.constant 64 : index
    %swap3A_2374 = tpu.vector_load %arg18[%swap3A_2372, %swap3A_2373] {strides = array<i32>} : memref<69x128xf32, #tpu.memory_space<vmem>>, vector<16xf32>,
    tpu.vector_store %arg18[%swap3A_2372, %swap3A_2373], %gather3A_2354 {strides = array<i32>} : memref<69x128xf32, #tpu.memory_space<vmem>>, vector<16xf32>,
    %swap3A_2375 = arith.constant 67 : i32
    %swap3A_2376 = arith.index_cast %swap3A_2375 : i32 to index
    %swap3A_2377 = arith.constant 80 : index
    %swap3A_2378 = tpu.vector_load %arg18[%swap3A_2376, %swap3A_2377] {strides = array<i32>} : memref<69x128xf32, #tpu.memory_space<vmem>>, vector<16xf32>,
    tpu.vector_store %arg18[%swap3A_2376, %swap3A_2377], %gather3A_2354 {strides = array<i32>} : memref<69x128xf32, #tpu.memory_space<vmem>>, vector<16xf32>,
    %swap3A_2379 = arith.constant 67 : i32
    %swap3A_2380 = arith.index_cast %swap3A_2379 : i32 to index
    %swap3A_2381 = arith.constant 96 : index
    %swap3A_2382 = tpu.vector_load %arg18[%swap3A_2380, %swap3A_2381] {strides = array<i32>} : memref<69x128xf32, #tpu.memory_space<vmem>>, vector<16xf32>,
    tpu.vector_store %arg18[%swap3A_2380, %swap3A_2381], %gather3A_2354 {strides = array<i32>} : memref<69x128xf32, #tpu.memory_space<vmem>>, vector<16xf32>,
    %swap3A_2383 = arith.constant 67 : i32
    %swap3A_2384 = arith.index_cast %swap3A_2383 : i32 to index
    %swap3A_2385 = arith.constant 112 : index
    %swap3A_2386 = tpu.vector_load %arg18[%swap3A_2384, %swap3A_2385] {strides = array<i32>} : memref<69x128xf32, #tpu.memory_space<vmem>>, vector<16xf32>,
    tpu.vector_store %arg18[%swap3A_2384, %swap3A_2385], %gather3A_2354 {strides = array<i32>} : memref<69x128xf32, #tpu.memory_space<vmem>>, vector<16xf32>,
    %broadcast_in_dim3A_2387 = arith.constant 132 : i32
    %broadcast_in_dim3A_2388 = vector.broadcast %broadcast_in_dim3A_2387 : i32 to vector<16xi32>
    %gather3A_2389 = tpu.vector_load_idx %arg15[%broadcast_in_dim3A_2388] : memref<144xf32, #tpu.memory_space<vmem>>[vector<16xi32>], vector<16xf32>,
    %swap3A_2390 = arith.constant 68 : i32
    %swap3A_2391 = arith.index_cast %swap3A_2390 : i32 to index
    %swap3A_2392 = arith.constant 0 : index
    %swap3A_2393 = tpu.vector_load %arg18[%swap3A_2391, %swap3A_2392] {strides = array<i32>} : memref<69x128xf32, #tpu.memory_space<vmem>>, vector<16xf32>,
    tpu.vector_store %arg18[%swap3A_2391, %swap3A_2392], %gather3A_2389 {strides = array<i32>} : memref<69x128xf32, #tpu.memory_space<vmem>>, vector<16xf32>,
    %swap3A_2394 = arith.constant 68 : i32
    %swap3A_2395 = arith.index_cast %swap3A_2394 : i32 to index
    %swap3A_2396 = arith.constant 16 : index
    %swap3A_2397 = tpu.vector_load %arg18[%swap3A_2395, %swap3A_2396] {strides = array<i32>} : memref<69x128xf32, #tpu.memory_space<vmem>>, vector<16xf32>,
    tpu.vector_store %arg18[%swap3A_2395, %swap3A_2396], %gather3A_2389 {strides = array<i32>} : memref<69x128xf32, #tpu.memory_space<vmem>>, vector<16xf32>,
    %swap3A_2398 = arith.constant 68 : i32
    %swap3A_2399 = arith.index_cast %swap3A_2398 : i32 to index
    %swap3A_2400 = arith.constant 32 : index
    %swap3A_2401 = tpu.vector_load %arg18[%swap3A_2399, %swap3A_2400] {strides = array<i32>} : memref<69x128xf32, #tpu.memory_space<vmem>>, vector<16xf32>,
    tpu.vector_store %arg18[%swap3A_2399, %swap3A_2400], %gather3A_2389 {strides = array<i32>} : memref<69x128xf32, #tpu.memory_space<vmem>>, vector<16xf32>,
    %swap3A_2402 = arith.constant 68 : i32
    %swap3A_2403 = arith.index_cast %swap3A_2402 : i32 to index
    %swap3A_2404 = arith.constant 48 : index
    %swap3A_2405 = tpu.vector_load %arg18[%swap3A_2403, %swap3A_2404] {strides = array<i32>} : memref<69x128xf32, #tpu.memory_space<vmem>>, vector<16xf32>,
    tpu.vector_store %arg18[%swap3A_2403, %swap3A_2404], %gather3A_2389 {strides = array<i32>} : memref<69x128xf32, #tpu.memory_space<vmem>>, vector<16xf32>,
    %swap3A_2406 = arith.constant 68 : i32
    %swap3A_2407 = arith.index_cast %swap3A_2406 : i32 to index
    %swap3A_2408 = arith.constant 64 : index
    %swap3A_2409 = tpu.vector_load %arg18[%swap3A_2407, %swap3A_2408] {strides = array<i32>} : memref<69x128xf32, #tpu.memory_space<vmem>>, vector<16xf32>,
    tpu.vector_store %arg18[%swap3A_2407, %swap3A_2408], %gather3A_2389 {strides = array<i32>} : memref<69x128xf32, #tpu.memory_space<vmem>>, vector<16xf32>,
    %swap3A_2410 = arith.constant 68 : i32
    %swap3A_2411 = arith.index_cast %swap3A_2410 : i32 to index
    %swap3A_2412 = arith.constant 80 : index
    %swap3A_2413 = tpu.vector_load %arg18[%swap3A_2411, %swap3A_2412] {strides = array<i32>} : memref<69x128xf32, #tpu.memory_space<vmem>>, vector<16xf32>,
    tpu.vector_store %arg18[%swap3A_2411, %swap3A_2412], %gather3A_2389 {strides = array<i32>} : memref<69x128xf32, #tpu.memory_space<vmem>>, vector<16xf32>,
    %swap3A_2414 = arith.constant 68 : i32
    %swap3A_2415 = arith.index_cast %swap3A_2414 : i32 to index
    %swap3A_2416 = arith.constant 96 : index
    %swap3A_2417 = tpu.vector_load %arg18[%swap3A_2415, %swap3A_2416] {strides = array<i32>} : memref<69x128xf32, #tpu.memory_space<vmem>>, vector<16xf32>,
    tpu.vector_store %arg18[%swap3A_2415, %swap3A_2416], %gather3A_2389 {strides = array<i32>} : memref<69x128xf32, #tpu.memory_space<vmem>>, vector<16xf32>,
    %swap3A_2418 = arith.constant 68 : i32
    %swap3A_2419 = arith.index_cast %swap3A_2418 : i32 to index
    %swap3A_2420 = arith.constant 112 : index
    %swap3A_2421 = tpu.vector_load %arg18[%swap3A_2419, %swap3A_2420] {strides = array<i32>} : memref<69x128xf32, #tpu.memory_space<vmem>>, vector<16xf32>,
    tpu.vector_store %arg18[%swap3A_2419, %swap3A_2420], %gather3A_2389 {strides = array<i32>} : memref<69x128xf32, #tpu.memory_space<vmem>>, vector<16xf32>,
    %iota3A = tpu.iota {dimensions = array<i32: 0>} : vector<16xi32>
    %add3A_2422 = arith.constant 0 : i32
    %add3A_2423 = vector.broadcast %add3A_2422 : i32 to vector<16xi32>
    %add3A_2424 = arith.addi %iota3A, %add3A_2423 : vector<16xi32>
    %get3A = arith.constant 0 : index
    %get3A_2425 = tpu.vector_load %arg11[%get3A] {strides = array<i32>} : memref<128xi32, #tpu.memory_space<vmem>>, vector<16xi32>,
    %add3A_2426 = arith.constant 0 : i32
    %add3A_2427 = vector.broadcast %add3A_2426 : i32 to vector<16xi32>
    %add3A_2428 = arith.addi %get3A_2425, %add3A_2427 : vector<16xi32>
    %add3A_2429 = arith.constant 64 : i32
    %add3A_2430 = vector.broadcast %add3A_2429 : i32 to vector<16xi32>
    %add3A_2431 = arith.addi %add3A_2428, %add3A_2430 : vector<16xi32>
    %gather3A_2432 = tpu.vector_load_idx %arg14[%add3A_2431] : memref<144xf32, #tpu.memory_space<vmem>>[vector<16xi32>], vector<16xf32>,
    tpu.vector_store_idx %arg18[%add3A_2428, %add3A_2424], %gather3A_2432 {add = true} : memref<69x128xf32, #tpu.memory_space<vmem>>[vector<16xi32>, vector<16xi32>], vector<16xf32>,
    %get3A_2433 = arith.constant 0 : index
    %get3A_2434 = tpu.vector_load %arg12[%get3A_2433] {strides = array<i32>} : memref<128xi32, #tpu.memory_space<vmem>>, vector<16xi32>,
    %add3A_2435 = arith.constant 19 : i32
    %add3A_2436 = vector.broadcast %add3A_2435 : i32 to vector<16xi32>
    %add3A_2437 = arith.addi %get3A_2434, %add3A_2436 : vector<16xi32>
    %add3A_2438 = arith.constant 64 : i32
    %add3A_2439 = vector.broadcast %add3A_2438 : i32 to vector<16xi32>
    %add3A_2440 = arith.addi %add3A_2437, %add3A_2439 : vector<16xi32>
    %gather3A_2441 = tpu.vector_load_idx %arg14[%add3A_2440] : memref<144xf32, #tpu.memory_space<vmem>>[vector<16xi32>], vector<16xf32>,
    tpu.vector_store_idx %arg18[%add3A_2437, %add3A_2424], %gather3A_2441 {add = true} : memref<69x128xf32, #tpu.memory_space<vmem>>[vector<16xi32>, vector<16xi32>], vector<16xf32>,
    %get3A_2442 = arith.constant 0 : index
    %get3A_2443 = tpu.vector_load %arg13[%get3A_2442] {strides = array<i32>} : memref<128xi32, #tpu.memory_space<vmem>>, vector<16xi32>,
    %add3A_2444 = arith.constant 49 : i32
    %add3A_2445 = vector.broadcast %add3A_2444 : i32 to vector<16xi32>
    %add3A_2446 = arith.addi %get3A_2443, %add3A_2445 : vector<16xi32>
    %add3A_2447 = arith.constant 64 : i32
    %add3A_2448 = vector.broadcast %add3A_2447 : i32 to vector<16xi32>
    %add3A_2449 = arith.addi %add3A_2446, %add3A_2448 : vector<16xi32>
    %gather3A_2450 = tpu.vector_load_idx %arg14[%add3A_2449] : memref<144xf32, #tpu.memory_space<vmem>>[vector<16xi32>], vector<16xf32>,
    tpu.vector_store_idx %arg18[%add3A_2446, %add3A_2424], %gather3A_2450 {add = true} : memref<69x128xf32, #tpu.memory_space<vmem>>[vector<16xi32>, vector<16xi32>], vector<16xf32>,
    %add3A_2451 = arith.constant 16 : i32
    %add3A_2452 = vector.broadcast %add3A_2451 : i32 to vector<16xi32>
    %add3A_2453 = arith.addi %iota3A, %add3A_2452 : vector<16xi32>
    %get3A_2454 = arith.constant 16 : index
    %get3A_2455 = tpu.vector_load %arg11[%get3A_2454] {strides = array<i32>} : memref<128xi32, #tpu.memory_space<vmem>>, vector<16xi32>,
    %add3A_2456 = arith.constant 0 : i32
    %add3A_2457 = vector.broadcast %add3A_2456 : i32 to vector<16xi32>
    %add3A_2458 = arith.addi %get3A_2455, %add3A_2457 : vector<16xi32>
    %add3A_2459 = arith.constant 64 : i32
    %add3A_2460 = vector.broadcast %add3A_2459 : i32 to vector<16xi32>
    %add3A_2461 = arith.addi %add3A_2458, %add3A_2460 : vector<16xi32>
    %gather3A_2462 = tpu.vector_load_idx %arg14[%add3A_2461] : memref<144xf32, #tpu.memory_space<vmem>>[vector<16xi32>], vector<16xf32>,
    tpu.vector_store_idx %arg18[%add3A_2458, %add3A_2453], %gather3A_2462 {add = true} : memref<69x128xf32, #tpu.memory_space<vmem>>[vector<16xi32>, vector<16xi32>], vector<16xf32>,
    %get3A_2463 = arith.constant 16 : index
    %get3A_2464 = tpu.vector_load %arg12[%get3A_2463] {strides = array<i32>} : memref<128xi32, #tpu.memory_space<vmem>>, vector<16xi32>,
    %add3A_2465 = arith.constant 19 : i32
    %add3A_2466 = vector.broadcast %add3A_2465 : i32 to vector<16xi32>
    %add3A_2467 = arith.addi %get3A_2464, %add3A_2466 : vector<16xi32>
    %add3A_2468 = arith.constant 64 : i32
    %add3A_2469 = vector.broadcast %add3A_2468 : i32 to vector<16xi32>
    %add3A_2470 = arith.addi %add3A_2467, %add3A_2469 : vector<16xi32>
    %gather3A_2471 = tpu.vector_load_idx %arg14[%add3A_2470] : memref<144xf32, #tpu.memory_space<vmem>>[vector<16xi32>], vector<16xf32>,
    tpu.vector_store_idx %arg18[%add3A_2467, %add3A_2453], %gather3A_2471 {add = true} : memref<69x128xf32, #tpu.memory_space<vmem>>[vector<16xi32>, vector<16xi32>], vector<16xf32>,
    %get3A_2472 = arith.constant 16 : index
    %get3A_2473 = tpu.vector_load %arg13[%get3A_2472] {strides = array<i32>} : memref<128xi32, #tpu.memory_space<vmem>>, vector<16xi32>,
    %add3A_2474 = arith.constant 49 : i32
    %add3A_2475 = vector.broadcast %add3A_2474 : i32 to vector<16xi32>
    %add3A_2476 = arith.addi %get3A_2473, %add3A_2475 : vector<16xi32>
    %add3A_2477 = arith.constant 64 : i32
    %add3A_2478 = vector.broadcast %add3A_2477 : i32 to vector<16xi32>
    %add3A_2479 = arith.addi %add3A_2476, %add3A_2478 : vector<16xi32>
    %gather3A_2480 = tpu.vector_load_idx %arg14[%add3A_2479] : memref<144xf32, #tpu.memory_space<vmem>>[vector<16xi32>], vector<16xf32>,
    tpu.vector_store_idx %arg18[%add3A_2476, %add3A_2453], %gather3A_2480 {add = true} : memref<69x128xf32, #tpu.memory_space<vmem>>[vector<16xi32>, vector<16xi32>], vector<16xf32>,
    %add3A_2481 = arith.constant 32 : i32
    %add3A_2482 = vector.broadcast %add3A_2481 : i32 to vector<16xi32>
    %add3A_2483 = arith.addi %iota3A, %add3A_2482 : vector<16xi32>
    %get3A_2484 = arith.constant 32 : index
    %get3A_2485 = tpu.vector_load %arg11[%get3A_2484] {strides = array<i32>} : memref<128xi32, #tpu.memory_space<vmem>>, vector<16xi32>,
    %add3A_2486 = arith.constant 0 : i32
    %add3A_2487 = vector.broadcast %add3A_2486 : i32 to vector<16xi32>
    %add3A_2488 = arith.addi %get3A_2485, %add3A_2487 : vector<16xi32>
    %add3A_2489 = arith.constant 64 : i32
    %add3A_2490 = vector.broadcast %add3A_2489 : i32 to vector<16xi32>
    %add3A_2491 = arith.addi %add3A_2488, %add3A_2490 : vector<16xi32>
    %gather3A_2492 = tpu.vector_load_idx %arg14[%add3A_2491] : memref<144xf32, #tpu.memory_space<vmem>>[vector<16xi32>], vector<16xf32>,
    tpu.vector_store_idx %arg18[%add3A_2488, %add3A_2483], %gather3A_2492 {add = true} : memref<69x128xf32, #tpu.memory_space<vmem>>[vector<16xi32>, vector<16xi32>], vector<16xf32>,
    %get3A_2493 = arith.constant 32 : index
    %get3A_2494 = tpu.vector_load %arg12[%get3A_2493] {strides = array<i32>} : memref<128xi32, #tpu.memory_space<vmem>>, vector<16xi32>,
    %add3A_2495 = arith.constant 19 : i32
    %add3A_2496 = vector.broadcast %add3A_2495 : i32 to vector<16xi32>
    %add3A_2497 = arith.addi %get3A_2494, %add3A_2496 : vector<16xi32>
    %add3A_2498 = arith.constant 64 : i32
    %add3A_2499 = vector.broadcast %add3A_2498 : i32 to vector<16xi32>
    %add3A_2500 = arith.addi %add3A_2497, %add3A_2499 : vector<16xi32>
    %gather3A_2501 = tpu.vector_load_idx %arg14[%add3A_2500] : memref<144xf32, #tpu.memory_space<vmem>>[vector<16xi32>], vector<16xf32>,
    tpu.vector_store_idx %arg18[%add3A_2497, %add3A_2483], %gather3A_2501 {add = true} : memref<69x128xf32, #tpu.memory_space<vmem>>[vector<16xi32>, vector<16xi32>], vector<16xf32>,
    %get3A_2502 = arith.constant 32 : index
    %get3A_2503 = tpu.vector_load %arg13[%get3A_2502] {strides = array<i32>} : memref<128xi32, #tpu.memory_space<vmem>>, vector<16xi32>,
    %add3A_2504 = arith.constant 49 : i32
    %add3A_2505 = vector.broadcast %add3A_2504 : i32 to vector<16xi32>
    %add3A_2506 = arith.addi %get3A_2503, %add3A_2505 : vector<16xi32>
    %add3A_2507 = arith.constant 64 : i32
    %add3A_2508 = vector.broadcast %add3A_2507 : i32 to vector<16xi32>
    %add3A_2509 = arith.addi %add3A_2506, %add3A_2508 : vector<16xi32>
    %gather3A_2510 = tpu.vector_load_idx %arg14[%add3A_2509] : memref<144xf32, #tpu.memory_space<vmem>>[vector<16xi32>], vector<16xf32>,
    tpu.vector_store_idx %arg18[%add3A_2506, %add3A_2483], %gather3A_2510 {add = true} : memref<69x128xf32, #tpu.memory_space<vmem>>[vector<16xi32>, vector<16xi32>], vector<16xf32>,
    %add3A_2511 = arith.constant 48 : i32
    %add3A_2512 = vector.broadcast %add3A_2511 : i32 to vector<16xi32>
    %add3A_2513 = arith.addi %iota3A, %add3A_2512 : vector<16xi32>
    %get3A_2514 = arith.constant 48 : index
    %get3A_2515 = tpu.vector_load %arg11[%get3A_2514] {strides = array<i32>} : memref<128xi32, #tpu.memory_space<vmem>>, vector<16xi32>,
    %add3A_2516 = arith.constant 0 : i32
    %add3A_2517 = vector.broadcast %add3A_2516 : i32 to vector<16xi32>
    %add3A_2518 = arith.addi %get3A_2515, %add3A_2517 : vector<16xi32>
    %add3A_2519 = arith.constant 64 : i32
    %add3A_2520 = vector.broadcast %add3A_2519 : i32 to vector<16xi32>
    %add3A_2521 = arith.addi %add3A_2518, %add3A_2520 : vector<16xi32>
    %gather3A_2522 = tpu.vector_load_idx %arg14[%add3A_2521] : memref<144xf32, #tpu.memory_space<vmem>>[vector<16xi32>], vector<16xf32>,
    tpu.vector_store_idx %arg18[%add3A_2518, %add3A_2513], %gather3A_2522 {add = true} : memref<69x128xf32, #tpu.memory_space<vmem>>[vector<16xi32>, vector<16xi32>], vector<16xf32>,
    %get3A_2523 = arith.constant 48 : index
    %get3A_2524 = tpu.vector_load %arg12[%get3A_2523] {strides = array<i32>} : memref<128xi32, #tpu.memory_space<vmem>>, vector<16xi32>,
    %add3A_2525 = arith.constant 19 : i32
    %add3A_2526 = vector.broadcast %add3A_2525 : i32 to vector<16xi32>
    %add3A_2527 = arith.addi %get3A_2524, %add3A_2526 : vector<16xi32>
    %add3A_2528 = arith.constant 64 : i32
    %add3A_2529 = vector.broadcast %add3A_2528 : i32 to vector<16xi32>
    %add3A_2530 = arith.addi %add3A_2527, %add3A_2529 : vector<16xi32>
    %gather3A_2531 = tpu.vector_load_idx %arg14[%add3A_2530] : memref<144xf32, #tpu.memory_space<vmem>>[vector<16xi32>], vector<16xf32>,
    tpu.vector_store_idx %arg18[%add3A_2527, %add3A_2513], %gather3A_2531 {add = true} : memref<69x128xf32, #tpu.memory_space<vmem>>[vector<16xi32>, vector<16xi32>], vector<16xf32>,
    %get3A_2532 = arith.constant 48 : index
    %get3A_2533 = tpu.vector_load %arg13[%get3A_2532] {strides = array<i32>} : memref<128xi32, #tpu.memory_space<vmem>>, vector<16xi32>,
    %add3A_2534 = arith.constant 49 : i32
    %add3A_2535 = vector.broadcast %add3A_2534 : i32 to vector<16xi32>
    %add3A_2536 = arith.addi %get3A_2533, %add3A_2535 : vector<16xi32>
    %add3A_2537 = arith.constant 64 : i32
    %add3A_2538 = vector.broadcast %add3A_2537 : i32 to vector<16xi32>
    %add3A_2539 = arith.addi %add3A_2536, %add3A_2538 : vector<16xi32>
    %gather3A_2540 = tpu.vector_load_idx %arg14[%add3A_2539] : memref<144xf32, #tpu.memory_space<vmem>>[vector<16xi32>], vector<16xf32>,
    tpu.vector_store_idx %arg18[%add3A_2536, %add3A_2513], %gather3A_2540 {add = true} : memref<69x128xf32, #tpu.memory_space<vmem>>[vector<16xi32>, vector<16xi32>], vector<16xf32>,
    %add3A_2541 = arith.constant 64 : i32
    %add3A_2542 = vector.broadcast %add3A_2541 : i32 to vector<16xi32>
    %add3A_2543 = arith.addi %iota3A, %add3A_2542 : vector<16xi32>
    %get3A_2544 = arith.constant 64 : index
    %get3A_2545 = tpu.vector_load %arg11[%get3A_2544] {strides = array<i32>} : memref<128xi32, #tpu.memory_space<vmem>>, vector<16xi32>,
    %add3A_2546 = arith.constant 0 : i32
    %add3A_2547 = vector.broadcast %add3A_2546 : i32 to vector<16xi32>
    %add3A_2548 = arith.addi %get3A_2545, %add3A_2547 : vector<16xi32>
    %add3A_2549 = arith.constant 64 : i32
    %add3A_2550 = vector.broadcast %add3A_2549 : i32 to vector<16xi32>
    %add3A_2551 = arith.addi %add3A_2548, %add3A_2550 : vector<16xi32>
    %gather3A_2552 = tpu.vector_load_idx %arg14[%add3A_2551] : memref<144xf32, #tpu.memory_space<vmem>>[vector<16xi32>], vector<16xf32>,
    tpu.vector_store_idx %arg18[%add3A_2548, %add3A_2543], %gather3A_2552 {add = true} : memref<69x128xf32, #tpu.memory_space<vmem>>[vector<16xi32>, vector<16xi32>], vector<16xf32>,
    %get3A_2553 = arith.constant 64 : index
    %get3A_2554 = tpu.vector_load %arg12[%get3A_2553] {strides = array<i32>} : memref<128xi32, #tpu.memory_space<vmem>>, vector<16xi32>,
    %add3A_2555 = arith.constant 19 : i32
    %add3A_2556 = vector.broadcast %add3A_2555 : i32 to vector<16xi32>
    %add3A_2557 = arith.addi %get3A_2554, %add3A_2556 : vector<16xi32>
    %add3A_2558 = arith.constant 64 : i32
    %add3A_2559 = vector.broadcast %add3A_2558 : i32 to vector<16xi32>
    %add3A_2560 = arith.addi %add3A_2557, %add3A_2559 : vector<16xi32>
    %gather3A_2561 = tpu.vector_load_idx %arg14[%add3A_2560] : memref<144xf32, #tpu.memory_space<vmem>>[vector<16xi32>], vector<16xf32>,
    tpu.vector_store_idx %arg18[%add3A_2557, %add3A_2543], %gather3A_2561 {add = true} : memref<69x128xf32, #tpu.memory_space<vmem>>[vector<16xi32>, vector<16xi32>], vector<16xf32>,
    %get3A_2562 = arith.constant 64 : index
    %get3A_2563 = tpu.vector_load %arg13[%get3A_2562] {strides = array<i32>} : memref<128xi32, #tpu.memory_space<vmem>>, vector<16xi32>,
    %add3A_2564 = arith.constant 49 : i32
    %add3A_2565 = vector.broadcast %add3A_2564 : i32 to vector<16xi32>
    %add3A_2566 = arith.addi %get3A_2563, %add3A_2565 : vector<16xi32>
    %add3A_2567 = arith.constant 64 : i32
    %add3A_2568 = vector.broadcast %add3A_2567 : i32 to vector<16xi32>
    %add3A_2569 = arith.addi %add3A_2566, %add3A_2568 : vector<16xi32>
    %gather3A_2570 = tpu.vector_load_idx %arg14[%add3A_2569] : memref<144xf32, #tpu.memory_space<vmem>>[vector<16xi32>], vector<16xf32>,
    tpu.vector_store_idx %arg18[%add3A_2566, %add3A_2543], %gather3A_2570 {add = true} : memref<69x128xf32, #tpu.memory_space<vmem>>[vector<16xi32>, vector<16xi32>], vector<16xf32>,
    %add3A_2571 = arith.constant 80 : i32
    %add3A_2572 = vector.broadcast %add3A_2571 : i32 to vector<16xi32>
    %add3A_2573 = arith.addi %iota3A, %add3A_2572 : vector<16xi32>
    %get3A_2574 = arith.constant 80 : index
    %get3A_2575 = tpu.vector_load %arg11[%get3A_2574] {strides = array<i32>} : memref<128xi32, #tpu.memory_space<vmem>>, vector<16xi32>,
    %add3A_2576 = arith.constant 0 : i32
    %add3A_2577 = vector.broadcast %add3A_2576 : i32 to vector<16xi32>
    %add3A_2578 = arith.addi %get3A_2575, %add3A_2577 : vector<16xi32>
    %add3A_2579 = arith.constant 64 : i32
    %add3A_2580 = vector.broadcast %add3A_2579 : i32 to vector<16xi32>
    %add3A_2581 = arith.addi %add3A_2578, %add3A_2580 : vector<16xi32>
    %gather3A_2582 = tpu.vector_load_idx %arg14[%add3A_2581] : memref<144xf32, #tpu.memory_space<vmem>>[vector<16xi32>], vector<16xf32>,
    tpu.vector_store_idx %arg18[%add3A_2578, %add3A_2573], %gather3A_2582 {add = true} : memref<69x128xf32, #tpu.memory_space<vmem>>[vector<16xi32>, vector<16xi32>], vector<16xf32>,
    %get3A_2583 = arith.constant 80 : index
    %get3A_2584 = tpu.vector_load %arg12[%get3A_2583] {strides = array<i32>} : memref<128xi32, #tpu.memory_space<vmem>>, vector<16xi32>,
    %add3A_2585 = arith.constant 19 : i32
    %add3A_2586 = vector.broadcast %add3A_2585 : i32 to vector<16xi32>
    %add3A_2587 = arith.addi %get3A_2584, %add3A_2586 : vector<16xi32>
    %add3A_2588 = arith.constant 64 : i32
    %add3A_2589 = vector.broadcast %add3A_2588 : i32 to vector<16xi32>
    %add3A_2590 = arith.addi %add3A_2587, %add3A_2589 : vector<16xi32>
    %gather3A_2591 = tpu.vector_load_idx %arg14[%add3A_2590] : memref<144xf32, #tpu.memory_space<vmem>>[vector<16xi32>], vector<16xf32>,
    tpu.vector_store_idx %arg18[%add3A_2587, %add3A_2573], %gather3A_2591 {add = true} : memref<69x128xf32, #tpu.memory_space<vmem>>[vector<16xi32>, vector<16xi32>], vector<16xf32>,
    %get3A_2592 = arith.constant 80 : index
    %get3A_2593 = tpu.vector_load %arg13[%get3A_2592] {strides = array<i32>} : memref<128xi32, #tpu.memory_space<vmem>>, vector<16xi32>,
    %add3A_2594 = arith.constant 49 : i32
    %add3A_2595 = vector.broadcast %add3A_2594 : i32 to vector<16xi32>
    %add3A_2596 = arith.addi %get3A_2593, %add3A_2595 : vector<16xi32>
    %add3A_2597 = arith.constant 64 : i32
    %add3A_2598 = vector.broadcast %add3A_2597 : i32 to vector<16xi32>
    %add3A_2599 = arith.addi %add3A_2596, %add3A_2598 : vector<16xi32>
    %gather3A_2600 = tpu.vector_load_idx %arg14[%add3A_2599] : memref<144xf32, #tpu.memory_space<vmem>>[vector<16xi32>], vector<16xf32>,
    tpu.vector_store_idx %arg18[%add3A_2596, %add3A_2573], %gather3A_2600 {add = true} : memref<69x128xf32, #tpu.memory_space<vmem>>[vector<16xi32>, vector<16xi32>], vector<16xf32>,
    %add3A_2601 = arith.constant 96 : i32
    %add3A_2602 = vector.broadcast %add3A_2601 : i32 to vector<16xi32>
    %add3A_2603 = arith.addi %iota3A, %add3A_2602 : vector<16xi32>
    %get3A_2604 = arith.constant 96 : index
    %get3A_2605 = tpu.vector_load %arg11[%get3A_2604] {strides = array<i32>} : memref<128xi32, #tpu.memory_space<vmem>>, vector<16xi32>,
    %add3A_2606 = arith.constant 0 : i32
    %add3A_2607 = vector.broadcast %add3A_2606 : i32 to vector<16xi32>
    %add3A_2608 = arith.addi %get3A_2605, %add3A_2607 : vector<16xi32>
    %add3A_2609 = arith.constant 64 : i32
    %add3A_2610 = vector.broadcast %add3A_2609 : i32 to vector<16xi32>
    %add3A_2611 = arith.addi %add3A_2608, %add3A_2610 : vector<16xi32>
    %gather3A_2612 = tpu.vector_load_idx %arg14[%add3A_2611] : memref<144xf32, #tpu.memory_space<vmem>>[vector<16xi32>], vector<16xf32>,
    tpu.vector_store_idx %arg18[%add3A_2608, %add3A_2603], %gather3A_2612 {add = true} : memref<69x128xf32, #tpu.memory_space<vmem>>[vector<16xi32>, vector<16xi32>], vector<16xf32>,
    %get3A_2613 = arith.constant 96 : index
    %get3A_2614 = tpu.vector_load %arg12[%get3A_2613] {strides = array<i32>} : memref<128xi32, #tpu.memory_space<vmem>>, vector<16xi32>,
    %add3A_2615 = arith.constant 19 : i32
    %add3A_2616 = vector.broadcast %add3A_2615 : i32 to vector<16xi32>
    %add3A_2617 = arith.addi %get3A_2614, %add3A_2616 : vector<16xi32>
    %add3A_2618 = arith.constant 64 : i32
    %add3A_2619 = vector.broadcast %add3A_2618 : i32 to vector<16xi32>
    %add3A_2620 = arith.addi %add3A_2617, %add3A_2619 : vector<16xi32>
    %gather3A_2621 = tpu.vector_load_idx %arg14[%add3A_2620] : memref<144xf32, #tpu.memory_space<vmem>>[vector<16xi32>], vector<16xf32>,
    tpu.vector_store_idx %arg18[%add3A_2617, %add3A_2603], %gather3A_2621 {add = true} : memref<69x128xf32, #tpu.memory_space<vmem>>[vector<16xi32>, vector<16xi32>], vector<16xf32>,
    %get3A_2622 = arith.constant 96 : index
    %get3A_2623 = tpu.vector_load %arg13[%get3A_2622] {strides = array<i32>} : memref<128xi32, #tpu.memory_space<vmem>>, vector<16xi32>,
    %add3A_2624 = arith.constant 49 : i32
    %add3A_2625 = vector.broadcast %add3A_2624 : i32 to vector<16xi32>
    %add3A_2626 = arith.addi %get3A_2623, %add3A_2625 : vector<16xi32>
    %add3A_2627 = arith.constant 64 : i32
    %add3A_2628 = vector.broadcast %add3A_2627 : i32 to vector<16xi32>
    %add3A_2629 = arith.addi %add3A_2626, %add3A_2628 : vector<16xi32>
    %gather3A_2630 = tpu.vector_load_idx %arg14[%add3A_2629] : memref<144xf32, #tpu.memory_space<vmem>>[vector<16xi32>], vector<16xf32>,
    tpu.vector_store_idx %arg18[%add3A_2626, %add3A_2603], %gather3A_2630 {add = true} : memref<69x128xf32, #tpu.memory_space<vmem>>[vector<16xi32>, vector<16xi32>], vector<16xf32>,
    %add3A_2631 = arith.constant 112 : i32
    %add3A_2632 = vector.broadcast %add3A_2631 : i32 to vector<16xi32>
    %add3A_2633 = arith.addi %iota3A, %add3A_2632 : vector<16xi32>
    %get3A_2634 = arith.constant 112 : index
    %get3A_2635 = tpu.vector_load %arg11[%get3A_2634] {strides = array<i32>} : memref<128xi32, #tpu.memory_space<vmem>>, vector<16xi32>,
    %add3A_2636 = arith.constant 0 : i32
    %add3A_2637 = vector.broadcast %add3A_2636 : i32 to vector<16xi32>
    %add3A_2638 = arith.addi %get3A_2635, %add3A_2637 : vector<16xi32>
    %add3A_2639 = arith.constant 64 : i32
    %add3A_2640 = vector.broadcast %add3A_2639 : i32 to vector<16xi32>
    %add3A_2641 = arith.addi %add3A_2638, %add3A_2640 : vector<16xi32>
    %gather3A_2642 = tpu.vector_load_idx %arg14[%add3A_2641] : memref<144xf32, #tpu.memory_space<vmem>>[vector<16xi32>], vector<16xf32>,
    tpu.vector_store_idx %arg18[%add3A_2638, %add3A_2633], %gather3A_2642 {add = true} : memref<69x128xf32, #tpu.memory_space<vmem>>[vector<16xi32>, vector<16xi32>], vector<16xf32>,
    %get3A_2643 = arith.constant 112 : index
    %get3A_2644 = tpu.vector_load %arg12[%get3A_2643] {strides = array<i32>} : memref<128xi32, #tpu.memory_space<vmem>>, vector<16xi32>,
    %add3A_2645 = arith.constant 19 : i32
    %add3A_2646 = vector.broadcast %add3A_2645 : i32 to vector<16xi32>
    %add3A_2647 = arith.addi %get3A_2644, %add3A_2646 : vector<16xi32>
    %add3A_2648 = arith.constant 64 : i32
    %add3A_2649 = vector.broadcast %add3A_2648 : i32 to vector<16xi32>
    %add3A_2650 = arith.addi %add3A_2647, %add3A_2649 : vector<16xi32>
    %gather3A_2651 = tpu.vector_load_idx %arg14[%add3A_2650] : memref<144xf32, #tpu.memory_space<vmem>>[vector<16xi32>], vector<16xf32>,
    tpu.vector_store_idx %arg18[%add3A_2647, %add3A_2633], %gather3A_2651 {add = true} : memref<69x128xf32, #tpu.memory_space<vmem>>[vector<16xi32>, vector<16xi32>], vector<16xf32>,
    %get3A_2652 = arith.constant 112 : index
    %get3A_2653 = tpu.vector_load %arg13[%get3A_2652] {strides = array<i32>} : memref<128xi32, #tpu.memory_space<vmem>>, vector<16xi32>,
    %add3A_2654 = arith.constant 49 : i32
    %add3A_2655 = vector.broadcast %add3A_2654 : i32 to vector<16xi32>
    %add3A_2656 = arith.addi %get3A_2653, %add3A_2655 : vector<16xi32>
    %add3A_2657 = arith.constant 64 : i32
    %add3A_2658 = vector.broadcast %add3A_2657 : i32 to vector<16xi32>
    %add3A_2659 = arith.addi %add3A_2656, %add3A_2658 : vector<16xi32>
    %gather3A_2660 = tpu.vector_load_idx %arg14[%add3A_2659] : memref<144xf32, #tpu.memory_space<vmem>>[vector<16xi32>], vector<16xf32>,
    tpu.vector_store_idx %arg18[%add3A_2656, %add3A_2633], %gather3A_2660 {add = true} : memref<69x128xf32, #tpu.memory_space<vmem>>[vector<16xi32>, vector<16xi32>], vector<16xf32>,
    %dma_start3A_2661 = arith.constant 64 : i32
    %dma_start3A_2662 = tpu.memref_slice %arg9[%dma_start3A_2661, %mul3A_2] : memref<133x4096xf32, #tpu.memory_space<hbm>> -> memref<69x128xf32, #tpu.memory_space<hbm>>
    %dma_start3A_2663 = arith.constant 64 : i32
    %dma_start3A_2664 = tpu.memref_slice %arg9[%dma_start3A_2663, %mul3A_2] : memref<133x4096xf32, #tpu.memory_space<hbm>> -> memref<69x128xf32, #tpu.memory_space<hbm>>
    tpu.enqueue_dma source(%arg18 : memref<69x128xf32, #tpu.memory_space<vmem>>) target(%dma_start3A_2664 : memref<69x128xf32, #tpu.memory_space<hbm>>) target_semaphore(%arg20 : memref<!tpu.dma_semaphore, #tpu.memory_space<semaphore_mem>>)
    %add3A_2665 = arith.constant 0 : i32
    %add3A_2666 = arith.addi %mul3A_4, %add3A_2665 : i32
    %broadcast_in_dim3A_2667 = vector.broadcast %add3A_2666 : i32 to vector<16xi32>
    %gather3A_2668 = tpu.vector_load_idx %arg14[%broadcast_in_dim3A_2667] : memref<144xf32, #tpu.memory_space<vmem>>[vector<16xi32>], vector<16xf32>,
    %gather3A_2669 = tpu.vector_load_idx %arg15[%broadcast_in_dim3A_2667] : memref<144xf32, #tpu.memory_space<vmem>>[vector<16xi32>], vector<16xf32>,
    %dma_wait3A = arith.constant 0 : i32
    %dma_wait3A_2670 = tpu.memref_slice %arg2[%mul3A_4, %dma_wait3A] : memref<64x100001xf32, #tpu.memory_space<hbm>> -> memref<1x100001xf32, #tpu.memory_space<hbm>>
    %dma_wait3A_2671 = tpu.memref_squeeze %dma_wait3A_2670 : memref<1x100001xf32, #tpu.memory_space<hbm>> -> memref<100001xf32, #tpu.memory_space<hbm>>
    %dma_wait3A_2672 = arith.constant 0 : i32
    %dma_wait3A_2673 = tpu.memref_slice %arg2[%mul3A_4, %dma_wait3A_2672] : memref<64x100001xf32, #tpu.memory_space<hbm>> -> memref<1x100001xf32, #tpu.memory_space<hbm>>
    %dma_wait3A_2674 = tpu.memref_squeeze %dma_wait3A_2673 : memref<1x100001xf32, #tpu.memory_space<hbm>> -> memref<100001xf32, #tpu.memory_space<hbm>>
    tpu.wait_dma2 semaphore(%arg19 : memref<!tpu.dma_semaphore, #tpu.memory_space<semaphore_mem>>) src(%dma_wait3A_2674 : memref<100001xf32, #tpu.memory_space<hbm>>) dst(%arg16 : memref<100001xf32, #tpu.memory_space<vmem>>)
    %scan3A = arith.constant 0 : i32
    %scan3A_2675 = arith.constant 0 : i32
    %scan3A_2676 = arith.constant 32 : i32
    %scan3A_2677 = arith.addi %scan3A_2675, %scan3A_2676 : i32
    %scan3A_2678 = arith.constant 1 : i32
    scf.for %scan3A_2709 = %scan3A_2675 to %scan3A_2677 step %scan3A_2678  : i32 {
      %mul3A_2710 = arith.constant 8 : i32
      %mul3A_2711 = arith.muli %scan3A_2709, %mul3A_2710 : i32
      %add3A_2712 = arith.constant 0 : i32
      %add3A_2713 = arith.addi %mul3A_2711, %add3A_2712 : i32
      %mul3A_2714 = arith.constant 16 : i32
      %mul3A_2715 = arith.muli %add3A_2713, %mul3A_2714 : i32
      %get3A_2716 = arith.index_cast %mul3A_2715 : i32 to index
      %get3A_2717 = tpu.vector_load %arg10[%get3A_2716] {strides = array<i32>} : memref<4096xi32, #tpu.memory_space<vmem>>, vector<16xi32>,
      %gather3A_2718 = tpu.vector_load_idx %arg16[%get3A_2717] : memref<100001xf32, #tpu.memory_space<vmem>>[vector<16xi32>], vector<16xf32>,
      %mul3A_2719 = arith.mulf %gather3A_2718, %gather3A_2668 : vector<16xf32>
      %add3A_2720 = arith.addf %mul3A_2719, %gather3A_2669 : vector<16xf32>
      %swap3A_2721 = arith.index_cast %mul3A_2715 : i32 to index
      %swap3A_2722 = tpu.vector_load %arg17[%swap3A_2721] {strides = array<i32>} : memref<4096xf32, #tpu.memory_space<vmem>>, vector<16xf32>,
      tpu.vector_store %arg17[%swap3A_2721], %add3A_2720 {strides = array<i32>} : memref<4096xf32, #tpu.memory_space<vmem>>, vector<16xf32>,
      %mul3A_2723 = arith.constant 8 : i32
      %mul3A_2724 = arith.muli %scan3A_2709, %mul3A_2723 : i32
      %add3A_2725 = arith.constant 1 : i32
      %add3A_2726 = arith.addi %mul3A_2724, %add3A_2725 : i32
      %mul3A_2727 = arith.constant 16 : i32
      %mul3A_2728 = arith.muli %add3A_2726, %mul3A_2727 : i32
      %get3A_2729 = arith.index_cast %mul3A_2728 : i32 to index
      %get3A_2730 = tpu.vector_load %arg10[%get3A_2729] {strides = array<i32>} : memref<4096xi32, #tpu.memory_space<vmem>>, vector<16xi32>,
      %gather3A_2731 = tpu.vector_load_idx %arg16[%get3A_2730] : memref<100001xf32, #tpu.memory_space<vmem>>[vector<16xi32>], vector<16xf32>,
      %mul3A_2732 = arith.mulf %gather3A_2731, %gather3A_2668 : vector<16xf32>
      %add3A_2733 = arith.addf %mul3A_2732, %gather3A_2669 : vector<16xf32>
      %swap3A_2734 = arith.index_cast %mul3A_2728 : i32 to index
      %swap3A_2735 = tpu.vector_load %arg17[%swap3A_2734] {strides = array<i32>} : memref<4096xf32, #tpu.memory_space<vmem>>, vector<16xf32>,
      tpu.vector_store %arg17[%swap3A_2734], %add3A_2733 {strides = array<i32>} : memref<4096xf32, #tpu.memory_space<vmem>>, vector<16xf32>,
      %mul3A_2736 = arith.constant 8 : i32
      %mul3A_2737 = arith.muli %scan3A_2709, %mul3A_2736 : i32
      %add3A_2738 = arith.constant 2 : i32
      %add3A_2739 = arith.addi %mul3A_2737, %add3A_2738 : i32
      %mul3A_2740 = arith.constant 16 : i32
      %mul3A_2741 = arith.muli %add3A_2739, %mul3A_2740 : i32
      %get3A_2742 = arith.index_cast %mul3A_2741 : i32 to index
      %get3A_2743 = tpu.vector_load %arg10[%get3A_2742] {strides = array<i32>} : memref<4096xi32, #tpu.memory_space<vmem>>, vector<16xi32>,
      %gather3A_2744 = tpu.vector_load_idx %arg16[%get3A_2743] : memref<100001xf32, #tpu.memory_space<vmem>>[vector<16xi32>], vector<16xf32>,
      %mul3A_2745 = arith.mulf %gather3A_2744, %gather3A_2668 : vector<16xf32>
      %add3A_2746 = arith.addf %mul3A_2745, %gather3A_2669 : vector<16xf32>
      %swap3A_2747 = arith.index_cast %mul3A_2741 : i32 to index
      %swap3A_2748 = tpu.vector_load %arg17[%swap3A_2747] {strides = array<i32>} : memref<4096xf32, #tpu.memory_space<vmem>>, vector<16xf32>,
      tpu.vector_store %arg17[%swap3A_2747], %add3A_2746 {strides = array<i32>} : memref<4096xf32, #tpu.memory_space<vmem>>, vector<16xf32>,
      %mul3A_2749 = arith.constant 8 : i32
      %mul3A_2750 = arith.muli %scan3A_2709, %mul3A_2749 : i32
      %add3A_2751 = arith.constant 3 : i32
      %add3A_2752 = arith.addi %mul3A_2750, %add3A_2751 : i32
      %mul3A_2753 = arith.constant 16 : i32
      %mul3A_2754 = arith.muli %add3A_2752, %mul3A_2753 : i32
      %get3A_2755 = arith.index_cast %mul3A_2754 : i32 to index
      %get3A_2756 = tpu.vector_load %arg10[%get3A_2755] {strides = array<i32>} : memref<4096xi32, #tpu.memory_space<vmem>>, vector<16xi32>,
      %gather3A_2757 = tpu.vector_load_idx %arg16[%get3A_2756] : memref<100001xf32, #tpu.memory_space<vmem>>[vector<16xi32>], vector<16xf32>,
      %mul3A_2758 = arith.mulf %gather3A_2757, %gather3A_2668 : vector<16xf32>
      %add3A_2759 = arith.addf %mul3A_2758, %gather3A_2669 : vector<16xf32>
      %swap3A_2760 = arith.index_cast %mul3A_2754 : i32 to index
      %swap3A_2761 = tpu.vector_load %arg17[%swap3A_2760] {strides = array<i32>} : memref<4096xf32, #tpu.memory_space<vmem>>, vector<16xf32>,
      tpu.vector_store %arg17[%swap3A_2760], %add3A_2759 {strides = array<i32>} : memref<4096xf32, #tpu.memory_space<vmem>>, vector<16xf32>,
      %mul3A_2762 = arith.constant 8 : i32
      %mul3A_2763 = arith.muli %scan3A_2709, %mul3A_2762 : i32
      %add3A_2764 = arith.constant 4 : i32
      %add3A_2765 = arith.addi %mul3A_2763, %add3A_2764 : i32
      %mul3A_2766 = arith.constant 16 : i32
      %mul3A_2767 = arith.muli %add3A_2765, %mul3A_2766 : i32
      %get3A_2768 = arith.index_cast %mul3A_2767 : i32 to index
      %get3A_2769 = tpu.vector_load %arg10[%get3A_2768] {strides = array<i32>} : memref<4096xi32, #tpu.memory_space<vmem>>, vector<16xi32>,
      %gather3A_2770 = tpu.vector_load_idx %arg16[%get3A_2769] : memref<100001xf32, #tpu.memory_space<vmem>>[vector<16xi32>], vector<16xf32>,
      %mul3A_2771 = arith.mulf %gather3A_2770, %gather3A_2668 : vector<16xf32>
      %add3A_2772 = arith.addf %mul3A_2771, %gather3A_2669 : vector<16xf32>
      %swap3A_2773 = arith.index_cast %mul3A_2767 : i32 to index
      %swap3A_2774 = tpu.vector_load %arg17[%swap3A_2773] {strides = array<i32>} : memref<4096xf32, #tpu.memory_space<vmem>>, vector<16xf32>,
      tpu.vector_store %arg17[%swap3A_2773], %add3A_2772 {strides = array<i32>} : memref<4096xf32, #tpu.memory_space<vmem>>, vector<16xf32>,
      %mul3A_2775 = arith.constant 8 : i32
      %mul3A_2776 = arith.muli %scan3A_2709, %mul3A_2775 : i32
      %add3A_2777 = arith.constant 5 : i32
      %add3A_2778 = arith.addi %mul3A_2776, %add3A_2777 : i32
      %mul3A_2779 = arith.constant 16 : i32
      %mul3A_2780 = arith.muli %add3A_2778, %mul3A_2779 : i32
      %get3A_2781 = arith.index_cast %mul3A_2780 : i32 to index
      %get3A_2782 = tpu.vector_load %arg10[%get3A_2781] {strides = array<i32>} : memref<4096xi32, #tpu.memory_space<vmem>>, vector<16xi32>,
      %gather3A_2783 = tpu.vector_load_idx %arg16[%get3A_2782] : memref<100001xf32, #tpu.memory_space<vmem>>[vector<16xi32>], vector<16xf32>,
      %mul3A_2784 = arith.mulf %gather3A_2783, %gather3A_2668 : vector<16xf32>
      %add3A_2785 = arith.addf %mul3A_2784, %gather3A_2669 : vector<16xf32>
      %swap3A_2786 = arith.index_cast %mul3A_2780 : i32 to index
      %swap3A_2787 = tpu.vector_load %arg17[%swap3A_2786] {strides = array<i32>} : memref<4096xf32, #tpu.memory_space<vmem>>, vector<16xf32>,
      tpu.vector_store %arg17[%swap3A_2786], %add3A_2785 {strides = array<i32>} : memref<4096xf32, #tpu.memory_space<vmem>>, vector<16xf32>,
      %mul3A_2788 = arith.constant 8 : i32
      %mul3A_2789 = arith.muli %scan3A_2709, %mul3A_2788 : i32
      %add3A_2790 = arith.constant 6 : i32
      %add3A_2791 = arith.addi %mul3A_2789, %add3A_2790 : i32
      %mul3A_2792 = arith.constant 16 : i32
      %mul3A_2793 = arith.muli %add3A_2791, %mul3A_2792 : i32
      %get3A_2794 = arith.index_cast %mul3A_2793 : i32 to index
      %get3A_2795 = tpu.vector_load %arg10[%get3A_2794] {strides = array<i32>} : memref<4096xi32, #tpu.memory_space<vmem>>, vector<16xi32>,
      %gather3A_2796 = tpu.vector_load_idx %arg16[%get3A_2795] : memref<100001xf32, #tpu.memory_space<vmem>>[vector<16xi32>], vector<16xf32>,
      %mul3A_2797 = arith.mulf %gather3A_2796, %gather3A_2668 : vector<16xf32>
      %add3A_2798 = arith.addf %mul3A_2797, %gather3A_2669 : vector<16xf32>
      %swap3A_2799 = arith.index_cast %mul3A_2793 : i32 to index
      %swap3A_2800 = tpu.vector_load %arg17[%swap3A_2799] {strides = array<i32>} : memref<4096xf32, #tpu.memory_space<vmem>>, vector<16xf32>,
      tpu.vector_store %arg17[%swap3A_2799], %add3A_2798 {strides = array<i32>} : memref<4096xf32, #tpu.memory_space<vmem>>, vector<16xf32>,
      %mul3A_2801 = arith.constant 8 : i32
      %mul3A_2802 = arith.muli %scan3A_2709, %mul3A_2801 : i32
      %add3A_2803 = arith.constant 7 : i32
      %add3A_2804 = arith.addi %mul3A_2802, %add3A_2803 : i32
      %mul3A_2805 = arith.constant 16 : i32
      %mul3A_2806 = arith.muli %add3A_2804, %mul3A_2805 : i32
      %get3A_2807 = arith.index_cast %mul3A_2806 : i32 to index
      %get3A_2808 = tpu.vector_load %arg10[%get3A_2807] {strides = array<i32>} : memref<4096xi32, #tpu.memory_space<vmem>>, vector<16xi32>,
      %gather3A_2809 = tpu.vector_load_idx %arg16[%get3A_2808] : memref<100001xf32, #tpu.memory_space<vmem>>[vector<16xi32>], vector<16xf32>,
      %mul3A_2810 = arith.mulf %gather3A_2809, %gather3A_2668 : vector<16xf32>
      %add3A_2811 = arith.addf %mul3A_2810, %gather3A_2669 : vector<16xf32>
      %swap3A_2812 = arith.index_cast %mul3A_2806 : i32 to index
      %swap3A_2813 = tpu.vector_load %arg17[%swap3A_2812] {strides = array<i32>} : memref<4096xf32, #tpu.memory_space<vmem>>, vector<16xf32>,
      tpu.vector_store %arg17[%swap3A_2812], %add3A_2811 {strides = array<i32>} : memref<4096xf32, #tpu.memory_space<vmem>>, vector<16xf32>,
    }
    %scan3A_2679 = arith.constant 32 : i32
    %add3A_2680 = arith.constant 1 : i32
    %add3A_2681 = arith.addi %add3A_2666, %add3A_2680 : i32
    %dma_start3A_2682 = arith.constant 0 : i32
    %dma_start3A_2683 = tpu.memref_slice %arg2[%add3A_2681, %dma_start3A_2682] : memref<64x100001xf32, #tpu.memory_space<hbm>> -> memref<1x100001xf32, #tpu.memory_space<hbm>>
    %dma_start3A_2684 = tpu.memref_squeeze %dma_start3A_2683 : memref<1x100001xf32, #tpu.memory_space<hbm>> -> memref<100001xf32, #tpu.memory_space<hbm>>
    %dma_start3A_2685 = arith.constant 0 : i32
    %dma_start3A_2686 = tpu.memref_slice %arg2[%add3A_2681, %dma_start3A_2685] : memref<64x100001xf32, #tpu.memory_space<hbm>> -> memref<1x100001xf32, #tpu.memory_space<hbm>>
    %dma_start3A_2687 = tpu.memref_squeeze %dma_start3A_2686 : memref<1x100001xf32, #tpu.memory_space<hbm>> -> memref<100001xf32, #tpu.memory_space<hbm>>
    tpu.enqueue_dma source(%dma_start3A_2687 : memref<100001xf32, #tpu.memory_space<hbm>>) target(%arg16 : memref<100001xf32, #tpu.memory_space<vmem>>) target_semaphore(%arg19 : memref<!tpu.dma_semaphore, #tpu.memory_space<semaphore_mem>>)
    "tpu.region"() ({
      %run_scoped3A = tpu.sem_alloc : memref<!tpu.dma_semaphore, #tpu.memory_space<semaphore_mem>>
      %dma_start3A_2709 = arith.constant 0 : i32
      %dma_start3A_2710 = tpu.memref_slice %arg9[%add3A_2666, %dma_start3A_2709] : memref<133x4096xf32, #tpu.memory_space<hbm>> -> memref<1x4096xf32, #tpu.memory_space<hbm>>
      %dma_start3A_2711 = tpu.memref_squeeze %dma_start3A_2710 : memref<1x4096xf32, #tpu.memory_space<hbm>> -> memref<4096xf32, #tpu.memory_space<hbm>>
      %dma_start3A_2712 = arith.constant 0 : i32
      %dma_start3A_2713 = tpu.memref_slice %arg9[%add3A_2666, %dma_start3A_2712] : memref<133x4096xf32, #tpu.memory_space<hbm>> -> memref<1x4096xf32, #tpu.memory_space<hbm>>
      %dma_start3A_2714 = tpu.memref_squeeze %dma_start3A_2713 : memref<1x4096xf32, #tpu.memory_space<hbm>> -> memref<4096xf32, #tpu.memory_space<hbm>>
      tpu.enqueue_dma source(%arg17 : memref<4096xf32, #tpu.memory_space<vmem>>) target(%dma_start3A_2714 : memref<4096xf32, #tpu.memory_space<hbm>>) target_semaphore(%run_scoped3A : memref<!tpu.dma_semaphore, #tpu.memory_space<semaphore_mem>>)
      %dma_wait3A_2715 = arith.constant 0 : i32
      %dma_wait3A_2716 = tpu.memref_slice %arg9[%add3A_2666, %dma_wait3A_2715] : memref<133x4096xf32, #tpu.memory_space<hbm>> -> memref<1x4096xf32, #tpu.memory_space<hbm>>
      %dma_wait3A_2717 = tpu.memref_squeeze %dma_wait3A_2716 : memref<1x4096xf32, #tpu.memory_space<hbm>> -> memref<4096xf32, #tpu.memory_space<hbm>>
      %dma_wait3A_2718 = arith.constant 0 : i32
      %dma_wait3A_2719 = tpu.memref_slice %arg9[%add3A_2666, %dma_wait3A_2718] : memref<133x4096xf32, #tpu.memory_space<hbm>> -> memref<1x4096xf32, #tpu.memory_space<hbm>>
      %dma_wait3A_2720 = tpu.memref_squeeze %dma_wait3A_2719 : memref<1x4096xf32, #tpu.memory_space<hbm>> -> memref<4096xf32, #tpu.memory_space<hbm>>
      tpu.wait_dma2 semaphore(%run_scoped3A : memref<!tpu.dma_semaphore, #tpu.memory_space<semaphore_mem>>) src(%arg17 : memref<4096xf32, #tpu.memory_space<vmem>>) dst(%dma_wait3A_2720 : memref<4096xf32, #tpu.memory_space<hbm>>)
      tpu.yield
    }) : () -> ()
    %add3A_2688 = arith.constant 1 : i32
    %add3A_2689 = arith.addi %mul3A_4, %add3A_2688 : i32
    %broadcast_in_dim3A_2690 = vector.broadcast %add3A_2689 : i32 to vector<16xi32>
    %gather3A_2691 = tpu.vector_load_idx %arg14[%broadcast_in_dim3A_2690] : memref<144xf32, #tpu.memory_space<vmem>>[vector<16xi32>], vector<16xf32>,
    %gather3A_2692 = tpu.vector_load_idx %arg15[%broadcast_in_dim3A_2690] : memref<144xf32, #tpu.memory_space<vmem>>[vector<16xi32>], vector<16xf32>,
    %dma_wait3A_2693 = arith.constant 0 : i32
    %dma_wait3A_2694 = tpu.memref_slice %arg2[%add3A_2681, %dma_wait3A_2693] : memref<64x100001xf32, #tpu.memory_space<hbm>> -> memref<1x100001xf32, #tpu.memory_space<hbm>>
    %dma_wait3A_2695 = tpu.memref_squeeze %dma_wait3A_2694 : memref<1x100001xf32, #tpu.memory_space<hbm>> -> memref<100001xf32, #tpu.memory_space<hbm>>
    %dma_wait3A_2696 = arith.constant 0 : i32
    %dma_wait3A_2697 = tpu.memref_slice %arg2[%add3A_2681, %dma_wait3A_2696] : memref<64x100001xf32, #tpu.memory_space<hbm>> -> memref<1x100001xf32, #tpu.memory_space<hbm>>
    %dma_wait3A_2698 = tpu.memref_squeeze %dma_wait3A_2697 : memref<1x100001xf32, #tpu.memory_space<hbm>> -> memref<100001xf32, #tpu.memory_space<hbm>>
    tpu.wait_dma2 semaphore(%arg19 : memref<!tpu.dma_semaphore, #tpu.memory_space<semaphore_mem>>) src(%dma_wait3A_2698 : memref<100001xf32, #tpu.memory_space<hbm>>) dst(%arg16 : memref<100001xf32, #tpu.memory_space<vmem>>)
    %scan3A_2699 = arith.constant 0 : i32
    %scan3A_2700 = arith.constant 0 : i32
    %scan3A_2701 = arith.constant 32 : i32
    %scan3A_2702 = arith.addi %scan3A_2700, %scan3A_2701 : i32
    %scan3A_2703 = arith.constant 1 : i32
    scf.for %scan3A_2709 = %scan3A_2700 to %scan3A_2702 step %scan3A_2703  : i32 {
      %mul3A_2710 = arith.constant 8 : i32
      %mul3A_2711 = arith.muli %scan3A_2709, %mul3A_2710 : i32
      %add3A_2712 = arith.constant 0 : i32
      %add3A_2713 = arith.addi %mul3A_2711, %add3A_2712 : i32
      %mul3A_2714 = arith.constant 16 : i32
      %mul3A_2715 = arith.muli %add3A_2713, %mul3A_2714 : i32
      %get3A_2716 = arith.index_cast %mul3A_2715 : i32 to index
      %get3A_2717 = tpu.vector_load %arg10[%get3A_2716] {strides = array<i32>} : memref<4096xi32, #tpu.memory_space<vmem>>, vector<16xi32>,
      %gather3A_2718 = tpu.vector_load_idx %arg16[%get3A_2717] : memref<100001xf32, #tpu.memory_space<vmem>>[vector<16xi32>], vector<16xf32>,
      %mul3A_2719 = arith.mulf %gather3A_2718, %gather3A_2691 : vector<16xf32>
      %add3A_2720 = arith.addf %mul3A_2719, %gather3A_2692 : vector<16xf32>
      %swap3A_2721 = arith.index_cast %mul3A_2715 : i32 to index
      %swap3A_2722 = tpu.vector_load %arg17[%swap3A_2721] {strides = array<i32>} : memref<4096xf32, #tpu.memory_space<vmem>>, vector<16xf32>,
      tpu.vector_store %arg17[%swap3A_2721], %add3A_2720 {strides = array<i32>} : memref<4096xf32, #tpu.memory_space<vmem>>, vector<16xf32>,
      %mul3A_2723 = arith.constant 8 : i32
      %mul3A_2724 = arith.muli %scan3A_2709, %mul3A_2723 : i32
      %add3A_2725 = arith.constant 1 : i32
      %add3A_2726 = arith.addi %mul3A_2724, %add3A_2725 : i32
      %mul3A_2727 = arith.constant 16 : i32
      %mul3A_2728 = arith.muli %add3A_2726, %mul3A_2727 : i32
      %get3A_2729 = arith.index_cast %mul3A_2728 : i32 to index
      %get3A_2730 = tpu.vector_load %arg10[%get3A_2729] {strides = array<i32>} : memref<4096xi32, #tpu.memory_space<vmem>>, vector<16xi32>,
      %gather3A_2731 = tpu.vector_load_idx %arg16[%get3A_2730] : memref<100001xf32, #tpu.memory_space<vmem>>[vector<16xi32>], vector<16xf32>,
      %mul3A_2732 = arith.mulf %gather3A_2731, %gather3A_2691 : vector<16xf32>
      %add3A_2733 = arith.addf %mul3A_2732, %gather3A_2692 : vector<16xf32>
      %swap3A_2734 = arith.index_cast %mul3A_2728 : i32 to index
      %swap3A_2735 = tpu.vector_load %arg17[%swap3A_2734] {strides = array<i32>} : memref<4096xf32, #tpu.memory_space<vmem>>, vector<16xf32>,
      tpu.vector_store %arg17[%swap3A_2734], %add3A_2733 {strides = array<i32>} : memref<4096xf32, #tpu.memory_space<vmem>>, vector<16xf32>,
      %mul3A_2736 = arith.constant 8 : i32
      %mul3A_2737 = arith.muli %scan3A_2709, %mul3A_2736 : i32
      %add3A_2738 = arith.constant 2 : i32
      %add3A_2739 = arith.addi %mul3A_2737, %add3A_2738 : i32
      %mul3A_2740 = arith.constant 16 : i32
      %mul3A_2741 = arith.muli %add3A_2739, %mul3A_2740 : i32
      %get3A_2742 = arith.index_cast %mul3A_2741 : i32 to index
      %get3A_2743 = tpu.vector_load %arg10[%get3A_2742] {strides = array<i32>} : memref<4096xi32, #tpu.memory_space<vmem>>, vector<16xi32>,
      %gather3A_2744 = tpu.vector_load_idx %arg16[%get3A_2743] : memref<100001xf32, #tpu.memory_space<vmem>>[vector<16xi32>], vector<16xf32>,
      %mul3A_2745 = arith.mulf %gather3A_2744, %gather3A_2691 : vector<16xf32>
      %add3A_2746 = arith.addf %mul3A_2745, %gather3A_2692 : vector<16xf32>
      %swap3A_2747 = arith.index_cast %mul3A_2741 : i32 to index
      %swap3A_2748 = tpu.vector_load %arg17[%swap3A_2747] {strides = array<i32>} : memref<4096xf32, #tpu.memory_space<vmem>>, vector<16xf32>,
      tpu.vector_store %arg17[%swap3A_2747], %add3A_2746 {strides = array<i32>} : memref<4096xf32, #tpu.memory_space<vmem>>, vector<16xf32>,
      %mul3A_2749 = arith.constant 8 : i32
      %mul3A_2750 = arith.muli %scan3A_2709, %mul3A_2749 : i32
      %add3A_2751 = arith.constant 3 : i32
      %add3A_2752 = arith.addi %mul3A_2750, %add3A_2751 : i32
      %mul3A_2753 = arith.constant 16 : i32
      %mul3A_2754 = arith.muli %add3A_2752, %mul3A_2753 : i32
      %get3A_2755 = arith.index_cast %mul3A_2754 : i32 to index
      %get3A_2756 = tpu.vector_load %arg10[%get3A_2755] {strides = array<i32>} : memref<4096xi32, #tpu.memory_space<vmem>>, vector<16xi32>,
      %gather3A_2757 = tpu.vector_load_idx %arg16[%get3A_2756] : memref<100001xf32, #tpu.memory_space<vmem>>[vector<16xi32>], vector<16xf32>,
      %mul3A_2758 = arith.mulf %gather3A_2757, %gather3A_2691 : vector<16xf32>
      %add3A_2759 = arith.addf %mul3A_2758, %gather3A_2692 : vector<16xf32>
      %swap3A_2760 = arith.index_cast %mul3A_2754 : i32 to index
      %swap3A_2761 = tpu.vector_load %arg17[%swap3A_2760] {strides = array<i32>} : memref<4096xf32, #tpu.memory_space<vmem>>, vector<16xf32>,
      tpu.vector_store %arg17[%swap3A_2760], %add3A_2759 {strides = array<i32>} : memref<4096xf32, #tpu.memory_space<vmem>>, vector<16xf32>,
      %mul3A_2762 = arith.constant 8 : i32
      %mul3A_2763 = arith.muli %scan3A_2709, %mul3A_2762 : i32
      %add3A_2764 = arith.constant 4 : i32
      %add3A_2765 = arith.addi %mul3A_2763, %add3A_2764 : i32
      %mul3A_2766 = arith.constant 16 : i32
      %mul3A_2767 = arith.muli %add3A_2765, %mul3A_2766 : i32
      %get3A_2768 = arith.index_cast %mul3A_2767 : i32 to index
      %get3A_2769 = tpu.vector_load %arg10[%get3A_2768] {strides = array<i32>} : memref<4096xi32, #tpu.memory_space<vmem>>, vector<16xi32>,
      %gather3A_2770 = tpu.vector_load_idx %arg16[%get3A_2769] : memref<100001xf32, #tpu.memory_space<vmem>>[vector<16xi32>], vector<16xf32>,
      %mul3A_2771 = arith.mulf %gather3A_2770, %gather3A_2691 : vector<16xf32>
      %add3A_2772 = arith.addf %mul3A_2771, %gather3A_2692 : vector<16xf32>
      %swap3A_2773 = arith.index_cast %mul3A_2767 : i32 to index
      %swap3A_2774 = tpu.vector_load %arg17[%swap3A_2773] {strides = array<i32>} : memref<4096xf32, #tpu.memory_space<vmem>>, vector<16xf32>,
      tpu.vector_store %arg17[%swap3A_2773], %add3A_2772 {strides = array<i32>} : memref<4096xf32, #tpu.memory_space<vmem>>, vector<16xf32>,
      %mul3A_2775 = arith.constant 8 : i32
      %mul3A_2776 = arith.muli %scan3A_2709, %mul3A_2775 : i32
      %add3A_2777 = arith.constant 5 : i32
      %add3A_2778 = arith.addi %mul3A_2776, %add3A_2777 : i32
      %mul3A_2779 = arith.constant 16 : i32
      %mul3A_2780 = arith.muli %add3A_2778, %mul3A_2779 : i32
      %get3A_2781 = arith.index_cast %mul3A_2780 : i32 to index
      %get3A_2782 = tpu.vector_load %arg10[%get3A_2781] {strides = array<i32>} : memref<4096xi32, #tpu.memory_space<vmem>>, vector<16xi32>,
      %gather3A_2783 = tpu.vector_load_idx %arg16[%get3A_2782] : memref<100001xf32, #tpu.memory_space<vmem>>[vector<16xi32>], vector<16xf32>,
      %mul3A_2784 = arith.mulf %gather3A_2783, %gather3A_2691 : vector<16xf32>
      %add3A_2785 = arith.addf %mul3A_2784, %gather3A_2692 : vector<16xf32>
      %swap3A_2786 = arith.index_cast %mul3A_2780 : i32 to index
      %swap3A_2787 = tpu.vector_load %arg17[%swap3A_2786] {strides = array<i32>} : memref<4096xf32, #tpu.memory_space<vmem>>, vector<16xf32>,
      tpu.vector_store %arg17[%swap3A_2786], %add3A_2785 {strides = array<i32>} : memref<4096xf32, #tpu.memory_space<vmem>>, vector<16xf32>,
      %mul3A_2788 = arith.constant 8 : i32
      %mul3A_2789 = arith.muli %scan3A_2709, %mul3A_2788 : i32
      %add3A_2790 = arith.constant 6 : i32
      %add3A_2791 = arith.addi %mul3A_2789, %add3A_2790 : i32
      %mul3A_2792 = arith.constant 16 : i32
      %mul3A_2793 = arith.muli %add3A_2791, %mul3A_2792 : i32
      %get3A_2794 = arith.index_cast %mul3A_2793 : i32 to index
      %get3A_2795 = tpu.vector_load %arg10[%get3A_2794] {strides = array<i32>} : memref<4096xi32, #tpu.memory_space<vmem>>, vector<16xi32>,
      %gather3A_2796 = tpu.vector_load_idx %arg16[%get3A_2795] : memref<100001xf32, #tpu.memory_space<vmem>>[vector<16xi32>], vector<16xf32>,
      %mul3A_2797 = arith.mulf %gather3A_2796, %gather3A_2691 : vector<16xf32>
      %add3A_2798 = arith.addf %mul3A_2797, %gather3A_2692 : vector<16xf32>
      %swap3A_2799 = arith.index_cast %mul3A_2793 : i32 to index
      %swap3A_2800 = tpu.vector_load %arg17[%swap3A_2799] {strides = array<i32>} : memref<4096xf32, #tpu.memory_space<vmem>>, vector<16xf32>,
      tpu.vector_store %arg17[%swap3A_2799], %add3A_2798 {strides = array<i32>} : memref<4096xf32, #tpu.memory_space<vmem>>, vector<16xf32>,
      %mul3A_2801 = arith.constant 8 : i32
      %mul3A_2802 = arith.muli %scan3A_2709, %mul3A_2801 : i32
      %add3A_2803 = arith.constant 7 : i32
      %add3A_2804 = arith.addi %mul3A_2802, %add3A_2803 : i32
      %mul3A_2805 = arith.constant 16 : i32
      %mul3A_2806 = arith.muli %add3A_2804, %mul3A_2805 : i32
      %get3A_2807 = arith.index_cast %mul3A_2806 : i32 to index
      %get3A_2808 = tpu.vector_load %arg10[%get3A_2807] {strides = array<i32>} : memref<4096xi32, #tpu.memory_space<vmem>>, vector<16xi32>,
      %gather3A_2809 = tpu.vector_load_idx %arg16[%get3A_2808] : memref<100001xf32, #tpu.memory_space<vmem>>[vector<16xi32>], vector<16xf32>,
      %mul3A_2810 = arith.mulf %gather3A_2809, %gather3A_2691 : vector<16xf32>
      %add3A_2811 = arith.addf %mul3A_2810, %gather3A_2692 : vector<16xf32>
      %swap3A_2812 = arith.index_cast %mul3A_2806 : i32 to index
      %swap3A_2813 = tpu.vector_load %arg17[%swap3A_2812] {strides = array<i32>} : memref<4096xf32, #tpu.memory_space<vmem>>, vector<16xf32>,
      tpu.vector_store %arg17[%swap3A_2812], %add3A_2811 {strides = array<i32>} : memref<4096xf32, #tpu.memory_space<vmem>>, vector<16xf32>,
    }
    %scan3A_2704 = arith.constant 32 : i32
    "tpu.region"() ({
      %run_scoped3A = tpu.sem_alloc : memref<!tpu.dma_semaphore, #tpu.memory_space<semaphore_mem>>
      %dma_start3A_2709 = arith.constant 0 : i32
      %dma_start3A_2710 = tpu.memref_slice %arg9[%add3A_2689, %dma_start3A_2709] : memref<133x4096xf32, #tpu.memory_space<hbm>> -> memref<1x4096xf32, #tpu.memory_space<hbm>>
      %dma_start3A_2711 = tpu.memref_squeeze %dma_start3A_2710 : memref<1x4096xf32, #tpu.memory_space<hbm>> -> memref<4096xf32, #tpu.memory_space<hbm>>
      %dma_start3A_2712 = arith.constant 0 : i32
      %dma_start3A_2713 = tpu.memref_slice %arg9[%add3A_2689, %dma_start3A_2712] : memref<133x4096xf32, #tpu.memory_space<hbm>> -> memref<1x4096xf32, #tpu.memory_space<hbm>>
      %dma_start3A_2714 = tpu.memref_squeeze %dma_start3A_2713 : memref<1x4096xf32, #tpu.memory_space<hbm>> -> memref<4096xf32, #tpu.memory_space<hbm>>
      tpu.enqueue_dma source(%arg17 : memref<4096xf32, #tpu.memory_space<vmem>>) target(%dma_start3A_2714 : memref<4096xf32, #tpu.memory_space<hbm>>) target_semaphore(%run_scoped3A : memref<!tpu.dma_semaphore, #tpu.memory_space<semaphore_mem>>)
      %dma_wait3A_2715 = arith.constant 0 : i32
      %dma_wait3A_2716 = tpu.memref_slice %arg9[%add3A_2689, %dma_wait3A_2715] : memref<133x4096xf32, #tpu.memory_space<hbm>> -> memref<1x4096xf32, #tpu.memory_space<hbm>>
      %dma_wait3A_2717 = tpu.memref_squeeze %dma_wait3A_2716 : memref<1x4096xf32, #tpu.memory_space<hbm>> -> memref<4096xf32, #tpu.memory_space<hbm>>
      %dma_wait3A_2718 = arith.constant 0 : i32
      %dma_wait3A_2719 = tpu.memref_slice %arg9[%add3A_2689, %dma_wait3A_2718] : memref<133x4096xf32, #tpu.memory_space<hbm>> -> memref<1x4096xf32, #tpu.memory_space<hbm>>
      %dma_wait3A_2720 = tpu.memref_squeeze %dma_wait3A_2719 : memref<1x4096xf32, #tpu.memory_space<hbm>> -> memref<4096xf32, #tpu.memory_space<hbm>>
      tpu.wait_dma2 semaphore(%run_scoped3A : memref<!tpu.dma_semaphore, #tpu.memory_space<semaphore_mem>>) src(%arg17 : memref<4096xf32, #tpu.memory_space<vmem>>) dst(%dma_wait3A_2720 : memref<4096xf32, #tpu.memory_space<hbm>>)
      tpu.yield
    }) : () -> ()
    %dma_wait3A_2705 = arith.constant 64 : i32
    %dma_wait3A_2706 = tpu.memref_slice %arg9[%dma_wait3A_2705, %mul3A_2] : memref<133x4096xf32, #tpu.memory_space<hbm>> -> memref<69x128xf32, #tpu.memory_space<hbm>>
    %dma_wait3A_2707 = arith.constant 64 : i32
    %dma_wait3A_2708 = tpu.memref_slice %arg9[%dma_wait3A_2707, %mul3A_2] : memref<133x4096xf32, #tpu.memory_space<hbm>> -> memref<69x128xf32, #tpu.memory_space<hbm>>
    tpu.wait_dma2 semaphore(%arg20 : memref<!tpu.dma_semaphore, #tpu.memory_space<semaphore_mem>>) src(%arg18 : memref<69x128xf32, #tpu.memory_space<vmem>>) dst(%dma_wait3A_2708 : memref<69x128xf32, #tpu.memory_space<hbm>>)
    return
  }
}

</mosaic_0001>

<sc_bundles>
// kernel: kernel.3.cloned.1.call-start
scs
__scs_entry_jumppad:
0x0: {  	(pc) =	sbr.rel $0x88, $3  }
0x1: {  	(tag) =	ssettag $0x0;
	lr =	simm.s32 $0x1  }
0x2: {  	[smem:$0x3F98] =	sst lr;
	_ =	strace $0xD0000000  }
0x3: {  	_ = 	snop  }
0x4: {  	_ = 	snop  }
0x5: {  	_ = 	snop  }
0x6: {  	_ = 	snop  }
0x7: {  	_ = 	snop  }
__scs_overlays_trampoline_lowered:
0x8: {  	[smem:$0x3FA7] =	sst s0  }
0x9: {  	[smem:$0x3FA8] =	sst s1  }
0xa: {  	[smem:$0x3FA9] =	sst s2  }
0xb: {  	[smem:$0x3FAA] =	sst s3  }
0xc: {  	[smem:$0x3FAB] =	sst s4  }
0xd: {  	[smem:$0x3FAC] =	sst s5  }
0xe: {  	[smem:$0x3FAD] =	sst s6  }
0xf: {  	[smem:$0x3FAE] =	sst s7  }
0x10: {  	[smem:$0x3FAF] =	sst s8  }
0x11: {  	[smem:$0x3FB0] =	sst s9;
	s0 =	simm.s32 @!p0 $0x0  }
0x12: {  	s1 =	sld [smem:$0x3F96];
	s0 =	simm.s32 @p0 $0x1  }
0x13: {  	[smem:$0x3FB1] =	sst s0;
	s0 =	simm.s32 @!p1 $0x0  }
0x14: {  	s2 =	sld [smem:$0x3F95];
	s0 =	simm.s32 @p1 $0x1  }
0x15: {  	[smem:$0x3FB2] =	sst s0;
	s0 =	simm.s32 @!p2 $0x0  }
0x16: {  	s3 =	sld [smem:$0x3FDB];
	s0 =	simm.s32 @p2 $0x1  }
0x17: {  	s4 =	simm.s32 $0x1BF5;
	[smem:$0x3FB4] =	sst s0  }
0x18: {  	s0 =	sld [smem:$0x3F97];
	_ =	swait.ge [sflag:s4], $0x0  }
0x19: {  	s7 =	sld [smem:$0x3F98]  }
0x1a: {  	s8 =	sadd.s32 $0xFFFFE003, lr  }
0x1b: {  	s9 =	sadd.s32 $0xFFFFFEF7, lr;
	s5 =	simm.s32 $0xFFFFFFFF;
	p2 =	slt.u32 s8, $0xFFFFF086  }
0x1c: {  	p1 =	slt.u32 s9, $0xF7A;
	s5 =	simm.s32 @!p2 $0x0  }
0x1d: {  	s5 =	simm.s32 @p1 $0x1;
	p0 =	seq.s32 s7, s2  }
0x1e: {  	s7 =	smul.u32 @!p0 $0xF7A, s2;
	p2 =	seq.s32 @!p0 s5, $0x0  }
0x1f: {  	s9 =	smul.u32 $0xF7A, s1;
	s8 =	simm.s32 @!p0 $0x1BF5;
	p2 =	por !p2, p0  }
0x20: {  	[sflag:s8] =	ssyncset.s32 @!p0 $0xFFFFF086;
	s6 =	sadd.s32 @!p0 s3, s7;
	s7 =	simm.s32 @!p0 $0x108  }
0x21: {  	s3 =	sadd.s32 s3, s9;
	s6 =	sadd.s32 @!p0 $0x88, s6;
	s7 =	simm.s32 @p2 $0x1082  }
0x22: {  	[simem:s7], [sflag:s8] =	dma.local @!p0 [hbm:s6], $0xF7A  }
0x23: {  	s9 =	sor.u32 $0xD0000000, s2;
	s6 =	simm.s32 $0x108;
	_ =	swait.ge @!p0 [sflag:s8], $0x0  }
0x24: {  	s3 =	sadd.s32 $0x88, s3;
	s6 =	simm.s32 @!p1 $0x1082;
	[sflag:s4] =	ssyncset.s32 $0xFFFFF086  }
0x25: {  	[simem:s6], [sflag:s4] =	dma.local [hbm:s3], $0xF7A  }
0x26: {  	[smem:$0x3F98] =	sst s1;
	(tag) =	ssettag s2;
	_ =	strace s9  }
0x27: {  	s1 =	sld [smem:$0x3FA8]  }
0x28: {  	s2 =	sld [smem:$0x3FA9]  }
0x29: {  	s4 =	sld [smem:$0x3FAB]  }
0x2a: {  	p0 =	seq.s32 s5, $0x0;
	s5 =	sld [smem:$0x3FAC]  }
0x2b: {  	s6 =	sld [smem:$0x3FAD]  }
0x2c: {  	s7 =	sld [smem:$0x3FAE]  }
0x2d: {  	s3 =	simm.s32 $0x108;
	s8 =	sld [smem:$0x3FAF]  }
0x2e: {  	s3 =	simm.s32 @!p0 $0x1082;
	s9 =	sld [smem:$0x3FB0]  }
0x2f: {  	lr =	sadd.s32 s0, s3;
	s0 =	sld [smem:$0x3FA7]  }
0x30: {  	s3 =	sld [smem:$0x3FAA]  }
0x31: {  	[smem:$0x3FB3] =	sst s10  }
0x32: {  	s10 =	sld [smem:$0x3FB1];
	_ =	sdelay $0x3  }
0x33: {  	p0 =	seq.s32 s10, $0x1;
	s10 =	sld [smem:$0x3FB3];
	_ =	sdelay $0x3  }
0x34: {  	[smem:$0x3FB3] =	sst s10  }
0x35: {  	s10 =	sld [smem:$0x3FB2];
	_ =	sdelay $0x3  }
0x36: {  	p1 =	seq.s32 s10, $0x1;
	s10 =	sld [smem:$0x3FB3];
	_ =	sdelay $0x3  }
0x37: {  	[smem:$0x3FB3] =	sst s10  }
0x38: {  	s10 =	sld [smem:$0x3FB4]  }
0x39: {  	_ = 	snop;
	(pc) =	sbr.ind lr, $3  }
0x3a: {  	_ = 	snop  }
0x3b: {  	_ = 	snop  }
0x3c: {  	p2 =	seq.s32 s10, $0x1;
	s10 =	sld [smem:$0x3FB3]  }
0x3d: {  	_ =	shalt  }
0x3e: {  	_ =	shalt  }
0x3f: {  	_ =	shalt  }
0x40: {  	_ =	shalt  }
0x41: {  	_ =	shalt  }
0x42: {  	_ =	shalt  }
0x43: {  	_ =	shalt  }
0x44: {  	_ =	shalt  }
0x45: {  	_ =	shalt  }
0x46: {  	_ =	shalt  }
0x47: {  	_ =	shalt  }
0x48: {  	_ =	shalt  }
0x49: {  	_ =	shalt  }
0x4a: {  	_ =	shalt  }
0x4b: {  	_ =	shalt  }
0x4c: {  	_ =	shalt  }
0x4d: {  	_ =	shalt  }
0x4e: {  	_ =	shalt  }
0x4f: {  	_ =	shalt  }
0x50: {  	_ =	shalt  }
0x51: {  	_ =	shalt  }
0x52: {  	_ =	shalt  }
0x53: {  	_ =	shalt  }
0x54: {  	_ =	shalt  }
0x55: {  	_ =	shalt  }
0x56: {  	_ =	shalt  }
0x57: {  	_ =	shalt  }
0x58: {  	_ =	shalt  }
0x59: {  	_ =	shalt  }
0x5a: {  	_ =	shalt  }
0x5b: {  	_ =	shalt  }
0x5c: {  	_ =	shalt  }
0x5d: {  	_ =	shalt  }
0x5e: {  	_ =	shalt  }
0x5f: {  	_ =	shalt  }
0x60: {  	_ =	shalt  }
0x61: {  	_ =	shalt  }
0x62: {  	_ =	shalt  }
0x63: {  	_ =	shalt  }
0x64: {  	_ =	shalt  }
0x65: {  	_ =	shalt  }
0x66: {  	_ =	shalt  }
0x67: {  	_ =	shalt  }
0x68: {  	_ =	shalt  }
0x69: {  	_ =	shalt  }
0x6a: {  	_ =	shalt  }
0x6b: {  	_ =	shalt  }
0x6c: {  	_ =	shalt  }
0x6d: {  	_ =	shalt  }
0x6e: {  	_ =	shalt  }
0x6f: {  	_ =	shalt  }
0x70: {  	_ =	shalt  }
0x71: {  	_ =	shalt  }
0x72: {  	_ =	shalt  }
0x73: {  	_ =	shalt  }
0x74: {  	_ =	shalt  }
0x75: {  	_ =	shalt  }
0x76: {  	_ =	shalt  }
0x77: {  	_ =	shalt  }
0x78: {  	_ =	shalt  }
0x79: {  	_ =	shalt  }
0x7a: {  	_ =	shalt  }
0x7b: {  	_ =	shalt  }
0x7c: {  	_ =	shalt  }
0x7d: {  	_ =	shalt  }
0x7e: {  	_ =	shalt  }
0x7f: {  	_ =	shalt  }
0x80: {  	_ =	shalt  }
0x81: {  	_ =	shalt  }
0x82: {  	_ =	shalt  }
0x83: {  	_ =	shalt  }
0x84: {  	_ =	shalt  }
0x85: {  	_ =	shalt  }
0x86: {  	_ =	shalt  }
0x87: {  	_ =	shalt  }
.Lfunc_end0:
.L_simem_size_0:
called_computation_lowered:
.L_overlay_start_0:
0x88: {  	s2 =	sld [smem:$0x3FD9]  }
0x89: {  	s3 =	sld [smem:$0x3FFE];
	_ =	sdelay $0x1  }
0x8a: {  	s1 =	srdreg.scid  }
0x8b: {  	s0 =	sand.u32 $0x1, s1  }
0x8c: {  	s17 =	sshll.u32 s0, $0xA;
	s2 =	sadd.s32 s3, s2  }
0x8d: {  	s2 =	sadd.s32 s2, s17  }
0x8e: {  	[smem:$0x3FBF] =	sst s2  }
0x8f: {  	_ = 	snop  }
0x90: {  	s2 =	sld [smem:$0x3FC9]  }
0x91: {  	s18 =	sld [smem:$0x3FC8]  }
0x92: {  	s4 =	sld [smem:$0x3FC7]  }
0x93: {  	s5 =	sld [smem:$0x3FC6]  }
0x94: {  	s6 =	sld [smem:$0x3FC5]  }
0x95: {  	s7 =	sld [smem:$0x3FD0];
	(tm) =	ssettm $0x1  }
0x96: {  	s8 =	sld [smem:$0x3FFB];
	_ =	sdelay $0x3  }
0x97: {  	_ =	strace s8  }
0x98: {  	s8 =	sld [smem:$0x3FFC];
	_ =	sdelay $0x3  }
0x99: {  	_ =	strace s8  }
0x9a: {  	s8 =	sld [smem:$0x3FFD];
	_ =	sdelay $0x3  }
0x9b: {  	_ =	strace s8  }
0x9c: {  	_ =	strace $0x8FFFFFFF  }
0x9d: {  	s19 =	sld [smem:$0x3FDB];
	_ =	sdelay $0x1  }
0x9e: {  	s9 =	simm.s32 $_scs_section_size  }
0x9f: {  	s10 =	simm.s32 $_size__tile_overlayer_lowered;
	s11 =	simm.s32 $_tile_overlayer_lowered  }
0xa0: {  	s22 =	simm.s32 $0x1BFF;
	s21 =	sshll.u32 s11, $0x1;
	s8 =	sadd.s32 s9, s19  }
0xa1: {  	s12 =	simm.s32 $0x0;
	s20 =	sshll.u32 s10, $0x1;
	s10 =	sadd.s32 s21, s8  }
0xa2: {  	[timem:s12], [sflag:s22] =	dma.local [hbm:s10], s20  }
0xa3: {  	_ =	swait.ge [sflag:s22], s20  }
0xa4: {  	s9 =	ssub.s32 $0x0, s20;
	[sflag:s22] =	ssyncset.done $0x0  }
0xa5: {  	[sflag:s22] =	ssyncadd.s32 s9;
	_ =	sdelay $0x1  }
0xa6: {  	s23 =	simm.s32 $0x1B8B  }
0xa7: {  	_ =	swait.ge [sflag:s23], $0x1  }
0xa8: {  	[sflag:s23] =	ssyncset.done $0x0  }
0xa9: {  	s25 =	simm.s32 $0x1B8E;
	s24 =	sld [smem:$0x3FFE];
	[sflag:s23] =	ssyncadd.s32 $0xFFFFFFFF  }
0xaa: {  	s26 =	simm.s32 $execute0_lowered;
	[smem:$0x3FD2] =	sst s25  }
0xab: {  	s10 =	sshll.u32 s26, $0x1;
	_ =	strace $0x80000046;
	[dreg:$0x1] =	wrdreg $0xFFFFFFFF  }
0xac: {  	s28 =	simm.s32 $_size_execute0_lowered;
	s8 =	sadd.s32 s8, s10;
	[dreg:$0x0] =	wrdreg $0x0  }
0xad: {  	s10 =	sshll.u32 s28, $0x1;
	[dreg:$0x2] =	wrdreg s8  }
0xae: {  	[dreg:$0x3] =	wrdreg s10  }
0xaf: {  	[dreg:$0x4] =	wrdreg $0xC0  }
0xb0: {  	_ =	task [dreg:s12], $0x5FFFF  }
0xb1: {  	[dreg:$0x1] =	wrdreg $0xFFFFFFFF  }
0xb2: {  	[dreg:$0x0] =	wrdreg $0x60  }
0xb3: {  	[dreg:$0x2] =	wrdreg s6  }
0xb4: {  	[dreg:$0x3] =	wrdreg s2  }
0xb5: {  	[dreg:$0x4] =	wrdreg s18  }
0xb6: {  	[dreg:$0x5] =	wrdreg s4  }
0xb7: {  	[dreg:$0x6] =	wrdreg s5  }
0xb8: {  	[dreg:$0x7] =	wrdreg s24  }
0xb9: {  	[dreg:$0x8] =	wrdreg s7  }
0xba: {  	[dreg:$0x9] =	wrdreg $0x9  }
0xbb: {  	_ =	task.clear_ibuf [dreg:s12], $0xAFFFF;
	_ =	strace $0x90000046  }
0xbc: {  	s29 =	simm.s32 $0x9;
	_ =	strace $0x80000048  }
0xbd: {  	_ =	swait.ge [sflag:s29], $0x1  }
0xbe: {  	[sflag:s29] =	ssyncadd.s32 $0xFFFFFFFF  }
0xbf: {  	_ =	strace $0x90000048  }
0xc0: {  	_ =	sfence  }
0xc1: {  	s30 =	sld [smem:$0x0];
	_ =	sdelay $0x2  }
0xc2: {  	s31 =	sshll.u32 s1, $0xD;
	s1 =	sshrl.u32 s1, $0x2  }
0xc3: {  	s3 =	sand.u32 $0x4000, s31;
	s1 =	sadd.s32 s1, s30  }
0xc4: {  	s0 =	sor.u32 s3, s0;
	s1 =	sshll.u32 s1, $0x11  }
0xc5: {  	s0 =	sor.u32 s1, s0  }
0xc6: {  	s0 =	sadd.s32 $0x8F2B, s0  }
0xc7: {  	[sflag:s0] =	ssyncadd.remote.s32 $0x1  }
0xc8: {  	_ =	sfence.sel $0xFFFF  }
0xc9: {  	[dreg:$0x0] =	wrdreg $0xFFFFFFFF;
	(pc) =	sbr.abs _section_cstart, $3  }
0xca: {  	[dreg:$0x1] =	wrdreg $0xFFFFFFFF  }
0xcb: {  	_ =	task.clear_ibuf [dreg:s12], $0x2FFFF;
	_ =	strace $0x9FFFFFFF  }
0xcc: {  	(tm) =	ssettm $0x7FFFFFFF  }
0xcd: {  	_ =	shalt  }
tec
execute0_lowered:
.L_overlay_start_1:
0x0: {  	(tag) =	ssettag $0x1  }
0x1: {  	s20 =	rddreg [dreg:$0x0]  }
0x2: {  	s7 =	rddreg [dreg:$0x2]  }
0x3: {  	s8 =	rddreg [dreg:$0x3]  }
0x4: {  	s0 =	srdreg.scid;
	s9 =	rddreg [dreg:$0x4];
	v14 =	vimm.s32 $0x4C  }
0x5: {  	s4 =	stileid.u32;
	s5 =	rddreg [dreg:$0x5];
	v15 =	vimm.s32 $0x4D;
	v16 =	vimm.s32 $0x4E;
	v17 =	vimm.s32 $0x4F  }
0x6: {  	s21 =	rddreg [dreg:$0x6];
	s3 =	simm.s32 $0x0;
	v18 =	vimm.s32 $0x50;
	v19 =	vimm.s32 $0x51;
	v20 =	vimm.s32 $0x52;
	s16 =	simm.s32 $0x400  }
0x7: {  	v21 =	vimm.s32 $0x53;
	v22 =	vimm.s32 $0x54;
	v23 =	vimm.s32 $0x55;
	s17 =	simm.s32 $0x1380;
	s18 =	simm.s32 $0x3;
	s28 =	simm.s32 $0x1  }
0x8: {  	v24 =	vimm.s32 $0x56;
	v25 =	vimm.s32 $0x57;
	v26 =	vimm.s32 $0x58;
	s29 =	simm.s32 $0x19A80;
	s30 =	simm.s32 $0x2;
	s31 =	simm.s32 $0x0  }
0x9: {  	v27 =	vimm.s32 $0x59;
	v28 =	vimm.s32 $0x5A;
	v29 =	vimm.s32 $0x5B;
	s1 =	sand.u32 $0x1, s0;
	s19 =	sshll.u32 s4, $0x1;
	[smem:$0x7FF] =	sst s3  }
0xa: {  	v30 =	vimm.s32 $0x5C;
	v31 =	vimm.s32 $0x5D;
	v32 =	vimm.s32 $0x5E;
	s12 =	sshrl.u32 s4, $0x1;
	s4 =	sadd.s32 $0x800, s5;
	s5 =	sadd.s32 $0x600, s5  }
0xb: {  	v33 =	vimm.s32 $0x5F;
	v34 =	vimm.s32 $0x60;
	v35 =	vimm.s32 $0x61;
	s10 =	sor.u32 s1, s19;
	_ =	strace $0x80000047;
	s13 =	smul.u32 $0xC3800, s12  }
0xc: {  	v36 =	vimm.s32 $0x62;
	v37 =	vimm.s32 $0x63;
	v38 =	vimm.s32 $0x64;
	s1 =	ssub.s32 $0x2, s1;
	s12 =	sshll.u32 s12, $0xF;
	s19 =	simm.s32 $0x1000  }
0xd: {  	v39 =	vimm.s32 $0x65;
	v40 =	vimm.s32 $0x66;
	v41 =	vimm.s32 $0x67;
	s2 =	sshll.u32 s10, $0x1;
	s11 =	sshllo.u32 s10, $0x1;
	s6 =	sshll.u32 s10, $0x8  }
0xe: {  	v42 =	vimm.s32 $0x68;
	v43 =	vimm.s32 $0x69;
	v44 =	vimm.s32 $0x6A;
	s22 =	sshrl.u32 s1, $0x1;
	s24 =	sshll.u32 s10, $0x4;
	s10 =	sshll.u32 s10, $0x7  }
0xf: {  	v45 =	vimm.s32 $0x6B;
	v46 =	vimm.s32 $0x6C;
	v47 =	vimm.s32 $0x6D;
	s14 =	sand.u32 $0x300, s6;
	s1 =	ssub.s32 s1, s22;
	s7 =	sadd.s32 s7, s24  }
0x10: {  	v48 =	vimm.s32 $0x6E;
	v49 =	vimm.s32 $0x6F;
	v1 =	vmov s11;
	s8 =	sadd.s32 s8, s24;
	s9 =	sadd.s32 s9, s24;
	s11 =	sshll.u32 s11, $0x7  }
0x11: {  	v50 =	vimm.s32 $0x70;
	v51 =	vimm.s32 $0x71;
	v52 =	vimm.s32 $0x72;
	s10 =	sadd.s32 s10, s21;
	s22 =	simm.s32 $0x1180;
	s24 =	simm.s32 $0x1AA80  }
0x12: {  	v53 =	vimm.s32 $0x73;
	v54 =	vimm.s32 $0x74;
	v55 =	vimm.s32 $0x75;
	s15 =	sor.u32 s13, s14;
	s11 =	sand.u32 $0x380, s11;
	s10 =	sadd.s32 $0x8000, s10  }
0x13: {  	v56 =	vimm.s32 $0x76;
	v57 =	vimm.s32 $0x77;
	v58 =	vimm.s32 $0x78;
	s14 =	sor.u32 s12, s14;
	s23 =	sshrl.u32 s15, $0x3;
	s13 =	sor.u32 s13, s11  }
0x14: {  	v59 =	vimm.s32 $0x79;
	v60 =	vimm.s32 $0x7A;
	v61 =	vimm.s32 $0x7B;
	s14 =	sshrl.u32 s14, $0x3;
	s25 =	sor.u32 s12, s11;
	s15 =	simm.s32 $0x80  }
0x15: {  	v62 =	vimm.s32 $0x7C;
	v63 =	vimm.s32 $0x7D;
	v2 =	vimm.s32 $0x7E;
	s6 =	sadd.s32 s20, s23;
	s13 =	sshrl.u32 s13, $0x3;
	s12 =	sadd.s32 s21, s14  }
0x16: {  	v3 =	vimm.s32 $0x7F;
	v4 =	vimm.s32 $0x80;
	v5 =	vimm.s32 $0x81;
	s26 =	sshrl.u32 s25, $0x3;
	s14 =	smax.u32 s1, $0x1;
	s23 =	simm.s32 $0x1280  }
0x17: {  	v6 =	vimm.s32 $0x82;
	v7 =	vimm.s32 $0x83;
	v0 =	vmov s2;
	s25 =	simm.s32 $0x8000;
	s11 =	sadd.s32 s20, s13;
	s13 =	sadd.s32 s21, s26  }
0x18: {  	v8 =	vimm.s32 $0x84;
	v9 =	vlaneseq.u32;
	v0 =	vbroadcast v0, $0x0;
	s20 =	simm.s32 $0x1080;
	s21 =	simm.s32 $0x1100;
	s26 =	simm.s32 $0x1CA80  }
.LBB2_1:
0x19: {  	[tilespmem:s17], [sflag:$0x1] =	stream.strided.gather [hbm4b:s6+s15], $0x18700, s16, s15, $0x38;
	[tilespmem:$0x1CE80] =	vst v63  }
0x1a: {  	s0 =	rddreg [dreg:$0x1]  }
0x1b: {  	[tilespmem:s3], [sflag:$0x3] =	stream.linear.gather [hbm4b:s0+s3], $0x1000, $0x38;
	[tilespmem:$0x1CE80] =	vst v63  }
0x1c: {  	_ =	swait.ge [sflag:s18], $0x1000  }
0x1d: {  	[sflag:s18] =	ssyncset.done $0x0  }
0x1e: {  	[sflag:s18] =	ssyncadd.s32 $0xFFFFF000  }
0x1f: {  	[tilespmem:s19], [sflag:$0x3] =	stream.linear.gather [hbm4b:s7+s3], $0x80, $0x38;
	[tilespmem:$0x1CE80] =	vst v63  }
0x20: {  	_ =	swait.ge [sflag:s18], $0x80  }
0x21: {  	[sflag:s18] =	ssyncset.done $0x0  }
0x22: {  	[sflag:s18] =	ssyncadd.s32 $0xFFFFFF80  }
0x23: {  	[tilespmem:s20], [sflag:$0x3] =	stream.linear.gather [hbm4b:s8+s3], $0x80, $0x38;
	[tilespmem:$0x1CE80] =	vst v63  }
0x24: {  	_ =	swait.ge [sflag:s18], $0x80  }
0x25: {  	[sflag:s18] =	ssyncset.done $0x0  }
0x26: {  	[sflag:s18] =	ssyncadd.s32 $0xFFFFFF80  }
0x27: {  	[tilespmem:s21], [sflag:$0x3] =	stream.linear.gather [hbm4b:s9+s3], $0x80, $0x38;
	[tilespmem:$0x1CE80] =	vst v63  }
0x28: {  	_ =	swait.ge [sflag:s18], $0x80  }
0x29: {  	[sflag:s18] =	ssyncset.done $0x0  }
0x2a: {  	[sflag:s18] =	ssyncadd.s32 $0xFFFFFF80  }
0x2b: {  	[tilespmem:s22], [sflag:$0x3] =	stream.linear.gather [hbm4b:s4+s3], $0x85, $0x38;
	[tilespmem:$0x1CE80] =	vst v63  }
0x2c: {  	_ =	swait.ge [sflag:s18], $0x85  }
0x2d: {  	[sflag:s18] =	ssyncset.done $0x0  }
0x2e: {  	v10 =	vimm.s32 $0x40;
	[sflag:s18] =	ssyncadd.s32 $0xFFFFFF7B  }
0x2f: {  	[tilespmem:s23], [sflag:$0x3] =	stream.linear.gather [hbm4b:s5+s3], $0x85, $0x38;
	[tilespmem:$0x1CE80] =	vst v63  }
0x30: {  	_ =	swait.ge [sflag:s18], $0x85  }
0x31: {  	[sflag:s18] =	ssyncset.done $0x0  }
0x32: {  	[sflag:s18] =	ssyncadd.s32 $0xFFFFFF7B  }
0x33: {  	v10 =	vld.idx.msk [tilespmem:v10+s23+$0x0], $0xffff;
	_ =	sdelay $0x4  }
0x34: {  	[tilespmem:$0x1AA80] =	vst v10  }
0x35: {  	[tilespmem:$0x1AA90] =	vst v10  }
0x36: {  	[tilespmem:$0x1AAA0] =	vst v10  }
0x37: {  	[tilespmem:$0x1AAB0] =	vst v10  }
0x38: {  	[tilespmem:$0x1AAC0] =	vst v10  }
0x39: {  	[tilespmem:$0x1AAD0] =	vst v10  }
0x3a: {  	[tilespmem:$0x1AAE0] =	vst v10  }
0x3b: {  	[tilespmem:$0x1AAF0] =	vst v10;
	v10 =	vimm.s32 $0x41;
	_ =	sdelay $0x4  }
0x3c: {  	v10 =	vld.idx.msk [tilespmem:v10+s23+$0x0], $0xffff;
	_ =	sdelay $0x4  }
0x3d: {  	[tilespmem:$0x1AB00] =	vst v10  }
0x3e: {  	[tilespmem:$0x1AB10] =	vst v10  }
0x3f: {  	[tilespmem:$0x1AB20] =	vst v10  }
0x40: {  	[tilespmem:$0x1AB30] =	vst v10  }
0x41: {  	[tilespmem:$0x1AB40] =	vst v10  }
0x42: {  	[tilespmem:$0x1AB50] =	vst v10  }
0x43: {  	[tilespmem:$0x1AB60] =	vst v10  }
0x44: {  	[tilespmem:$0x1AB70] =	vst v10;
	v10 =	vimm.s32 $0x42;
	_ =	sdelay $0x4  }
0x45: {  	v10 =	vld.idx.msk [tilespmem:v10+s23+$0x0], $0xffff;
	_ =	sdelay $0x4  }
0x46: {  	[tilespmem:$0x1AB80] =	vst v10  }
0x47: {  	[tilespmem:$0x1AB90] =	vst v10  }
0x48: {  	[tilespmem:$0x1ABA0] =	vst v10  }
0x49: {  	[tilespmem:$0x1ABB0] =	vst v10  }
0x4a: {  	[tilespmem:$0x1ABC0] =	vst v10  }
0x4b: {  	[tilespmem:$0x1ABD0] =	vst v10  }
0x4c: {  	[tilespmem:$0x1ABE0] =	vst v10  }
0x4d: {  	[tilespmem:$0x1ABF0] =	vst v10;
	v10 =	vimm.s32 $0x43;
	_ =	sdelay $0x4  }
0x4e: {  	v10 =	vld.idx.msk [tilespmem:v10+s23+$0x0], $0xffff;
	_ =	sdelay $0x4  }
0x4f: {  	[tilespmem:$0x1AC00] =	vst v10  }
0x50: {  	[tilespmem:$0x1AC10] =	vst v10  }
0x51: {  	[tilespmem:$0x1AC20] =	vst v10  }
0x52: {  	[tilespmem:$0x1AC30] =	vst v10  }
0x53: {  	[tilespmem:$0x1AC40] =	vst v10  }
0x54: {  	[tilespmem:$0x1AC50] =	vst v10  }
0x55: {  	[tilespmem:$0x1AC60] =	vst v10  }
0x56: {  	[tilespmem:$0x1AC70] =	vst v10;
	v10 =	vimm.s32 $0x44;
	_ =	sdelay $0x4  }
0x57: {  	v10 =	vld.idx.msk [tilespmem:v10+s23+$0x0], $0xffff;
	_ =	sdelay $0x4  }
0x58: {  	[tilespmem:$0x1AC80] =	vst v10  }
0x59: {  	[tilespmem:$0x1AC90] =	vst v10  }
0x5a: {  	[tilespmem:$0x1ACA0] =	vst v10  }
0x5b: {  	[tilespmem:$0x1ACB0] =	vst v10  }
0x5c: {  	[tilespmem:$0x1ACC0] =	vst v10  }
0x5d: {  	[tilespmem:$0x1ACD0] =	vst v10  }
0x5e: {  	[tilespmem:$0x1ACE0] =	vst v10  }
0x5f: {  	[tilespmem:$0x1ACF0] =	vst v10;
	v10 =	vimm.s32 $0x45;
	_ =	sdelay $0x4  }
0x60: {  	v10 =	vld.idx.msk [tilespmem:v10+s23+$0x0], $0xffff;
	_ =	sdelay $0x4  }
0x61: {  	[tilespmem:$0x1AD00] =	vst v10  }
0x62: {  	[tilespmem:$0x1AD10] =	vst v10  }
0x63: {  	[tilespmem:$0x1AD20] =	vst v10  }
0x64: {  	[tilespmem:$0x1AD30] =	vst v10  }
0x65: {  	[tilespmem:$0x1AD40] =	vst v10  }
0x66: {  	[tilespmem:$0x1AD50] =	vst v10  }
0x67: {  	[tilespmem:$0x1AD60] =	vst v10  }
0x68: {  	[tilespmem:$0x1AD70] =	vst v10;
	v10 =	vimm.s32 $0x46;
	_ =	sdelay $0x4  }
0x69: {  	v10 =	vld.idx.msk [tilespmem:v10+s23+$0x0], $0xffff;
	_ =	sdelay $0x4  }
0x6a: {  	[tilespmem:$0x1AD80] =	vst v10  }
0x6b: {  	[tilespmem:$0x1AD90] =	vst v10  }
0x6c: {  	[tilespmem:$0x1ADA0] =	vst v10  }
0x6d: {  	[tilespmem:$0x1ADB0] =	vst v10  }
0x6e: {  	[tilespmem:$0x1ADC0] =	vst v10  }
0x6f: {  	[tilespmem:$0x1ADD0] =	vst v10  }
0x70: {  	[tilespmem:$0x1ADE0] =	vst v10  }
0x71: {  	[tilespmem:$0x1ADF0] =	vst v10;
	v10 =	vimm.s32 $0x47;
	_ =	sdelay $0x4  }
0x72: {  	v10 =	vld.idx.msk [tilespmem:v10+s23+$0x0], $0xffff;
	_ =	sdelay $0x4  }
0x73: {  	[tilespmem:$0x1AE00] =	vst v10  }
0x74: {  	[tilespmem:$0x1AE10] =	vst v10  }
0x75: {  	[tilespmem:$0x1AE20] =	vst v10  }
0x76: {  	[tilespmem:$0x1AE30] =	vst v10  }
0x77: {  	[tilespmem:$0x1AE40] =	vst v10  }
0x78: {  	[tilespmem:$0x1AE50] =	vst v10  }
0x79: {  	[tilespmem:$0x1AE60] =	vst v10  }
0x7a: {  	[tilespmem:$0x1AE70] =	vst v10;
	v10 =	vimm.s32 $0x48;
	_ =	sdelay $0x4  }
0x7b: {  	v10 =	vld.idx.msk [tilespmem:v10+s23+$0x0], $0xffff;
	_ =	sdelay $0x4  }
0x7c: {  	[tilespmem:$0x1AE80] =	vst v10  }
0x7d: {  	[tilespmem:$0x1AE90] =	vst v10  }
0x7e: {  	[tilespmem:$0x1AEA0] =	vst v10  }
0x7f: {  	[tilespmem:$0x1AEB0] =	vst v10  }
0x80: {  	[tilespmem:$0x1AEC0] =	vst v10  }
0x81: {  	[tilespmem:$0x1AED0] =	vst v10  }
0x82: {  	[tilespmem:$0x1AEE0] =	vst v10  }
0x83: {  	[tilespmem:$0x1AEF0] =	vst v10;
	v10 =	vimm.s32 $0x49;
	_ =	sdelay $0x4  }
0x84: {  	v10 =	vld.idx.msk [tilespmem:v10+s23+$0x0], $0xffff;
	_ =	sdelay $0x4  }
0x85: {  	[tilespmem:$0x1AF00] =	vst v10  }
0x86: {  	[tilespmem:$0x1AF10] =	vst v10  }
0x87: {  	[tilespmem:$0x1AF20] =	vst v10  }
0x88: {  	[tilespmem:$0x1AF30] =	vst v10  }
0x89: {  	[tilespmem:$0x1AF40] =	vst v10  }
0x8a: {  	[tilespmem:$0x1AF50] =	vst v10  }
0x8b: {  	[tilespmem:$0x1AF60] =	vst v10  }
0x8c: {  	[tilespmem:$0x1AF70] =	vst v10;
	v10 =	vimm.s32 $0x4A;
	_ =	sdelay $0x4  }
0x8d: {  	v10 =	vld.idx.msk [tilespmem:v10+s23+$0x0], $0xffff;
	_ =	sdelay $0x4  }
0x8e: {  	[tilespmem:$0x1AF80] =	vst v10  }
0x8f: {  	[tilespmem:$0x1AF90] =	vst v10  }
0x90: {  	[tilespmem:$0x1AFA0] =	vst v10  }
0x91: {  	[tilespmem:$0x1AFB0] =	vst v10  }
0x92: {  	[tilespmem:$0x1AFC0] =	vst v10  }
0x93: {  	[tilespmem:$0x1AFD0] =	vst v10  }
0x94: {  	[tilespmem:$0x1AFE0] =	vst v10  }
0x95: {  	[tilespmem:$0x1AFF0] =	vst v10;
	v10 =	vimm.s32 $0x4B;
	_ =	sdelay $0x4  }
0x96: {  	v10 =	vld.idx.msk [tilespmem:v10+s23+$0x0], $0xffff;
	_ =	sdelay $0x4  }
0x97: {  	[tilespmem:$0x1B000] =	vst v10  }
0x98: {  	[tilespmem:$0x1B010] =	vst v10  }
0x99: {  	[tilespmem:$0x1B020] =	vst v10  }
0x9a: {  	[tilespmem:$0x1B030] =	vst v10  }
0x9b: {  	[tilespmem:$0x1B040] =	vst v10  }
0x9c: {  	[tilespmem:$0x1B050] =	vst v10  }
0x9d: {  	[tilespmem:$0x1B060] =	vst v10  }
0x9e: {  	[tilespmem:$0x1B070] =	vst v10  }
0x9f: {  	v10 =	vld.idx.msk [tilespmem:v14+s23+$0x0], $0xffff;
	_ =	sdelay $0x4  }
0xa0: {  	[tilespmem:$0x1B080] =	vst v10  }
0xa1: {  	[tilespmem:$0x1B090] =	vst v10  }
0xa2: {  	[tilespmem:$0x1B0A0] =	vst v10  }
0xa3: {  	[tilespmem:$0x1B0B0] =	vst v10  }
0xa4: {  	[tilespmem:$0x1B0C0] =	vst v10  }
0xa5: {  	[tilespmem:$0x1B0D0] =	vst v10  }
0xa6: {  	[tilespmem:$0x1B0E0] =	vst v10  }
0xa7: {  	[tilespmem:$0x1B0F0] =	vst v10  }
0xa8: {  	v10 =	vld.idx.msk [tilespmem:v15+s23+$0x0], $0xffff;
	_ =	sdelay $0x4  }
0xa9: {  	[tilespmem:$0x1B100] =	vst v10  }
0xaa: {  	[tilespmem:$0x1B110] =	vst v10  }
0xab: {  	[tilespmem:$0x1B120] =	vst v10  }
0xac: {  	[tilespmem:$0x1B130] =	vst v10  }
0xad: {  	[tilespmem:$0x1B140] =	vst v10  }
0xae: {  	[tilespmem:$0x1B150] =	vst v10  }
0xaf: {  	[tilespmem:$0x1B160] =	vst v10  }
0xb0: {  	[tilespmem:$0x1B170] =	vst v10  }
0xb1: {  	v10 =	vld.idx.msk [tilespmem:v16+s23+$0x0], $0xffff;
	_ =	sdelay $0x4  }
0xb2: {  	[tilespmem:$0x1B180] =	vst v10  }
0xb3: {  	[tilespmem:$0x1B190] =	vst v10  }
0xb4: {  	[tilespmem:$0x1B1A0] =	vst v10  }
0xb5: {  	[tilespmem:$0x1B1B0] =	vst v10  }
0xb6: {  	[tilespmem:$0x1B1C0] =	vst v10  }
0xb7: {  	[tilespmem:$0x1B1D0] =	vst v10  }
0xb8: {  	[tilespmem:$0x1B1E0] =	vst v10  }
0xb9: {  	[tilespmem:$0x1B1F0] =	vst v10  }
0xba: {  	v10 =	vld.idx.msk [tilespmem:v17+s23+$0x0], $0xffff;
	_ =	sdelay $0x4  }
0xbb: {  	[tilespmem:$0x1B200] =	vst v10  }
0xbc: {  	[tilespmem:$0x1B210] =	vst v10  }
0xbd: {  	[tilespmem:$0x1B220] =	vst v10  }
0xbe: {  	[tilespmem:$0x1B230] =	vst v10  }
0xbf: {  	[tilespmem:$0x1B240] =	vst v10  }
0xc0: {  	[tilespmem:$0x1B250] =	vst v10  }
0xc1: {  	[tilespmem:$0x1B260] =	vst v10  }
0xc2: {  	[tilespmem:$0x1B270] =	vst v10  }
0xc3: {  	v10 =	vld.idx.msk [tilespmem:v18+s23+$0x0], $0xffff;
	_ =	sdelay $0x4  }
0xc4: {  	[tilespmem:$0x1B280] =	vst v10  }
0xc5: {  	[tilespmem:$0x1B290] =	vst v10  }
0xc6: {  	[tilespmem:$0x1B2A0] =	vst v10  }
0xc7: {  	[tilespmem:$0x1B2B0] =	vst v10  }
0xc8: {  	[tilespmem:$0x1B2C0] =	vst v10  }
0xc9: {  	[tilespmem:$0x1B2D0] =	vst v10  }
0xca: {  	[tilespmem:$0x1B2E0] =	vst v10  }
0xcb: {  	[tilespmem:$0x1B2F0] =	vst v10  }
0xcc: {  	v10 =	vld.idx.msk [tilespmem:v19+s23+$0x0], $0xffff;
	_ =	sdelay $0x4  }
0xcd: {  	[tilespmem:$0x1B300] =	vst v10  }
0xce: {  	[tilespmem:$0x1B310] =	vst v10  }
0xcf: {  	[tilespmem:$0x1B320] =	vst v10  }
0xd0: {  	[tilespmem:$0x1B330] =	vst v10  }
0xd1: {  	[tilespmem:$0x1B340] =	vst v10  }
0xd2: {  	[tilespmem:$0x1B350] =	vst v10  }
0xd3: {  	[tilespmem:$0x1B360] =	vst v10  }
0xd4: {  	[tilespmem:$0x1B370] =	vst v10  }
0xd5: {  	v10 =	vld.idx.msk [tilespmem:v20+s23+$0x0], $0xffff;
	_ =	sdelay $0x4  }
0xd6: {  	[tilespmem:$0x1B380] =	vst v10  }
0xd7: {  	[tilespmem:$0x1B390] =	vst v10  }
0xd8: {  	[tilespmem:$0x1B3A0] =	vst v10  }
0xd9: {  	[tilespmem:$0x1B3B0] =	vst v10  }
0xda: {  	[tilespmem:$0x1B3C0] =	vst v10  }
0xdb: {  	[tilespmem:$0x1B3D0] =	vst v10  }
0xdc: {  	[tilespmem:$0x1B3E0] =	vst v10  }
0xdd: {  	[tilespmem:$0x1B3F0] =	vst v10  }
0xde: {  	v10 =	vld.idx.msk [tilespmem:v21+s23+$0x0], $0xffff;
	_ =	sdelay $0x4  }
0xdf: {  	[tilespmem:$0x1B400] =	vst v10  }
0xe0: {  	[tilespmem:$0x1B410] =	vst v10  }
0xe1: {  	[tilespmem:$0x1B420] =	vst v10  }
0xe2: {  	[tilespmem:$0x1B430] =	vst v10  }
0xe3: {  	[tilespmem:$0x1B440] =	vst v10  }
0xe4: {  	[tilespmem:$0x1B450] =	vst v10  }
0xe5: {  	[tilespmem:$0x1B460] =	vst v10  }
0xe6: {  	[tilespmem:$0x1B470] =	vst v10  }
0xe7: {  	v10 =	vld.idx.msk [tilespmem:v22+s23+$0x0], $0xffff;
	_ =	sdelay $0x4  }
0xe8: {  	[tilespmem:$0x1B480] =	vst v10  }
0xe9: {  	[tilespmem:$0x1B490] =	vst v10  }
0xea: {  	[tilespmem:$0x1B4A0] =	vst v10  }
0xeb: {  	[tilespmem:$0x1B4B0] =	vst v10  }
0xec: {  	[tilespmem:$0x1B4C0] =	vst v10  }
0xed: {  	[tilespmem:$0x1B4D0] =	vst v10  }
0xee: {  	[tilespmem:$0x1B4E0] =	vst v10  }
0xef: {  	[tilespmem:$0x1B4F0] =	vst v10  }
0xf0: {  	v10 =	vld.idx.msk [tilespmem:v23+s23+$0x0], $0xffff;
	_ =	sdelay $0x4  }
0xf1: {  	[tilespmem:$0x1B500] =	vst v10  }
0xf2: {  	[tilespmem:$0x1B510] =	vst v10  }
0xf3: {  	[tilespmem:$0x1B520] =	vst v10  }
0xf4: {  	[tilespmem:$0x1B530] =	vst v10  }
0xf5: {  	[tilespmem:$0x1B540] =	vst v10  }
0xf6: {  	[tilespmem:$0x1B550] =	vst v10  }
0xf7: {  	[tilespmem:$0x1B560] =	vst v10  }
0xf8: {  	[tilespmem:$0x1B570] =	vst v10  }
0xf9: {  	v10 =	vld.idx.msk [tilespmem:v24+s23+$0x0], $0xffff;
	_ =	sdelay $0x4  }
0xfa: {  	[tilespmem:$0x1B580] =	vst v10  }
0xfb: {  	[tilespmem:$0x1B590] =	vst v10  }
0xfc: {  	[tilespmem:$0x1B5A0] =	vst v10  }
0xfd: {  	[tilespmem:$0x1B5B0] =	vst v10  }
0xfe: {  	[tilespmem:$0x1B5C0] =	vst v10  }
0xff: {  	[tilespmem:$0x1B5D0] =	vst v10  }
0x100: {  	[tilespmem:$0x1B5E0] =	vst v10  }
0x101: {  	[tilespmem:$0x1B5F0] =	vst v10  }
0x102: {  	v10 =	vld.idx.msk [tilespmem:v25+s23+$0x0], $0xffff;
	_ =	sdelay $0x4  }
0x103: {  	[tilespmem:$0x1B600] =	vst v10  }
0x104: {  	[tilespmem:$0x1B610] =	vst v10  }
0x105: {  	[tilespmem:$0x1B620] =	vst v10  }
0x106: {  	[tilespmem:$0x1B630] =	vst v10  }
0x107: {  	[tilespmem:$0x1B640] =	vst v10  }
0x108: {  	[tilespmem:$0x1B650] =	vst v10  }
0x109: {  	[tilespmem:$0x1B660] =	vst v10  }
0x10a: {  	[tilespmem:$0x1B670] =	vst v10  }
0x10b: {  	v10 =	vld.idx.msk [tilespmem:v26+s23+$0x0], $0xffff;
	_ =	sdelay $0x4  }
0x10c: {  	[tilespmem:$0x1B680] =	vst v10  }
0x10d: {  	[tilespmem:$0x1B690] =	vst v10  }
0x10e: {  	[tilespmem:$0x1B6A0] =	vst v10  }
0x10f: {  	[tilespmem:$0x1B6B0] =	vst v10  }
0x110: {  	[tilespmem:$0x1B6C0] =	vst v10  }
0x111: {  	[tilespmem:$0x1B6D0] =	vst v10  }
0x112: {  	[tilespmem:$0x1B6E0] =	vst v10  }
0x113: {  	[tilespmem:$0x1B6F0] =	vst v10  }
0x114: {  	v10 =	vld.idx.msk [tilespmem:v27+s23+$0x0], $0xffff;
	_ =	sdelay $0x4  }
0x115: {  	[tilespmem:$0x1B700] =	vst v10  }
0x116: {  	[tilespmem:$0x1B710] =	vst v10  }
0x117: {  	[tilespmem:$0x1B720] =	vst v10  }
0x118: {  	[tilespmem:$0x1B730] =	vst v10  }
0x119: {  	[tilespmem:$0x1B740] =	vst v10  }
0x11a: {  	[tilespmem:$0x1B750] =	vst v10  }
0x11b: {  	[tilespmem:$0x1B760] =	vst v10  }
0x11c: {  	[tilespmem:$0x1B770] =	vst v10  }
0x11d: {  	v10 =	vld.idx.msk [tilespmem:v28+s23+$0x0], $0xffff;
	_ =	sdelay $0x4  }
0x11e: {  	[tilespmem:$0x1B780] =	vst v10  }
0x11f: {  	[tilespmem:$0x1B790] =	vst v10  }
0x120: {  	[tilespmem:$0x1B7A0] =	vst v10  }
0x121: {  	[tilespmem:$0x1B7B0] =	vst v10  }
0x122: {  	[tilespmem:$0x1B7C0] =	vst v10  }
0x123: {  	[tilespmem:$0x1B7D0] =	vst v10  }
0x124: {  	[tilespmem:$0x1B7E0] =	vst v10  }
0x125: {  	[tilespmem:$0x1B7F0] =	vst v10  }
0x126: {  	v10 =	vld.idx.msk [tilespmem:v29+s23+$0x0], $0xffff;
	_ =	sdelay $0x4  }
0x127: {  	[tilespmem:$0x1B800] =	vst v10  }
0x128: {  	[tilespmem:$0x1B810] =	vst v10  }
0x129: {  	[tilespmem:$0x1B820] =	vst v10  }
0x12a: {  	[tilespmem:$0x1B830] =	vst v10  }
0x12b: {  	[tilespmem:$0x1B840] =	vst v10  }
0x12c: {  	[tilespmem:$0x1B850] =	vst v10  }
0x12d: {  	[tilespmem:$0x1B860] =	vst v10  }
0x12e: {  	[tilespmem:$0x1B870] =	vst v10  }
0x12f: {  	v10 =	vld.idx.msk [tilespmem:v30+s23+$0x0], $0xffff;
	_ =	sdelay $0x4  }
0x130: {  	[tilespmem:$0x1B880] =	vst v10  }
0x131: {  	[tilespmem:$0x1B890] =	vst v10  }
0x132: {  	[tilespmem:$0x1B8A0] =	vst v10  }
0x133: {  	[tilespmem:$0x1B8B0] =	vst v10  }
0x134: {  	[tilespmem:$0x1B8C0] =	vst v10  }
0x135: {  	[tilespmem:$0x1B8D0] =	vst v10  }
0x136: {  	[tilespmem:$0x1B8E0] =	vst v10  }
0x137: {  	[tilespmem:$0x1B8F0] =	vst v10  }
0x138: {  	v10 =	vld.idx.msk [tilespmem:v31+s23+$0x0], $0xffff;
	_ =	sdelay $0x4  }
0x139: {  	[tilespmem:$0x1B900] =	vst v10  }
0x13a: {  	[tilespmem:$0x1B910] =	vst v10  }
0x13b: {  	[tilespmem:$0x1B920] =	vst v10  }
0x13c: {  	[tilespmem:$0x1B930] =	vst v10  }
0x13d: {  	[tilespmem:$0x1B940] =	vst v10  }
0x13e: {  	[tilespmem:$0x1B950] =	vst v10  }
0x13f: {  	[tilespmem:$0x1B960] =	vst v10  }
0x140: {  	[tilespmem:$0x1B970] =	vst v10  }
0x141: {  	v10 =	vld.idx.msk [tilespmem:v32+s23+$0x0], $0xffff;
	_ =	sdelay $0x4  }
0x142: {  	[tilespmem:$0x1B980] =	vst v10  }
0x143: {  	[tilespmem:$0x1B990] =	vst v10  }
0x144: {  	[tilespmem:$0x1B9A0] =	vst v10  }
0x145: {  	[tilespmem:$0x1B9B0] =	vst v10  }
0x146: {  	[tilespmem:$0x1B9C0] =	vst v10  }
0x147: {  	[tilespmem:$0x1B9D0] =	vst v10  }
0x148: {  	[tilespmem:$0x1B9E0] =	vst v10  }
0x149: {  	[tilespmem:$0x1B9F0] =	vst v10  }
0x14a: {  	v10 =	vld.idx.msk [tilespmem:v33+s23+$0x0], $0xffff;
	_ =	sdelay $0x4  }
0x14b: {  	[tilespmem:$0x1BA00] =	vst v10  }
0x14c: {  	[tilespmem:$0x1BA10] =	vst v10  }
0x14d: {  	[tilespmem:$0x1BA20] =	vst v10  }
0x14e: {  	[tilespmem:$0x1BA30] =	vst v10  }
0x14f: {  	[tilespmem:$0x1BA40] =	vst v10  }
0x150: {  	[tilespmem:$0x1BA50] =	vst v10  }
0x151: {  	[tilespmem:$0x1BA60] =	vst v10  }
0x152: {  	[tilespmem:$0x1BA70] =	vst v10  }
0x153: {  	v10 =	vld.idx.msk [tilespmem:v34+s23+$0x0], $0xffff;
	_ =	sdelay $0x4  }
0x154: {  	[tilespmem:$0x1BA80] =	vst v10  }
0x155: {  	[tilespmem:$0x1BA90] =	vst v10  }
0x156: {  	[tilespmem:$0x1BAA0] =	vst v10  }
0x157: {  	[tilespmem:$0x1BAB0] =	vst v10  }
0x158: {  	[tilespmem:$0x1BAC0] =	vst v10  }
0x159: {  	[tilespmem:$0x1BAD0] =	vst v10  }
0x15a: {  	[tilespmem:$0x1BAE0] =	vst v10  }
0x15b: {  	[tilespmem:$0x1BAF0] =	vst v10  }
0x15c: {  	v10 =	vld.idx.msk [tilespmem:v35+s23+$0x0], $0xffff;
	_ =	sdelay $0x4  }
0x15d: {  	[tilespmem:$0x1BB00] =	vst v10  }
0x15e: {  	[tilespmem:$0x1BB10] =	vst v10  }
0x15f: {  	[tilespmem:$0x1BB20] =	vst v10  }
0x160: {  	[tilespmem:$0x1BB30] =	vst v10  }
0x161: {  	[tilespmem:$0x1BB40] =	vst v10  }
0x162: {  	[tilespmem:$0x1BB50] =	vst v10  }
0x163: {  	[tilespmem:$0x1BB60] =	vst v10  }
0x164: {  	[tilespmem:$0x1BB70] =	vst v10  }
0x165: {  	v10 =	vld.idx.msk [tilespmem:v36+s23+$0x0], $0xffff;
	_ =	sdelay $0x4  }
0x166: {  	[tilespmem:$0x1BB80] =	vst v10  }
0x167: {  	[tilespmem:$0x1BB90] =	vst v10  }
0x168: {  	[tilespmem:$0x1BBA0] =	vst v10  }
0x169: {  	[tilespmem:$0x1BBB0] =	vst v10  }
0x16a: {  	[tilespmem:$0x1BBC0] =	vst v10  }
0x16b: {  	[tilespmem:$0x1BBD0] =	vst v10  }
0x16c: {  	[tilespmem:$0x1BBE0] =	vst v10  }
0x16d: {  	[tilespmem:$0x1BBF0] =	vst v10  }
0x16e: {  	v10 =	vld.idx.msk [tilespmem:v37+s23+$0x0], $0xffff;
	_ =	sdelay $0x4  }
0x16f: {  	[tilespmem:$0x1BC00] =	vst v10  }
0x170: {  	[tilespmem:$0x1BC10] =	vst v10  }
0x171: {  	[tilespmem:$0x1BC20] =	vst v10  }
0x172: {  	[tilespmem:$0x1BC30] =	vst v10  }
0x173: {  	[tilespmem:$0x1BC40] =	vst v10  }
0x174: {  	[tilespmem:$0x1BC50] =	vst v10  }
0x175: {  	[tilespmem:$0x1BC60] =	vst v10  }
0x176: {  	[tilespmem:$0x1BC70] =	vst v10  }
0x177: {  	v10 =	vld.idx.msk [tilespmem:v38+s23+$0x0], $0xffff;
	_ =	sdelay $0x4  }
0x178: {  	[tilespmem:$0x1BC80] =	vst v10  }
0x179: {  	[tilespmem:$0x1BC90] =	vst v10  }
0x17a: {  	[tilespmem:$0x1BCA0] =	vst v10  }
0x17b: {  	[tilespmem:$0x1BCB0] =	vst v10  }
0x17c: {  	[tilespmem:$0x1BCC0] =	vst v10  }
0x17d: {  	[tilespmem:$0x1BCD0] =	vst v10  }
0x17e: {  	[tilespmem:$0x1BCE0] =	vst v10  }
0x17f: {  	[tilespmem:$0x1BCF0] =	vst v10  }
0x180: {  	v10 =	vld.idx.msk [tilespmem:v39+s23+$0x0], $0xffff;
	_ =	sdelay $0x4  }
0x181: {  	[tilespmem:$0x1BD00] =	vst v10  }
0x182: {  	[tilespmem:$0x1BD10] =	vst v10  }
0x183: {  	[tilespmem:$0x1BD20] =	vst v10  }
0x184: {  	[tilespmem:$0x1BD30] =	vst v10  }
0x185: {  	[tilespmem:$0x1BD40] =	vst v10  }
0x186: {  	[tilespmem:$0x1BD50] =	vst v10  }
0x187: {  	[tilespmem:$0x1BD60] =	vst v10  }
0x188: {  	[tilespmem:$0x1BD70] =	vst v10  }
0x189: {  	v10 =	vld.idx.msk [tilespmem:v40+s23+$0x0], $0xffff;
	_ =	sdelay $0x4  }
0x18a: {  	[tilespmem:$0x1BD80] =	vst v10  }
0x18b: {  	[tilespmem:$0x1BD90] =	vst v10  }
0x18c: {  	[tilespmem:$0x1BDA0] =	vst v10  }
0x18d: {  	[tilespmem:$0x1BDB0] =	vst v10  }
0x18e: {  	[tilespmem:$0x1BDC0] =	vst v10  }
0x18f: {  	[tilespmem:$0x1BDD0] =	vst v10  }
0x190: {  	[tilespmem:$0x1BDE0] =	vst v10  }
0x191: {  	[tilespmem:$0x1BDF0] =	vst v10  }
0x192: {  	v10 =	vld.idx.msk [tilespmem:v41+s23+$0x0], $0xffff;
	_ =	sdelay $0x4  }
0x193: {  	[tilespmem:$0x1BE00] =	vst v10  }
0x194: {  	[tilespmem:$0x1BE10] =	vst v10  }
0x195: {  	[tilespmem:$0x1BE20] =	vst v10  }
0x196: {  	[tilespmem:$0x1BE30] =	vst v10  }
0x197: {  	[tilespmem:$0x1BE40] =	vst v10  }
0x198: {  	[tilespmem:$0x1BE50] =	vst v10  }
0x199: {  	[tilespmem:$0x1BE60] =	vst v10  }
0x19a: {  	[tilespmem:$0x1BE70] =	vst v10  }
0x19b: {  	v10 =	vld.idx.msk [tilespmem:v42+s23+$0x0], $0xffff;
	_ =	sdelay $0x4  }
0x19c: {  	[tilespmem:$0x1BE80] =	vst v10  }
0x19d: {  	[tilespmem:$0x1BE90] =	vst v10  }
0x19e: {  	[tilespmem:$0x1BEA0] =	vst v10  }
0x19f: {  	[tilespmem:$0x1BEB0] =	vst v10  }
0x1a0: {  	[tilespmem:$0x1BEC0] =	vst v10  }
0x1a1: {  	[tilespmem:$0x1BED0] =	vst v10  }
0x1a2: {  	[tilespmem:$0x1BEE0] =	vst v10  }
0x1a3: {  	[tilespmem:$0x1BEF0] =	vst v10  }
0x1a4: {  	v10 =	vld.idx.msk [tilespmem:v43+s23+$0x0], $0xffff;
	_ =	sdelay $0x4  }
0x1a5: {  	[tilespmem:$0x1BF00] =	vst v10  }
0x1a6: {  	[tilespmem:$0x1BF10] =	vst v10  }
0x1a7: {  	[tilespmem:$0x1BF20] =	vst v10  }
0x1a8: {  	[tilespmem:$0x1BF30] =	vst v10  }
0x1a9: {  	[tilespmem:$0x1BF40] =	vst v10  }
0x1aa: {  	[tilespmem:$0x1BF50] =	vst v10  }
0x1ab: {  	[tilespmem:$0x1BF60] =	vst v10  }
0x1ac: {  	[tilespmem:$0x1BF70] =	vst v10  }
0x1ad: {  	v10 =	vld.idx.msk [tilespmem:v44+s23+$0x0], $0xffff;
	_ =	sdelay $0x4  }
0x1ae: {  	[tilespmem:$0x1BF80] =	vst v10  }
0x1af: {  	[tilespmem:$0x1BF90] =	vst v10  }
0x1b0: {  	[tilespmem:$0x1BFA0] =	vst v10  }
0x1b1: {  	[tilespmem:$0x1BFB0] =	vst v10  }
0x1b2: {  	[tilespmem:$0x1BFC0] =	vst v10  }
0x1b3: {  	[tilespmem:$0x1BFD0] =	vst v10  }
0x1b4: {  	[tilespmem:$0x1BFE0] =	vst v10  }
0x1b5: {  	[tilespmem:$0x1BFF0] =	vst v10  }
0x1b6: {  	v10 =	vld.idx.msk [tilespmem:v45+s23+$0x0], $0xffff;
	_ =	sdelay $0x4  }
0x1b7: {  	[tilespmem:$0x1C000] =	vst v10  }
0x1b8: {  	[tilespmem:$0x1C010] =	vst v10  }
0x1b9: {  	[tilespmem:$0x1C020] =	vst v10  }
0x1ba: {  	[tilespmem:$0x1C030] =	vst v10  }
0x1bb: {  	[tilespmem:$0x1C040] =	vst v10  }
0x1bc: {  	[tilespmem:$0x1C050] =	vst v10  }
0x1bd: {  	[tilespmem:$0x1C060] =	vst v10  }
0x1be: {  	[tilespmem:$0x1C070] =	vst v10  }
0x1bf: {  	v10 =	vld.idx.msk [tilespmem:v46+s23+$0x0], $0xffff;
	_ =	sdelay $0x4  }
0x1c0: {  	[tilespmem:$0x1C080] =	vst v10  }
0x1c1: {  	[tilespmem:$0x1C090] =	vst v10  }
0x1c2: {  	[tilespmem:$0x1C0A0] =	vst v10  }
0x1c3: {  	[tilespmem:$0x1C0B0] =	vst v10  }
0x1c4: {  	[tilespmem:$0x1C0C0] =	vst v10  }
0x1c5: {  	[tilespmem:$0x1C0D0] =	vst v10  }
0x1c6: {  	[tilespmem:$0x1C0E0] =	vst v10  }
0x1c7: {  	[tilespmem:$0x1C0F0] =	vst v10  }
0x1c8: {  	v10 =	vld.idx.msk [tilespmem:v47+s23+$0x0], $0xffff;
	_ =	sdelay $0x4  }
0x1c9: {  	[tilespmem:$0x1C100] =	vst v10  }
0x1ca: {  	[tilespmem:$0x1C110] =	vst v10  }
0x1cb: {  	[tilespmem:$0x1C120] =	vst v10  }
0x1cc: {  	[tilespmem:$0x1C130] =	vst v10  }
0x1cd: {  	[tilespmem:$0x1C140] =	vst v10  }
0x1ce: {  	[tilespmem:$0x1C150] =	vst v10  }
0x1cf: {  	[tilespmem:$0x1C160] =	vst v10  }
0x1d0: {  	[tilespmem:$0x1C170] =	vst v10  }
0x1d1: {  	v10 =	vld.idx.msk [tilespmem:v48+s23+$0x0], $0xffff;
	_ =	sdelay $0x4  }
0x1d2: {  	[tilespmem:$0x1C180] =	vst v10  }
0x1d3: {  	[tilespmem:$0x1C190] =	vst v10  }
0x1d4: {  	[tilespmem:$0x1C1A0] =	vst v10  }
0x1d5: {  	[tilespmem:$0x1C1B0] =	vst v10  }
0x1d6: {  	[tilespmem:$0x1C1C0] =	vst v10  }
0x1d7: {  	[tilespmem:$0x1C1D0] =	vst v10  }
0x1d8: {  	[tilespmem:$0x1C1E0] =	vst v10  }
0x1d9: {  	[tilespmem:$0x1C1F0] =	vst v10  }
0x1da: {  	v10 =	vld.idx.msk [tilespmem:v49+s23+$0x0], $0xffff;
	_ =	sdelay $0x4  }
0x1db: {  	[tilespmem:$0x1C200] =	vst v10  }
0x1dc: {  	[tilespmem:$0x1C210] =	vst v10  }
0x1dd: {  	[tilespmem:$0x1C220] =	vst v10  }
0x1de: {  	[tilespmem:$0x1C230] =	vst v10  }
0x1df: {  	[tilespmem:$0x1C240] =	vst v10  }
0x1e0: {  	[tilespmem:$0x1C250] =	vst v10  }
0x1e1: {  	[tilespmem:$0x1C260] =	vst v10  }
0x1e2: {  	[tilespmem:$0x1C270] =	vst v10  }
0x1e3: {  	v10 =	vld.idx.msk [tilespmem:v50+s23+$0x0], $0xffff;
	_ =	sdelay $0x4  }
0x1e4: {  	[tilespmem:$0x1C280] =	vst v10  }
0x1e5: {  	[tilespmem:$0x1C290] =	vst v10  }
0x1e6: {  	[tilespmem:$0x1C2A0] =	vst v10  }
0x1e7: {  	[tilespmem:$0x1C2B0] =	vst v10  }
0x1e8: {  	[tilespmem:$0x1C2C0] =	vst v10  }
0x1e9: {  	[tilespmem:$0x1C2D0] =	vst v10  }
0x1ea: {  	[tilespmem:$0x1C2E0] =	vst v10  }
0x1eb: {  	[tilespmem:$0x1C2F0] =	vst v10  }
0x1ec: {  	v10 =	vld.idx.msk [tilespmem:v51+s23+$0x0], $0xffff;
	_ =	sdelay $0x4  }
0x1ed: {  	[tilespmem:$0x1C300] =	vst v10  }
0x1ee: {  	[tilespmem:$0x1C310] =	vst v10  }
0x1ef: {  	[tilespmem:$0x1C320] =	vst v10  }
0x1f0: {  	[tilespmem:$0x1C330] =	vst v10  }
0x1f1: {  	[tilespmem:$0x1C340] =	vst v10  }
0x1f2: {  	[tilespmem:$0x1C350] =	vst v10  }
0x1f3: {  	[tilespmem:$0x1C360] =	vst v10  }
0x1f4: {  	[tilespmem:$0x1C370] =	vst v10  }
0x1f5: {  	v10 =	vld.idx.msk [tilespmem:v52+s23+$0x0], $0xffff;
	_ =	sdelay $0x4  }
0x1f6: {  	[tilespmem:$0x1C380] =	vst v10  }
0x1f7: {  	[tilespmem:$0x1C390] =	vst v10  }
0x1f8: {  	[tilespmem:$0x1C3A0] =	vst v10  }
0x1f9: {  	[tilespmem:$0x1C3B0] =	vst v10  }
0x1fa: {  	[tilespmem:$0x1C3C0] =	vst v10  }
0x1fb: {  	[tilespmem:$0x1C3D0] =	vst v10  }
0x1fc: {  	[tilespmem:$0x1C3E0] =	vst v10  }
0x1fd: {  	[tilespmem:$0x1C3F0] =	vst v10  }
0x1fe: {  	v10 =	vld.idx.msk [tilespmem:v53+s23+$0x0], $0xffff;
	_ =	sdelay $0x4  }
0x1ff: {  	[tilespmem:$0x1C400] =	vst v10  }
0x200: {  	[tilespmem:$0x1C410] =	vst v10  }
0x201: {  	[tilespmem:$0x1C420] =	vst v10  }
0x202: {  	[tilespmem:$0x1C430] =	vst v10  }
0x203: {  	[tilespmem:$0x1C440] =	vst v10  }
0x204: {  	[tilespmem:$0x1C450] =	vst v10  }
0x205: {  	[tilespmem:$0x1C460] =	vst v10  }
0x206: {  	[tilespmem:$0x1C470] =	vst v10  }
0x207: {  	v10 =	vld.idx.msk [tilespmem:v54+s23+$0x0], $0xffff;
	_ =	sdelay $0x4  }
0x208: {  	[tilespmem:$0x1C480] =	vst v10  }
0x209: {  	[tilespmem:$0x1C490] =	vst v10  }
0x20a: {  	[tilespmem:$0x1C4A0] =	vst v10  }
0x20b: {  	[tilespmem:$0x1C4B0] =	vst v10  }
0x20c: {  	[tilespmem:$0x1C4C0] =	vst v10  }
0x20d: {  	[tilespmem:$0x1C4D0] =	vst v10  }
0x20e: {  	[tilespmem:$0x1C4E0] =	vst v10  }
0x20f: {  	[tilespmem:$0x1C4F0] =	vst v10  }
0x210: {  	v10 =	vld.idx.msk [tilespmem:v55+s23+$0x0], $0xffff;
	_ =	sdelay $0x4  }
0x211: {  	[tilespmem:$0x1C500] =	vst v10  }
0x212: {  	[tilespmem:$0x1C510] =	vst v10  }
0x213: {  	[tilespmem:$0x1C520] =	vst v10  }
0x214: {  	[tilespmem:$0x1C530] =	vst v10  }
0x215: {  	[tilespmem:$0x1C540] =	vst v10  }
0x216: {  	[tilespmem:$0x1C550] =	vst v10  }
0x217: {  	[tilespmem:$0x1C560] =	vst v10  }
0x218: {  	[tilespmem:$0x1C570] =	vst v10  }
0x219: {  	v10 =	vld.idx.msk [tilespmem:v56+s23+$0x0], $0xffff;
	_ =	sdelay $0x4  }
0x21a: {  	[tilespmem:$0x1C580] =	vst v10  }
0x21b: {  	[tilespmem:$0x1C590] =	vst v10  }
0x21c: {  	[tilespmem:$0x1C5A0] =	vst v10  }
0x21d: {  	[tilespmem:$0x1C5B0] =	vst v10  }
0x21e: {  	[tilespmem:$0x1C5C0] =	vst v10  }
0x21f: {  	[tilespmem:$0x1C5D0] =	vst v10  }
0x220: {  	[tilespmem:$0x1C5E0] =	vst v10  }
0x221: {  	[tilespmem:$0x1C5F0] =	vst v10  }
0x222: {  	v10 =	vld.idx.msk [tilespmem:v57+s23+$0x0], $0xffff;
	_ =	sdelay $0x4  }
0x223: {  	[tilespmem:$0x1C600] =	vst v10  }
0x224: {  	[tilespmem:$0x1C610] =	vst v10  }
0x225: {  	[tilespmem:$0x1C620] =	vst v10  }
0x226: {  	[tilespmem:$0x1C630] =	vst v10  }
0x227: {  	[tilespmem:$0x1C640] =	vst v10  }
0x228: {  	[tilespmem:$0x1C650] =	vst v10  }
0x229: {  	[tilespmem:$0x1C660] =	vst v10  }
0x22a: {  	[tilespmem:$0x1C670] =	vst v10  }
0x22b: {  	v10 =	vld.idx.msk [tilespmem:v58+s23+$0x0], $0xffff;
	_ =	sdelay $0x4  }
0x22c: {  	[tilespmem:$0x1C680] =	vst v10  }
0x22d: {  	[tilespmem:$0x1C690] =	vst v10  }
0x22e: {  	[tilespmem:$0x1C6A0] =	vst v10  }
0x22f: {  	[tilespmem:$0x1C6B0] =	vst v10  }
0x230: {  	[tilespmem:$0x1C6C0] =	vst v10  }
0x231: {  	[tilespmem:$0x1C6D0] =	vst v10  }
0x232: {  	[tilespmem:$0x1C6E0] =	vst v10  }
0x233: {  	[tilespmem:$0x1C6F0] =	vst v10  }
0x234: {  	v10 =	vld.idx.msk [tilespmem:v59+s23+$0x0], $0xffff;
	_ =	sdelay $0x4  }
0x235: {  	[tilespmem:$0x1C700] =	vst v10  }
0x236: {  	[tilespmem:$0x1C710] =	vst v10  }
0x237: {  	[tilespmem:$0x1C720] =	vst v10  }
0x238: {  	[tilespmem:$0x1C730] =	vst v10  }
0x239: {  	[tilespmem:$0x1C740] =	vst v10  }
0x23a: {  	[tilespmem:$0x1C750] =	vst v10  }
0x23b: {  	[tilespmem:$0x1C760] =	vst v10  }
0x23c: {  	[tilespmem:$0x1C770] =	vst v10  }
0x23d: {  	v10 =	vld.idx.msk [tilespmem:v60+s23+$0x0], $0xffff;
	_ =	sdelay $0x4  }
0x23e: {  	[tilespmem:$0x1C780] =	vst v10  }
0x23f: {  	[tilespmem:$0x1C790] =	vst v10  }
0x240: {  	[tilespmem:$0x1C7A0] =	vst v10  }
0x241: {  	[tilespmem:$0x1C7B0] =	vst v10  }
0x242: {  	[tilespmem:$0x1C7C0] =	vst v10  }
0x243: {  	[tilespmem:$0x1C7D0] =	vst v10  }
0x244: {  	[tilespmem:$0x1C7E0] =	vst v10  }
0x245: {  	[tilespmem:$0x1C7F0] =	vst v10  }
0x246: {  	v10 =	vld.idx.msk [tilespmem:v61+s23+$0x0], $0xffff;
	_ =	sdelay $0x4  }
0x247: {  	[tilespmem:$0x1C800] =	vst v10  }
0x248: {  	[tilespmem:$0x1C810] =	vst v10  }
0x249: {  	[tilespmem:$0x1C820] =	vst v10  }
0x24a: {  	[tilespmem:$0x1C830] =	vst v10  }
0x24b: {  	[tilespmem:$0x1C840] =	vst v10  }
0x24c: {  	[tilespmem:$0x1C850] =	vst v10  }
0x24d: {  	[tilespmem:$0x1C860] =	vst v10  }
0x24e: {  	[tilespmem:$0x1C870] =	vst v10  }
0x24f: {  	v10 =	vld.idx.msk [tilespmem:v62+s23+$0x0], $0xffff;
	_ =	sdelay $0x4  }
0x250: {  	[tilespmem:$0x1C880] =	vst v10  }
0x251: {  	[tilespmem:$0x1C890] =	vst v10  }
0x252: {  	[tilespmem:$0x1C8A0] =	vst v10  }
0x253: {  	[tilespmem:$0x1C8B0] =	vst v10  }
0x254: {  	[tilespmem:$0x1C8C0] =	vst v10  }
0x255: {  	[tilespmem:$0x1C8D0] =	vst v10  }
0x256: {  	[tilespmem:$0x1C8E0] =	vst v10  }
0x257: {  	[tilespmem:$0x1C8F0] =	vst v10  }
0x258: {  	v10 =	vld.idx.msk [tilespmem:v63+s23+$0x0], $0xffff;
	_ =	sdelay $0x4  }
0x259: {  	[tilespmem:$0x1C900] =	vst v10  }
0x25a: {  	[tilespmem:$0x1C910] =	vst v10  }
0x25b: {  	[tilespmem:$0x1C920] =	vst v10  }
0x25c: {  	[tilespmem:$0x1C930] =	vst v10  }
0x25d: {  	[tilespmem:$0x1C940] =	vst v10  }
0x25e: {  	[tilespmem:$0x1C950] =	vst v10  }
0x25f: {  	[tilespmem:$0x1C960] =	vst v10  }
0x260: {  	[tilespmem:$0x1C970] =	vst v10  }
0x261: {  	v10 =	vld.idx.msk [tilespmem:v2+s23+$0x0], $0xffff;
	_ =	sdelay $0x4  }
0x262: {  	[tilespmem:$0x1C980] =	vst v10  }
0x263: {  	[tilespmem:$0x1C990] =	vst v10  }
0x264: {  	[tilespmem:$0x1C9A0] =	vst v10  }
0x265: {  	[tilespmem:$0x1C9B0] =	vst v10  }
0x266: {  	[tilespmem:$0x1C9C0] =	vst v10  }
0x267: {  	[tilespmem:$0x1C9D0] =	vst v10  }
0x268: {  	[tilespmem:$0x1C9E0] =	vst v10  }
0x269: {  	[tilespmem:$0x1C9F0] =	vst v10  }
0x26a: {  	v10 =	vld.idx.msk [tilespmem:v3+s23+$0x0], $0xffff;
	_ =	sdelay $0x4  }
0x26b: {  	[tilespmem:$0x1CA00] =	vst v10  }
0x26c: {  	[tilespmem:$0x1CA10] =	vst v10  }
0x26d: {  	[tilespmem:$0x1CA20] =	vst v10  }
0x26e: {  	[tilespmem:$0x1CA30] =	vst v10  }
0x26f: {  	[tilespmem:$0x1CA40] =	vst v10  }
0x270: {  	[tilespmem:$0x1CA50] =	vst v10  }
0x271: {  	[tilespmem:$0x1CA60] =	vst v10  }
0x272: {  	[tilespmem:$0x1CA70] =	vst v10  }
0x273: {  	v10 =	vld.idx.msk [tilespmem:v4+s23+$0x0], $0xffff;
	_ =	sdelay $0x4  }
0x274: {  	[tilespmem:$0x1CA80] =	vst v10  }
0x275: {  	[tilespmem:$0x1CA90] =	vst v10  }
0x276: {  	[tilespmem:$0x1CAA0] =	vst v10  }
0x277: {  	[tilespmem:$0x1CAB0] =	vst v10  }
0x278: {  	[tilespmem:$0x1CAC0] =	vst v10  }
0x279: {  	[tilespmem:$0x1CAD0] =	vst v10  }
0x27a: {  	[tilespmem:$0x1CAE0] =	vst v10  }
0x27b: {  	[tilespmem:$0x1CAF0] =	vst v10  }
0x27c: {  	v10 =	vld.idx.msk [tilespmem:v5+s23+$0x0], $0xffff;
	_ =	sdelay $0x4  }
0x27d: {  	[tilespmem:$0x1CB00] =	vst v10  }
0x27e: {  	[tilespmem:$0x1CB10] =	vst v10  }
0x27f: {  	[tilespmem:$0x1CB20] =	vst v10  }
0x280: {  	[tilespmem:$0x1CB30] =	vst v10  }
0x281: {  	[tilespmem:$0x1CB40] =	vst v10  }
0x282: {  	[tilespmem:$0x1CB50] =	vst v10  }
0x283: {  	[tilespmem:$0x1CB60] =	vst v10  }
0x284: {  	[tilespmem:$0x1CB70] =	vst v10  }
0x285: {  	v10 =	vld.idx.msk [tilespmem:v6+s23+$0x0], $0xffff;
	_ =	sdelay $0x4  }
0x286: {  	[tilespmem:$0x1CB80] =	vst v10  }
0x287: {  	[tilespmem:$0x1CB90] =	vst v10  }
0x288: {  	[tilespmem:$0x1CBA0] =	vst v10  }
0x289: {  	[tilespmem:$0x1CBB0] =	vst v10  }
0x28a: {  	[tilespmem:$0x1CBC0] =	vst v10  }
0x28b: {  	[tilespmem:$0x1CBD0] =	vst v10  }
0x28c: {  	[tilespmem:$0x1CBE0] =	vst v10  }
0x28d: {  	[tilespmem:$0x1CBF0] =	vst v10  }
0x28e: {  	v10 =	vld.idx.msk [tilespmem:v7+s23+$0x0], $0xffff;
	_ =	sdelay $0x4  }
0x28f: {  	[tilespmem:$0x1CC00] =	vst v10  }
0x290: {  	[tilespmem:$0x1CC10] =	vst v10  }
0x291: {  	[tilespmem:$0x1CC20] =	vst v10  }
0x292: {  	[tilespmem:$0x1CC30] =	vst v10  }
0x293: {  	[tilespmem:$0x1CC40] =	vst v10  }
0x294: {  	[tilespmem:$0x1CC50] =	vst v10  }
0x295: {  	[tilespmem:$0x1CC60] =	vst v10  }
0x296: {  	[tilespmem:$0x1CC70] =	vst v10  }
0x297: {  	v10 =	vld.idx.msk [tilespmem:v8+s23+$0x0], $0xffff;
	_ =	sdelay $0x2  }
0x298: {  	v11 =	vld [tilespmem:$0x1000];
	_ =	sdelay $0x1  }
0x299: {  	[tilespmem:$0x1CC80] =	vst v10  }
0x29a: {  	[tilespmem:$0x1CC90] =	vst v10  }
0x29b: {  	[tilespmem:$0x1CCA0] =	vst v10  }
0x29c: {  	v12 =	vadd.s32 $0x40, v11;
	[tilespmem:$0x1CCB0] =	vst v10  }
0x29d: {  	[tilespmem:$0x1CCC0] =	vst v10  }
0x29e: {  	[tilespmem:$0x1CCD0] =	vst v10  }
0x29f: {  	[tilespmem:$0x1CCE0] =	vst v10  }
0x2a0: {  	[tilespmem:$0x1CCF0] =	vst v10;
	v10 =	vshll.u32 v11, $0x7  }
0x2a1: {  	v11 =	vld.idx.msk [tilespmem:v12+s22+$0x0], $0xffff;
	v10 =	vor.u32 v9, v10;
	_ =	sdelay $0x4  }
0x2a2: {  	[tilespmem:v10+s24+$0x0] =	vst.idx.add.f32.msk $0xffff, v11  }
0x2a3: {  	v10 =	vld [tilespmem:$0x1080];
	_ =	sdelay $0x4  }
0x2a4: {  	v11 =	vadd.s32 $0x53, v10;
	_ =	sdelay $0x3  }
0x2a5: {  	v12 =	vor.u32 $0x980, v9;
	v10 =	vshll.u32 v10, $0x7  }
0x2a6: {  	v10 =	vadd.s32 v12, v10;
	v11 =	vld.idx.msk [tilespmem:v11+s22+$0x0], $0xffff;
	_ =	sdelay $0x4  }
0x2a7: {  	[tilespmem:v10+s24+$0x0] =	vst.idx.add.f32.msk $0xffff, v11  }
0x2a8: {  	v10 =	vld [tilespmem:$0x1100];
	_ =	sdelay $0x4  }
0x2a9: {  	v11 =	vadd.s32 $0x71, v10;
	_ =	sdelay $0x3  }
0x2aa: {  	v12 =	vor.u32 $0x1880, v9;
	v10 =	vshll.u32 v10, $0x7  }
0x2ab: {  	v10 =	vadd.s32 v12, v10;
	v11 =	vld.idx.msk [tilespmem:v11+s22+$0x0], $0xffff;
	_ =	sdelay $0x4  }
0x2ac: {  	[tilespmem:v10+s24+$0x0] =	vst.idx.add.f32.msk $0xffff, v11  }
0x2ad: {  	v10 =	vld [tilespmem:$0x1010];
	_ =	sdelay $0x4  }
0x2ae: {  	v11 =	vadd.s32 $0x40, v10;
	_ =	sdelay $0x3  }
0x2af: {  	v12 =	vor.u32 $0x10, v9;
	v10 =	vshll.u32 v10, $0x7  }
0x2b0: {  	v10 =	vor.u32 v12, v10;
	v11 =	vld.idx.msk [tilespmem:v11+s22+$0x0], $0xffff;
	_ =	sdelay $0x4  }
0x2b1: {  	[tilespmem:v10+s24+$0x0] =	vst.idx.add.f32.msk $0xffff, v11  }
0x2b2: {  	v10 =	vld [tilespmem:$0x1090];
	_ =	sdelay $0x4  }
0x2b3: {  	v11 =	vadd.s32 $0x53, v10;
	_ =	sdelay $0x3  }
0x2b4: {  	v12 =	vor.u32 $0x990, v9;
	v10 =	vshll.u32 v10, $0x7  }
0x2b5: {  	v10 =	vadd.s32 v12, v10;
	v11 =	vld.idx.msk [tilespmem:v11+s22+$0x0], $0xffff;
	_ =	sdelay $0x4  }
0x2b6: {  	[tilespmem:v10+s24+$0x0] =	vst.idx.add.f32.msk $0xffff, v11  }
0x2b7: {  	v10 =	vld [tilespmem:$0x1110];
	_ =	sdelay $0x4  }
0x2b8: {  	v11 =	vadd.s32 $0x71, v10;
	_ =	sdelay $0x3  }
0x2b9: {  	v12 =	vor.u32 $0x1890, v9;
	v10 =	vshll.u32 v10, $0x7  }
0x2ba: {  	v10 =	vadd.s32 v12, v10;
	v11 =	vld.idx.msk [tilespmem:v11+s22+$0x0], $0xffff;
	_ =	sdelay $0x4  }
0x2bb: {  	[tilespmem:v10+s24+$0x0] =	vst.idx.add.f32.msk $0xffff, v11  }
0x2bc: {  	v10 =	vld [tilespmem:$0x1020];
	_ =	sdelay $0x4  }
0x2bd: {  	v11 =	vadd.s32 $0x40, v10;
	_ =	sdelay $0x3  }
0x2be: {  	v12 =	vor.u32 $0x20, v9;
	v10 =	vshll.u32 v10, $0x7  }
0x2bf: {  	v10 =	vor.u32 v12, v10;
	v11 =	vld.idx.msk [tilespmem:v11+s22+$0x0], $0xffff;
	_ =	sdelay $0x4  }
0x2c0: {  	[tilespmem:v10+s24+$0x0] =	vst.idx.add.f32.msk $0xffff, v11  }
0x2c1: {  	v10 =	vld [tilespmem:$0x10A0];
	_ =	sdelay $0x4  }
0x2c2: {  	v11 =	vadd.s32 $0x53, v10;
	_ =	sdelay $0x3  }
0x2c3: {  	v12 =	vor.u32 $0x9A0, v9;
	v10 =	vshll.u32 v10, $0x7  }
0x2c4: {  	v10 =	vadd.s32 v12, v10;
	v11 =	vld.idx.msk [tilespmem:v11+s22+$0x0], $0xffff;
	_ =	sdelay $0x4  }
0x2c5: {  	[tilespmem:v10+s24+$0x0] =	vst.idx.add.f32.msk $0xffff, v11  }
0x2c6: {  	v10 =	vld [tilespmem:$0x1120];
	_ =	sdelay $0x4  }
0x2c7: {  	v11 =	vadd.s32 $0x71, v10;
	_ =	sdelay $0x3  }
0x2c8: {  	v12 =	vor.u32 $0x18A0, v9;
	v10 =	vshll.u32 v10, $0x7  }
0x2c9: {  	v10 =	vadd.s32 v12, v10;
	v11 =	vld.idx.msk [tilespmem:v11+s22+$0x0], $0xffff;
	_ =	sdelay $0x4  }
0x2ca: {  	[tilespmem:v10+s24+$0x0] =	vst.idx.add.f32.msk $0xffff, v11  }
0x2cb: {  	v10 =	vld [tilespmem:$0x1030];
	_ =	sdelay $0x4  }
0x2cc: {  	v11 =	vadd.s32 $0x40, v10;
	_ =	sdelay $0x3  }
0x2cd: {  	v12 =	vor.u32 $0x30, v9;
	v10 =	vshll.u32 v10, $0x7  }
0x2ce: {  	v10 =	vor.u32 v12, v10;
	v11 =	vld.idx.msk [tilespmem:v11+s22+$0x0], $0xffff;
	_ =	sdelay $0x4  }
0x2cf: {  	[tilespmem:v10+s24+$0x0] =	vst.idx.add.f32.msk $0xffff, v11  }
0x2d0: {  	v10 =	vld [tilespmem:$0x10B0];
	_ =	sdelay $0x4  }
0x2d1: {  	v11 =	vadd.s32 $0x53, v10;
	_ =	sdelay $0x3  }
0x2d2: {  	v12 =	vor.u32 $0x9B0, v9;
	v10 =	vshll.u32 v10, $0x7  }
0x2d3: {  	v10 =	vadd.s32 v12, v10;
	v11 =	vld.idx.msk [tilespmem:v11+s22+$0x0], $0xffff;
	_ =	sdelay $0x4  }
0x2d4: {  	[tilespmem:v10+s24+$0x0] =	vst.idx.add.f32.msk $0xffff, v11  }
0x2d5: {  	v10 =	vld [tilespmem:$0x1130];
	_ =	sdelay $0x4  }
0x2d6: {  	v11 =	vadd.s32 $0x71, v10;
	_ =	sdelay $0x3  }
0x2d7: {  	v12 =	vor.u32 $0x18B0, v9;
	v10 =	vshll.u32 v10, $0x7  }
0x2d8: {  	v10 =	vadd.s32 v12, v10;
	v11 =	vld.idx.msk [tilespmem:v11+s22+$0x0], $0xffff;
	_ =	sdelay $0x4  }
0x2d9: {  	[tilespmem:v10+s24+$0x0] =	vst.idx.add.f32.msk $0xffff, v11  }
0x2da: {  	v10 =	vld [tilespmem:$0x1040];
	_ =	sdelay $0x4  }
0x2db: {  	v11 =	vadd.s32 $0x40, v10;
	_ =	sdelay $0x3  }
0x2dc: {  	v12 =	vor.u32 $0x40, v9;
	v10 =	vshll.u32 v10, $0x7  }
0x2dd: {  	v10 =	vor.u32 v12, v10;
	v11 =	vld.idx.msk [tilespmem:v11+s22+$0x0], $0xffff;
	_ =	sdelay $0x4  }
0x2de: {  	[tilespmem:v10+s24+$0x0] =	vst.idx.add.f32.msk $0xffff, v11  }
0x2df: {  	v10 =	vld [tilespmem:$0x10C0];
	_ =	sdelay $0x4  }
0x2e0: {  	v11 =	vadd.s32 $0x53, v10;
	_ =	sdelay $0x3  }
0x2e1: {  	v12 =	vor.u32 $0x9C0, v9;
	v10 =	vshll.u32 v10, $0x7  }
0x2e2: {  	v10 =	vadd.s32 v12, v10;
	v11 =	vld.idx.msk [tilespmem:v11+s22+$0x0], $0xffff;
	_ =	sdelay $0x4  }
0x2e3: {  	[tilespmem:v10+s24+$0x0] =	vst.idx.add.f32.msk $0xffff, v11  }
0x2e4: {  	v10 =	vld [tilespmem:$0x1140];
	_ =	sdelay $0x4  }
0x2e5: {  	v11 =	vadd.s32 $0x71, v10;
	_ =	sdelay $0x3  }
0x2e6: {  	v12 =	vor.u32 $0x18C0, v9;
	v10 =	vshll.u32 v10, $0x7  }
0x2e7: {  	v10 =	vadd.s32 v12, v10;
	v11 =	vld.idx.msk [tilespmem:v11+s22+$0x0], $0xffff;
	_ =	sdelay $0x4  }
0x2e8: {  	[tilespmem:v10+s24+$0x0] =	vst.idx.add.f32.msk $0xffff, v11  }
0x2e9: {  	v10 =	vld [tilespmem:$0x1050];
	_ =	sdelay $0x4  }
0x2ea: {  	v11 =	vadd.s32 $0x40, v10;
	_ =	sdelay $0x3  }
0x2eb: {  	v12 =	vor.u32 $0x50, v9;
	v10 =	vshll.u32 v10, $0x7  }
0x2ec: {  	v10 =	vor.u32 v12, v10;
	v11 =	vld.idx.msk [tilespmem:v11+s22+$0x0], $0xffff;
	_ =	sdelay $0x4  }
0x2ed: {  	[tilespmem:v10+s24+$0x0] =	vst.idx.add.f32.msk $0xffff, v11  }
0x2ee: {  	v10 =	vld [tilespmem:$0x10D0];
	_ =	sdelay $0x4  }
0x2ef: {  	v11 =	vadd.s32 $0x53, v10;
	_ =	sdelay $0x3  }
0x2f0: {  	v12 =	vor.u32 $0x9D0, v9;
	v10 =	vshll.u32 v10, $0x7  }
0x2f1: {  	v10 =	vadd.s32 v12, v10;
	v11 =	vld.idx.msk [tilespmem:v11+s22+$0x0], $0xffff;
	_ =	sdelay $0x4  }
0x2f2: {  	[tilespmem:v10+s24+$0x0] =	vst.idx.add.f32.msk $0xffff, v11  }
0x2f3: {  	v10 =	vld [tilespmem:$0x1150];
	_ =	sdelay $0x4  }
0x2f4: {  	v11 =	vadd.s32 $0x71, v10;
	_ =	sdelay $0x3  }
0x2f5: {  	v12 =	vor.u32 $0x18D0, v9;
	v10 =	vshll.u32 v10, $0x7  }
0x2f6: {  	v10 =	vadd.s32 v12, v10;
	v11 =	vld.idx.msk [tilespmem:v11+s22+$0x0], $0xffff;
	_ =	sdelay $0x4  }
0x2f7: {  	[tilespmem:v10+s24+$0x0] =	vst.idx.add.f32.msk $0xffff, v11  }
0x2f8: {  	v10 =	vld [tilespmem:$0x1060];
	_ =	sdelay $0x4  }
0x2f9: {  	v11 =	vadd.s32 $0x40, v10;
	_ =	sdelay $0x3  }
0x2fa: {  	v12 =	vor.u32 $0x60, v9;
	v10 =	vshll.u32 v10, $0x7  }
0x2fb: {  	v10 =	vor.u32 v12, v10;
	v11 =	vld.idx.msk [tilespmem:v11+s22+$0x0], $0xffff;
	_ =	sdelay $0x4  }
0x2fc: {  	[tilespmem:v10+s24+$0x0] =	vst.idx.add.f32.msk $0xffff, v11  }
0x2fd: {  	v10 =	vld [tilespmem:$0x10E0];
	_ =	sdelay $0x4  }
0x2fe: {  	v11 =	vadd.s32 $0x53, v10;
	_ =	sdelay $0x3  }
0x2ff: {  	v12 =	vor.u32 $0x9E0, v9;
	v10 =	vshll.u32 v10, $0x7  }
0x300: {  	v10 =	vadd.s32 v12, v10;
	v11 =	vld.idx.msk [tilespmem:v11+s22+$0x0], $0xffff;
	_ =	sdelay $0x4  }
0x301: {  	[tilespmem:v10+s24+$0x0] =	vst.idx.add.f32.msk $0xffff, v11  }
0x302: {  	v10 =	vld [tilespmem:$0x1160];
	_ =	sdelay $0x4  }
0x303: {  	v11 =	vadd.s32 $0x71, v10;
	_ =	sdelay $0x3  }
0x304: {  	v12 =	vor.u32 $0x18E0, v9;
	v10 =	vshll.u32 v10, $0x7  }
0x305: {  	v10 =	vadd.s32 v12, v10;
	v11 =	vld.idx.msk [tilespmem:v11+s22+$0x0], $0xffff;
	_ =	sdelay $0x4  }
0x306: {  	[tilespmem:v10+s24+$0x0] =	vst.idx.add.f32.msk $0xffff, v11  }
0x307: {  	v10 =	vld [tilespmem:$0x1070];
	_ =	sdelay $0x4  }
0x308: {  	v11 =	vadd.s32 $0x40, v10;
	_ =	sdelay $0x3  }
0x309: {  	v12 =	vor.u32 $0x70, v9;
	v10 =	vshll.u32 v10, $0x7  }
0x30a: {  	v10 =	vor.u32 v12, v10;
	v11 =	vld.idx.msk [tilespmem:v11+s22+$0x0], $0xffff;
	_ =	sdelay $0x4  }
0x30b: {  	[tilespmem:v10+s24+$0x0] =	vst.idx.add.f32.msk $0xffff, v11  }
0x30c: {  	v10 =	vld [tilespmem:$0x10F0];
	_ =	sdelay $0x4  }
0x30d: {  	v11 =	vadd.s32 $0x53, v10;
	_ =	sdelay $0x3  }
0x30e: {  	v12 =	vor.u32 $0x9F0, v9;
	v10 =	vshll.u32 v10, $0x7  }
0x30f: {  	v10 =	vadd.s32 v12, v10;
	v11 =	vld.idx.msk [tilespmem:v11+s22+$0x0], $0xffff;
	_ =	sdelay $0x4  }
0x310: {  	[tilespmem:v10+s24+$0x0] =	vst.idx.add.f32.msk $0xffff, v11  }
0x311: {  	v10 =	vld [tilespmem:$0x1170];
	_ =	sdelay $0x4  }
0x312: {  	v11 =	vadd.s32 $0x71, v10;
	_ =	sdelay $0x3  }
0x313: {  	v12 =	vor.u32 $0x18F0, v9;
	v10 =	vshll.u32 v10, $0x7  }
0x314: {  	v10 =	vadd.s32 v12, v10;
	v11 =	vld.idx.msk [tilespmem:v11+s22+$0x0], $0xffff;
	_ =	sdelay $0x4  }
0x315: {  	[tilespmem:v10+s24+$0x0] =	vst.idx.add.f32.msk $0xffff, v11  }
0x316: {  	[hbm4b:s10+s16] =	stream.strided.scatter [tilespmem:s24], [sflag:$0x2], $0x2000, s25, s16, $0x38;
	[tilespmem:$0x1CE80] =	vst v63  }
0x317: {  	s2 =	sadd.s32 $0x8000, s10  }
0x318: {  	[hbm4b:s2+s3] =	stream.linear.scatter [tilespmem:s26], [sflag:$0x2], $0x280, $0x38;
	[tilespmem:$0x1CE80] =	vst v63  }
0x319: {  	v10 =	vld.idx.msk [tilespmem:v0+s22+$0x0], $0xffff  }
0x31a: {  	v11 =	vld.idx.msk [tilespmem:v0+s23+$0x0], $0xffff;
	_ =	swait.ge [sflag:s28], $0x18700  }
0x31b: {  	[sflag:s28] =	ssyncset.done $0x0  }
0x31c: {  	s2 =	simm.s32 $0x0;
	[sflag:s28] =	ssyncadd.s32 $0xFFFE7900  }
0x31d: {  	v12 =	vld [tilespmem:s2+$0x0];
	_ =	sdelay $0x7  }
0x31e: {  	v12 =	vld.idx.msk [tilespmem:v12+s17+$0x0], $0xffff;
	_ =	sdelay $0x1  }
0x31f: {  	v13 =	vld [tilespmem:s2+$0x10];
	_ =	sdelay $0x2  }
0x320: {  	v12 =	vmul.f32 v12, v10;
	_ =	sdelay $0x1  }
0x321: {  	v12 =	vadd.f32 v12, v11;
	_ =	sdelay $0x1  }
0x322: {  	[tilespmem:s2+$0x19A80] =	vst v12  }
0x323: {  	v12 =	vld.idx.msk [tilespmem:v13+s17+$0x0], $0xffff;
	_ =	sdelay $0x1  }
0x324: {  	v13 =	vld [tilespmem:s2+$0x20];
	_ =	sdelay $0x2  }
0x325: {  	v12 =	vmul.f32 v12, v10;
	_ =	sdelay $0x1  }
0x326: {  	v12 =	vadd.f32 v12, v11;
	_ =	sdelay $0x1  }
0x327: {  	[tilespmem:s2+$0x19A90] =	vst v12  }
0x328: {  	v12 =	vld.idx.msk [tilespmem:v13+s17+$0x0], $0xffff;
	_ =	sdelay $0x1  }
0x329: {  	v13 =	vld [tilespmem:s2+$0x30];
	_ =	sdelay $0x2  }
0x32a: {  	v12 =	vmul.f32 v12, v10;
	_ =	sdelay $0x1  }
0x32b: {  	v12 =	vadd.f32 v12, v11;
	_ =	sdelay $0x1  }
0x32c: {  	[tilespmem:s2+$0x19AA0] =	vst v12  }
0x32d: {  	v12 =	vld.idx.msk [tilespmem:v13+s17+$0x0], $0xffff;
	_ =	sdelay $0x1  }
0x32e: {  	v13 =	vld [tilespmem:s2+$0x40];
	_ =	sdelay $0x2  }
0x32f: {  	v12 =	vmul.f32 v12, v10;
	_ =	sdelay $0x1  }
0x330: {  	v12 =	vadd.f32 v12, v11;
	_ =	sdelay $0x1  }
0x331: {  	[tilespmem:s2+$0x19AB0] =	vst v12  }
0x332: {  	v12 =	vld.idx.msk [tilespmem:v13+s17+$0x0], $0xffff;
	_ =	sdelay $0x1  }
0x333: {  	v13 =	vld [tilespmem:s2+$0x50];
	_ =	sdelay $0x2  }
0x334: {  	v12 =	vmul.f32 v12, v10;
	_ =	sdelay $0x1  }
0x335: {  	v12 =	vadd.f32 v12, v11;
	_ =	sdelay $0x1  }
0x336: {  	[tilespmem:s2+$0x19AC0] =	vst v12  }
0x337: {  	v12 =	vld.idx.msk [tilespmem:v13+s17+$0x0], $0xffff;
	_ =	sdelay $0x1  }
0x338: {  	v13 =	vld [tilespmem:s2+$0x60];
	_ =	sdelay $0x2  }
0x339: {  	v12 =	vmul.f32 v12, v10;
	_ =	sdelay $0x1  }
0x33a: {  	v12 =	vadd.f32 v12, v11;
	_ =	sdelay $0x1  }
0x33b: {  	[tilespmem:s2+$0x19AD0] =	vst v12  }
0x33c: {  	v12 =	vld.idx.msk [tilespmem:v13+s17+$0x0], $0xffff;
	_ =	sdelay $0x1  }
0x33d: {  	v13 =	vld [tilespmem:s2+$0x70];
	_ =	sdelay $0x2  }
0x33e: {  	v12 =	vmul.f32 v12, v10;
	_ =	sdelay $0x1  }
0x33f: {  	v12 =	vadd.f32 v12, v11;
	_ =	sdelay $0x1  }
0x340: {  	[tilespmem:s2+$0x19AE0] =	vst v12  }
0x341: {  	v12 =	vld.idx.msk [tilespmem:v13+s17+$0x0], $0xffff  }
0x342: {  	s1 =	simm.s32 $0x80;
	s0 =	simm.s32 $0x400  }
.LBB2_2:
0x343: {  	p0 =	sne.s32 s0, $0x3E00;
	v13 =	vld [tilespmem:s1+$0x0];
	_ =	sdelay $0x2  }
0x344: {  	v12 =	vmul.f32 v12, v10;
	_ =	sdelay $0x1  }
0x345: {  	v12 =	vadd.f32 v12, v11;
	_ =	sdelay $0x1  }
0x346: {  	[tilespmem:s2+$0x19AF0] =	vst v12;
	s2 =	smov.u32 s1  }
0x347: {  	v12 =	vld.idx.msk [tilespmem:v13+s17+$0x0], $0xffff;
	_ =	sdelay $0x2  }
0x348: {  	v13 =	vld [tilespmem:s2+$0x10];
	_ =	sdelay $0x2  }
0x349: {  	v12 =	vmul.f32 v12, v10;
	_ =	sdelay $0x1  }
0x34a: {  	v12 =	vadd.f32 v12, v11;
	_ =	sdelay $0x1  }
0x34b: {  	[tilespmem:s2+$0x19A80] =	vst v12  }
0x34c: {  	v12 =	vld.idx.msk [tilespmem:v13+s17+$0x0], $0xffff;
	_ =	sdelay $0x2  }
0x34d: {  	v13 =	vld [tilespmem:s2+$0x20];
	_ =	sdelay $0x2  }
0x34e: {  	v12 =	vmul.f32 v12, v10;
	_ =	sdelay $0x1  }
0x34f: {  	v12 =	vadd.f32 v12, v11;
	_ =	sdelay $0x1  }
0x350: {  	[tilespmem:s2+$0x19A90] =	vst v12  }
0x351: {  	v12 =	vld.idx.msk [tilespmem:v13+s17+$0x0], $0xffff;
	_ =	sdelay $0x2  }
0x352: {  	v13 =	vld [tilespmem:s2+$0x30];
	_ =	sdelay $0x2  }
0x353: {  	v12 =	vmul.f32 v12, v10;
	_ =	sdelay $0x1  }
0x354: {  	v12 =	vadd.f32 v12, v11;
	_ =	sdelay $0x1  }
0x355: {  	[tilespmem:s2+$0x19AA0] =	vst v12  }
0x356: {  	v12 =	vld.idx.msk [tilespmem:v13+s17+$0x0], $0xffff;
	_ =	sdelay $0x2  }
0x357: {  	v13 =	vld [tilespmem:s2+$0x40];
	_ =	sdelay $0x2  }
0x358: {  	v12 =	vmul.f32 v12, v10;
	_ =	sdelay $0x1  }
0x359: {  	v12 =	vadd.f32 v12, v11;
	_ =	sdelay $0x1  }
0x35a: {  	[tilespmem:s2+$0x19AB0] =	vst v12  }
0x35b: {  	v12 =	vld.idx.msk [tilespmem:v13+s17+$0x0], $0xffff;
	_ =	sdelay $0x2  }
0x35c: {  	v13 =	vld [tilespmem:s2+$0x50];
	_ =	sdelay $0x2  }
0x35d: {  	v12 =	vmul.f32 v12, v10;
	_ =	sdelay $0x1  }
0x35e: {  	v12 =	vadd.f32 v12, v11;
	_ =	sdelay $0x1  }
0x35f: {  	[tilespmem:s2+$0x19AC0] =	vst v12  }
0x360: {  	v12 =	vld.idx.msk [tilespmem:v13+s17+$0x0], $0xffff;
	_ =	sdelay $0x2  }
0x361: {  	v13 =	vld [tilespmem:s2+$0x60];
	_ =	sdelay $0x2  }
0x362: {  	v12 =	vmul.f32 v12, v10;
	_ =	sdelay $0x1  }
0x363: {  	v12 =	vadd.f32 v12, v11;
	_ =	sdelay $0x1  }
0x364: {  	[tilespmem:s2+$0x19AD0] =	vst v12  }
0x365: {  	v12 =	vld.idx.msk [tilespmem:v13+s17+$0x0], $0xffff;
	_ =	sdelay $0x2  }
0x366: {  	v13 =	vld [tilespmem:s2+$0x70];
	_ =	sdelay $0x2  }
0x367: {  	v12 =	vmul.f32 v12, v10;
	_ =	sdelay $0x1  }
0x368: {  	v12 =	vadd.f32 v12, v11  }
.Ltmp0:
0x369: {  	(pc) =	sbr.rel @p0 .LBB2_2-.Ltmp0, $3  }
0x36a: {  	[tilespmem:s2+$0x19AE0] =	vst v12  }
0x36b: {  	v12 =	vld.idx.msk [tilespmem:v13+s17+$0x0], $0xffff;
	_ =	sdelay $0x1  }
0x36c: {  	s1 =	sshra.s32 s0, $0x2;
	s0 =	sadd.s32 $0x200, s0  }
0x36d: {  	v13 =	vld [tilespmem:s1+$0x0];
	_ =	sdelay $0x2  }
0x36e: {  	v12 =	vmul.f32 v12, v10;
	_ =	sdelay $0x1  }
0x36f: {  	v12 =	vadd.f32 v12, v11;
	_ =	sdelay $0x1  }
0x370: {  	[tilespmem:s2+$0x19AF0] =	vst v12  }
0x371: {  	v12 =	vld.idx.msk [tilespmem:v13+s17+$0x0], $0xffff;
	_ =	sdelay $0x1  }
0x372: {  	v13 =	vld [tilespmem:s1+$0x10];
	_ =	sdelay $0x2  }
0x373: {  	v12 =	vmul.f32 v12, v10;
	_ =	sdelay $0x1  }
0x374: {  	v12 =	vadd.f32 v12, v11;
	_ =	sdelay $0x1  }
0x375: {  	[tilespmem:s1+$0x19A80] =	vst v12  }
0x376: {  	v12 =	vld.idx.msk [tilespmem:v13+s17+$0x0], $0xffff;
	_ =	sdelay $0x1  }
0x377: {  	v13 =	vld [tilespmem:s1+$0x20];
	_ =	sdelay $0x2  }
0x378: {  	v12 =	vmul.f32 v12, v10;
	_ =	sdelay $0x1  }
0x379: {  	v12 =	vadd.f32 v12, v11;
	_ =	sdelay $0x1  }
0x37a: {  	[tilespmem:s1+$0x19A90] =	vst v12  }
0x37b: {  	v12 =	vld.idx.msk [tilespmem:v13+s17+$0x0], $0xffff;
	_ =	sdelay $0x1  }
0x37c: {  	v13 =	vld [tilespmem:s1+$0x30];
	_ =	sdelay $0x2  }
0x37d: {  	v12 =	vmul.f32 v12, v10;
	_ =	sdelay $0x1  }
0x37e: {  	v12 =	vadd.f32 v12, v11;
	_ =	sdelay $0x1  }
0x37f: {  	[tilespmem:s1+$0x19AA0] =	vst v12  }
0x380: {  	v12 =	vld.idx.msk [tilespmem:v13+s17+$0x0], $0xffff;
	_ =	sdelay $0x1  }
0x381: {  	v13 =	vld [tilespmem:s1+$0x40];
	_ =	sdelay $0x2  }
0x382: {  	v12 =	vmul.f32 v12, v10;
	_ =	sdelay $0x1  }
0x383: {  	v12 =	vadd.f32 v12, v11;
	_ =	sdelay $0x1  }
0x384: {  	[tilespmem:s1+$0x19AB0] =	vst v12  }
0x385: {  	v12 =	vld.idx.msk [tilespmem:v13+s17+$0x0], $0xffff;
	_ =	sdelay $0x1  }
0x386: {  	v13 =	vld [tilespmem:s1+$0x50];
	_ =	sdelay $0x2  }
0x387: {  	v12 =	vmul.f32 v12, v10;
	_ =	sdelay $0x1  }
0x388: {  	v12 =	vadd.f32 v12, v11;
	_ =	sdelay $0x1  }
0x389: {  	[tilespmem:s1+$0x19AC0] =	vst v12  }
0x38a: {  	v12 =	vld.idx.msk [tilespmem:v13+s17+$0x0], $0xffff;
	_ =	sdelay $0x1  }
0x38b: {  	v13 =	vld [tilespmem:s1+$0x60];
	_ =	sdelay $0x2  }
0x38c: {  	v12 =	vmul.f32 v12, v10;
	_ =	sdelay $0x1  }
0x38d: {  	v12 =	vadd.f32 v12, v11;
	_ =	sdelay $0x1  }
0x38e: {  	[tilespmem:s1+$0x19AD0] =	vst v12  }
0x38f: {  	v12 =	vld.idx.msk [tilespmem:v13+s17+$0x0], $0xffff;
	_ =	sdelay $0x1  }
0x390: {  	v13 =	vld [tilespmem:s1+$0x70];
	_ =	sdelay $0x2  }
0x391: {  	v12 =	vmul.f32 v12, v10;
	_ =	sdelay $0x1  }
0x392: {  	v12 =	vadd.f32 v12, v11;
	_ =	sdelay $0x1  }
0x393: {  	[tilespmem:s1+$0x19AE0] =	vst v12  }
0x394: {  	v12 =	vld.idx.msk [tilespmem:v13+s17+$0x0], $0xffff;
	_ =	sdelay $0x4  }
0x395: {  	v10 =	vmul.f32 v12, v10;
	_ =	sdelay $0x1  }
0x396: {  	v10 =	vadd.f32 v10, v11;
	_ =	sdelay $0x1  }
0x397: {  	[tilespmem:s1+$0x19AF0] =	vst v10  }
0x398: {  	[tilespmem:s17], [sflag:$0x1] =	stream.strided.gather [hbm4b:s11+s15], $0x18700, s16, s15, $0x38;
	[tilespmem:$0x1CE80] =	vst v63  }
0x399: {  	_ = 	snop  }
0x39a: {  	[hbm4b:s12+s15] =	stream.strided.scatter [tilespmem:s29], [sflag:$0x3], $0x1000, s16, s15, $0x38;
	[tilespmem:$0x1CE80] =	vst v63  }
0x39b: {  	_ =	swait.ge [sflag:s18], $0x1000  }
0x39c: {  	[sflag:s18] =	ssyncset.done $0x0  }
0x39d: {  	[sflag:s18] =	ssyncadd.s32 $0xFFFFF000  }
0x39e: {  	v10 =	vld.idx.msk [tilespmem:v1+s22+$0x0], $0xffff  }
0x39f: {  	v11 =	vld.idx.msk [tilespmem:v1+s23+$0x0], $0xffff;
	_ =	swait.ge [sflag:s28], $0x18700  }
0x3a0: {  	[sflag:s28] =	ssyncset.done $0x0  }
0x3a1: {  	s2 =	simm.s32 $0x0;
	[sflag:s28] =	ssyncadd.s32 $0xFFFE7900  }
0x3a2: {  	v12 =	vld [tilespmem:s2+$0x0];
	_ =	sdelay $0x7  }
0x3a3: {  	v12 =	vld.idx.msk [tilespmem:v12+s17+$0x0], $0xffff;
	_ =	sdelay $0x1  }
0x3a4: {  	v13 =	vld [tilespmem:s2+$0x10];
	_ =	sdelay $0x2  }
0x3a5: {  	v12 =	vmul.f32 v12, v10;
	_ =	sdelay $0x1  }
0x3a6: {  	v12 =	vadd.f32 v12, v11;
	_ =	sdelay $0x1  }
0x3a7: {  	[tilespmem:s2+$0x19A80] =	vst v12  }
0x3a8: {  	v12 =	vld.idx.msk [tilespmem:v13+s17+$0x0], $0xffff;
	_ =	sdelay $0x1  }
0x3a9: {  	v13 =	vld [tilespmem:s2+$0x20];
	_ =	sdelay $0x2  }
0x3aa: {  	v12 =	vmul.f32 v12, v10;
	_ =	sdelay $0x1  }
0x3ab: {  	v12 =	vadd.f32 v12, v11;
	_ =	sdelay $0x1  }
0x3ac: {  	[tilespmem:s2+$0x19A90] =	vst v12  }
0x3ad: {  	v12 =	vld.idx.msk [tilespmem:v13+s17+$0x0], $0xffff;
	_ =	sdelay $0x1  }
0x3ae: {  	v13 =	vld [tilespmem:s2+$0x30];
	_ =	sdelay $0x2  }
0x3af: {  	v12 =	vmul.f32 v12, v10;
	_ =	sdelay $0x1  }
0x3b0: {  	v12 =	vadd.f32 v12, v11;
	_ =	sdelay $0x1  }
0x3b1: {  	[tilespmem:s2+$0x19AA0] =	vst v12  }
0x3b2: {  	v12 =	vld.idx.msk [tilespmem:v13+s17+$0x0], $0xffff;
	_ =	sdelay $0x1  }
0x3b3: {  	v13 =	vld [tilespmem:s2+$0x40];
	_ =	sdelay $0x2  }
0x3b4: {  	v12 =	vmul.f32 v12, v10;
	_ =	sdelay $0x1  }
0x3b5: {  	v12 =	vadd.f32 v12, v11;
	_ =	sdelay $0x1  }
0x3b6: {  	[tilespmem:s2+$0x19AB0] =	vst v12  }
0x3b7: {  	v12 =	vld.idx.msk [tilespmem:v13+s17+$0x0], $0xffff;
	_ =	sdelay $0x1  }
0x3b8: {  	v13 =	vld [tilespmem:s2+$0x50];
	_ =	sdelay $0x2  }
0x3b9: {  	v12 =	vmul.f32 v12, v10;
	_ =	sdelay $0x1  }
0x3ba: {  	v12 =	vadd.f32 v12, v11;
	_ =	sdelay $0x1  }
0x3bb: {  	[tilespmem:s2+$0x19AC0] =	vst v12  }
0x3bc: {  	v12 =	vld.idx.msk [tilespmem:v13+s17+$0x0], $0xffff;
	_ =	sdelay $0x1  }
0x3bd: {  	v13 =	vld [tilespmem:s2+$0x60];
	_ =	sdelay $0x2  }
0x3be: {  	v12 =	vmul.f32 v12, v10;
	_ =	sdelay $0x1  }
0x3bf: {  	v12 =	vadd.f32 v12, v11;
	_ =	sdelay $0x1  }
0x3c0: {  	[tilespmem:s2+$0x19AD0] =	vst v12  }
0x3c1: {  	v12 =	vld.idx.msk [tilespmem:v13+s17+$0x0], $0xffff;
	_ =	sdelay $0x1  }
0x3c2: {  	v13 =	vld [tilespmem:s2+$0x70];
	_ =	sdelay $0x2  }
0x3c3: {  	v12 =	vmul.f32 v12, v10;
	_ =	sdelay $0x1  }
0x3c4: {  	v12 =	vadd.f32 v12, v11;
	_ =	sdelay $0x1  }
0x3c5: {  	[tilespmem:s2+$0x19AE0] =	vst v12  }
0x3c6: {  	v12 =	vld.idx.msk [tilespmem:v13+s17+$0x0], $0xffff  }
0x3c7: {  	s0 =	simm.s32 $0x400;
	s1 =	simm.s32 $0x80  }
.LBB2_4:
0x3c8: {  	p0 =	sne.s32 s0, $0x3E00;
	v13 =	vld [tilespmem:s1+$0x0];
	_ =	sdelay $0x2  }
0x3c9: {  	v12 =	vmul.f32 v12, v10;
	_ =	sdelay $0x1  }
0x3ca: {  	v12 =	vadd.f32 v12, v11;
	_ =	sdelay $0x1  }
0x3cb: {  	[tilespmem:s2+$0x19AF0] =	vst v12;
	s2 =	smov.u32 s1  }
0x3cc: {  	v12 =	vld.idx.msk [tilespmem:v13+s17+$0x0], $0xffff;
	_ =	sdelay $0x2  }
0x3cd: {  	v13 =	vld [tilespmem:s2+$0x10];
	_ =	sdelay $0x2  }
0x3ce: {  	v12 =	vmul.f32 v12, v10;
	_ =	sdelay $0x1  }
0x3cf: {  	v12 =	vadd.f32 v12, v11;
	_ =	sdelay $0x1  }
0x3d0: {  	[tilespmem:s2+$0x19A80] =	vst v12  }
0x3d1: {  	v12 =	vld.idx.msk [tilespmem:v13+s17+$0x0], $0xffff;
	_ =	sdelay $0x2  }
0x3d2: {  	v13 =	vld [tilespmem:s2+$0x20];
	_ =	sdelay $0x2  }
0x3d3: {  	v12 =	vmul.f32 v12, v10;
	_ =	sdelay $0x1  }
0x3d4: {  	v12 =	vadd.f32 v12, v11;
	_ =	sdelay $0x1  }
0x3d5: {  	[tilespmem:s2+$0x19A90] =	vst v12  }
0x3d6: {  	v12 =	vld.idx.msk [tilespmem:v13+s17+$0x0], $0xffff;
	_ =	sdelay $0x2  }
0x3d7: {  	v13 =	vld [tilespmem:s2+$0x30];
	_ =	sdelay $0x2  }
0x3d8: {  	v12 =	vmul.f32 v12, v10;
	_ =	sdelay $0x1  }
0x3d9: {  	v12 =	vadd.f32 v12, v11;
	_ =	sdelay $0x1  }
0x3da: {  	[tilespmem:s2+$0x19AA0] =	vst v12  }
0x3db: {  	v12 =	vld.idx.msk [tilespmem:v13+s17+$0x0], $0xffff;
	_ =	sdelay $0x2  }
0x3dc: {  	v13 =	vld [tilespmem:s2+$0x40];
	_ =	sdelay $0x2  }
0x3dd: {  	v12 =	vmul.f32 v12, v10;
	_ =	sdelay $0x1  }
0x3de: {  	v12 =	vadd.f32 v12, v11;
	_ =	sdelay $0x1  }
0x3df: {  	[tilespmem:s2+$0x19AB0] =	vst v12  }
0x3e0: {  	v12 =	vld.idx.msk [tilespmem:v13+s17+$0x0], $0xffff;
	_ =	sdelay $0x2  }
0x3e1: {  	v13 =	vld [tilespmem:s2+$0x50];
	_ =	sdelay $0x2  }
0x3e2: {  	v12 =	vmul.f32 v12, v10;
	_ =	sdelay $0x1  }
0x3e3: {  	v12 =	vadd.f32 v12, v11;
	_ =	sdelay $0x1  }
0x3e4: {  	[tilespmem:s2+$0x19AC0] =	vst v12  }
0x3e5: {  	v12 =	vld.idx.msk [tilespmem:v13+s17+$0x0], $0xffff;
	_ =	sdelay $0x2  }
0x3e6: {  	v13 =	vld [tilespmem:s2+$0x60];
	_ =	sdelay $0x2  }
0x3e7: {  	v12 =	vmul.f32 v12, v10;
	_ =	sdelay $0x1  }
0x3e8: {  	v12 =	vadd.f32 v12, v11;
	_ =	sdelay $0x1  }
0x3e9: {  	[tilespmem:s2+$0x19AD0] =	vst v12  }
0x3ea: {  	v12 =	vld.idx.msk [tilespmem:v13+s17+$0x0], $0xffff;
	_ =	sdelay $0x2  }
0x3eb: {  	v13 =	vld [tilespmem:s2+$0x70];
	_ =	sdelay $0x2  }
0x3ec: {  	v12 =	vmul.f32 v12, v10;
	_ =	sdelay $0x1  }
0x3ed: {  	v12 =	vadd.f32 v12, v11  }
.Ltmp1:
0x3ee: {  	(pc) =	sbr.rel @p0 .LBB2_4-.Ltmp1, $3  }
0x3ef: {  	[tilespmem:s2+$0x19AE0] =	vst v12  }
0x3f0: {  	v12 =	vld.idx.msk [tilespmem:v13+s17+$0x0], $0xffff;
	_ =	sdelay $0x1  }
0x3f1: {  	s1 =	sshra.s32 s0, $0x2;
	s0 =	sadd.s32 $0x200, s0  }
0x3f2: {  	v13 =	vld [tilespmem:s1+$0x0];
	_ =	sdelay $0x2  }
0x3f3: {  	v12 =	vmul.f32 v12, v10;
	_ =	sdelay $0x1  }
0x3f4: {  	v12 =	vadd.f32 v12, v11;
	_ =	sdelay $0x1  }
0x3f5: {  	[tilespmem:s2+$0x19AF0] =	vst v12  }
0x3f6: {  	v12 =	vld.idx.msk [tilespmem:v13+s17+$0x0], $0xffff;
	_ =	sdelay $0x1  }
0x3f7: {  	v13 =	vld [tilespmem:s1+$0x10];
	_ =	sdelay $0x2  }
0x3f8: {  	v12 =	vmul.f32 v12, v10;
	_ =	sdelay $0x1  }
0x3f9: {  	v12 =	vadd.f32 v12, v11;
	_ =	sdelay $0x1  }
0x3fa: {  	[tilespmem:s1+$0x19A80] =	vst v12  }
0x3fb: {  	v12 =	vld.idx.msk [tilespmem:v13+s17+$0x0], $0xffff;
	_ =	sdelay $0x1  }
0x3fc: {  	v13 =	vld [tilespmem:s1+$0x20];
	_ =	sdelay $0x2  }
0x3fd: {  	v12 =	vmul.f32 v12, v10;
	_ =	sdelay $0x1  }
0x3fe: {  	v12 =	vadd.f32 v12, v11;
	_ =	sdelay $0x1  }
0x3ff: {  	[tilespmem:s1+$0x19A90] =	vst v12  }
0x400: {  	v12 =	vld.idx.msk [tilespmem:v13+s17+$0x0], $0xffff;
	_ =	sdelay $0x1  }
0x401: {  	v13 =	vld [tilespmem:s1+$0x30];
	_ =	sdelay $0x2  }
0x402: {  	v12 =	vmul.f32 v12, v10;
	_ =	sdelay $0x1  }
0x403: {  	v12 =	vadd.f32 v12, v11;
	_ =	sdelay $0x1  }
0x404: {  	[tilespmem:s1+$0x19AA0] =	vst v12  }
0x405: {  	v12 =	vld.idx.msk [tilespmem:v13+s17+$0x0], $0xffff;
	_ =	sdelay $0x1  }
0x406: {  	v13 =	vld [tilespmem:s1+$0x40];
	_ =	sdelay $0x2  }
0x407: {  	v12 =	vmul.f32 v12, v10;
	_ =	sdelay $0x1  }
0x408: {  	v12 =	vadd.f32 v12, v11;
	_ =	sdelay $0x1  }
0x409: {  	[tilespmem:s1+$0x19AB0] =	vst v12  }
0x40a: {  	v12 =	vld.idx.msk [tilespmem:v13+s17+$0x0], $0xffff;
	_ =	sdelay $0x1  }
0x40b: {  	v13 =	vld [tilespmem:s1+$0x50];
	_ =	sdelay $0x2  }
0x40c: {  	v12 =	vmul.f32 v12, v10;
	_ =	sdelay $0x1  }
0x40d: {  	v12 =	vadd.f32 v12, v11;
	_ =	sdelay $0x1  }
0x40e: {  	[tilespmem:s1+$0x19AC0] =	vst v12  }
0x40f: {  	v12 =	vld.idx.msk [tilespmem:v13+s17+$0x0], $0xffff;
	_ =	sdelay $0x1  }
0x410: {  	v13 =	vld [tilespmem:s1+$0x60];
	_ =	sdelay $0x2  }
0x411: {  	v12 =	vmul.f32 v12, v10;
	_ =	sdelay $0x1  }
0x412: {  	v12 =	vadd.f32 v12, v11;
	_ =	sdelay $0x1  }
0x413: {  	[tilespmem:s1+$0x19AD0] =	vst v12  }
0x414: {  	v12 =	vld.idx.msk [tilespmem:v13+s17+$0x0], $0xffff;
	_ =	sdelay $0x1  }
0x415: {  	v13 =	vld [tilespmem:s1+$0x70];
	_ =	sdelay $0x2  }
0x416: {  	v12 =	vmul.f32 v12, v10;
	_ =	sdelay $0x1  }
0x417: {  	v12 =	vadd.f32 v12, v11;
	_ =	sdelay $0x1  }
0x418: {  	[tilespmem:s1+$0x19AE0] =	vst v12  }
0x419: {  	v12 =	vld.idx.msk [tilespmem:v13+s17+$0x0], $0xffff;
	_ =	sdelay $0x4  }
0x41a: {  	v10 =	vmul.f32 v12, v10;
	_ =	sdelay $0x1  }
0x41b: {  	v10 =	vadd.f32 v10, v11;
	_ =	sdelay $0x1  }
0x41c: {  	s31 =	sadd.s32 $0x1, s31;
	[tilespmem:s1+$0x19AF0] =	vst v10  }
0x41d: {  	[hbm4b:s13+s15] =	stream.strided.scatter [tilespmem:s29], [sflag:$0x3], $0x1000, s16, s15, $0x38;
	[tilespmem:$0x1CE80] =	vst v63  }
0x41e: {  	p0 =	sne.s32 s31, s14;
	_ =	swait.ge [sflag:s18], $0x1000  }
.Ltmp2:
0x41f: {  	[sflag:s18] =	ssyncset.done $0x0;
	(pc) =	sbr.rel @p0 .LBB2_1-.Ltmp2, $4  }
0x420: {  	[sflag:s18] =	ssyncadd.s32 $0xFFFFF000  }
0x421: {  	_ =	swait.ge [sflag:s30], $0x2280  }
0x422: {  	[sflag:s30] =	ssyncset.done $0x0  }
0x423: {  	[sflag:s30] =	ssyncadd.s32 $0xFFFFDD80  }
0x424: {  	_ =	sfence.sel $0x180000  }
0x425: {  	[bflag:$0x0] =	sbarrier.arrive $0xFFFF  }
0x426: {  	_ =	strace $0x90000047  }
0x427: {  	s0 =	stileid.u32;
	[bflag:$0x2] =	sbarrier.arrive $0xFFFF  }
0x428: {  	p0 =	sne.s32 s0, $0x0;
	s0 =	rddreg [dreg:$0x7]  }
0x429: {  	s0 =	sadd.s32 @!p0 $0x100000, s0  }
0x42a: {  	[sflag:s0] =	ssyncadd.tile.s32 @!p0 $0x1;
	_ =	shalt  }
.Lfunc_end2:
_tile_overlayer_lowered:
.L_overlay_start_2:
0x42b: {  	(tag) =	ssettag $0x2  }
0x42c: {  	s0 =	rddreg [dreg:$0x0];
	s2 =	stileid.u32  }
0x42d: {  	s1 =	rddreg [dreg:$0x1];
	p0 =	sne.s32 s2, $0x0  }
0x42e: {  	s3 =	rddreg [dreg:$0x2];
	[bflag:$0x3] =	sbarrier.arrive $0xFFFF;
	s2 =	simm.s32 @!p0 $0x1C03  }
0x42f: {  	[timem:s3], [sflag:s2] =	dma.local @!p0 [hbm:s0], s1  }
0x430: {  	s0 =	simm.s32 @!p0 $0x3  }
0x431: {  	_ =	swait.ge @!p0 [sflag:s0], s1  }
0x432: {  	s1 =	ssub.s32 @!p0 $0x0, s1;
	[sflag:s0] =	ssyncset.done @!p0 $0x0  }
0x433: {  	[sflag:s0] =	ssyncadd.s32 @!p0 s1  }
0x434: {  	[bflag:$0x3] =	sbarrier.arrive $0xFFFF  }
0x435: {  	_ =	shalt  }

</sc_bundles>
